<compile_context>
chip_gen: v7x
topology: tpu7x:2x2x1
jax: 0.10.2.dev20260603
libtpu: 0.0.44.dev20260713+nightly
codegen_flags: <defaults>
</compile_context>

<pallas_src>
import functools

import jax
import jax.numpy as jnp
import numpy as np
from jax import lax
from jax.experimental import pallas as pl
from jax.experimental.pallas import tpu as pltpu
from jax.experimental.pallas import tpu_sc as plsc

N = 10000
E = 320000
D = 128
G = 64

NC = 2
NS = 16
NW = NC * NS

CH = 128
NCH = 80
EPW = NCH * CH
EP = EPW * NW
NPT = 632
NPT_LAST = N - NPT * (NS - 1)

RB = 1000
NB = N // RB

_PERM_INV = np.empty((D,), dtype=np.int32)
for _g in range(D // 32):
    for _k in range(16):
        _PERM_INV[32 * _g + _k] = 32 * _g + 2 * _k
        _PERM_INV[32 * _g + 16 + _k] = 32 * _g + 2 * _k + 1


def _sc_agg_body(hw_hbm, zero_hbm, src_hbm, dst_hbm, out0_hbm, out1_hbm,
                 shared, src_a, dst_a, src_b, dst_b, bf_a, bf_b, rows_f,
                 gs_a, gs_b):
    c = lax.axis_index("c")
    s = lax.axis_index("s")
    @pl.when(s < NS - 1)
    def _():
        pltpu.sync_copy(zero_hbm.at[pl.ds(s * NPT, NPT)],
                        shared.at[pl.ds(s * NPT, NPT)])

    @pl.when(s == NS - 1)
    def _():
        pltpu.sync_copy(zero_hbm.at[pl.ds(NPT * (NS - 1), NPT_LAST)],
                        shared.at[pl.ds(NPT * (NS - 1), NPT_LAST)])

    plsc.subcore_barrier()

    w = c * NS + s

    def start(j, src_v, dst_v, bf_v, gs):
        base = (w * NCH + j) * CH
        pltpu.sync_copy(src_hbm.at[pl.ds(base, CH)], src_v)
        pltpu.sync_copy(dst_hbm.at[pl.ds(base, CH)], dst_v)
        pltpu.async_copy(hw_hbm.at[src_v], bf_v, gs)

    def convert(bf_v):
        def crow(r, carry):
            for g2 in range(D // 32):
                wv = bf_v[r, pl.ds(16 * g2, 16)]
                ev = lax.bitcast_convert_type(wv << 16, jnp.float32)
                od = lax.bitcast_convert_type(wv & jnp.int32(-65536), jnp.float32)
                rows_f[r, pl.ds(32 * g2, 16)] = ev
                rows_f[r, pl.ds(32 * g2 + 16, 16)] = od
            return carry

        lax.fori_loop(0, CH, crow, 0)

    def finish(src_v, dst_v, bf_v, gs):
        pltpu.make_async_copy(hw_hbm.at[src_v], bf_v, gs).wait()
        convert(bf_v)
        pltpu.sync_copy(rows_f, shared.at[dst_v], add=True)

    start(0, src_a, dst_a, bf_a, gs_a)

    def body(jj, carry):
        start(2 * jj + 1, src_b, dst_b, bf_b, gs_b)
        finish(src_a, dst_a, bf_a, gs_a)
        start(2 * jj + 2, src_a, dst_a, bf_a, gs_a)
        finish(src_b, dst_b, bf_b, gs_b)
        return carry

    lax.fori_loop(0, NCH // 2 - 1, body, 0)
    start(NCH - 1, src_b, dst_b, bf_b, gs_b)
    finish(src_a, dst_a, bf_a, gs_a)
    finish(src_b, dst_b, bf_b, gs_b)
    plsc.subcore_barrier()

    @pl.when(jnp.logical_and(c == 0, s < NS - 1))
    def _():
        pltpu.sync_copy(shared.at[pl.ds(s * NPT, NPT)],
                        out0_hbm.at[pl.ds(s * NPT, NPT)])

    @pl.when(jnp.logical_and(c == 0, s == NS - 1))
    def _():
        pltpu.sync_copy(shared.at[pl.ds(NPT * (NS - 1), NPT_LAST)],
                        out0_hbm.at[pl.ds(NPT * (NS - 1), NPT_LAST)])

    @pl.when(jnp.logical_and(c == 1, s < NS - 1))
    def _():
        pltpu.sync_copy(shared.at[pl.ds(s * NPT, NPT)],
                        out1_hbm.at[pl.ds(s * NPT, NPT)])

    @pl.when(jnp.logical_and(c == 1, s == NS - 1))
    def _():
        pltpu.sync_copy(shared.at[pl.ds(NPT * (NS - 1), NPT_LAST)],
                        out1_hbm.at[pl.ds(NPT * (NS - 1), NPT_LAST)])


_sc_agg = pl.kernel(
    _sc_agg_body,
    out_type=(jax.ShapeDtypeStruct((N, D), jnp.float32),
              jax.ShapeDtypeStruct((N, D), jnp.float32)),
    mesh=plsc.VectorSubcoreMesh(core_axis_name="c", subcore_axis_name="s"),
    compiler_params=pltpu.CompilerParams(use_tc_tiling_on_sc=False),
    scratch_types=[
        pltpu.VMEM_SHARED((N + 8, D), jnp.float32),
        pltpu.VMEM((CH,), jnp.int32),
        pltpu.VMEM((CH,), jnp.int32),
        pltpu.VMEM((CH,), jnp.int32),
        pltpu.VMEM((CH,), jnp.int32),
        pltpu.VMEM((CH, D // 2), jnp.int32),
        pltpu.VMEM((CH, D // 2), jnp.int32),
        pltpu.VMEM((CH, D), jnp.float32),
        pltpu.SemaphoreType.DMA,
        pltpu.SemaphoreType.DMA,
    ],
)


def _mlp_body(a0_ref, a1_ref, h_ref, wa_ref, wap_ref, ba_ref, wb_ref, bb_ref,
              g_ref, b_ref, o_ref, ob_ref, *, ln):
    agg = a0_ref[...] + a1_ref[...]
    t = (jnp.dot(h_ref[...], wa_ref[...], preferred_element_type=jnp.float32)
         + jnp.dot(agg, wap_ref[...], preferred_element_type=jnp.float32)
         + ba_ref[...])
    t = jnp.maximum(t, 0.0)
    v = jnp.dot(t, wb_ref[...], preferred_element_type=jnp.float32) + bb_ref[...]
    if ln:
        r = jnp.maximum(v, 0.0)
        mu = jnp.mean(r, axis=-1, keepdims=True)
        var = jnp.mean(r * r, axis=-1, keepdims=True) - mu * mu
        v = (r - mu) * lax.rsqrt(var + 1e-5) * g_ref[...] + b_ref[...]
    o_ref[...] = v
    ob_ref[...] = v.astype(jnp.bfloat16)


def _make_mlp(ln):
    row_spec = pl.BlockSpec((RB, D), lambda i: (i, 0))
    roww_spec = pl.BlockSpec((RB, D), lambda i: (i, 0))
    w_spec = pl.BlockSpec((D, D), lambda i: (0, 0))
    b_spec = pl.BlockSpec((1, D), lambda i: (0, 0))
    return pl.pallas_call(
        functools.partial(_mlp_body, ln=ln),
        grid=(NB,),
        in_specs=[row_spec, row_spec, row_spec,
                  w_spec, w_spec, b_spec, w_spec, b_spec, b_spec, b_spec],
        out_specs=(row_spec, roww_spec),
        out_shape=(jax.ShapeDtypeStruct((N, D), jnp.float32),
                   jax.ShapeDtypeStruct((N, D), jnp.bfloat16)),
    )


_mlp_ln = _make_mlp(True)
_mlp_plain = _make_mlp(False)


def _pool_body(emb_ref, seg_ref, wp1_ref, bp1_ref, wp2_ref, bp2_ref,
               o_ref, acc_ref, cnt_ref):
    i = pl.program_id(0)
    r = jnp.maximum(emb_ref[...], 0.0)
    sv = seg_ref[0, 0, :]
    gid = lax.broadcasted_iota(jnp.int32, (G, RB), 0)
    oh = (sv[None, :] == gid).astype(jnp.float32)
    pa = jnp.dot(oh, r, preferred_element_type=jnp.float32)
    pc = jnp.broadcast_to(jnp.sum(oh, axis=1, keepdims=True), (G, D))

    @pl.when(i == 0)
    def _():
        acc_ref[...] = pa
        cnt_ref[...] = pc

    @pl.when(i > 0)
    def _():
        acc_ref[...] += pa
        cnt_ref[...] += pc

    @pl.when(i == NB - 1)
    def _():
        pooled = acc_ref[...] / jnp.maximum(cnt_ref[...], 1.0)
        z = jnp.dot(pooled, wp1_ref[...], preferred_element_type=jnp.float32) + bp1_ref[...]
        z = jnp.dot(z, wp2_ref[...], preferred_element_type=jnp.float32) + bp2_ref[...]
        m = jnp.max(z, axis=-1, keepdims=True)
        lse = m + jnp.log(jnp.sum(jnp.exp(z - m), axis=-1, keepdims=True))
        o_ref[...] = z - lse


_pool = pl.pallas_call(
    _pool_body,
    grid=(NB,),
    in_specs=[
        pl.BlockSpec((RB, D), lambda i: (i, 0)),
        pl.BlockSpec((1, 1, RB), lambda i: (i, 0, 0)),
        pl.BlockSpec((D, D), lambda i: (0, 0)),
        pl.BlockSpec((1, D), lambda i: (0, 0)),
        pl.BlockSpec((D, D), lambda i: (0, 0)),
        pl.BlockSpec((1, D), lambda i: (0, 0)),
    ],
    out_specs=pl.BlockSpec((G, D), lambda i: (0, 0)),
    out_shape=jax.ShapeDtypeStruct((G, D), jnp.float32),
    scratch_shapes=[
        pltpu.VMEM((G, D), jnp.float32),
        pltpu.VMEM((G, D), jnp.float32),
    ],
)


def kernel(x, edge_index, batch, W0a, b0a, W0b, b0b, W1a, b1a, W1b, b1b,
           W2a, b2a, W2b, b2b, ln0_g, ln0_b, ln1_g, ln1_b, Wp1, bp1, Wp2, bp2):
    src = edge_index[0].astype(jnp.int32)
    dst = edge_index[1].astype(jnp.int32)
    pad = EP - E
    srcp = jnp.concatenate([src, jnp.zeros((pad,), jnp.int32)])
    dstp = jnp.concatenate([dst, jnp.full((pad,), N, jnp.int32)])
    segs = batch.astype(jnp.int32).reshape(NB, 1, RB)
    zero = jnp.zeros((N, D), jnp.float32)
    pinv = jnp.asarray(_PERM_INV)

    layers = [
        (W0a, b0a, W0b, b0b, ln0_g, ln0_b, True),
        (W1a, b1a, W1b, b1b, ln1_g, ln1_b, True),
        (W2a, b2a, W2b, b2b, ln1_g, ln1_b, False),
    ]
    h = x
    hb = x.astype(jnp.bfloat16)
    for Wa, ba, Wb, bb, g, b, ln in layers:
        hw = lax.bitcast_convert_type(hb.reshape(N, D // 2, 2), jnp.int32)
        a0, a1 = _sc_agg(hw, zero, srcp, dstp)
        Wap = Wa[pinv, :]
        mlp = _mlp_ln if ln else _mlp_plain
        h, hb = mlp(a0, a1, h, Wa, Wap, ba.reshape(1, D), Wb,
                    bb.reshape(1, D), g.reshape(1, D), b.reshape(1, D))
    emb = h
    logp = _pool(emb, segs, Wp1, bp1.reshape(1, D), Wp2, bp2.reshape(1, D))
    return (emb, logp)

# --- scband reference (transcript-rebuilt; emitter-appended) ---
"""Pipeline reference for scband-gnnstack-graph-1958505087002 (READ-ONLY COPY).

The authoritative reference and input builder live on the scoring server;
editing this copy changes nothing except your own understanding.
"""

import jax, jax.numpy as jnp
import numpy as np

N = 10000
E = 320000
D = 128
G = 64

def _linear_init(key, fan_in, fan_out):
    return jax.random.normal(key, (fan_in, fan_out), dtype=jnp.float32) * (1.0 / np.sqrt(fan_in))

def setup_inputs(seed: int = 0):
    key = jax.random.key(seed)
    ks = jax.random.split(key, 24)
    inp = {}
    inp["x"] = jax.random.normal(ks[0], (N, D), dtype=jnp.float32)
    inp["edge_index"] = jax.random.randint(ks[1], (2, E), 0, N)
    inp["batch"] = jnp.sort(jax.random.randint(ks[2], (N,), 0, G))
    k = 3
    for i in range(3):
        inp["W%da" % i] = _linear_init(ks[k], D, D); k += 1
        inp["b%da" % i] = jnp.zeros((D,), dtype=jnp.float32)
        inp["W%db" % i] = _linear_init(ks[k], D, D); k += 1
        inp["b%db" % i] = jnp.zeros((D,), dtype=jnp.float32)
    for i in range(2):
        inp["ln%d_g" % i] = jnp.ones((D,), dtype=jnp.float32)
        inp["ln%d_b" % i] = jnp.zeros((D,), dtype=jnp.float32)
    inp["Wp1"] = _linear_init(ks[k], D, D); k += 1
    inp["bp1"] = jnp.zeros((D,), dtype=jnp.float32)
    inp["Wp2"] = _linear_init(ks[k], D, D); k += 1
    inp["bp2"] = jnp.zeros((D,), dtype=jnp.float32)
    return inp

def _layernorm(h, g, b, eps=1e-5):
    mu = jnp.mean(h, axis=-1, keepdims=True)
    var = jnp.var(h, axis=-1, keepdims=True)
    return (h - mu) / jnp.sqrt(var + eps) * g + b

def _gin_layer(x, src, dst, Wa, ba, Wb, bb):
    # GINConv with eps=0: MLP((1+eps)*x_i + sum_{j in N(i)} x_j)
    agg = jnp.zeros_like(x).at[dst].add(x[src])
    h = x + agg
    h = jax.nn.relu(h @ Wa + ba) @ Wb + bb
    return h

def reference(x, edge_index, batch, W0a, b0a, W0b, b0b, W1a, b1a, W1b, b1b, W2a, b2a, W2b, b2b, ln0_g, ln0_b, ln1_g, ln1_b, Wp1, bp1, Wp2, bp2):
    src = edge_index[0]
    dst = edge_index[1]
    Ws = [(W0a, b0a, W0b, b0b), (W1a, b1a, W1b, b1b), (W2a, b2a, W2b, b2b)]
    lns = [(ln0_g, ln0_b), (ln1_g, ln1_b)]
    h = x
    emb = x
    for i in range(3):
        h = _gin_layer(h, src, dst, *Ws[i])
        emb = h
        h = jax.nn.relu(h)
        # F.dropout in eval mode is identity
        if i != 2:
            h = _layernorm(h, *lns[i])
    sums = jax.ops.segment_sum(h, batch, num_segments=G)
    counts = jax.ops.segment_sum(jnp.ones((h.shape[0],), dtype=jnp.float32), batch, num_segments=G)
    pooled = sums / jnp.maximum(counts, 1.0)[:, None]
    out = (pooled @ Wp1 + bp1) @ Wp2 + bp2
    return (emb, jax.nn.log_softmax(out, axis=1))

if __name__ == "__main__":
    import jax
    _d = setup_inputs()
    print(jax.jit(kernel)(*tuple(_d.values())))

</pallas_src>

<mosaic_0001>
#map = affine_map<(d0, d1) -> (0, 0)>
#map1 = affine_map<(d0, d1) -> (0)>
module attributes {stable_mosaic.version = 14 : i64} {
  func.func @_sc_agg_body(%arg0: i32, %arg1: i32, %arg2: memref<10000x64xi32, #tpu.memory_space<hbm>>, %arg3: memref<10000x128xf32, #tpu.memory_space<hbm>>, %arg4: memref<327680xi32, #tpu.memory_space<hbm>>, %arg5: memref<327680xi32, #tpu.memory_space<hbm>>, %arg6: memref<10000x128xf32, #tpu.memory_space<hbm>>, %arg7: memref<10000x128xf32, #tpu.memory_space<hbm>>, %arg8: memref<10008x128xf32, #tpu.memory_space<vmem_shared>>, %arg9: memref<128xi32, #tpu.memory_space<vmem>>, %arg10: memref<128xi32, #tpu.memory_space<vmem>>, %arg11: memref<128xi32, #tpu.memory_space<vmem>>, %arg12: memref<128xi32, #tpu.memory_space<vmem>>, %arg13: memref<128x64xi32, #tpu.memory_space<vmem>>, %arg14: memref<128x64xi32, #tpu.memory_space<vmem>>, %arg15: memref<128x128xf32, #tpu.memory_space<vmem>>, %arg16: memref<!tpu.dma_semaphore, #tpu.memory_space<semaphore_mem>>, %arg17: memref<!tpu.dma_semaphore, #tpu.memory_space<semaphore_mem>>) attributes {dimension_semantics = [#tpu.dimension_semantics<core_parallel>, #tpu.dimension_semantics<subcore_parallel>], iteration_bounds = array<i64: 2, 16>, scalar_prefetch = 0 : i64, scratch_operands = 10 : i64, tpu.core_type = #tpu.core_type<sc_vector_subcore>, window_params = [{transform_indices = #map}, {transform_indices = #map}, {transform_indices = #map1}, {transform_indices = #map1}, {transform_indices = #map}, {transform_indices = #map}]} {
    %lt3A = arith.constant 15 : i32
    %lt3A_0 = arith.cmpi slt, %arg1, %lt3A : i32
    %convert_element_type3A = arith.extui %lt3A_0 : i1 to i32
    %cond3A = arith.constant 0 : i32
    %cond3A_1 = arith.cmpi ne, %convert_element_type3A, %cond3A : i32
    scf.if %cond3A_1 {
      %mul3A_78 = arith.constant 632 : i32
      %mul3A_79 = arith.muli %arg1, %mul3A_78 : i32
      %mul3A_80 = arith.constant 632 : i32
      %mul3A_81 = arith.muli %arg1, %mul3A_80 : i32
      "tpu.region"() ({
        %run_scoped3A = tpu.sem_alloc : memref<!tpu.dma_semaphore, #tpu.memory_space<semaphore_mem>>
        %dma_start3A_82 = arith.constant 0 : i32
        %dma_start3A_83 = tpu.memref_slice %arg8[%mul3A_81, %dma_start3A_82] : memref<10008x128xf32, #tpu.memory_space<vmem_shared>> -> memref<632x128xf32, #tpu.memory_space<vmem_shared>>
        %dma_start3A_84 = arith.constant 0 : i32
        %dma_start3A_85 = tpu.memref_slice %arg3[%mul3A_79, %dma_start3A_84] : memref<10000x128xf32, #tpu.memory_space<hbm>> -> memref<632x128xf32, #tpu.memory_space<hbm>>
        tpu.enqueue_dma source(%dma_start3A_85 : memref<632x128xf32, #tpu.memory_space<hbm>>) target(%dma_start3A_83 : memref<632x128xf32, #tpu.memory_space<vmem_shared>>) target_semaphore(%run_scoped3A : memref<!tpu.dma_semaphore, #tpu.memory_space<semaphore_mem>>)
        %dma_wait3A_86 = arith.constant 0 : i32
        %dma_wait3A_87 = tpu.memref_slice %arg8[%mul3A_81, %dma_wait3A_86] : memref<10008x128xf32, #tpu.memory_space<vmem_shared>> -> memref<632x128xf32, #tpu.memory_space<vmem_shared>>
        %dma_wait3A_88 = arith.constant 0 : i32
        %dma_wait3A_89 = tpu.memref_slice %arg3[%mul3A_79, %dma_wait3A_88] : memref<10000x128xf32, #tpu.memory_space<hbm>> -> memref<632x128xf32, #tpu.memory_space<hbm>>
        tpu.wait_dma2 semaphore(%run_scoped3A : memref<!tpu.dma_semaphore, #tpu.memory_space<semaphore_mem>>) src(%dma_wait3A_89 : memref<632x128xf32, #tpu.memory_space<hbm>>) dst(%dma_wait3A_87 : memref<632x128xf32, #tpu.memory_space<vmem_shared>>)
        tpu.yield
      }) : () -> ()
    } else {
    }
    %eq3A = arith.constant 15 : i32
    %eq3A_2 = arith.cmpi eq, %arg1, %eq3A : i32
    %convert_element_type3A_3 = arith.extui %eq3A_2 : i1 to i32
    %cond3A_4 = arith.constant 0 : i32
    %cond3A_5 = arith.cmpi ne, %convert_element_type3A_3, %cond3A_4 : i32
    scf.if %cond3A_5 {
      "tpu.region"() ({
        %run_scoped3A = tpu.sem_alloc : memref<!tpu.dma_semaphore, #tpu.memory_space<semaphore_mem>>
        %dma_start3A_78 = arith.constant 9480 : i32
        %dma_start3A_79 = arith.constant 0 : i32
        %dma_start3A_80 = tpu.memref_slice %arg8[%dma_start3A_78, %dma_start3A_79] : memref<10008x128xf32, #tpu.memory_space<vmem_shared>> -> memref<520x128xf32, #tpu.memory_space<vmem_shared>>
        %dma_start3A_81 = arith.constant 9480 : i32
        %dma_start3A_82 = arith.constant 0 : i32
        %dma_start3A_83 = tpu.memref_slice %arg3[%dma_start3A_81, %dma_start3A_82] : memref<10000x128xf32, #tpu.memory_space<hbm>> -> memref<520x128xf32, #tpu.memory_space<hbm>>
        tpu.enqueue_dma source(%dma_start3A_83 : memref<520x128xf32, #tpu.memory_space<hbm>>) target(%dma_start3A_80 : memref<520x128xf32, #tpu.memory_space<vmem_shared>>) target_semaphore(%run_scoped3A : memref<!tpu.dma_semaphore, #tpu.memory_space<semaphore_mem>>)
        %dma_wait3A_84 = arith.constant 9480 : i32
        %dma_wait3A_85 = arith.constant 0 : i32
        %dma_wait3A_86 = tpu.memref_slice %arg8[%dma_wait3A_84, %dma_wait3A_85] : memref<10008x128xf32, #tpu.memory_space<vmem_shared>> -> memref<520x128xf32, #tpu.memory_space<vmem_shared>>
        %dma_wait3A_87 = arith.constant 9480 : i32
        %dma_wait3A_88 = arith.constant 0 : i32
        %dma_wait3A_89 = tpu.memref_slice %arg3[%dma_wait3A_87, %dma_wait3A_88] : memref<10000x128xf32, #tpu.memory_space<hbm>> -> memref<520x128xf32, #tpu.memory_space<hbm>>
        tpu.wait_dma2 semaphore(%run_scoped3A : memref<!tpu.dma_semaphore, #tpu.memory_space<semaphore_mem>>) src(%dma_wait3A_89 : memref<520x128xf32, #tpu.memory_space<hbm>>) dst(%dma_wait3A_86 : memref<520x128xf32, #tpu.memory_space<vmem_shared>>)
        tpu.yield
      }) : () -> ()
    } else {
    }
    %barrier3A = arith.constant 0 : index
    tpu.barrier barrier_id(%barrier3A)
    %mul3A = arith.constant 16 : i32
    %mul3A_6 = arith.muli %arg0, %mul3A : i32
    %add3A = arith.addi %mul3A_6, %arg1 : i32
    %mul3A_7 = arith.constant 80 : i32
    %mul3A_8 = arith.muli %add3A, %mul3A_7 : i32
    %add3A_9 = arith.constant 0 : i32
    %add3A_10 = arith.addi %mul3A_8, %add3A_9 : i32
    %mul3A_11 = arith.constant 128 : i32
    %mul3A_12 = arith.muli %add3A_10, %mul3A_11 : i32
    "tpu.region"() ({
      %run_scoped3A = tpu.sem_alloc : memref<!tpu.dma_semaphore, #tpu.memory_space<semaphore_mem>>
      %dma_start3A_78 = tpu.memref_slice %arg4[%mul3A_12] : memref<327680xi32, #tpu.memory_space<hbm>> -> memref<128xi32, #tpu.memory_space<hbm>>
      %dma_start3A_79 = tpu.memref_slice %arg4[%mul3A_12] : memref<327680xi32, #tpu.memory_space<hbm>> -> memref<128xi32, #tpu.memory_space<hbm>>
      tpu.enqueue_dma source(%dma_start3A_79 : memref<128xi32, #tpu.memory_space<hbm>>) target(%arg9 : memref<128xi32, #tpu.memory_space<vmem>>) target_semaphore(%run_scoped3A : memref<!tpu.dma_semaphore, #tpu.memory_space<semaphore_mem>>)
      %dma_wait3A_80 = tpu.memref_slice %arg4[%mul3A_12] : memref<327680xi32, #tpu.memory_space<hbm>> -> memref<128xi32, #tpu.memory_space<hbm>>
      %dma_wait3A_81 = tpu.memref_slice %arg4[%mul3A_12] : memref<327680xi32, #tpu.memory_space<hbm>> -> memref<128xi32, #tpu.memory_space<hbm>>
      tpu.wait_dma2 semaphore(%run_scoped3A : memref<!tpu.dma_semaphore, #tpu.memory_space<semaphore_mem>>) src(%dma_wait3A_81 : memref<128xi32, #tpu.memory_space<hbm>>) dst(%arg9 : memref<128xi32, #tpu.memory_space<vmem>>)
      tpu.yield
    }) : () -> ()
    "tpu.region"() ({
      %run_scoped3A = tpu.sem_alloc : memref<!tpu.dma_semaphore, #tpu.memory_space<semaphore_mem>>
      %dma_start3A_78 = tpu.memref_slice %arg5[%mul3A_12] : memref<327680xi32, #tpu.memory_space<hbm>> -> memref<128xi32, #tpu.memory_space<hbm>>
      %dma_start3A_79 = tpu.memref_slice %arg5[%mul3A_12] : memref<327680xi32, #tpu.memory_space<hbm>> -> memref<128xi32, #tpu.memory_space<hbm>>
      tpu.enqueue_dma source(%dma_start3A_79 : memref<128xi32, #tpu.memory_space<hbm>>) target(%arg10 : memref<128xi32, #tpu.memory_space<vmem>>) target_semaphore(%run_scoped3A : memref<!tpu.dma_semaphore, #tpu.memory_space<semaphore_mem>>)
      %dma_wait3A_80 = tpu.memref_slice %arg5[%mul3A_12] : memref<327680xi32, #tpu.memory_space<hbm>> -> memref<128xi32, #tpu.memory_space<hbm>>
      %dma_wait3A_81 = tpu.memref_slice %arg5[%mul3A_12] : memref<327680xi32, #tpu.memory_space<hbm>> -> memref<128xi32, #tpu.memory_space<hbm>>
      tpu.wait_dma2 semaphore(%run_scoped3A : memref<!tpu.dma_semaphore, #tpu.memory_space<semaphore_mem>>) src(%dma_wait3A_81 : memref<128xi32, #tpu.memory_space<hbm>>) dst(%arg10 : memref<128xi32, #tpu.memory_space<vmem>>)
      tpu.yield
    }) : () -> ()
    %dma_start3A = arith.constant 0 : i32
    %dma_start3A_13 = arith.constant 0 : i32
    %dma_start3A_14 = tpu.memref_slice %arg2[%dma_start3A, %dma_start3A_13] : memref<10000x64xi32, #tpu.memory_space<hbm>> -> memref<10000x64xi32, #tpu.memory_space<hbm>>
    tpu.enqueue_indirect_dma source(%dma_start3A_14 : memref<10000x64xi32, #tpu.memory_space<hbm>>) target(%arg13 : memref<128x64xi32, #tpu.memory_space<vmem>>) offsets(%arg9 : memref<128xi32, #tpu.memory_space<vmem>>) semaphore(%arg16 : memref<!tpu.dma_semaphore, #tpu.memory_space<semaphore_mem>>)
    %scan3A = arith.constant 0 : i32
    %scan3A_15 = arith.constant 0 : i32
    %scan3A_16 = arith.constant 39 : i32
    %scan3A_17 = arith.addi %scan3A_15, %scan3A_16 : i32
    %scan3A_18 = arith.constant 1 : i32
    scf.for %scan3A_78 = %scan3A_15 to %scan3A_17 step %scan3A_18  : i32 {
      %mul3A_79 = arith.constant 2 : i32
      %mul3A_80 = arith.muli %mul3A_79, %scan3A_78 : i32
      %add3A_81 = arith.constant 1 : i32
      %add3A_82 = arith.addi %mul3A_80, %add3A_81 : i32
      %mul3A_83 = arith.constant 80 : i32
      %mul3A_84 = arith.muli %add3A, %mul3A_83 : i32
      %add3A_85 = arith.addi %mul3A_84, %add3A_82 : i32
      %mul3A_86 = arith.constant 128 : i32
      %mul3A_87 = arith.muli %add3A_85, %mul3A_86 : i32
      "tpu.region"() ({
        %run_scoped3A = tpu.sem_alloc : memref<!tpu.dma_semaphore, #tpu.memory_space<semaphore_mem>>
        %dma_start3A_121 = tpu.memref_slice %arg4[%mul3A_87] : memref<327680xi32, #tpu.memory_space<hbm>> -> memref<128xi32, #tpu.memory_space<hbm>>
        %dma_start3A_122 = tpu.memref_slice %arg4[%mul3A_87] : memref<327680xi32, #tpu.memory_space<hbm>> -> memref<128xi32, #tpu.memory_space<hbm>>
        tpu.enqueue_dma source(%dma_start3A_122 : memref<128xi32, #tpu.memory_space<hbm>>) target(%arg11 : memref<128xi32, #tpu.memory_space<vmem>>) target_semaphore(%run_scoped3A : memref<!tpu.dma_semaphore, #tpu.memory_space<semaphore_mem>>)
        %dma_wait3A_123 = tpu.memref_slice %arg4[%mul3A_87] : memref<327680xi32, #tpu.memory_space<hbm>> -> memref<128xi32, #tpu.memory_space<hbm>>
        %dma_wait3A_124 = tpu.memref_slice %arg4[%mul3A_87] : memref<327680xi32, #tpu.memory_space<hbm>> -> memref<128xi32, #tpu.memory_space<hbm>>
        tpu.wait_dma2 semaphore(%run_scoped3A : memref<!tpu.dma_semaphore, #tpu.memory_space<semaphore_mem>>) src(%dma_wait3A_124 : memref<128xi32, #tpu.memory_space<hbm>>) dst(%arg11 : memref<128xi32, #tpu.memory_space<vmem>>)
        tpu.yield
      }) : () -> ()
      "tpu.region"() ({
        %run_scoped3A = tpu.sem_alloc : memref<!tpu.dma_semaphore, #tpu.memory_space<semaphore_mem>>
        %dma_start3A_121 = tpu.memref_slice %arg5[%mul3A_87] : memref<327680xi32, #tpu.memory_space<hbm>> -> memref<128xi32, #tpu.memory_space<hbm>>
        %dma_start3A_122 = tpu.memref_slice %arg5[%mul3A_87] : memref<327680xi32, #tpu.memory_space<hbm>> -> memref<128xi32, #tpu.memory_space<hbm>>
        tpu.enqueue_dma source(%dma_start3A_122 : memref<128xi32, #tpu.memory_space<hbm>>) target(%arg12 : memref<128xi32, #tpu.memory_space<vmem>>) target_semaphore(%run_scoped3A : memref<!tpu.dma_semaphore, #tpu.memory_space<semaphore_mem>>)
        %dma_wait3A_123 = tpu.memref_slice %arg5[%mul3A_87] : memref<327680xi32, #tpu.memory_space<hbm>> -> memref<128xi32, #tpu.memory_space<hbm>>
        %dma_wait3A_124 = tpu.memref_slice %arg5[%mul3A_87] : memref<327680xi32, #tpu.memory_space<hbm>> -> memref<128xi32, #tpu.memory_space<hbm>>
        tpu.wait_dma2 semaphore(%run_scoped3A : memref<!tpu.dma_semaphore, #tpu.memory_space<semaphore_mem>>) src(%dma_wait3A_124 : memref<128xi32, #tpu.memory_space<hbm>>) dst(%arg12 : memref<128xi32, #tpu.memory_space<vmem>>)
        tpu.yield
      }) : () -> ()
      %dma_start3A_88 = arith.constant 0 : i32
      %dma_start3A_89 = arith.constant 0 : i32
      %dma_start3A_90 = tpu.memref_slice %arg2[%dma_start3A_88, %dma_start3A_89] : memref<10000x64xi32, #tpu.memory_space<hbm>> -> memref<10000x64xi32, #tpu.memory_space<hbm>>
      tpu.enqueue_indirect_dma source(%dma_start3A_90 : memref<10000x64xi32, #tpu.memory_space<hbm>>) target(%arg14 : memref<128x64xi32, #tpu.memory_space<vmem>>) offsets(%arg11 : memref<128xi32, #tpu.memory_space<vmem>>) semaphore(%arg17 : memref<!tpu.dma_semaphore, #tpu.memory_space<semaphore_mem>>)
      %dma_wait3A_91 = arith.constant 0 : i32
      %dma_wait3A_92 = arith.constant 0 : i32
      %dma_wait3A_93 = tpu.memref_slice %arg2[%dma_wait3A_91, %dma_wait3A_92] : memref<10000x64xi32, #tpu.memory_space<hbm>> -> memref<10000x64xi32, #tpu.memory_space<hbm>>
      tpu.wait_indirect_dma semaphore(%arg16 : memref<!tpu.dma_semaphore, #tpu.memory_space<semaphore_mem>>) src(%dma_wait3A_93 : memref<10000x64xi32, #tpu.memory_space<hbm>>) dst(%arg13 : memref<128x64xi32, #tpu.memory_space<vmem>>)
      %scan3A_94 = arith.constant 0 : i32
      %scan3A_95 = arith.constant 0 : i32
      %scan3A_96 = arith.constant 128 : i32
      %scan3A_97 = arith.addi %scan3A_95, %scan3A_96 : i32
      %scan3A_98 = arith.constant 1 : i32
      scf.for %scan3A_121 = %scan3A_95 to %scan3A_97 step %scan3A_98  : i32 {
        %get3A = arith.index_cast %scan3A_121 : i32 to index
        %get3A_122 = arith.constant 0 : index
        %get3A_123 = tpu.vector_load %arg13[%get3A, %get3A_122] {strides = array<i32>} : memref<128x64xi32, #tpu.memory_space<vmem>>, vector<1x16xi32>,
        %get3A_124 = vector.shape_cast %get3A_123 : vector<1x16xi32> to vector<16xi32>
        %shift_left3A = arith.constant 16 : i32
        %shift_left3A_125 = vector.broadcast %shift_left3A : i32 to vector<16xi32>
        %shift_left3A_126 = arith.shli %get3A_124, %shift_left3A_125 : vector<16xi32>
        %bitcast_convert_type3A = tpu.bitcast %shift_left3A_126 : vector<16xi32> -> vector<16xf32>
        %and3A_127 = arith.constant -65536 : i32
        %and3A_128 = vector.broadcast %and3A_127 : i32 to vector<16xi32>
        %and3A_129 = arith.andi %get3A_124, %and3A_128 : vector<16xi32>
        %bitcast_convert_type3A_130 = tpu.bitcast %and3A_129 : vector<16xi32> -> vector<16xf32>
        %swap3A = arith.index_cast %scan3A_121 : i32 to index
        %swap3A_131 = arith.constant 0 : index
        %swap3A_132 = tpu.vector_load %arg15[%swap3A, %swap3A_131] {strides = array<i32>} : memref<128x128xf32, #tpu.memory_space<vmem>>, vector<1x16xf32>,
        %swap3A_133 = vector.shape_cast %swap3A_132 : vector<1x16xf32> to vector<16xf32>
        %swap3A_134 = vector.shape_cast %bitcast_convert_type3A : vector<16xf32> to vector<1x16xf32>
        tpu.vector_store %arg15[%swap3A, %swap3A_131], %swap3A_134 {strides = array<i32>} : memref<128x128xf32, #tpu.memory_space<vmem>>, vector<1x16xf32>,
        %swap3A_135 = arith.index_cast %scan3A_121 : i32 to index
        %swap3A_136 = arith.constant 16 : index
        %swap3A_137 = tpu.vector_load %arg15[%swap3A_135, %swap3A_136] {strides = array<i32>} : memref<128x128xf32, #tpu.memory_space<vmem>>, vector<1x16xf32>,
        %swap3A_138 = vector.shape_cast %swap3A_137 : vector<1x16xf32> to vector<16xf32>
        %swap3A_139 = vector.shape_cast %bitcast_convert_type3A_130 : vector<16xf32> to vector<1x16xf32>
        tpu.vector_store %arg15[%swap3A_135, %swap3A_136], %swap3A_139 {strides = array<i32>} : memref<128x128xf32, #tpu.memory_space<vmem>>, vector<1x16xf32>,
        %get3A_140 = arith.index_cast %scan3A_121 : i32 to index
        %get3A_141 = arith.constant 16 : index
        %get3A_142 = tpu.vector_load %arg13[%get3A_140, %get3A_141] {strides = array<i32>} : memref<128x64xi32, #tpu.memory_space<vmem>>, vector<1x16xi32>,
        %get3A_143 = vector.shape_cast %get3A_142 : vector<1x16xi32> to vector<16xi32>
        %shift_left3A_144 = arith.constant 16 : i32
        %shift_left3A_145 = vector.broadcast %shift_left3A_144 : i32 to vector<16xi32>
        %shift_left3A_146 = arith.shli %get3A_143, %shift_left3A_145 : vector<16xi32>
        %bitcast_convert_type3A_147 = tpu.bitcast %shift_left3A_146 : vector<16xi32> -> vector<16xf32>
        %and3A_148 = arith.constant -65536 : i32
        %and3A_149 = vector.broadcast %and3A_148 : i32 to vector<16xi32>
        %and3A_150 = arith.andi %get3A_143, %and3A_149 : vector<16xi32>
        %bitcast_convert_type3A_151 = tpu.bitcast %and3A_150 : vector<16xi32> -> vector<16xf32>
        %swap3A_152 = arith.index_cast %scan3A_121 : i32 to index
        %swap3A_153 = arith.constant 32 : index
        %swap3A_154 = tpu.vector_load %arg15[%swap3A_152, %swap3A_153] {strides = array<i32>} : memref<128x128xf32, #tpu.memory_space<vmem>>, vector<1x16xf32>,
        %swap3A_155 = vector.shape_cast %swap3A_154 : vector<1x16xf32> to vector<16xf32>
        %swap3A_156 = vector.shape_cast %bitcast_convert_type3A_147 : vector<16xf32> to vector<1x16xf32>
        tpu.vector_store %arg15[%swap3A_152, %swap3A_153], %swap3A_156 {strides = array<i32>} : memref<128x128xf32, #tpu.memory_space<vmem>>, vector<1x16xf32>,
        %swap3A_157 = arith.index_cast %scan3A_121 : i32 to index
        %swap3A_158 = arith.constant 48 : index
        %swap3A_159 = tpu.vector_load %arg15[%swap3A_157, %swap3A_158] {strides = array<i32>} : memref<128x128xf32, #tpu.memory_space<vmem>>, vector<1x16xf32>,
        %swap3A_160 = vector.shape_cast %swap3A_159 : vector<1x16xf32> to vector<16xf32>
        %swap3A_161 = vector.shape_cast %bitcast_convert_type3A_151 : vector<16xf32> to vector<1x16xf32>
        tpu.vector_store %arg15[%swap3A_157, %swap3A_158], %swap3A_161 {strides = array<i32>} : memref<128x128xf32, #tpu.memory_space<vmem>>, vector<1x16xf32>,
        %get3A_162 = arith.index_cast %scan3A_121 : i32 to index
        %get3A_163 = arith.constant 32 : index
        %get3A_164 = tpu.vector_load %arg13[%get3A_162, %get3A_163] {strides = array<i32>} : memref<128x64xi32, #tpu.memory_space<vmem>>, vector<1x16xi32>,
        %get3A_165 = vector.shape_cast %get3A_164 : vector<1x16xi32> to vector<16xi32>
        %shift_left3A_166 = arith.constant 16 : i32
        %shift_left3A_167 = vector.broadcast %shift_left3A_166 : i32 to vector<16xi32>
        %shift_left3A_168 = arith.shli %get3A_165, %shift_left3A_167 : vector<16xi32>
        %bitcast_convert_type3A_169 = tpu.bitcast %shift_left3A_168 : vector<16xi32> -> vector<16xf32>
        %and3A_170 = arith.constant -65536 : i32
        %and3A_171 = vector.broadcast %and3A_170 : i32 to vector<16xi32>
        %and3A_172 = arith.andi %get3A_165, %and3A_171 : vector<16xi32>
        %bitcast_convert_type3A_173 = tpu.bitcast %and3A_172 : vector<16xi32> -> vector<16xf32>
        %swap3A_174 = arith.index_cast %scan3A_121 : i32 to index
        %swap3A_175 = arith.constant 64 : index
        %swap3A_176 = tpu.vector_load %arg15[%swap3A_174, %swap3A_175] {strides = array<i32>} : memref<128x128xf32, #tpu.memory_space<vmem>>, vector<1x16xf32>,
        %swap3A_177 = vector.shape_cast %swap3A_176 : vector<1x16xf32> to vector<16xf32>
        %swap3A_178 = vector.shape_cast %bitcast_convert_type3A_169 : vector<16xf32> to vector<1x16xf32>
        tpu.vector_store %arg15[%swap3A_174, %swap3A_175], %swap3A_178 {strides = array<i32>} : memref<128x128xf32, #tpu.memory_space<vmem>>, vector<1x16xf32>,
        %swap3A_179 = arith.index_cast %scan3A_121 : i32 to index
        %swap3A_180 = arith.constant 80 : index
        %swap3A_181 = tpu.vector_load %arg15[%swap3A_179, %swap3A_180] {strides = array<i32>} : memref<128x128xf32, #tpu.memory_space<vmem>>, vector<1x16xf32>,
        %swap3A_182 = vector.shape_cast %swap3A_181 : vector<1x16xf32> to vector<16xf32>
        %swap3A_183 = vector.shape_cast %bitcast_convert_type3A_173 : vector<16xf32> to vector<1x16xf32>
        tpu.vector_store %arg15[%swap3A_179, %swap3A_180], %swap3A_183 {strides = array<i32>} : memref<128x128xf32, #tpu.memory_space<vmem>>, vector<1x16xf32>,
        %get3A_184 = arith.index_cast %scan3A_121 : i32 to index
        %get3A_185 = arith.constant 48 : index
        %get3A_186 = tpu.vector_load %arg13[%get3A_184, %get3A_185] {strides = array<i32>} : memref<128x64xi32, #tpu.memory_space<vmem>>, vector<1x16xi32>,
        %get3A_187 = vector.shape_cast %get3A_186 : vector<1x16xi32> to vector<16xi32>
        %shift_left3A_188 = arith.constant 16 : i32
        %shift_left3A_189 = vector.broadcast %shift_left3A_188 : i32 to vector<16xi32>
        %shift_left3A_190 = arith.shli %get3A_187, %shift_left3A_189 : vector<16xi32>
        %bitcast_convert_type3A_191 = tpu.bitcast %shift_left3A_190 : vector<16xi32> -> vector<16xf32>
        %and3A_192 = arith.constant -65536 : i32
        %and3A_193 = vector.broadcast %and3A_192 : i32 to vector<16xi32>
        %and3A_194 = arith.andi %get3A_187, %and3A_193 : vector<16xi32>
        %bitcast_convert_type3A_195 = tpu.bitcast %and3A_194 : vector<16xi32> -> vector<16xf32>
        %swap3A_196 = arith.index_cast %scan3A_121 : i32 to index
        %swap3A_197 = arith.constant 96 : index
        %swap3A_198 = tpu.vector_load %arg15[%swap3A_196, %swap3A_197] {strides = array<i32>} : memref<128x128xf32, #tpu.memory_space<vmem>>, vector<1x16xf32>,
        %swap3A_199 = vector.shape_cast %swap3A_198 : vector<1x16xf32> to vector<16xf32>
        %swap3A_200 = vector.shape_cast %bitcast_convert_type3A_191 : vector<16xf32> to vector<1x16xf32>
        tpu.vector_store %arg15[%swap3A_196, %swap3A_197], %swap3A_200 {strides = array<i32>} : memref<128x128xf32, #tpu.memory_space<vmem>>, vector<1x16xf32>,
        %swap3A_201 = arith.index_cast %scan3A_121 : i32 to index
        %swap3A_202 = arith.constant 112 : index
        %swap3A_203 = tpu.vector_load %arg15[%swap3A_201, %swap3A_202] {strides = array<i32>} : memref<128x128xf32, #tpu.memory_space<vmem>>, vector<1x16xf32>,
        %swap3A_204 = vector.shape_cast %swap3A_203 : vector<1x16xf32> to vector<16xf32>
        %swap3A_205 = vector.shape_cast %bitcast_convert_type3A_195 : vector<16xf32> to vector<1x16xf32>
        tpu.vector_store %arg15[%swap3A_201, %swap3A_202], %swap3A_205 {strides = array<i32>} : memref<128x128xf32, #tpu.memory_space<vmem>>, vector<1x16xf32>,
      }
      %scan3A_99 = arith.constant 128 : i32
      "tpu.region"() ({
        %run_scoped3A = tpu.sem_alloc : memref<!tpu.dma_semaphore, #tpu.memory_space<semaphore_mem>>
        %dma_start3A_121 = arith.constant 0 : i32
        %dma_start3A_122 = arith.constant 0 : i32
        %dma_start3A_123 = tpu.memref_slice %arg8[%dma_start3A_121, %dma_start3A_122] : memref<10008x128xf32, #tpu.memory_space<vmem_shared>> -> memref<10008x128xf32, #tpu.memory_space<vmem_shared>>
        tpu.enqueue_indirect_dma source(%arg15 : memref<128x128xf32, #tpu.memory_space<vmem>>) target(%dma_start3A_123 : memref<10008x128xf32, #tpu.memory_space<vmem_shared>>) offsets(%arg10 : memref<128xi32, #tpu.memory_space<vmem>>) semaphore(%run_scoped3A : memref<!tpu.dma_semaphore, #tpu.memory_space<semaphore_mem>>) {add = true}
        %dma_wait3A_124 = arith.constant 0 : i32
        %dma_wait3A_125 = arith.constant 0 : i32
        %dma_wait3A_126 = tpu.memref_slice %arg8[%dma_wait3A_124, %dma_wait3A_125] : memref<10008x128xf32, #tpu.memory_space<vmem_shared>> -> memref<10008x128xf32, #tpu.memory_space<vmem_shared>>
        tpu.wait_indirect_dma semaphore(%run_scoped3A : memref<!tpu.dma_semaphore, #tpu.memory_space<semaphore_mem>>) src(%arg15 : memref<128x128xf32, #tpu.memory_space<vmem>>) dst(%dma_wait3A_126 : memref<10008x128xf32, #tpu.memory_space<vmem_shared>>)
        tpu.yield
      }) : () -> ()
      %mul3A_100 = arith.constant 2 : i32
      %mul3A_101 = arith.muli %mul3A_100, %scan3A_78 : i32
      %add3A_102 = arith.constant 2 : i32
      %add3A_103 = arith.addi %mul3A_101, %add3A_102 : i32
      %mul3A_104 = arith.constant 80 : i32
      %mul3A_105 = arith.muli %add3A, %mul3A_104 : i32
      %add3A_106 = arith.addi %mul3A_105, %add3A_103 : i32
      %mul3A_107 = arith.constant 128 : i32
      %mul3A_108 = arith.muli %add3A_106, %mul3A_107 : i32
      "tpu.region"() ({
        %run_scoped3A = tpu.sem_alloc : memref<!tpu.dma_semaphore, #tpu.memory_space<semaphore_mem>>
        %dma_start3A_121 = tpu.memref_slice %arg4[%mul3A_108] : memref<327680xi32, #tpu.memory_space<hbm>> -> memref<128xi32, #tpu.memory_space<hbm>>
        %dma_start3A_122 = tpu.memref_slice %arg4[%mul3A_108] : memref<327680xi32, #tpu.memory_space<hbm>> -> memref<128xi32, #tpu.memory_space<hbm>>
        tpu.enqueue_dma source(%dma_start3A_122 : memref<128xi32, #tpu.memory_space<hbm>>) target(%arg9 : memref<128xi32, #tpu.memory_space<vmem>>) target_semaphore(%run_scoped3A : memref<!tpu.dma_semaphore, #tpu.memory_space<semaphore_mem>>)
        %dma_wait3A_123 = tpu.memref_slice %arg4[%mul3A_108] : memref<327680xi32, #tpu.memory_space<hbm>> -> memref<128xi32, #tpu.memory_space<hbm>>
        %dma_wait3A_124 = tpu.memref_slice %arg4[%mul3A_108] : memref<327680xi32, #tpu.memory_space<hbm>> -> memref<128xi32, #tpu.memory_space<hbm>>
        tpu.wait_dma2 semaphore(%run_scoped3A : memref<!tpu.dma_semaphore, #tpu.memory_space<semaphore_mem>>) src(%dma_wait3A_124 : memref<128xi32, #tpu.memory_space<hbm>>) dst(%arg9 : memref<128xi32, #tpu.memory_space<vmem>>)
        tpu.yield
      }) : () -> ()
      "tpu.region"() ({
        %run_scoped3A = tpu.sem_alloc : memref<!tpu.dma_semaphore, #tpu.memory_space<semaphore_mem>>
        %dma_start3A_121 = tpu.memref_slice %arg5[%mul3A_108] : memref<327680xi32, #tpu.memory_space<hbm>> -> memref<128xi32, #tpu.memory_space<hbm>>
        %dma_start3A_122 = tpu.memref_slice %arg5[%mul3A_108] : memref<327680xi32, #tpu.memory_space<hbm>> -> memref<128xi32, #tpu.memory_space<hbm>>
        tpu.enqueue_dma source(%dma_start3A_122 : memref<128xi32, #tpu.memory_space<hbm>>) target(%arg10 : memref<128xi32, #tpu.memory_space<vmem>>) target_semaphore(%run_scoped3A : memref<!tpu.dma_semaphore, #tpu.memory_space<semaphore_mem>>)
        %dma_wait3A_123 = tpu.memref_slice %arg5[%mul3A_108] : memref<327680xi32, #tpu.memory_space<hbm>> -> memref<128xi32, #tpu.memory_space<hbm>>
        %dma_wait3A_124 = tpu.memref_slice %arg5[%mul3A_108] : memref<327680xi32, #tpu.memory_space<hbm>> -> memref<128xi32, #tpu.memory_space<hbm>>
        tpu.wait_dma2 semaphore(%run_scoped3A : memref<!tpu.dma_semaphore, #tpu.memory_space<semaphore_mem>>) src(%dma_wait3A_124 : memref<128xi32, #tpu.memory_space<hbm>>) dst(%arg10 : memref<128xi32, #tpu.memory_space<vmem>>)
        tpu.yield
      }) : () -> ()
      %dma_start3A_109 = arith.constant 0 : i32
      %dma_start3A_110 = arith.constant 0 : i32
      %dma_start3A_111 = tpu.memref_slice %arg2[%dma_start3A_109, %dma_start3A_110] : memref<10000x64xi32, #tpu.memory_space<hbm>> -> memref<10000x64xi32, #tpu.memory_space<hbm>>
      tpu.enqueue_indirect_dma source(%dma_start3A_111 : memref<10000x64xi32, #tpu.memory_space<hbm>>) target(%arg13 : memref<128x64xi32, #tpu.memory_space<vmem>>) offsets(%arg9 : memref<128xi32, #tpu.memory_space<vmem>>) semaphore(%arg16 : memref<!tpu.dma_semaphore, #tpu.memory_space<semaphore_mem>>)
      %dma_wait3A_112 = arith.constant 0 : i32
      %dma_wait3A_113 = arith.constant 0 : i32
      %dma_wait3A_114 = tpu.memref_slice %arg2[%dma_wait3A_112, %dma_wait3A_113] : memref<10000x64xi32, #tpu.memory_space<hbm>> -> memref<10000x64xi32, #tpu.memory_space<hbm>>
      tpu.wait_indirect_dma semaphore(%arg17 : memref<!tpu.dma_semaphore, #tpu.memory_space<semaphore_mem>>) src(%dma_wait3A_114 : memref<10000x64xi32, #tpu.memory_space<hbm>>) dst(%arg14 : memref<128x64xi32, #tpu.memory_space<vmem>>)
      %scan3A_115 = arith.constant 0 : i32
      %scan3A_116 = arith.constant 0 : i32
      %scan3A_117 = arith.constant 128 : i32
      %scan3A_118 = arith.addi %scan3A_116, %scan3A_117 : i32
      %scan3A_119 = arith.constant 1 : i32
      scf.for %scan3A_121 = %scan3A_116 to %scan3A_118 step %scan3A_119  : i32 {
        %get3A = arith.index_cast %scan3A_121 : i32 to index
        %get3A_122 = arith.constant 0 : index
        %get3A_123 = tpu.vector_load %arg14[%get3A, %get3A_122] {strides = array<i32>} : memref<128x64xi32, #tpu.memory_space<vmem>>, vector<1x16xi32>,
        %get3A_124 = vector.shape_cast %get3A_123 : vector<1x16xi32> to vector<16xi32>
        %shift_left3A = arith.constant 16 : i32
        %shift_left3A_125 = vector.broadcast %shift_left3A : i32 to vector<16xi32>
        %shift_left3A_126 = arith.shli %get3A_124, %shift_left3A_125 : vector<16xi32>
        %bitcast_convert_type3A = tpu.bitcast %shift_left3A_126 : vector<16xi32> -> vector<16xf32>
        %and3A_127 = arith.constant -65536 : i32
        %and3A_128 = vector.broadcast %and3A_127 : i32 to vector<16xi32>
        %and3A_129 = arith.andi %get3A_124, %and3A_128 : vector<16xi32>
        %bitcast_convert_type3A_130 = tpu.bitcast %and3A_129 : vector<16xi32> -> vector<16xf32>
        %swap3A = arith.index_cast %scan3A_121 : i32 to index
        %swap3A_131 = arith.constant 0 : index
        %swap3A_132 = tpu.vector_load %arg15[%swap3A, %swap3A_131] {strides = array<i32>} : memref<128x128xf32, #tpu.memory_space<vmem>>, vector<1x16xf32>,
        %swap3A_133 = vector.shape_cast %swap3A_132 : vector<1x16xf32> to vector<16xf32>
        %swap3A_134 = vector.shape_cast %bitcast_convert_type3A : vector<16xf32> to vector<1x16xf32>
        tpu.vector_store %arg15[%swap3A, %swap3A_131], %swap3A_134 {strides = array<i32>} : memref<128x128xf32, #tpu.memory_space<vmem>>, vector<1x16xf32>,
        %swap3A_135 = arith.index_cast %scan3A_121 : i32 to index
        %swap3A_136 = arith.constant 16 : index
        %swap3A_137 = tpu.vector_load %arg15[%swap3A_135, %swap3A_136] {strides = array<i32>} : memref<128x128xf32, #tpu.memory_space<vmem>>, vector<1x16xf32>,
        %swap3A_138 = vector.shape_cast %swap3A_137 : vector<1x16xf32> to vector<16xf32>
        %swap3A_139 = vector.shape_cast %bitcast_convert_type3A_130 : vector<16xf32> to vector<1x16xf32>
        tpu.vector_store %arg15[%swap3A_135, %swap3A_136], %swap3A_139 {strides = array<i32>} : memref<128x128xf32, #tpu.memory_space<vmem>>, vector<1x16xf32>,
        %get3A_140 = arith.index_cast %scan3A_121 : i32 to index
        %get3A_141 = arith.constant 16 : index
        %get3A_142 = tpu.vector_load %arg14[%get3A_140, %get3A_141] {strides = array<i32>} : memref<128x64xi32, #tpu.memory_space<vmem>>, vector<1x16xi32>,
        %get3A_143 = vector.shape_cast %get3A_142 : vector<1x16xi32> to vector<16xi32>
        %shift_left3A_144 = arith.constant 16 : i32
        %shift_left3A_145 = vector.broadcast %shift_left3A_144 : i32 to vector<16xi32>
        %shift_left3A_146 = arith.shli %get3A_143, %shift_left3A_145 : vector<16xi32>
        %bitcast_convert_type3A_147 = tpu.bitcast %shift_left3A_146 : vector<16xi32> -> vector<16xf32>
        %and3A_148 = arith.constant -65536 : i32
        %and3A_149 = vector.broadcast %and3A_148 : i32 to vector<16xi32>
        %and3A_150 = arith.andi %get3A_143, %and3A_149 : vector<16xi32>
        %bitcast_convert_type3A_151 = tpu.bitcast %and3A_150 : vector<16xi32> -> vector<16xf32>
        %swap3A_152 = arith.index_cast %scan3A_121 : i32 to index
        %swap3A_153 = arith.constant 32 : index
        %swap3A_154 = tpu.vector_load %arg15[%swap3A_152, %swap3A_153] {strides = array<i32>} : memref<128x128xf32, #tpu.memory_space<vmem>>, vector<1x16xf32>,
        %swap3A_155 = vector.shape_cast %swap3A_154 : vector<1x16xf32> to vector<16xf32>
        %swap3A_156 = vector.shape_cast %bitcast_convert_type3A_147 : vector<16xf32> to vector<1x16xf32>
        tpu.vector_store %arg15[%swap3A_152, %swap3A_153], %swap3A_156 {strides = array<i32>} : memref<128x128xf32, #tpu.memory_space<vmem>>, vector<1x16xf32>,
        %swap3A_157 = arith.index_cast %scan3A_121 : i32 to index
        %swap3A_158 = arith.constant 48 : index
        %swap3A_159 = tpu.vector_load %arg15[%swap3A_157, %swap3A_158] {strides = array<i32>} : memref<128x128xf32, #tpu.memory_space<vmem>>, vector<1x16xf32>,
        %swap3A_160 = vector.shape_cast %swap3A_159 : vector<1x16xf32> to vector<16xf32>
        %swap3A_161 = vector.shape_cast %bitcast_convert_type3A_151 : vector<16xf32> to vector<1x16xf32>
        tpu.vector_store %arg15[%swap3A_157, %swap3A_158], %swap3A_161 {strides = array<i32>} : memref<128x128xf32, #tpu.memory_space<vmem>>, vector<1x16xf32>,
        %get3A_162 = arith.index_cast %scan3A_121 : i32 to index
        %get3A_163 = arith.constant 32 : index
        %get3A_164 = tpu.vector_load %arg14[%get3A_162, %get3A_163] {strides = array<i32>} : memref<128x64xi32, #tpu.memory_space<vmem>>, vector<1x16xi32>,
        %get3A_165 = vector.shape_cast %get3A_164 : vector<1x16xi32> to vector<16xi32>
        %shift_left3A_166 = arith.constant 16 : i32
        %shift_left3A_167 = vector.broadcast %shift_left3A_166 : i32 to vector<16xi32>
        %shift_left3A_168 = arith.shli %get3A_165, %shift_left3A_167 : vector<16xi32>
        %bitcast_convert_type3A_169 = tpu.bitcast %shift_left3A_168 : vector<16xi32> -> vector<16xf32>
        %and3A_170 = arith.constant -65536 : i32
        %and3A_171 = vector.broadcast %and3A_170 : i32 to vector<16xi32>
        %and3A_172 = arith.andi %get3A_165, %and3A_171 : vector<16xi32>
        %bitcast_convert_type3A_173 = tpu.bitcast %and3A_172 : vector<16xi32> -> vector<16xf32>
        %swap3A_174 = arith.index_cast %scan3A_121 : i32 to index
        %swap3A_175 = arith.constant 64 : index
        %swap3A_176 = tpu.vector_load %arg15[%swap3A_174, %swap3A_175] {strides = array<i32>} : memref<128x128xf32, #tpu.memory_space<vmem>>, vector<1x16xf32>,
        %swap3A_177 = vector.shape_cast %swap3A_176 : vector<1x16xf32> to vector<16xf32>
        %swap3A_178 = vector.shape_cast %bitcast_convert_type3A_169 : vector<16xf32> to vector<1x16xf32>
        tpu.vector_store %arg15[%swap3A_174, %swap3A_175], %swap3A_178 {strides = array<i32>} : memref<128x128xf32, #tpu.memory_space<vmem>>, vector<1x16xf32>,
        %swap3A_179 = arith.index_cast %scan3A_121 : i32 to index
        %swap3A_180 = arith.constant 80 : index
        %swap3A_181 = tpu.vector_load %arg15[%swap3A_179, %swap3A_180] {strides = array<i32>} : memref<128x128xf32, #tpu.memory_space<vmem>>, vector<1x16xf32>,
        %swap3A_182 = vector.shape_cast %swap3A_181 : vector<1x16xf32> to vector<16xf32>
        %swap3A_183 = vector.shape_cast %bitcast_convert_type3A_173 : vector<16xf32> to vector<1x16xf32>
        tpu.vector_store %arg15[%swap3A_179, %swap3A_180], %swap3A_183 {strides = array<i32>} : memref<128x128xf32, #tpu.memory_space<vmem>>, vector<1x16xf32>,
        %get3A_184 = arith.index_cast %scan3A_121 : i32 to index
        %get3A_185 = arith.constant 48 : index
        %get3A_186 = tpu.vector_load %arg14[%get3A_184, %get3A_185] {strides = array<i32>} : memref<128x64xi32, #tpu.memory_space<vmem>>, vector<1x16xi32>,
        %get3A_187 = vector.shape_cast %get3A_186 : vector<1x16xi32> to vector<16xi32>
        %shift_left3A_188 = arith.constant 16 : i32
        %shift_left3A_189 = vector.broadcast %shift_left3A_188 : i32 to vector<16xi32>
        %shift_left3A_190 = arith.shli %get3A_187, %shift_left3A_189 : vector<16xi32>
        %bitcast_convert_type3A_191 = tpu.bitcast %shift_left3A_190 : vector<16xi32> -> vector<16xf32>
        %and3A_192 = arith.constant -65536 : i32
        %and3A_193 = vector.broadcast %and3A_192 : i32 to vector<16xi32>
        %and3A_194 = arith.andi %get3A_187, %and3A_193 : vector<16xi32>
        %bitcast_convert_type3A_195 = tpu.bitcast %and3A_194 : vector<16xi32> -> vector<16xf32>
        %swap3A_196 = arith.index_cast %scan3A_121 : i32 to index
        %swap3A_197 = arith.constant 96 : index
        %swap3A_198 = tpu.vector_load %arg15[%swap3A_196, %swap3A_197] {strides = array<i32>} : memref<128x128xf32, #tpu.memory_space<vmem>>, vector<1x16xf32>,
        %swap3A_199 = vector.shape_cast %swap3A_198 : vector<1x16xf32> to vector<16xf32>
        %swap3A_200 = vector.shape_cast %bitcast_convert_type3A_191 : vector<16xf32> to vector<1x16xf32>
        tpu.vector_store %arg15[%swap3A_196, %swap3A_197], %swap3A_200 {strides = array<i32>} : memref<128x128xf32, #tpu.memory_space<vmem>>, vector<1x16xf32>,
        %swap3A_201 = arith.index_cast %scan3A_121 : i32 to index
        %swap3A_202 = arith.constant 112 : index
        %swap3A_203 = tpu.vector_load %arg15[%swap3A_201, %swap3A_202] {strides = array<i32>} : memref<128x128xf32, #tpu.memory_space<vmem>>, vector<1x16xf32>,
        %swap3A_204 = vector.shape_cast %swap3A_203 : vector<1x16xf32> to vector<16xf32>
        %swap3A_205 = vector.shape_cast %bitcast_convert_type3A_195 : vector<16xf32> to vector<1x16xf32>
        tpu.vector_store %arg15[%swap3A_201, %swap3A_202], %swap3A_205 {strides = array<i32>} : memref<128x128xf32, #tpu.memory_space<vmem>>, vector<1x16xf32>,
      }
      %scan3A_120 = arith.constant 128 : i32
      "tpu.region"() ({
        %run_scoped3A = tpu.sem_alloc : memref<!tpu.dma_semaphore, #tpu.memory_space<semaphore_mem>>
        %dma_start3A_121 = arith.constant 0 : i32
        %dma_start3A_122 = arith.constant 0 : i32
        %dma_start3A_123 = tpu.memref_slice %arg8[%dma_start3A_121, %dma_start3A_122] : memref<10008x128xf32, #tpu.memory_space<vmem_shared>> -> memref<10008x128xf32, #tpu.memory_space<vmem_shared>>
        tpu.enqueue_indirect_dma source(%arg15 : memref<128x128xf32, #tpu.memory_space<vmem>>) target(%dma_start3A_123 : memref<10008x128xf32, #tpu.memory_space<vmem_shared>>) offsets(%arg12 : memref<128xi32, #tpu.memory_space<vmem>>) semaphore(%run_scoped3A : memref<!tpu.dma_semaphore, #tpu.memory_space<semaphore_mem>>) {add = true}
        %dma_wait3A_124 = arith.constant 0 : i32
        %dma_wait3A_125 = arith.constant 0 : i32
        %dma_wait3A_126 = tpu.memref_slice %arg8[%dma_wait3A_124, %dma_wait3A_125] : memref<10008x128xf32, #tpu.memory_space<vmem_shared>> -> memref<10008x128xf32, #tpu.memory_space<vmem_shared>>
        tpu.wait_indirect_dma semaphore(%run_scoped3A : memref<!tpu.dma_semaphore, #tpu.memory_space<semaphore_mem>>) src(%arg15 : memref<128x128xf32, #tpu.memory_space<vmem>>) dst(%dma_wait3A_126 : memref<10008x128xf32, #tpu.memory_space<vmem_shared>>)
        tpu.yield
      }) : () -> ()
    }
    %scan3A_19 = arith.constant 39 : i32
    %mul3A_20 = arith.constant 80 : i32
    %mul3A_21 = arith.muli %add3A, %mul3A_20 : i32
    %add3A_22 = arith.constant 79 : i32
    %add3A_23 = arith.addi %mul3A_21, %add3A_22 : i32
    %mul3A_24 = arith.constant 128 : i32
    %mul3A_25 = arith.muli %add3A_23, %mul3A_24 : i32
    "tpu.region"() ({
      %run_scoped3A = tpu.sem_alloc : memref<!tpu.dma_semaphore, #tpu.memory_space<semaphore_mem>>
      %dma_start3A_78 = tpu.memref_slice %arg4[%mul3A_25] : memref<327680xi32, #tpu.memory_space<hbm>> -> memref<128xi32, #tpu.memory_space<hbm>>
      %dma_start3A_79 = tpu.memref_slice %arg4[%mul3A_25] : memref<327680xi32, #tpu.memory_space<hbm>> -> memref<128xi32, #tpu.memory_space<hbm>>
      tpu.enqueue_dma source(%dma_start3A_79 : memref<128xi32, #tpu.memory_space<hbm>>) target(%arg11 : memref<128xi32, #tpu.memory_space<vmem>>) target_semaphore(%run_scoped3A : memref<!tpu.dma_semaphore, #tpu.memory_space<semaphore_mem>>)
      %dma_wait3A_80 = tpu.memref_slice %arg4[%mul3A_25] : memref<327680xi32, #tpu.memory_space<hbm>> -> memref<128xi32, #tpu.memory_space<hbm>>
      %dma_wait3A_81 = tpu.memref_slice %arg4[%mul3A_25] : memref<327680xi32, #tpu.memory_space<hbm>> -> memref<128xi32, #tpu.memory_space<hbm>>
      tpu.wait_dma2 semaphore(%run_scoped3A : memref<!tpu.dma_semaphore, #tpu.memory_space<semaphore_mem>>) src(%dma_wait3A_81 : memref<128xi32, #tpu.memory_space<hbm>>) dst(%arg11 : memref<128xi32, #tpu.memory_space<vmem>>)
      tpu.yield
    }) : () -> ()
    "tpu.region"() ({
      %run_scoped3A = tpu.sem_alloc : memref<!tpu.dma_semaphore, #tpu.memory_space<semaphore_mem>>
      %dma_start3A_78 = tpu.memref_slice %arg5[%mul3A_25] : memref<327680xi32, #tpu.memory_space<hbm>> -> memref<128xi32, #tpu.memory_space<hbm>>
      %dma_start3A_79 = tpu.memref_slice %arg5[%mul3A_25] : memref<327680xi32, #tpu.memory_space<hbm>> -> memref<128xi32, #tpu.memory_space<hbm>>
      tpu.enqueue_dma source(%dma_start3A_79 : memref<128xi32, #tpu.memory_space<hbm>>) target(%arg12 : memref<128xi32, #tpu.memory_space<vmem>>) target_semaphore(%run_scoped3A : memref<!tpu.dma_semaphore, #tpu.memory_space<semaphore_mem>>)
      %dma_wait3A_80 = tpu.memref_slice %arg5[%mul3A_25] : memref<327680xi32, #tpu.memory_space<hbm>> -> memref<128xi32, #tpu.memory_space<hbm>>
      %dma_wait3A_81 = tpu.memref_slice %arg5[%mul3A_25] : memref<327680xi32, #tpu.memory_space<hbm>> -> memref<128xi32, #tpu.memory_space<hbm>>
      tpu.wait_dma2 semaphore(%run_scoped3A : memref<!tpu.dma_semaphore, #tpu.memory_space<semaphore_mem>>) src(%dma_wait3A_81 : memref<128xi32, #tpu.memory_space<hbm>>) dst(%arg12 : memref<128xi32, #tpu.memory_space<vmem>>)
      tpu.yield
    }) : () -> ()
    %dma_start3A_26 = arith.constant 0 : i32
    %dma_start3A_27 = arith.constant 0 : i32
    %dma_start3A_28 = tpu.memref_slice %arg2[%dma_start3A_26, %dma_start3A_27] : memref<10000x64xi32, #tpu.memory_space<hbm>> -> memref<10000x64xi32, #tpu.memory_space<hbm>>
    tpu.enqueue_indirect_dma source(%dma_start3A_28 : memref<10000x64xi32, #tpu.memory_space<hbm>>) target(%arg14 : memref<128x64xi32, #tpu.memory_space<vmem>>) offsets(%arg11 : memref<128xi32, #tpu.memory_space<vmem>>) semaphore(%arg17 : memref<!tpu.dma_semaphore, #tpu.memory_space<semaphore_mem>>)
    %dma_wait3A = arith.constant 0 : i32
    %dma_wait3A_29 = arith.constant 0 : i32
    %dma_wait3A_30 = tpu.memref_slice %arg2[%dma_wait3A, %dma_wait3A_29] : memref<10000x64xi32, #tpu.memory_space<hbm>> -> memref<10000x64xi32, #tpu.memory_space<hbm>>
    tpu.wait_indirect_dma semaphore(%arg16 : memref<!tpu.dma_semaphore, #tpu.memory_space<semaphore_mem>>) src(%dma_wait3A_30 : memref<10000x64xi32, #tpu.memory_space<hbm>>) dst(%arg13 : memref<128x64xi32, #tpu.memory_space<vmem>>)
    %scan3A_31 = arith.constant 0 : i32
    %scan3A_32 = arith.constant 0 : i32
    %scan3A_33 = arith.constant 128 : i32
    %scan3A_34 = arith.addi %scan3A_32, %scan3A_33 : i32
    %scan3A_35 = arith.constant 1 : i32
    scf.for %scan3A_78 = %scan3A_32 to %scan3A_34 step %scan3A_35  : i32 {
      %get3A = arith.index_cast %scan3A_78 : i32 to index
      %get3A_79 = arith.constant 0 : index
      %get3A_80 = tpu.vector_load %arg13[%get3A, %get3A_79] {strides = array<i32>} : memref<128x64xi32, #tpu.memory_space<vmem>>, vector<1x16xi32>,
      %get3A_81 = vector.shape_cast %get3A_80 : vector<1x16xi32> to vector<16xi32>
      %shift_left3A = arith.constant 16 : i32
      %shift_left3A_82 = vector.broadcast %shift_left3A : i32 to vector<16xi32>
      %shift_left3A_83 = arith.shli %get3A_81, %shift_left3A_82 : vector<16xi32>
      %bitcast_convert_type3A = tpu.bitcast %shift_left3A_83 : vector<16xi32> -> vector<16xf32>
      %and3A_84 = arith.constant -65536 : i32
      %and3A_85 = vector.broadcast %and3A_84 : i32 to vector<16xi32>
      %and3A_86 = arith.andi %get3A_81, %and3A_85 : vector<16xi32>
      %bitcast_convert_type3A_87 = tpu.bitcast %and3A_86 : vector<16xi32> -> vector<16xf32>
      %swap3A = arith.index_cast %scan3A_78 : i32 to index
      %swap3A_88 = arith.constant 0 : index
      %swap3A_89 = tpu.vector_load %arg15[%swap3A, %swap3A_88] {strides = array<i32>} : memref<128x128xf32, #tpu.memory_space<vmem>>, vector<1x16xf32>,
      %swap3A_90 = vector.shape_cast %swap3A_89 : vector<1x16xf32> to vector<16xf32>
      %swap3A_91 = vector.shape_cast %bitcast_convert_type3A : vector<16xf32> to vector<1x16xf32>
      tpu.vector_store %arg15[%swap3A, %swap3A_88], %swap3A_91 {strides = array<i32>} : memref<128x128xf32, #tpu.memory_space<vmem>>, vector<1x16xf32>,
      %swap3A_92 = arith.index_cast %scan3A_78 : i32 to index
      %swap3A_93 = arith.constant 16 : index
      %swap3A_94 = tpu.vector_load %arg15[%swap3A_92, %swap3A_93] {strides = array<i32>} : memref<128x128xf32, #tpu.memory_space<vmem>>, vector<1x16xf32>,
      %swap3A_95 = vector.shape_cast %swap3A_94 : vector<1x16xf32> to vector<16xf32>
      %swap3A_96 = vector.shape_cast %bitcast_convert_type3A_87 : vector<16xf32> to vector<1x16xf32>
      tpu.vector_store %arg15[%swap3A_92, %swap3A_93], %swap3A_96 {strides = array<i32>} : memref<128x128xf32, #tpu.memory_space<vmem>>, vector<1x16xf32>,
      %get3A_97 = arith.index_cast %scan3A_78 : i32 to index
      %get3A_98 = arith.constant 16 : index
      %get3A_99 = tpu.vector_load %arg13[%get3A_97, %get3A_98] {strides = array<i32>} : memref<128x64xi32, #tpu.memory_space<vmem>>, vector<1x16xi32>,
      %get3A_100 = vector.shape_cast %get3A_99 : vector<1x16xi32> to vector<16xi32>
      %shift_left3A_101 = arith.constant 16 : i32
      %shift_left3A_102 = vector.broadcast %shift_left3A_101 : i32 to vector<16xi32>
      %shift_left3A_103 = arith.shli %get3A_100, %shift_left3A_102 : vector<16xi32>
      %bitcast_convert_type3A_104 = tpu.bitcast %shift_left3A_103 : vector<16xi32> -> vector<16xf32>
      %and3A_105 = arith.constant -65536 : i32
      %and3A_106 = vector.broadcast %and3A_105 : i32 to vector<16xi32>
      %and3A_107 = arith.andi %get3A_100, %and3A_106 : vector<16xi32>
      %bitcast_convert_type3A_108 = tpu.bitcast %and3A_107 : vector<16xi32> -> vector<16xf32>
      %swap3A_109 = arith.index_cast %scan3A_78 : i32 to index
      %swap3A_110 = arith.constant 32 : index
      %swap3A_111 = tpu.vector_load %arg15[%swap3A_109, %swap3A_110] {strides = array<i32>} : memref<128x128xf32, #tpu.memory_space<vmem>>, vector<1x16xf32>,
      %swap3A_112 = vector.shape_cast %swap3A_111 : vector<1x16xf32> to vector<16xf32>
      %swap3A_113 = vector.shape_cast %bitcast_convert_type3A_104 : vector<16xf32> to vector<1x16xf32>
      tpu.vector_store %arg15[%swap3A_109, %swap3A_110], %swap3A_113 {strides = array<i32>} : memref<128x128xf32, #tpu.memory_space<vmem>>, vector<1x16xf32>,
      %swap3A_114 = arith.index_cast %scan3A_78 : i32 to index
      %swap3A_115 = arith.constant 48 : index
      %swap3A_116 = tpu.vector_load %arg15[%swap3A_114, %swap3A_115] {strides = array<i32>} : memref<128x128xf32, #tpu.memory_space<vmem>>, vector<1x16xf32>,
      %swap3A_117 = vector.shape_cast %swap3A_116 : vector<1x16xf32> to vector<16xf32>
      %swap3A_118 = vector.shape_cast %bitcast_convert_type3A_108 : vector<16xf32> to vector<1x16xf32>
      tpu.vector_store %arg15[%swap3A_114, %swap3A_115], %swap3A_118 {strides = array<i32>} : memref<128x128xf32, #tpu.memory_space<vmem>>, vector<1x16xf32>,
      %get3A_119 = arith.index_cast %scan3A_78 : i32 to index
      %get3A_120 = arith.constant 32 : index
      %get3A_121 = tpu.vector_load %arg13[%get3A_119, %get3A_120] {strides = array<i32>} : memref<128x64xi32, #tpu.memory_space<vmem>>, vector<1x16xi32>,
      %get3A_122 = vector.shape_cast %get3A_121 : vector<1x16xi32> to vector<16xi32>
      %shift_left3A_123 = arith.constant 16 : i32
      %shift_left3A_124 = vector.broadcast %shift_left3A_123 : i32 to vector<16xi32>
      %shift_left3A_125 = arith.shli %get3A_122, %shift_left3A_124 : vector<16xi32>
      %bitcast_convert_type3A_126 = tpu.bitcast %shift_left3A_125 : vector<16xi32> -> vector<16xf32>
      %and3A_127 = arith.constant -65536 : i32
      %and3A_128 = vector.broadcast %and3A_127 : i32 to vector<16xi32>
      %and3A_129 = arith.andi %get3A_122, %and3A_128 : vector<16xi32>
      %bitcast_convert_type3A_130 = tpu.bitcast %and3A_129 : vector<16xi32> -> vector<16xf32>
      %swap3A_131 = arith.index_cast %scan3A_78 : i32 to index
      %swap3A_132 = arith.constant 64 : index
      %swap3A_133 = tpu.vector_load %arg15[%swap3A_131, %swap3A_132] {strides = array<i32>} : memref<128x128xf32, #tpu.memory_space<vmem>>, vector<1x16xf32>,
      %swap3A_134 = vector.shape_cast %swap3A_133 : vector<1x16xf32> to vector<16xf32>
      %swap3A_135 = vector.shape_cast %bitcast_convert_type3A_126 : vector<16xf32> to vector<1x16xf32>
      tpu.vector_store %arg15[%swap3A_131, %swap3A_132], %swap3A_135 {strides = array<i32>} : memref<128x128xf32, #tpu.memory_space<vmem>>, vector<1x16xf32>,
      %swap3A_136 = arith.index_cast %scan3A_78 : i32 to index
      %swap3A_137 = arith.constant 80 : index
      %swap3A_138 = tpu.vector_load %arg15[%swap3A_136, %swap3A_137] {strides = array<i32>} : memref<128x128xf32, #tpu.memory_space<vmem>>, vector<1x16xf32>,
      %swap3A_139 = vector.shape_cast %swap3A_138 : vector<1x16xf32> to vector<16xf32>
      %swap3A_140 = vector.shape_cast %bitcast_convert_type3A_130 : vector<16xf32> to vector<1x16xf32>
      tpu.vector_store %arg15[%swap3A_136, %swap3A_137], %swap3A_140 {strides = array<i32>} : memref<128x128xf32, #tpu.memory_space<vmem>>, vector<1x16xf32>,
      %get3A_141 = arith.index_cast %scan3A_78 : i32 to index
      %get3A_142 = arith.constant 48 : index
      %get3A_143 = tpu.vector_load %arg13[%get3A_141, %get3A_142] {strides = array<i32>} : memref<128x64xi32, #tpu.memory_space<vmem>>, vector<1x16xi32>,
      %get3A_144 = vector.shape_cast %get3A_143 : vector<1x16xi32> to vector<16xi32>
      %shift_left3A_145 = arith.constant 16 : i32
      %shift_left3A_146 = vector.broadcast %shift_left3A_145 : i32 to vector<16xi32>
      %shift_left3A_147 = arith.shli %get3A_144, %shift_left3A_146 : vector<16xi32>
      %bitcast_convert_type3A_148 = tpu.bitcast %shift_left3A_147 : vector<16xi32> -> vector<16xf32>
      %and3A_149 = arith.constant -65536 : i32
      %and3A_150 = vector.broadcast %and3A_149 : i32 to vector<16xi32>
      %and3A_151 = arith.andi %get3A_144, %and3A_150 : vector<16xi32>
      %bitcast_convert_type3A_152 = tpu.bitcast %and3A_151 : vector<16xi32> -> vector<16xf32>
      %swap3A_153 = arith.index_cast %scan3A_78 : i32 to index
      %swap3A_154 = arith.constant 96 : index
      %swap3A_155 = tpu.vector_load %arg15[%swap3A_153, %swap3A_154] {strides = array<i32>} : memref<128x128xf32, #tpu.memory_space<vmem>>, vector<1x16xf32>,
      %swap3A_156 = vector.shape_cast %swap3A_155 : vector<1x16xf32> to vector<16xf32>
      %swap3A_157 = vector.shape_cast %bitcast_convert_type3A_148 : vector<16xf32> to vector<1x16xf32>
      tpu.vector_store %arg15[%swap3A_153, %swap3A_154], %swap3A_157 {strides = array<i32>} : memref<128x128xf32, #tpu.memory_space<vmem>>, vector<1x16xf32>,
      %swap3A_158 = arith.index_cast %scan3A_78 : i32 to index
      %swap3A_159 = arith.constant 112 : index
      %swap3A_160 = tpu.vector_load %arg15[%swap3A_158, %swap3A_159] {strides = array<i32>} : memref<128x128xf32, #tpu.memory_space<vmem>>, vector<1x16xf32>,
      %swap3A_161 = vector.shape_cast %swap3A_160 : vector<1x16xf32> to vector<16xf32>
      %swap3A_162 = vector.shape_cast %bitcast_convert_type3A_152 : vector<16xf32> to vector<1x16xf32>
      tpu.vector_store %arg15[%swap3A_158, %swap3A_159], %swap3A_162 {strides = array<i32>} : memref<128x128xf32, #tpu.memory_space<vmem>>, vector<1x16xf32>,
    }
    %scan3A_36 = arith.constant 128 : i32
    "tpu.region"() ({
      %run_scoped3A = tpu.sem_alloc : memref<!tpu.dma_semaphore, #tpu.memory_space<semaphore_mem>>
      %dma_start3A_78 = arith.constant 0 : i32
      %dma_start3A_79 = arith.constant 0 : i32
      %dma_start3A_80 = tpu.memref_slice %arg8[%dma_start3A_78, %dma_start3A_79] : memref<10008x128xf32, #tpu.memory_space<vmem_shared>> -> memref<10008x128xf32, #tpu.memory_space<vmem_shared>>
      tpu.enqueue_indirect_dma source(%arg15 : memref<128x128xf32, #tpu.memory_space<vmem>>) target(%dma_start3A_80 : memref<10008x128xf32, #tpu.memory_space<vmem_shared>>) offsets(%arg10 : memref<128xi32, #tpu.memory_space<vmem>>) semaphore(%run_scoped3A : memref<!tpu.dma_semaphore, #tpu.memory_space<semaphore_mem>>) {add = true}
      %dma_wait3A_81 = arith.constant 0 : i32
      %dma_wait3A_82 = arith.constant 0 : i32
      %dma_wait3A_83 = tpu.memref_slice %arg8[%dma_wait3A_81, %dma_wait3A_82] : memref<10008x128xf32, #tpu.memory_space<vmem_shared>> -> memref<10008x128xf32, #tpu.memory_space<vmem_shared>>
      tpu.wait_indirect_dma semaphore(%run_scoped3A : memref<!tpu.dma_semaphore, #tpu.memory_space<semaphore_mem>>) src(%arg15 : memref<128x128xf32, #tpu.memory_space<vmem>>) dst(%dma_wait3A_83 : memref<10008x128xf32, #tpu.memory_space<vmem_shared>>)
      tpu.yield
    }) : () -> ()
    %dma_wait3A_37 = arith.constant 0 : i32
    %dma_wait3A_38 = arith.constant 0 : i32
    %dma_wait3A_39 = tpu.memref_slice %arg2[%dma_wait3A_37, %dma_wait3A_38] : memref<10000x64xi32, #tpu.memory_space<hbm>> -> memref<10000x64xi32, #tpu.memory_space<hbm>>
    tpu.wait_indirect_dma semaphore(%arg17 : memref<!tpu.dma_semaphore, #tpu.memory_space<semaphore_mem>>) src(%dma_wait3A_39 : memref<10000x64xi32, #tpu.memory_space<hbm>>) dst(%arg14 : memref<128x64xi32, #tpu.memory_space<vmem>>)
    %scan3A_40 = arith.constant 0 : i32
    %scan3A_41 = arith.constant 0 : i32
    %scan3A_42 = arith.constant 128 : i32
    %scan3A_43 = arith.addi %scan3A_41, %scan3A_42 : i32
    %scan3A_44 = arith.constant 1 : i32
    scf.for %scan3A_78 = %scan3A_41 to %scan3A_43 step %scan3A_44  : i32 {
      %get3A = arith.index_cast %scan3A_78 : i32 to index
      %get3A_79 = arith.constant 0 : index
      %get3A_80 = tpu.vector_load %arg14[%get3A, %get3A_79] {strides = array<i32>} : memref<128x64xi32, #tpu.memory_space<vmem>>, vector<1x16xi32>,
      %get3A_81 = vector.shape_cast %get3A_80 : vector<1x16xi32> to vector<16xi32>
      %shift_left3A = arith.constant 16 : i32
      %shift_left3A_82 = vector.broadcast %shift_left3A : i32 to vector<16xi32>
      %shift_left3A_83 = arith.shli %get3A_81, %shift_left3A_82 : vector<16xi32>
      %bitcast_convert_type3A = tpu.bitcast %shift_left3A_83 : vector<16xi32> -> vector<16xf32>
      %and3A_84 = arith.constant -65536 : i32
      %and3A_85 = vector.broadcast %and3A_84 : i32 to vector<16xi32>
      %and3A_86 = arith.andi %get3A_81, %and3A_85 : vector<16xi32>
      %bitcast_convert_type3A_87 = tpu.bitcast %and3A_86 : vector<16xi32> -> vector<16xf32>
      %swap3A = arith.index_cast %scan3A_78 : i32 to index
      %swap3A_88 = arith.constant 0 : index
      %swap3A_89 = tpu.vector_load %arg15[%swap3A, %swap3A_88] {strides = array<i32>} : memref<128x128xf32, #tpu.memory_space<vmem>>, vector<1x16xf32>,
      %swap3A_90 = vector.shape_cast %swap3A_89 : vector<1x16xf32> to vector<16xf32>
      %swap3A_91 = vector.shape_cast %bitcast_convert_type3A : vector<16xf32> to vector<1x16xf32>
      tpu.vector_store %arg15[%swap3A, %swap3A_88], %swap3A_91 {strides = array<i32>} : memref<128x128xf32, #tpu.memory_space<vmem>>, vector<1x16xf32>,
      %swap3A_92 = arith.index_cast %scan3A_78 : i32 to index
      %swap3A_93 = arith.constant 16 : index
      %swap3A_94 = tpu.vector_load %arg15[%swap3A_92, %swap3A_93] {strides = array<i32>} : memref<128x128xf32, #tpu.memory_space<vmem>>, vector<1x16xf32>,
      %swap3A_95 = vector.shape_cast %swap3A_94 : vector<1x16xf32> to vector<16xf32>
      %swap3A_96 = vector.shape_cast %bitcast_convert_type3A_87 : vector<16xf32> to vector<1x16xf32>
      tpu.vector_store %arg15[%swap3A_92, %swap3A_93], %swap3A_96 {strides = array<i32>} : memref<128x128xf32, #tpu.memory_space<vmem>>, vector<1x16xf32>,
      %get3A_97 = arith.index_cast %scan3A_78 : i32 to index
      %get3A_98 = arith.constant 16 : index
      %get3A_99 = tpu.vector_load %arg14[%get3A_97, %get3A_98] {strides = array<i32>} : memref<128x64xi32, #tpu.memory_space<vmem>>, vector<1x16xi32>,
      %get3A_100 = vector.shape_cast %get3A_99 : vector<1x16xi32> to vector<16xi32>
      %shift_left3A_101 = arith.constant 16 : i32
      %shift_left3A_102 = vector.broadcast %shift_left3A_101 : i32 to vector<16xi32>
      %shift_left3A_103 = arith.shli %get3A_100, %shift_left3A_102 : vector<16xi32>
      %bitcast_convert_type3A_104 = tpu.bitcast %shift_left3A_103 : vector<16xi32> -> vector<16xf32>
      %and3A_105 = arith.constant -65536 : i32
      %and3A_106 = vector.broadcast %and3A_105 : i32 to vector<16xi32>
      %and3A_107 = arith.andi %get3A_100, %and3A_106 : vector<16xi32>
      %bitcast_convert_type3A_108 = tpu.bitcast %and3A_107 : vector<16xi32> -> vector<16xf32>
      %swap3A_109 = arith.index_cast %scan3A_78 : i32 to index
      %swap3A_110 = arith.constant 32 : index
      %swap3A_111 = tpu.vector_load %arg15[%swap3A_109, %swap3A_110] {strides = array<i32>} : memref<128x128xf32, #tpu.memory_space<vmem>>, vector<1x16xf32>,
      %swap3A_112 = vector.shape_cast %swap3A_111 : vector<1x16xf32> to vector<16xf32>
      %swap3A_113 = vector.shape_cast %bitcast_convert_type3A_104 : vector<16xf32> to vector<1x16xf32>
      tpu.vector_store %arg15[%swap3A_109, %swap3A_110], %swap3A_113 {strides = array<i32>} : memref<128x128xf32, #tpu.memory_space<vmem>>, vector<1x16xf32>,
      %swap3A_114 = arith.index_cast %scan3A_78 : i32 to index
      %swap3A_115 = arith.constant 48 : index
      %swap3A_116 = tpu.vector_load %arg15[%swap3A_114, %swap3A_115] {strides = array<i32>} : memref<128x128xf32, #tpu.memory_space<vmem>>, vector<1x16xf32>,
      %swap3A_117 = vector.shape_cast %swap3A_116 : vector<1x16xf32> to vector<16xf32>
      %swap3A_118 = vector.shape_cast %bitcast_convert_type3A_108 : vector<16xf32> to vector<1x16xf32>
      tpu.vector_store %arg15[%swap3A_114, %swap3A_115], %swap3A_118 {strides = array<i32>} : memref<128x128xf32, #tpu.memory_space<vmem>>, vector<1x16xf32>,
      %get3A_119 = arith.index_cast %scan3A_78 : i32 to index
      %get3A_120 = arith.constant 32 : index
      %get3A_121 = tpu.vector_load %arg14[%get3A_119, %get3A_120] {strides = array<i32>} : memref<128x64xi32, #tpu.memory_space<vmem>>, vector<1x16xi32>,
      %get3A_122 = vector.shape_cast %get3A_121 : vector<1x16xi32> to vector<16xi32>
      %shift_left3A_123 = arith.constant 16 : i32
      %shift_left3A_124 = vector.broadcast %shift_left3A_123 : i32 to vector<16xi32>
      %shift_left3A_125 = arith.shli %get3A_122, %shift_left3A_124 : vector<16xi32>
      %bitcast_convert_type3A_126 = tpu.bitcast %shift_left3A_125 : vector<16xi32> -> vector<16xf32>
      %and3A_127 = arith.constant -65536 : i32
      %and3A_128 = vector.broadcast %and3A_127 : i32 to vector<16xi32>
      %and3A_129 = arith.andi %get3A_122, %and3A_128 : vector<16xi32>
      %bitcast_convert_type3A_130 = tpu.bitcast %and3A_129 : vector<16xi32> -> vector<16xf32>
      %swap3A_131 = arith.index_cast %scan3A_78 : i32 to index
      %swap3A_132 = arith.constant 64 : index
      %swap3A_133 = tpu.vector_load %arg15[%swap3A_131, %swap3A_132] {strides = array<i32>} : memref<128x128xf32, #tpu.memory_space<vmem>>, vector<1x16xf32>,
      %swap3A_134 = vector.shape_cast %swap3A_133 : vector<1x16xf32> to vector<16xf32>
      %swap3A_135 = vector.shape_cast %bitcast_convert_type3A_126 : vector<16xf32> to vector<1x16xf32>
      tpu.vector_store %arg15[%swap3A_131, %swap3A_132], %swap3A_135 {strides = array<i32>} : memref<128x128xf32, #tpu.memory_space<vmem>>, vector<1x16xf32>,
      %swap3A_136 = arith.index_cast %scan3A_78 : i32 to index
      %swap3A_137 = arith.constant 80 : index
      %swap3A_138 = tpu.vector_load %arg15[%swap3A_136, %swap3A_137] {strides = array<i32>} : memref<128x128xf32, #tpu.memory_space<vmem>>, vector<1x16xf32>,
      %swap3A_139 = vector.shape_cast %swap3A_138 : vector<1x16xf32> to vector<16xf32>
      %swap3A_140 = vector.shape_cast %bitcast_convert_type3A_130 : vector<16xf32> to vector<1x16xf32>
      tpu.vector_store %arg15[%swap3A_136, %swap3A_137], %swap3A_140 {strides = array<i32>} : memref<128x128xf32, #tpu.memory_space<vmem>>, vector<1x16xf32>,
      %get3A_141 = arith.index_cast %scan3A_78 : i32 to index
      %get3A_142 = arith.constant 48 : index
      %get3A_143 = tpu.vector_load %arg14[%get3A_141, %get3A_142] {strides = array<i32>} : memref<128x64xi32, #tpu.memory_space<vmem>>, vector<1x16xi32>,
      %get3A_144 = vector.shape_cast %get3A_143 : vector<1x16xi32> to vector<16xi32>
      %shift_left3A_145 = arith.constant 16 : i32
      %shift_left3A_146 = vector.broadcast %shift_left3A_145 : i32 to vector<16xi32>
      %shift_left3A_147 = arith.shli %get3A_144, %shift_left3A_146 : vector<16xi32>
      %bitcast_convert_type3A_148 = tpu.bitcast %shift_left3A_147 : vector<16xi32> -> vector<16xf32>
      %and3A_149 = arith.constant -65536 : i32
      %and3A_150 = vector.broadcast %and3A_149 : i32 to vector<16xi32>
      %and3A_151 = arith.andi %get3A_144, %and3A_150 : vector<16xi32>
      %bitcast_convert_type3A_152 = tpu.bitcast %and3A_151 : vector<16xi32> -> vector<16xf32>
      %swap3A_153 = arith.index_cast %scan3A_78 : i32 to index
      %swap3A_154 = arith.constant 96 : index
      %swap3A_155 = tpu.vector_load %arg15[%swap3A_153, %swap3A_154] {strides = array<i32>} : memref<128x128xf32, #tpu.memory_space<vmem>>, vector<1x16xf32>,
      %swap3A_156 = vector.shape_cast %swap3A_155 : vector<1x16xf32> to vector<16xf32>
      %swap3A_157 = vector.shape_cast %bitcast_convert_type3A_148 : vector<16xf32> to vector<1x16xf32>
      tpu.vector_store %arg15[%swap3A_153, %swap3A_154], %swap3A_157 {strides = array<i32>} : memref<128x128xf32, #tpu.memory_space<vmem>>, vector<1x16xf32>,
      %swap3A_158 = arith.index_cast %scan3A_78 : i32 to index
      %swap3A_159 = arith.constant 112 : index
      %swap3A_160 = tpu.vector_load %arg15[%swap3A_158, %swap3A_159] {strides = array<i32>} : memref<128x128xf32, #tpu.memory_space<vmem>>, vector<1x16xf32>,
      %swap3A_161 = vector.shape_cast %swap3A_160 : vector<1x16xf32> to vector<16xf32>
      %swap3A_162 = vector.shape_cast %bitcast_convert_type3A_152 : vector<16xf32> to vector<1x16xf32>
      tpu.vector_store %arg15[%swap3A_158, %swap3A_159], %swap3A_162 {strides = array<i32>} : memref<128x128xf32, #tpu.memory_space<vmem>>, vector<1x16xf32>,
    }
    %scan3A_45 = arith.constant 128 : i32
    "tpu.region"() ({
      %run_scoped3A = tpu.sem_alloc : memref<!tpu.dma_semaphore, #tpu.memory_space<semaphore_mem>>
      %dma_start3A_78 = arith.constant 0 : i32
      %dma_start3A_79 = arith.constant 0 : i32
      %dma_start3A_80 = tpu.memref_slice %arg8[%dma_start3A_78, %dma_start3A_79] : memref<10008x128xf32, #tpu.memory_space<vmem_shared>> -> memref<10008x128xf32, #tpu.memory_space<vmem_shared>>
      tpu.enqueue_indirect_dma source(%arg15 : memref<128x128xf32, #tpu.memory_space<vmem>>) target(%dma_start3A_80 : memref<10008x128xf32, #tpu.memory_space<vmem_shared>>) offsets(%arg12 : memref<128xi32, #tpu.memory_space<vmem>>) semaphore(%run_scoped3A : memref<!tpu.dma_semaphore, #tpu.memory_space<semaphore_mem>>) {add = true}
      %dma_wait3A_81 = arith.constant 0 : i32
      %dma_wait3A_82 = arith.constant 0 : i32
      %dma_wait3A_83 = tpu.memref_slice %arg8[%dma_wait3A_81, %dma_wait3A_82] : memref<10008x128xf32, #tpu.memory_space<vmem_shared>> -> memref<10008x128xf32, #tpu.memory_space<vmem_shared>>
      tpu.wait_indirect_dma semaphore(%run_scoped3A : memref<!tpu.dma_semaphore, #tpu.memory_space<semaphore_mem>>) src(%arg15 : memref<128x128xf32, #tpu.memory_space<vmem>>) dst(%dma_wait3A_83 : memref<10008x128xf32, #tpu.memory_space<vmem_shared>>)
      tpu.yield
    }) : () -> ()
    %barrier3A_46 = arith.constant 0 : index
    tpu.barrier barrier_id(%barrier3A_46)
    %eq3A_47 = arith.constant 0 : i32
    %eq3A_48 = arith.cmpi eq, %arg0, %eq3A_47 : i32
    %lt3A_49 = arith.constant 15 : i32
    %lt3A_50 = arith.cmpi slt, %arg1, %lt3A_49 : i32
    %and3A = arith.andi %eq3A_48, %lt3A_50 : i1
    %convert_element_type3A_51 = arith.extui %and3A : i1 to i32
    %cond3A_52 = arith.constant 0 : i32
    %cond3A_53 = arith.cmpi ne, %convert_element_type3A_51, %cond3A_52 : i32
    scf.if %cond3A_53 {
      %mul3A_78 = arith.constant 632 : i32
      %mul3A_79 = arith.muli %arg1, %mul3A_78 : i32
      %mul3A_80 = arith.constant 632 : i32
      %mul3A_81 = arith.muli %arg1, %mul3A_80 : i32
      "tpu.region"() ({
        %run_scoped3A = tpu.sem_alloc : memref<!tpu.dma_semaphore, #tpu.memory_space<semaphore_mem>>
        %dma_start3A_82 = arith.constant 0 : i32
        %dma_start3A_83 = tpu.memref_slice %arg6[%mul3A_81, %dma_start3A_82] : memref<10000x128xf32, #tpu.memory_space<hbm>> -> memref<632x128xf32, #tpu.memory_space<hbm>>
        %dma_start3A_84 = arith.constant 0 : i32
        %dma_start3A_85 = tpu.memref_slice %arg8[%mul3A_79, %dma_start3A_84] : memref<10008x128xf32, #tpu.memory_space<vmem_shared>> -> memref<632x128xf32, #tpu.memory_space<vmem_shared>>
        tpu.enqueue_dma source(%dma_start3A_85 : memref<632x128xf32, #tpu.memory_space<vmem_shared>>) target(%dma_start3A_83 : memref<632x128xf32, #tpu.memory_space<hbm>>) target_semaphore(%run_scoped3A : memref<!tpu.dma_semaphore, #tpu.memory_space<semaphore_mem>>)
        %dma_wait3A_86 = arith.constant 0 : i32
        %dma_wait3A_87 = tpu.memref_slice %arg6[%mul3A_81, %dma_wait3A_86] : memref<10000x128xf32, #tpu.memory_space<hbm>> -> memref<632x128xf32, #tpu.memory_space<hbm>>
        %dma_wait3A_88 = arith.constant 0 : i32
        %dma_wait3A_89 = tpu.memref_slice %arg8[%mul3A_79, %dma_wait3A_88] : memref<10008x128xf32, #tpu.memory_space<vmem_shared>> -> memref<632x128xf32, #tpu.memory_space<vmem_shared>>
        tpu.wait_dma2 semaphore(%run_scoped3A : memref<!tpu.dma_semaphore, #tpu.memory_space<semaphore_mem>>) src(%dma_wait3A_89 : memref<632x128xf32, #tpu.memory_space<vmem_shared>>) dst(%dma_wait3A_87 : memref<632x128xf32, #tpu.memory_space<hbm>>)
        tpu.yield
      }) : () -> ()
    } else {
    }
    %eq3A_54 = arith.constant 0 : i32
    %eq3A_55 = arith.cmpi eq, %arg0, %eq3A_54 : i32
    %eq3A_56 = arith.constant 15 : i32
    %eq3A_57 = arith.cmpi eq, %arg1, %eq3A_56 : i32
    %and3A_58 = arith.andi %eq3A_55, %eq3A_57 : i1
    %convert_element_type3A_59 = arith.extui %and3A_58 : i1 to i32
    %cond3A_60 = arith.constant 0 : i32
    %cond3A_61 = arith.cmpi ne, %convert_element_type3A_59, %cond3A_60 : i32
    scf.if %cond3A_61 {
      "tpu.region"() ({
        %run_scoped3A = tpu.sem_alloc : memref<!tpu.dma_semaphore, #tpu.memory_space<semaphore_mem>>
        %dma_start3A_78 = arith.constant 9480 : i32
        %dma_start3A_79 = arith.constant 0 : i32
        %dma_start3A_80 = tpu.memref_slice %arg6[%dma_start3A_78, %dma_start3A_79] : memref<10000x128xf32, #tpu.memory_space<hbm>> -> memref<520x128xf32, #tpu.memory_space<hbm>>
        %dma_start3A_81 = arith.constant 9480 : i32
        %dma_start3A_82 = arith.constant 0 : i32
        %dma_start3A_83 = tpu.memref_slice %arg8[%dma_start3A_81, %dma_start3A_82] : memref<10008x128xf32, #tpu.memory_space<vmem_shared>> -> memref<520x128xf32, #tpu.memory_space<vmem_shared>>
        tpu.enqueue_dma source(%dma_start3A_83 : memref<520x128xf32, #tpu.memory_space<vmem_shared>>) target(%dma_start3A_80 : memref<520x128xf32, #tpu.memory_space<hbm>>) target_semaphore(%run_scoped3A : memref<!tpu.dma_semaphore, #tpu.memory_space<semaphore_mem>>)
        %dma_wait3A_84 = arith.constant 9480 : i32
        %dma_wait3A_85 = arith.constant 0 : i32
        %dma_wait3A_86 = tpu.memref_slice %arg6[%dma_wait3A_84, %dma_wait3A_85] : memref<10000x128xf32, #tpu.memory_space<hbm>> -> memref<520x128xf32, #tpu.memory_space<hbm>>
        %dma_wait3A_87 = arith.constant 9480 : i32
        %dma_wait3A_88 = arith.constant 0 : i32
        %dma_wait3A_89 = tpu.memref_slice %arg8[%dma_wait3A_87, %dma_wait3A_88] : memref<10008x128xf32, #tpu.memory_space<vmem_shared>> -> memref<520x128xf32, #tpu.memory_space<vmem_shared>>
        tpu.wait_dma2 semaphore(%run_scoped3A : memref<!tpu.dma_semaphore, #tpu.memory_space<semaphore_mem>>) src(%dma_wait3A_89 : memref<520x128xf32, #tpu.memory_space<vmem_shared>>) dst(%dma_wait3A_86 : memref<520x128xf32, #tpu.memory_space<hbm>>)
        tpu.yield
      }) : () -> ()
    } else {
    }
    %eq3A_62 = arith.constant 1 : i32
    %eq3A_63 = arith.cmpi eq, %arg0, %eq3A_62 : i32
    %lt3A_64 = arith.constant 15 : i32
    %lt3A_65 = arith.cmpi slt, %arg1, %lt3A_64 : i32
    %and3A_66 = arith.andi %eq3A_63, %lt3A_65 : i1
    %convert_element_type3A_67 = arith.extui %and3A_66 : i1 to i32
    %cond3A_68 = arith.constant 0 : i32
    %cond3A_69 = arith.cmpi ne, %convert_element_type3A_67, %cond3A_68 : i32
    scf.if %cond3A_69 {
      %mul3A_78 = arith.constant 632 : i32
      %mul3A_79 = arith.muli %arg1, %mul3A_78 : i32
      %mul3A_80 = arith.constant 632 : i32
      %mul3A_81 = arith.muli %arg1, %mul3A_80 : i32
      "tpu.region"() ({
        %run_scoped3A = tpu.sem_alloc : memref<!tpu.dma_semaphore, #tpu.memory_space<semaphore_mem>>
        %dma_start3A_82 = arith.constant 0 : i32
        %dma_start3A_83 = tpu.memref_slice %arg7[%mul3A_81, %dma_start3A_82] : memref<10000x128xf32, #tpu.memory_space<hbm>> -> memref<632x128xf32, #tpu.memory_space<hbm>>
        %dma_start3A_84 = arith.constant 0 : i32
        %dma_start3A_85 = tpu.memref_slice %arg8[%mul3A_79, %dma_start3A_84] : memref<10008x128xf32, #tpu.memory_space<vmem_shared>> -> memref<632x128xf32, #tpu.memory_space<vmem_shared>>
        tpu.enqueue_dma source(%dma_start3A_85 : memref<632x128xf32, #tpu.memory_space<vmem_shared>>) target(%dma_start3A_83 : memref<632x128xf32, #tpu.memory_space<hbm>>) target_semaphore(%run_scoped3A : memref<!tpu.dma_semaphore, #tpu.memory_space<semaphore_mem>>)
        %dma_wait3A_86 = arith.constant 0 : i32
        %dma_wait3A_87 = tpu.memref_slice %arg7[%mul3A_81, %dma_wait3A_86] : memref<10000x128xf32, #tpu.memory_space<hbm>> -> memref<632x128xf32, #tpu.memory_space<hbm>>
        %dma_wait3A_88 = arith.constant 0 : i32
        %dma_wait3A_89 = tpu.memref_slice %arg8[%mul3A_79, %dma_wait3A_88] : memref<10008x128xf32, #tpu.memory_space<vmem_shared>> -> memref<632x128xf32, #tpu.memory_space<vmem_shared>>
        tpu.wait_dma2 semaphore(%run_scoped3A : memref<!tpu.dma_semaphore, #tpu.memory_space<semaphore_mem>>) src(%dma_wait3A_89 : memref<632x128xf32, #tpu.memory_space<vmem_shared>>) dst(%dma_wait3A_87 : memref<632x128xf32, #tpu.memory_space<hbm>>)
        tpu.yield
      }) : () -> ()
    } else {
    }
    %eq3A_70 = arith.constant 1 : i32
    %eq3A_71 = arith.cmpi eq, %arg0, %eq3A_70 : i32
    %eq3A_72 = arith.constant 15 : i32
    %eq3A_73 = arith.cmpi eq, %arg1, %eq3A_72 : i32
    %and3A_74 = arith.andi %eq3A_71, %eq3A_73 : i1
    %convert_element_type3A_75 = arith.extui %and3A_74 : i1 to i32
    %cond3A_76 = arith.constant 0 : i32
    %cond3A_77 = arith.cmpi ne, %convert_element_type3A_75, %cond3A_76 : i32
    scf.if %cond3A_77 {
      "tpu.region"() ({
        %run_scoped3A = tpu.sem_alloc : memref<!tpu.dma_semaphore, #tpu.memory_space<semaphore_mem>>
        %dma_start3A_78 = arith.constant 9480 : i32
        %dma_start3A_79 = arith.constant 0 : i32
        %dma_start3A_80 = tpu.memref_slice %arg7[%dma_start3A_78, %dma_start3A_79] : memref<10000x128xf32, #tpu.memory_space<hbm>> -> memref<520x128xf32, #tpu.memory_space<hbm>>
        %dma_start3A_81 = arith.constant 9480 : i32
        %dma_start3A_82 = arith.constant 0 : i32
        %dma_start3A_83 = tpu.memref_slice %arg8[%dma_start3A_81, %dma_start3A_82] : memref<10008x128xf32, #tpu.memory_space<vmem_shared>> -> memref<520x128xf32, #tpu.memory_space<vmem_shared>>
        tpu.enqueue_dma source(%dma_start3A_83 : memref<520x128xf32, #tpu.memory_space<vmem_shared>>) target(%dma_start3A_80 : memref<520x128xf32, #tpu.memory_space<hbm>>) target_semaphore(%run_scoped3A : memref<!tpu.dma_semaphore, #tpu.memory_space<semaphore_mem>>)
        %dma_wait3A_84 = arith.constant 9480 : i32
        %dma_wait3A_85 = arith.constant 0 : i32
        %dma_wait3A_86 = tpu.memref_slice %arg7[%dma_wait3A_84, %dma_wait3A_85] : memref<10000x128xf32, #tpu.memory_space<hbm>> -> memref<520x128xf32, #tpu.memory_space<hbm>>
        %dma_wait3A_87 = arith.constant 9480 : i32
        %dma_wait3A_88 = arith.constant 0 : i32
        %dma_wait3A_89 = tpu.memref_slice %arg8[%dma_wait3A_87, %dma_wait3A_88] : memref<10008x128xf32, #tpu.memory_space<vmem_shared>> -> memref<520x128xf32, #tpu.memory_space<vmem_shared>>
        tpu.wait_dma2 semaphore(%run_scoped3A : memref<!tpu.dma_semaphore, #tpu.memory_space<semaphore_mem>>) src(%dma_wait3A_89 : memref<520x128xf32, #tpu.memory_space<vmem_shared>>) dst(%dma_wait3A_86 : memref<520x128xf32, #tpu.memory_space<hbm>>)
        tpu.yield
      }) : () -> ()
    } else {
    }
    return
  }
}

#map = affine_map<(d0, d1) -> (0, 0)>
#map1 = affine_map<(d0, d1) -> (0)>
module attributes {stable_mosaic.version = 14 : i64} {
  func.func @_sc_agg_body(%arg0: i32, %arg1: i32, %arg2: memref<10000x64xi32, #tpu.memory_space<hbm>>, %arg3: memref<10000x128xf32, #tpu.memory_space<hbm>>, %arg4: memref<327680xi32, #tpu.memory_space<hbm>>, %arg5: memref<327680xi32, #tpu.memory_space<hbm>>, %arg6: memref<10000x128xf32, #tpu.memory_space<hbm>>, %arg7: memref<10000x128xf32, #tpu.memory_space<hbm>>, %arg8: memref<10008x128xf32, #tpu.memory_space<vmem_shared>>, %arg9: memref<128xi32, #tpu.memory_space<vmem>>, %arg10: memref<128xi32, #tpu.memory_space<vmem>>, %arg11: memref<128xi32, #tpu.memory_space<vmem>>, %arg12: memref<128xi32, #tpu.memory_space<vmem>>, %arg13: memref<128x64xi32, #tpu.memory_space<vmem>>, %arg14: memref<128x64xi32, #tpu.memory_space<vmem>>, %arg15: memref<128x128xf32, #tpu.memory_space<vmem>>, %arg16: memref<!tpu.dma_semaphore, #tpu.memory_space<semaphore_mem>>, %arg17: memref<!tpu.dma_semaphore, #tpu.memory_space<semaphore_mem>>) attributes {dimension_semantics = [#tpu.dimension_semantics<core_parallel>, #tpu.dimension_semantics<subcore_parallel>], iteration_bounds = array<i64: 2, 16>, scalar_prefetch = 0 : i64, scratch_operands = 10 : i64, tpu.core_type = #tpu.core_type<sc_vector_subcore>, window_params = [{transform_indices = #map}, {transform_indices = #map}, {transform_indices = #map1}, {transform_indices = #map1}, {transform_indices = #map}, {transform_indices = #map}]} {
    %lt3A = arith.constant 15 : i32
    %lt3A_0 = arith.cmpi slt, %arg1, %lt3A : i32
    %convert_element_type3A = arith.extui %lt3A_0 : i1 to i32
    %cond3A = arith.constant 0 : i32
    %cond3A_1 = arith.cmpi ne, %convert_element_type3A, %cond3A : i32
    scf.if %cond3A_1 {
      %mul3A_78 = arith.constant 632 : i32
      %mul3A_79 = arith.muli %arg1, %mul3A_78 : i32
      %mul3A_80 = arith.constant 632 : i32
      %mul3A_81 = arith.muli %arg1, %mul3A_80 : i32
      "tpu.region"() ({
        %run_scoped3A = tpu.sem_alloc : memref<!tpu.dma_semaphore, #tpu.memory_space<semaphore_mem>>
        %dma_start3A_82 = arith.constant 0 : i32
        %dma_start3A_83 = tpu.memref_slice %arg8[%mul3A_81, %dma_start3A_82] : memref<10008x128xf32, #tpu.memory_space<vmem_shared>> -> memref<632x128xf32, #tpu.memory_space<vmem_shared>>
        %dma_start3A_84 = arith.constant 0 : i32
        %dma_start3A_85 = tpu.memref_slice %arg3[%mul3A_79, %dma_start3A_84] : memref<10000x128xf32, #tpu.memory_space<hbm>> -> memref<632x128xf32, #tpu.memory_space<hbm>>
        tpu.enqueue_dma source(%dma_start3A_85 : memref<632x128xf32, #tpu.memory_space<hbm>>) target(%dma_start3A_83 : memref<632x128xf32, #tpu.memory_space<vmem_shared>>) target_semaphore(%run_scoped3A : memref<!tpu.dma_semaphore, #tpu.memory_space<semaphore_mem>>)
        %dma_wait3A_86 = arith.constant 0 : i32
        %dma_wait3A_87 = tpu.memref_slice %arg8[%mul3A_81, %dma_wait3A_86] : memref<10008x128xf32, #tpu.memory_space<vmem_shared>> -> memref<632x128xf32, #tpu.memory_space<vmem_shared>>
        %dma_wait3A_88 = arith.constant 0 : i32
        %dma_wait3A_89 = tpu.memref_slice %arg3[%mul3A_79, %dma_wait3A_88] : memref<10000x128xf32, #tpu.memory_space<hbm>> -> memref<632x128xf32, #tpu.memory_space<hbm>>
        tpu.wait_dma2 semaphore(%run_scoped3A : memref<!tpu.dma_semaphore, #tpu.memory_space<semaphore_mem>>) src(%dma_wait3A_89 : memref<632x128xf32, #tpu.memory_space<hbm>>) dst(%dma_wait3A_87 : memref<632x128xf32, #tpu.memory_space<vmem_shared>>)
        tpu.yield
      }) : () -> ()
    } else {
    }
    %eq3A = arith.constant 15 : i32
    %eq3A_2 = arith.cmpi eq, %arg1, %eq3A : i32
    %convert_element_type3A_3 = arith.extui %eq3A_2 : i1 to i32
    %cond3A_4 = arith.constant 0 : i32
    %cond3A_5 = arith.cmpi ne, %convert_element_type3A_3, %cond3A_4 : i32
    scf.if %cond3A_5 {
      "tpu.region"() ({
        %run_scoped3A = tpu.sem_alloc : memref<!tpu.dma_semaphore, #tpu.memory_space<semaphore_mem>>
        %dma_start3A_78 = arith.constant 9480 : i32
        %dma_start3A_79 = arith.constant 0 : i32
        %dma_start3A_80 = tpu.memref_slice %arg8[%dma_start3A_78, %dma_start3A_79] : memref<10008x128xf32, #tpu.memory_space<vmem_shared>> -> memref<520x128xf32, #tpu.memory_space<vmem_shared>>
        %dma_start3A_81 = arith.constant 9480 : i32
        %dma_start3A_82 = arith.constant 0 : i32
        %dma_start3A_83 = tpu.memref_slice %arg3[%dma_start3A_81, %dma_start3A_82] : memref<10000x128xf32, #tpu.memory_space<hbm>> -> memref<520x128xf32, #tpu.memory_space<hbm>>
        tpu.enqueue_dma source(%dma_start3A_83 : memref<520x128xf32, #tpu.memory_space<hbm>>) target(%dma_start3A_80 : memref<520x128xf32, #tpu.memory_space<vmem_shared>>) target_semaphore(%run_scoped3A : memref<!tpu.dma_semaphore, #tpu.memory_space<semaphore_mem>>)
        %dma_wait3A_84 = arith.constant 9480 : i32
        %dma_wait3A_85 = arith.constant 0 : i32
        %dma_wait3A_86 = tpu.memref_slice %arg8[%dma_wait3A_84, %dma_wait3A_85] : memref<10008x128xf32, #tpu.memory_space<vmem_shared>> -> memref<520x128xf32, #tpu.memory_space<vmem_shared>>
        %dma_wait3A_87 = arith.constant 9480 : i32
        %dma_wait3A_88 = arith.constant 0 : i32
        %dma_wait3A_89 = tpu.memref_slice %arg3[%dma_wait3A_87, %dma_wait3A_88] : memref<10000x128xf32, #tpu.memory_space<hbm>> -> memref<520x128xf32, #tpu.memory_space<hbm>>
        tpu.wait_dma2 semaphore(%run_scoped3A : memref<!tpu.dma_semaphore, #tpu.memory_space<semaphore_mem>>) src(%dma_wait3A_89 : memref<520x128xf32, #tpu.memory_space<hbm>>) dst(%dma_wait3A_86 : memref<520x128xf32, #tpu.memory_space<vmem_shared>>)
        tpu.yield
      }) : () -> ()
    } else {
    }
    %barrier3A = arith.constant 0 : index
    tpu.barrier barrier_id(%barrier3A)
    %mul3A = arith.constant 16 : i32
    %mul3A_6 = arith.muli %arg0, %mul3A : i32
    %add3A = arith.addi %mul3A_6, %arg1 : i32
    %mul3A_7 = arith.constant 80 : i32
    %mul3A_8 = arith.muli %add3A, %mul3A_7 : i32
    %add3A_9 = arith.constant 0 : i32
    %add3A_10 = arith.addi %mul3A_8, %add3A_9 : i32
    %mul3A_11 = arith.constant 128 : i32
    %mul3A_12 = arith.muli %add3A_10, %mul3A_11 : i32
    "tpu.region"() ({
      %run_scoped3A = tpu.sem_alloc : memref<!tpu.dma_semaphore, #tpu.memory_space<semaphore_mem>>
      %dma_start3A_78 = tpu.memref_slice %arg4[%mul3A_12] : memref<327680xi32, #tpu.memory_space<hbm>> -> memref<128xi32, #tpu.memory_space<hbm>>
      %dma_start3A_79 = tpu.memref_slice %arg4[%mul3A_12] : memref<327680xi32, #tpu.memory_space<hbm>> -> memref<128xi32, #tpu.memory_space<hbm>>
      tpu.enqueue_dma source(%dma_start3A_79 : memref<128xi32, #tpu.memory_space<hbm>>) target(%arg9 : memref<128xi32, #tpu.memory_space<vmem>>) target_semaphore(%run_scoped3A : memref<!tpu.dma_semaphore, #tpu.memory_space<semaphore_mem>>)
      %dma_wait3A_80 = tpu.memref_slice %arg4[%mul3A_12] : memref<327680xi32, #tpu.memory_space<hbm>> -> memref<128xi32, #tpu.memory_space<hbm>>
      %dma_wait3A_81 = tpu.memref_slice %arg4[%mul3A_12] : memref<327680xi32, #tpu.memory_space<hbm>> -> memref<128xi32, #tpu.memory_space<hbm>>
      tpu.wait_dma2 semaphore(%run_scoped3A : memref<!tpu.dma_semaphore, #tpu.memory_space<semaphore_mem>>) src(%dma_wait3A_81 : memref<128xi32, #tpu.memory_space<hbm>>) dst(%arg9 : memref<128xi32, #tpu.memory_space<vmem>>)
      tpu.yield
    }) : () -> ()
    "tpu.region"() ({
      %run_scoped3A = tpu.sem_alloc : memref<!tpu.dma_semaphore, #tpu.memory_space<semaphore_mem>>
      %dma_start3A_78 = tpu.memref_slice %arg5[%mul3A_12] : memref<327680xi32, #tpu.memory_space<hbm>> -> memref<128xi32, #tpu.memory_space<hbm>>
      %dma_start3A_79 = tpu.memref_slice %arg5[%mul3A_12] : memref<327680xi32, #tpu.memory_space<hbm>> -> memref<128xi32, #tpu.memory_space<hbm>>
      tpu.enqueue_dma source(%dma_start3A_79 : memref<128xi32, #tpu.memory_space<hbm>>) target(%arg10 : memref<128xi32, #tpu.memory_space<vmem>>) target_semaphore(%run_scoped3A : memref<!tpu.dma_semaphore, #tpu.memory_space<semaphore_mem>>)
      %dma_wait3A_80 = tpu.memref_slice %arg5[%mul3A_12] : memref<327680xi32, #tpu.memory_space<hbm>> -> memref<128xi32, #tpu.memory_space<hbm>>
      %dma_wait3A_81 = tpu.memref_slice %arg5[%mul3A_12] : memref<327680xi32, #tpu.memory_space<hbm>> -> memref<128xi32, #tpu.memory_space<hbm>>
      tpu.wait_dma2 semaphore(%run_scoped3A : memref<!tpu.dma_semaphore, #tpu.memory_space<semaphore_mem>>) src(%dma_wait3A_81 : memref<128xi32, #tpu.memory_space<hbm>>) dst(%arg10 : memref<128xi32, #tpu.memory_space<vmem>>)
      tpu.yield
    }) : () -> ()
    %dma_start3A = arith.constant 0 : i32
    %dma_start3A_13 = arith.constant 0 : i32
    %dma_start3A_14 = tpu.memref_slice %arg2[%dma_start3A, %dma_start3A_13] : memref<10000x64xi32, #tpu.memory_space<hbm>> -> memref<10000x64xi32, #tpu.memory_space<hbm>>
    tpu.enqueue_indirect_dma source(%dma_start3A_14 : memref<10000x64xi32, #tpu.memory_space<hbm>>) target(%arg13 : memref<128x64xi32, #tpu.memory_space<vmem>>) offsets(%arg9 : memref<128xi32, #tpu.memory_space<vmem>>) semaphore(%arg16 : memref<!tpu.dma_semaphore, #tpu.memory_space<semaphore_mem>>)
    %scan3A = arith.constant 0 : i32
    %scan3A_15 = arith.constant 0 : i32
    %scan3A_16 = arith.constant 39 : i32
    %scan3A_17 = arith.addi %scan3A_15, %scan3A_16 : i32
    %scan3A_18 = arith.constant 1 : i32
    scf.for %scan3A_78 = %scan3A_15 to %scan3A_17 step %scan3A_18  : i32 {
      %mul3A_79 = arith.constant 2 : i32
      %mul3A_80 = arith.muli %mul3A_79, %scan3A_78 : i32
      %add3A_81 = arith.constant 1 : i32
      %add3A_82 = arith.addi %mul3A_80, %add3A_81 : i32
      %mul3A_83 = arith.constant 80 : i32
      %mul3A_84 = arith.muli %add3A, %mul3A_83 : i32
      %add3A_85 = arith.addi %mul3A_84, %add3A_82 : i32
      %mul3A_86 = arith.constant 128 : i32
      %mul3A_87 = arith.muli %add3A_85, %mul3A_86 : i32
      "tpu.region"() ({
        %run_scoped3A = tpu.sem_alloc : memref<!tpu.dma_semaphore, #tpu.memory_space<semaphore_mem>>
        %dma_start3A_121 = tpu.memref_slice %arg4[%mul3A_87] : memref<327680xi32, #tpu.memory_space<hbm>> -> memref<128xi32, #tpu.memory_space<hbm>>
        %dma_start3A_122 = tpu.memref_slice %arg4[%mul3A_87] : memref<327680xi32, #tpu.memory_space<hbm>> -> memref<128xi32, #tpu.memory_space<hbm>>
        tpu.enqueue_dma source(%dma_start3A_122 : memref<128xi32, #tpu.memory_space<hbm>>) target(%arg11 : memref<128xi32, #tpu.memory_space<vmem>>) target_semaphore(%run_scoped3A : memref<!tpu.dma_semaphore, #tpu.memory_space<semaphore_mem>>)
        %dma_wait3A_123 = tpu.memref_slice %arg4[%mul3A_87] : memref<327680xi32, #tpu.memory_space<hbm>> -> memref<128xi32, #tpu.memory_space<hbm>>
        %dma_wait3A_124 = tpu.memref_slice %arg4[%mul3A_87] : memref<327680xi32, #tpu.memory_space<hbm>> -> memref<128xi32, #tpu.memory_space<hbm>>
        tpu.wait_dma2 semaphore(%run_scoped3A : memref<!tpu.dma_semaphore, #tpu.memory_space<semaphore_mem>>) src(%dma_wait3A_124 : memref<128xi32, #tpu.memory_space<hbm>>) dst(%arg11 : memref<128xi32, #tpu.memory_space<vmem>>)
        tpu.yield
      }) : () -> ()
      "tpu.region"() ({
        %run_scoped3A = tpu.sem_alloc : memref<!tpu.dma_semaphore, #tpu.memory_space<semaphore_mem>>
        %dma_start3A_121 = tpu.memref_slice %arg5[%mul3A_87] : memref<327680xi32, #tpu.memory_space<hbm>> -> memref<128xi32, #tpu.memory_space<hbm>>
        %dma_start3A_122 = tpu.memref_slice %arg5[%mul3A_87] : memref<327680xi32, #tpu.memory_space<hbm>> -> memref<128xi32, #tpu.memory_space<hbm>>
        tpu.enqueue_dma source(%dma_start3A_122 : memref<128xi32, #tpu.memory_space<hbm>>) target(%arg12 : memref<128xi32, #tpu.memory_space<vmem>>) target_semaphore(%run_scoped3A : memref<!tpu.dma_semaphore, #tpu.memory_space<semaphore_mem>>)
        %dma_wait3A_123 = tpu.memref_slice %arg5[%mul3A_87] : memref<327680xi32, #tpu.memory_space<hbm>> -> memref<128xi32, #tpu.memory_space<hbm>>
        %dma_wait3A_124 = tpu.memref_slice %arg5[%mul3A_87] : memref<327680xi32, #tpu.memory_space<hbm>> -> memref<128xi32, #tpu.memory_space<hbm>>
        tpu.wait_dma2 semaphore(%run_scoped3A : memref<!tpu.dma_semaphore, #tpu.memory_space<semaphore_mem>>) src(%dma_wait3A_124 : memref<128xi32, #tpu.memory_space<hbm>>) dst(%arg12 : memref<128xi32, #tpu.memory_space<vmem>>)
        tpu.yield
      }) : () -> ()
      %dma_start3A_88 = arith.constant 0 : i32
      %dma_start3A_89 = arith.constant 0 : i32
      %dma_start3A_90 = tpu.memref_slice %arg2[%dma_start3A_88, %dma_start3A_89] : memref<10000x64xi32, #tpu.memory_space<hbm>> -> memref<10000x64xi32, #tpu.memory_space<hbm>>
      tpu.enqueue_indirect_dma source(%dma_start3A_90 : memref<10000x64xi32, #tpu.memory_space<hbm>>) target(%arg14 : memref<128x64xi32, #tpu.memory_space<vmem>>) offsets(%arg11 : memref<128xi32, #tpu.memory_space<vmem>>) semaphore(%arg17 : memref<!tpu.dma_semaphore, #tpu.memory_space<semaphore_mem>>)
      %dma_wait3A_91 = arith.constant 0 : i32
      %dma_wait3A_92 = arith.constant 0 : i32
      %dma_wait3A_93 = tpu.memref_slice %arg2[%dma_wait3A_91, %dma_wait3A_92] : memref<10000x64xi32, #tpu.memory_space<hbm>> -> memref<10000x64xi32, #tpu.memory_space<hbm>>
      tpu.wait_indirect_dma semaphore(%arg16 : memref<!tpu.dma_semaphore, #tpu.memory_space<semaphore_mem>>) src(%dma_wait3A_93 : memref<10000x64xi32, #tpu.memory_space<hbm>>) dst(%arg13 : memref<128x64xi32, #tpu.memory_space<vmem>>)
      %scan3A_94 = arith.constant 0 : i32
      %scan3A_95 = arith.constant 0 : i32
      %scan3A_96 = arith.constant 128 : i32
      %scan3A_97 = arith.addi %scan3A_95, %scan3A_96 : i32
      %scan3A_98 = arith.constant 1 : i32
      scf.for %scan3A_121 = %scan3A_95 to %scan3A_97 step %scan3A_98  : i32 {
        %get3A = arith.index_cast %scan3A_121 : i32 to index
        %get3A_122 = arith.constant 0 : index
        %get3A_123 = tpu.vector_load %arg13[%get3A, %get3A_122] {strides = array<i32>} : memref<128x64xi32, #tpu.memory_space<vmem>>, vector<1x16xi32>,
        %get3A_124 = vector.shape_cast %get3A_123 : vector<1x16xi32> to vector<16xi32>
        %shift_left3A = arith.constant 16 : i32
        %shift_left3A_125 = vector.broadcast %shift_left3A : i32 to vector<16xi32>
        %shift_left3A_126 = arith.shli %get3A_124, %shift_left3A_125 : vector<16xi32>
        %bitcast_convert_type3A = tpu.bitcast %shift_left3A_126 : vector<16xi32> -> vector<16xf32>
        %and3A_127 = arith.constant -65536 : i32
        %and3A_128 = vector.broadcast %and3A_127 : i32 to vector<16xi32>
        %and3A_129 = arith.andi %get3A_124, %and3A_128 : vector<16xi32>
        %bitcast_convert_type3A_130 = tpu.bitcast %and3A_129 : vector<16xi32> -> vector<16xf32>
        %swap3A = arith.index_cast %scan3A_121 : i32 to index
        %swap3A_131 = arith.constant 0 : index
        %swap3A_132 = tpu.vector_load %arg15[%swap3A, %swap3A_131] {strides = array<i32>} : memref<128x128xf32, #tpu.memory_space<vmem>>, vector<1x16xf32>,
        %swap3A_133 = vector.shape_cast %swap3A_132 : vector<1x16xf32> to vector<16xf32>
        %swap3A_134 = vector.shape_cast %bitcast_convert_type3A : vector<16xf32> to vector<1x16xf32>
        tpu.vector_store %arg15[%swap3A, %swap3A_131], %swap3A_134 {strides = array<i32>} : memref<128x128xf32, #tpu.memory_space<vmem>>, vector<1x16xf32>,
        %swap3A_135 = arith.index_cast %scan3A_121 : i32 to index
        %swap3A_136 = arith.constant 16 : index
        %swap3A_137 = tpu.vector_load %arg15[%swap3A_135, %swap3A_136] {strides = array<i32>} : memref<128x128xf32, #tpu.memory_space<vmem>>, vector<1x16xf32>,
        %swap3A_138 = vector.shape_cast %swap3A_137 : vector<1x16xf32> to vector<16xf32>
        %swap3A_139 = vector.shape_cast %bitcast_convert_type3A_130 : vector<16xf32> to vector<1x16xf32>
        tpu.vector_store %arg15[%swap3A_135, %swap3A_136], %swap3A_139 {strides = array<i32>} : memref<128x128xf32, #tpu.memory_space<vmem>>, vector<1x16xf32>,
        %get3A_140 = arith.index_cast %scan3A_121 : i32 to index
        %get3A_141 = arith.constant 16 : index
        %get3A_142 = tpu.vector_load %arg13[%get3A_140, %get3A_141] {strides = array<i32>} : memref<128x64xi32, #tpu.memory_space<vmem>>, vector<1x16xi32>,
        %get3A_143 = vector.shape_cast %get3A_142 : vector<1x16xi32> to vector<16xi32>
        %shift_left3A_144 = arith.constant 16 : i32
        %shift_left3A_145 = vector.broadcast %shift_left3A_144 : i32 to vector<16xi32>
        %shift_left3A_146 = arith.shli %get3A_143, %shift_left3A_145 : vector<16xi32>
        %bitcast_convert_type3A_147 = tpu.bitcast %shift_left3A_146 : vector<16xi32> -> vector<16xf32>
        %and3A_148 = arith.constant -65536 : i32
        %and3A_149 = vector.broadcast %and3A_148 : i32 to vector<16xi32>
        %and3A_150 = arith.andi %get3A_143, %and3A_149 : vector<16xi32>
        %bitcast_convert_type3A_151 = tpu.bitcast %and3A_150 : vector<16xi32> -> vector<16xf32>
        %swap3A_152 = arith.index_cast %scan3A_121 : i32 to index
        %swap3A_153 = arith.constant 32 : index
        %swap3A_154 = tpu.vector_load %arg15[%swap3A_152, %swap3A_153] {strides = array<i32>} : memref<128x128xf32, #tpu.memory_space<vmem>>, vector<1x16xf32>,
        %swap3A_155 = vector.shape_cast %swap3A_154 : vector<1x16xf32> to vector<16xf32>
        %swap3A_156 = vector.shape_cast %bitcast_convert_type3A_147 : vector<16xf32> to vector<1x16xf32>
        tpu.vector_store %arg15[%swap3A_152, %swap3A_153], %swap3A_156 {strides = array<i32>} : memref<128x128xf32, #tpu.memory_space<vmem>>, vector<1x16xf32>,
        %swap3A_157 = arith.index_cast %scan3A_121 : i32 to index
        %swap3A_158 = arith.constant 48 : index
        %swap3A_159 = tpu.vector_load %arg15[%swap3A_157, %swap3A_158] {strides = array<i32>} : memref<128x128xf32, #tpu.memory_space<vmem>>, vector<1x16xf32>,
        %swap3A_160 = vector.shape_cast %swap3A_159 : vector<1x16xf32> to vector<16xf32>
        %swap3A_161 = vector.shape_cast %bitcast_convert_type3A_151 : vector<16xf32> to vector<1x16xf32>
        tpu.vector_store %arg15[%swap3A_157, %swap3A_158], %swap3A_161 {strides = array<i32>} : memref<128x128xf32, #tpu.memory_space<vmem>>, vector<1x16xf32>,
        %get3A_162 = arith.index_cast %scan3A_121 : i32 to index
        %get3A_163 = arith.constant 32 : index
        %get3A_164 = tpu.vector_load %arg13[%get3A_162, %get3A_163] {strides = array<i32>} : memref<128x64xi32, #tpu.memory_space<vmem>>, vector<1x16xi32>,
        %get3A_165 = vector.shape_cast %get3A_164 : vector<1x16xi32> to vector<16xi32>
        %shift_left3A_166 = arith.constant 16 : i32
        %shift_left3A_167 = vector.broadcast %shift_left3A_166 : i32 to vector<16xi32>
        %shift_left3A_168 = arith.shli %get3A_165, %shift_left3A_167 : vector<16xi32>
        %bitcast_convert_type3A_169 = tpu.bitcast %shift_left3A_168 : vector<16xi32> -> vector<16xf32>
        %and3A_170 = arith.constant -65536 : i32
        %and3A_171 = vector.broadcast %and3A_170 : i32 to vector<16xi32>
        %and3A_172 = arith.andi %get3A_165, %and3A_171 : vector<16xi32>
        %bitcast_convert_type3A_173 = tpu.bitcast %and3A_172 : vector<16xi32> -> vector<16xf32>
        %swap3A_174 = arith.index_cast %scan3A_121 : i32 to index
        %swap3A_175 = arith.constant 64 : index
        %swap3A_176 = tpu.vector_load %arg15[%swap3A_174, %swap3A_175] {strides = array<i32>} : memref<128x128xf32, #tpu.memory_space<vmem>>, vector<1x16xf32>,
        %swap3A_177 = vector.shape_cast %swap3A_176 : vector<1x16xf32> to vector<16xf32>
        %swap3A_178 = vector.shape_cast %bitcast_convert_type3A_169 : vector<16xf32> to vector<1x16xf32>
        tpu.vector_store %arg15[%swap3A_174, %swap3A_175], %swap3A_178 {strides = array<i32>} : memref<128x128xf32, #tpu.memory_space<vmem>>, vector<1x16xf32>,
        %swap3A_179 = arith.index_cast %scan3A_121 : i32 to index
        %swap3A_180 = arith.constant 80 : index
        %swap3A_181 = tpu.vector_load %arg15[%swap3A_179, %swap3A_180] {strides = array<i32>} : memref<128x128xf32, #tpu.memory_space<vmem>>, vector<1x16xf32>,
        %swap3A_182 = vector.shape_cast %swap3A_181 : vector<1x16xf32> to vector<16xf32>
        %swap3A_183 = vector.shape_cast %bitcast_convert_type3A_173 : vector<16xf32> to vector<1x16xf32>
        tpu.vector_store %arg15[%swap3A_179, %swap3A_180], %swap3A_183 {strides = array<i32>} : memref<128x128xf32, #tpu.memory_space<vmem>>, vector<1x16xf32>,
        %get3A_184 = arith.index_cast %scan3A_121 : i32 to index
        %get3A_185 = arith.constant 48 : index
        %get3A_186 = tpu.vector_load %arg13[%get3A_184, %get3A_185] {strides = array<i32>} : memref<128x64xi32, #tpu.memory_space<vmem>>, vector<1x16xi32>,
        %get3A_187 = vector.shape_cast %get3A_186 : vector<1x16xi32> to vector<16xi32>
        %shift_left3A_188 = arith.constant 16 : i32
        %shift_left3A_189 = vector.broadcast %shift_left3A_188 : i32 to vector<16xi32>
        %shift_left3A_190 = arith.shli %get3A_187, %shift_left3A_189 : vector<16xi32>
        %bitcast_convert_type3A_191 = tpu.bitcast %shift_left3A_190 : vector<16xi32> -> vector<16xf32>
        %and3A_192 = arith.constant -65536 : i32
        %and3A_193 = vector.broadcast %and3A_192 : i32 to vector<16xi32>
        %and3A_194 = arith.andi %get3A_187, %and3A_193 : vector<16xi32>
        %bitcast_convert_type3A_195 = tpu.bitcast %and3A_194 : vector<16xi32> -> vector<16xf32>
        %swap3A_196 = arith.index_cast %scan3A_121 : i32 to index
        %swap3A_197 = arith.constant 96 : index
        %swap3A_198 = tpu.vector_load %arg15[%swap3A_196, %swap3A_197] {strides = array<i32>} : memref<128x128xf32, #tpu.memory_space<vmem>>, vector<1x16xf32>,
        %swap3A_199 = vector.shape_cast %swap3A_198 : vector<1x16xf32> to vector<16xf32>
        %swap3A_200 = vector.shape_cast %bitcast_convert_type3A_191 : vector<16xf32> to vector<1x16xf32>
        tpu.vector_store %arg15[%swap3A_196, %swap3A_197], %swap3A_200 {strides = array<i32>} : memref<128x128xf32, #tpu.memory_space<vmem>>, vector<1x16xf32>,
        %swap3A_201 = arith.index_cast %scan3A_121 : i32 to index
        %swap3A_202 = arith.constant 112 : index
        %swap3A_203 = tpu.vector_load %arg15[%swap3A_201, %swap3A_202] {strides = array<i32>} : memref<128x128xf32, #tpu.memory_space<vmem>>, vector<1x16xf32>,
        %swap3A_204 = vector.shape_cast %swap3A_203 : vector<1x16xf32> to vector<16xf32>
        %swap3A_205 = vector.shape_cast %bitcast_convert_type3A_195 : vector<16xf32> to vector<1x16xf32>
        tpu.vector_store %arg15[%swap3A_201, %swap3A_202], %swap3A_205 {strides = array<i32>} : memref<128x128xf32, #tpu.memory_space<vmem>>, vector<1x16xf32>,
      }
      %scan3A_99 = arith.constant 128 : i32
      "tpu.region"() ({
        %run_scoped3A = tpu.sem_alloc : memref<!tpu.dma_semaphore, #tpu.memory_space<semaphore_mem>>
        %dma_start3A_121 = arith.constant 0 : i32
        %dma_start3A_122 = arith.constant 0 : i32
        %dma_start3A_123 = tpu.memref_slice %arg8[%dma_start3A_121, %dma_start3A_122] : memref<10008x128xf32, #tpu.memory_space<vmem_shared>> -> memref<10008x128xf32, #tpu.memory_space<vmem_shared>>
        tpu.enqueue_indirect_dma source(%arg15 : memref<128x128xf32, #tpu.memory_space<vmem>>) target(%dma_start3A_123 : memref<10008x128xf32, #tpu.memory_space<vmem_shared>>) offsets(%arg10 : memref<128xi32, #tpu.memory_space<vmem>>) semaphore(%run_scoped3A : memref<!tpu.dma_semaphore, #tpu.memory_space<semaphore_mem>>) {add = true}
        %dma_wait3A_124 = arith.constant 0 : i32
        %dma_wait3A_125 = arith.constant 0 : i32
        %dma_wait3A_126 = tpu.memref_slice %arg8[%dma_wait3A_124, %dma_wait3A_125] : memref<10008x128xf32, #tpu.memory_space<vmem_shared>> -> memref<10008x128xf32, #tpu.memory_space<vmem_shared>>
        tpu.wait_indirect_dma semaphore(%run_scoped3A : memref<!tpu.dma_semaphore, #tpu.memory_space<semaphore_mem>>) src(%arg15 : memref<128x128xf32, #tpu.memory_space<vmem>>) dst(%dma_wait3A_126 : memref<10008x128xf32, #tpu.memory_space<vmem_shared>>)
        tpu.yield
      }) : () -> ()
      %mul3A_100 = arith.constant 2 : i32
      %mul3A_101 = arith.muli %mul3A_100, %scan3A_78 : i32
      %add3A_102 = arith.constant 2 : i32
      %add3A_103 = arith.addi %mul3A_101, %add3A_102 : i32
      %mul3A_104 = arith.constant 80 : i32
      %mul3A_105 = arith.muli %add3A, %mul3A_104 : i32
      %add3A_106 = arith.addi %mul3A_105, %add3A_103 : i32
      %mul3A_107 = arith.constant 128 : i32
      %mul3A_108 = arith.muli %add3A_106, %mul3A_107 : i32
      "tpu.region"() ({
        %run_scoped3A = tpu.sem_alloc : memref<!tpu.dma_semaphore, #tpu.memory_space<semaphore_mem>>
        %dma_start3A_121 = tpu.memref_slice %arg4[%mul3A_108] : memref<327680xi32, #tpu.memory_space<hbm>> -> memref<128xi32, #tpu.memory_space<hbm>>
        %dma_start3A_122 = tpu.memref_slice %arg4[%mul3A_108] : memref<327680xi32, #tpu.memory_space<hbm>> -> memref<128xi32, #tpu.memory_space<hbm>>
        tpu.enqueue_dma source(%dma_start3A_122 : memref<128xi32, #tpu.memory_space<hbm>>) target(%arg9 : memref<128xi32, #tpu.memory_space<vmem>>) target_semaphore(%run_scoped3A : memref<!tpu.dma_semaphore, #tpu.memory_space<semaphore_mem>>)
        %dma_wait3A_123 = tpu.memref_slice %arg4[%mul3A_108] : memref<327680xi32, #tpu.memory_space<hbm>> -> memref<128xi32, #tpu.memory_space<hbm>>
        %dma_wait3A_124 = tpu.memref_slice %arg4[%mul3A_108] : memref<327680xi32, #tpu.memory_space<hbm>> -> memref<128xi32, #tpu.memory_space<hbm>>
        tpu.wait_dma2 semaphore(%run_scoped3A : memref<!tpu.dma_semaphore, #tpu.memory_space<semaphore_mem>>) src(%dma_wait3A_124 : memref<128xi32, #tpu.memory_space<hbm>>) dst(%arg9 : memref<128xi32, #tpu.memory_space<vmem>>)
        tpu.yield
      }) : () -> ()
      "tpu.region"() ({
        %run_scoped3A = tpu.sem_alloc : memref<!tpu.dma_semaphore, #tpu.memory_space<semaphore_mem>>
        %dma_start3A_121 = tpu.memref_slice %arg5[%mul3A_108] : memref<327680xi32, #tpu.memory_space<hbm>> -> memref<128xi32, #tpu.memory_space<hbm>>
        %dma_start3A_122 = tpu.memref_slice %arg5[%mul3A_108] : memref<327680xi32, #tpu.memory_space<hbm>> -> memref<128xi32, #tpu.memory_space<hbm>>
        tpu.enqueue_dma source(%dma_start3A_122 : memref<128xi32, #tpu.memory_space<hbm>>) target(%arg10 : memref<128xi32, #tpu.memory_space<vmem>>) target_semaphore(%run_scoped3A : memref<!tpu.dma_semaphore, #tpu.memory_space<semaphore_mem>>)
        %dma_wait3A_123 = tpu.memref_slice %arg5[%mul3A_108] : memref<327680xi32, #tpu.memory_space<hbm>> -> memref<128xi32, #tpu.memory_space<hbm>>
        %dma_wait3A_124 = tpu.memref_slice %arg5[%mul3A_108] : memref<327680xi32, #tpu.memory_space<hbm>> -> memref<128xi32, #tpu.memory_space<hbm>>
        tpu.wait_dma2 semaphore(%run_scoped3A : memref<!tpu.dma_semaphore, #tpu.memory_space<semaphore_mem>>) src(%dma_wait3A_124 : memref<128xi32, #tpu.memory_space<hbm>>) dst(%arg10 : memref<128xi32, #tpu.memory_space<vmem>>)
        tpu.yield
      }) : () -> ()
      %dma_start3A_109 = arith.constant 0 : i32
      %dma_start3A_110 = arith.constant 0 : i32
      %dma_start3A_111 = tpu.memref_slice %arg2[%dma_start3A_109, %dma_start3A_110] : memref<10000x64xi32, #tpu.memory_space<hbm>> -> memref<10000x64xi32, #tpu.memory_space<hbm>>
      tpu.enqueue_indirect_dma source(%dma_start3A_111 : memref<10000x64xi32, #tpu.memory_space<hbm>>) target(%arg13 : memref<128x64xi32, #tpu.memory_space<vmem>>) offsets(%arg9 : memref<128xi32, #tpu.memory_space<vmem>>) semaphore(%arg16 : memref<!tpu.dma_semaphore, #tpu.memory_space<semaphore_mem>>)
      %dma_wait3A_112 = arith.constant 0 : i32
      %dma_wait3A_113 = arith.constant 0 : i32
      %dma_wait3A_114 = tpu.memref_slice %arg2[%dma_wait3A_112, %dma_wait3A_113] : memref<10000x64xi32, #tpu.memory_space<hbm>> -> memref<10000x64xi32, #tpu.memory_space<hbm>>
      tpu.wait_indirect_dma semaphore(%arg17 : memref<!tpu.dma_semaphore, #tpu.memory_space<semaphore_mem>>) src(%dma_wait3A_114 : memref<10000x64xi32, #tpu.memory_space<hbm>>) dst(%arg14 : memref<128x64xi32, #tpu.memory_space<vmem>>)
      %scan3A_115 = arith.constant 0 : i32
      %scan3A_116 = arith.constant 0 : i32
      %scan3A_117 = arith.constant 128 : i32
      %scan3A_118 = arith.addi %scan3A_116, %scan3A_117 : i32
      %scan3A_119 = arith.constant 1 : i32
      scf.for %scan3A_121 = %scan3A_116 to %scan3A_118 step %scan3A_119  : i32 {
        %get3A = arith.index_cast %scan3A_121 : i32 to index
        %get3A_122 = arith.constant 0 : index
        %get3A_123 = tpu.vector_load %arg14[%get3A, %get3A_122] {strides = array<i32>} : memref<128x64xi32, #tpu.memory_space<vmem>>, vector<1x16xi32>,
        %get3A_124 = vector.shape_cast %get3A_123 : vector<1x16xi32> to vector<16xi32>
        %shift_left3A = arith.constant 16 : i32
        %shift_left3A_125 = vector.broadcast %shift_left3A : i32 to vector<16xi32>
        %shift_left3A_126 = arith.shli %get3A_124, %shift_left3A_125 : vector<16xi32>
        %bitcast_convert_type3A = tpu.bitcast %shift_left3A_126 : vector<16xi32> -> vector<16xf32>
        %and3A_127 = arith.constant -65536 : i32
        %and3A_128 = vector.broadcast %and3A_127 : i32 to vector<16xi32>
        %and3A_129 = arith.andi %get3A_124, %and3A_128 : vector<16xi32>
        %bitcast_convert_type3A_130 = tpu.bitcast %and3A_129 : vector<16xi32> -> vector<16xf32>
        %swap3A = arith.index_cast %scan3A_121 : i32 to index
        %swap3A_131 = arith.constant 0 : index
        %swap3A_132 = tpu.vector_load %arg15[%swap3A, %swap3A_131] {strides = array<i32>} : memref<128x128xf32, #tpu.memory_space<vmem>>, vector<1x16xf32>,
        %swap3A_133 = vector.shape_cast %swap3A_132 : vector<1x16xf32> to vector<16xf32>
        %swap3A_134 = vector.shape_cast %bitcast_convert_type3A : vector<16xf32> to vector<1x16xf32>
        tpu.vector_store %arg15[%swap3A, %swap3A_131], %swap3A_134 {strides = array<i32>} : memref<128x128xf32, #tpu.memory_space<vmem>>, vector<1x16xf32>,
        %swap3A_135 = arith.index_cast %scan3A_121 : i32 to index
        %swap3A_136 = arith.constant 16 : index
        %swap3A_137 = tpu.vector_load %arg15[%swap3A_135, %swap3A_136] {strides = array<i32>} : memref<128x128xf32, #tpu.memory_space<vmem>>, vector<1x16xf32>,
        %swap3A_138 = vector.shape_cast %swap3A_137 : vector<1x16xf32> to vector<16xf32>
        %swap3A_139 = vector.shape_cast %bitcast_convert_type3A_130 : vector<16xf32> to vector<1x16xf32>
        tpu.vector_store %arg15[%swap3A_135, %swap3A_136], %swap3A_139 {strides = array<i32>} : memref<128x128xf32, #tpu.memory_space<vmem>>, vector<1x16xf32>,
        %get3A_140 = arith.index_cast %scan3A_121 : i32 to index
        %get3A_141 = arith.constant 16 : index
        %get3A_142 = tpu.vector_load %arg14[%get3A_140, %get3A_141] {strides = array<i32>} : memref<128x64xi32, #tpu.memory_space<vmem>>, vector<1x16xi32>,
        %get3A_143 = vector.shape_cast %get3A_142 : vector<1x16xi32> to vector<16xi32>
        %shift_left3A_144 = arith.constant 16 : i32
        %shift_left3A_145 = vector.broadcast %shift_left3A_144 : i32 to vector<16xi32>
        %shift_left3A_146 = arith.shli %get3A_143, %shift_left3A_145 : vector<16xi32>
        %bitcast_convert_type3A_147 = tpu.bitcast %shift_left3A_146 : vector<16xi32> -> vector<16xf32>
        %and3A_148 = arith.constant -65536 : i32
        %and3A_149 = vector.broadcast %and3A_148 : i32 to vector<16xi32>
        %and3A_150 = arith.andi %get3A_143, %and3A_149 : vector<16xi32>
        %bitcast_convert_type3A_151 = tpu.bitcast %and3A_150 : vector<16xi32> -> vector<16xf32>
        %swap3A_152 = arith.index_cast %scan3A_121 : i32 to index
        %swap3A_153 = arith.constant 32 : index
        %swap3A_154 = tpu.vector_load %arg15[%swap3A_152, %swap3A_153] {strides = array<i32>} : memref<128x128xf32, #tpu.memory_space<vmem>>, vector<1x16xf32>,
        %swap3A_155 = vector.shape_cast %swap3A_154 : vector<1x16xf32> to vector<16xf32>
        %swap3A_156 = vector.shape_cast %bitcast_convert_type3A_147 : vector<16xf32> to vector<1x16xf32>
        tpu.vector_store %arg15[%swap3A_152, %swap3A_153], %swap3A_156 {strides = array<i32>} : memref<128x128xf32, #tpu.memory_space<vmem>>, vector<1x16xf32>,
        %swap3A_157 = arith.index_cast %scan3A_121 : i32 to index
        %swap3A_158 = arith.constant 48 : index
        %swap3A_159 = tpu.vector_load %arg15[%swap3A_157, %swap3A_158] {strides = array<i32>} : memref<128x128xf32, #tpu.memory_space<vmem>>, vector<1x16xf32>,
        %swap3A_160 = vector.shape_cast %swap3A_159 : vector<1x16xf32> to vector<16xf32>
        %swap3A_161 = vector.shape_cast %bitcast_convert_type3A_151 : vector<16xf32> to vector<1x16xf32>
        tpu.vector_store %arg15[%swap3A_157, %swap3A_158], %swap3A_161 {strides = array<i32>} : memref<128x128xf32, #tpu.memory_space<vmem>>, vector<1x16xf32>,
        %get3A_162 = arith.index_cast %scan3A_121 : i32 to index
        %get3A_163 = arith.constant 32 : index
        %get3A_164 = tpu.vector_load %arg14[%get3A_162, %get3A_163] {strides = array<i32>} : memref<128x64xi32, #tpu.memory_space<vmem>>, vector<1x16xi32>,
        %get3A_165 = vector.shape_cast %get3A_164 : vector<1x16xi32> to vector<16xi32>
        %shift_left3A_166 = arith.constant 16 : i32
        %shift_left3A_167 = vector.broadcast %shift_left3A_166 : i32 to vector<16xi32>
        %shift_left3A_168 = arith.shli %get3A_165, %shift_left3A_167 : vector<16xi32>
        %bitcast_convert_type3A_169 = tpu.bitcast %shift_left3A_168 : vector<16xi32> -> vector<16xf32>
        %and3A_170 = arith.constant -65536 : i32
        %and3A_171 = vector.broadcast %and3A_170 : i32 to vector<16xi32>
        %and3A_172 = arith.andi %get3A_165, %and3A_171 : vector<16xi32>
        %bitcast_convert_type3A_173 = tpu.bitcast %and3A_172 : vector<16xi32> -> vector<16xf32>
        %swap3A_174 = arith.index_cast %scan3A_121 : i32 to index
        %swap3A_175 = arith.constant 64 : index
        %swap3A_176 = tpu.vector_load %arg15[%swap3A_174, %swap3A_175] {strides = array<i32>} : memref<128x128xf32, #tpu.memory_space<vmem>>, vector<1x16xf32>,
        %swap3A_177 = vector.shape_cast %swap3A_176 : vector<1x16xf32> to vector<16xf32>
        %swap3A_178 = vector.shape_cast %bitcast_convert_type3A_169 : vector<16xf32> to vector<1x16xf32>
        tpu.vector_store %arg15[%swap3A_174, %swap3A_175], %swap3A_178 {strides = array<i32>} : memref<128x128xf32, #tpu.memory_space<vmem>>, vector<1x16xf32>,
        %swap3A_179 = arith.index_cast %scan3A_121 : i32 to index
        %swap3A_180 = arith.constant 80 : index
        %swap3A_181 = tpu.vector_load %arg15[%swap3A_179, %swap3A_180] {strides = array<i32>} : memref<128x128xf32, #tpu.memory_space<vmem>>, vector<1x16xf32>,
        %swap3A_182 = vector.shape_cast %swap3A_181 : vector<1x16xf32> to vector<16xf32>
        %swap3A_183 = vector.shape_cast %bitcast_convert_type3A_173 : vector<16xf32> to vector<1x16xf32>
        tpu.vector_store %arg15[%swap3A_179, %swap3A_180], %swap3A_183 {strides = array<i32>} : memref<128x128xf32, #tpu.memory_space<vmem>>, vector<1x16xf32>,
        %get3A_184 = arith.index_cast %scan3A_121 : i32 to index
        %get3A_185 = arith.constant 48 : index
        %get3A_186 = tpu.vector_load %arg14[%get3A_184, %get3A_185] {strides = array<i32>} : memref<128x64xi32, #tpu.memory_space<vmem>>, vector<1x16xi32>,
        %get3A_187 = vector.shape_cast %get3A_186 : vector<1x16xi32> to vector<16xi32>
        %shift_left3A_188 = arith.constant 16 : i32
        %shift_left3A_189 = vector.broadcast %shift_left3A_188 : i32 to vector<16xi32>
        %shift_left3A_190 = arith.shli %get3A_187, %shift_left3A_189 : vector<16xi32>
        %bitcast_convert_type3A_191 = tpu.bitcast %shift_left3A_190 : vector<16xi32> -> vector<16xf32>
        %and3A_192 = arith.constant -65536 : i32
        %and3A_193 = vector.broadcast %and3A_192 : i32 to vector<16xi32>
        %and3A_194 = arith.andi %get3A_187, %and3A_193 : vector<16xi32>
        %bitcast_convert_type3A_195 = tpu.bitcast %and3A_194 : vector<16xi32> -> vector<16xf32>
        %swap3A_196 = arith.index_cast %scan3A_121 : i32 to index
        %swap3A_197 = arith.constant 96 : index
        %swap3A_198 = tpu.vector_load %arg15[%swap3A_196, %swap3A_197] {strides = array<i32>} : memref<128x128xf32, #tpu.memory_space<vmem>>, vector<1x16xf32>,
        %swap3A_199 = vector.shape_cast %swap3A_198 : vector<1x16xf32> to vector<16xf32>
        %swap3A_200 = vector.shape_cast %bitcast_convert_type3A_191 : vector<16xf32> to vector<1x16xf32>
        tpu.vector_store %arg15[%swap3A_196, %swap3A_197], %swap3A_200 {strides = array<i32>} : memref<128x128xf32, #tpu.memory_space<vmem>>, vector<1x16xf32>,
        %swap3A_201 = arith.index_cast %scan3A_121 : i32 to index
        %swap3A_202 = arith.constant 112 : index
        %swap3A_203 = tpu.vector_load %arg15[%swap3A_201, %swap3A_202] {strides = array<i32>} : memref<128x128xf32, #tpu.memory_space<vmem>>, vector<1x16xf32>,
        %swap3A_204 = vector.shape_cast %swap3A_203 : vector<1x16xf32> to vector<16xf32>
        %swap3A_205 = vector.shape_cast %bitcast_convert_type3A_195 : vector<16xf32> to vector<1x16xf32>
        tpu.vector_store %arg15[%swap3A_201, %swap3A_202], %swap3A_205 {strides = array<i32>} : memref<128x128xf32, #tpu.memory_space<vmem>>, vector<1x16xf32>,
      }
      %scan3A_120 = arith.constant 128 : i32
      "tpu.region"() ({
        %run_scoped3A = tpu.sem_alloc : memref<!tpu.dma_semaphore, #tpu.memory_space<semaphore_mem>>
        %dma_start3A_121 = arith.constant 0 : i32
        %dma_start3A_122 = arith.constant 0 : i32
        %dma_start3A_123 = tpu.memref_slice %arg8[%dma_start3A_121, %dma_start3A_122] : memref<10008x128xf32, #tpu.memory_space<vmem_shared>> -> memref<10008x128xf32, #tpu.memory_space<vmem_shared>>
        tpu.enqueue_indirect_dma source(%arg15 : memref<128x128xf32, #tpu.memory_space<vmem>>) target(%dma_start3A_123 : memref<10008x128xf32, #tpu.memory_space<vmem_shared>>) offsets(%arg12 : memref<128xi32, #tpu.memory_space<vmem>>) semaphore(%run_scoped3A : memref<!tpu.dma_semaphore, #tpu.memory_space<semaphore_mem>>) {add = true}
        %dma_wait3A_124 = arith.constant 0 : i32
        %dma_wait3A_125 = arith.constant 0 : i32
        %dma_wait3A_126 = tpu.memref_slice %arg8[%dma_wait3A_124, %dma_wait3A_125] : memref<10008x128xf32, #tpu.memory_space<vmem_shared>> -> memref<10008x128xf32, #tpu.memory_space<vmem_shared>>
        tpu.wait_indirect_dma semaphore(%run_scoped3A : memref<!tpu.dma_semaphore, #tpu.memory_space<semaphore_mem>>) src(%arg15 : memref<128x128xf32, #tpu.memory_space<vmem>>) dst(%dma_wait3A_126 : memref<10008x128xf32, #tpu.memory_space<vmem_shared>>)
        tpu.yield
      }) : () -> ()
    }
    %scan3A_19 = arith.constant 39 : i32
    %mul3A_20 = arith.constant 80 : i32
    %mul3A_21 = arith.muli %add3A, %mul3A_20 : i32
    %add3A_22 = arith.constant 79 : i32
    %add3A_23 = arith.addi %mul3A_21, %add3A_22 : i32
    %mul3A_24 = arith.constant 128 : i32
    %mul3A_25 = arith.muli %add3A_23, %mul3A_24 : i32
    "tpu.region"() ({
      %run_scoped3A = tpu.sem_alloc : memref<!tpu.dma_semaphore, #tpu.memory_space<semaphore_mem>>
      %dma_start3A_78 = tpu.memref_slice %arg4[%mul3A_25] : memref<327680xi32, #tpu.memory_space<hbm>> -> memref<128xi32, #tpu.memory_space<hbm>>
      %dma_start3A_79 = tpu.memref_slice %arg4[%mul3A_25] : memref<327680xi32, #tpu.memory_space<hbm>> -> memref<128xi32, #tpu.memory_space<hbm>>
      tpu.enqueue_dma source(%dma_start3A_79 : memref<128xi32, #tpu.memory_space<hbm>>) target(%arg11 : memref<128xi32, #tpu.memory_space<vmem>>) target_semaphore(%run_scoped3A : memref<!tpu.dma_semaphore, #tpu.memory_space<semaphore_mem>>)
      %dma_wait3A_80 = tpu.memref_slice %arg4[%mul3A_25] : memref<327680xi32, #tpu.memory_space<hbm>> -> memref<128xi32, #tpu.memory_space<hbm>>
      %dma_wait3A_81 = tpu.memref_slice %arg4[%mul3A_25] : memref<327680xi32, #tpu.memory_space<hbm>> -> memref<128xi32, #tpu.memory_space<hbm>>
      tpu.wait_dma2 semaphore(%run_scoped3A : memref<!tpu.dma_semaphore, #tpu.memory_space<semaphore_mem>>) src(%dma_wait3A_81 : memref<128xi32, #tpu.memory_space<hbm>>) dst(%arg11 : memref<128xi32, #tpu.memory_space<vmem>>)
      tpu.yield
    }) : () -> ()
    "tpu.region"() ({
      %run_scoped3A = tpu.sem_alloc : memref<!tpu.dma_semaphore, #tpu.memory_space<semaphore_mem>>
      %dma_start3A_78 = tpu.memref_slice %arg5[%mul3A_25] : memref<327680xi32, #tpu.memory_space<hbm>> -> memref<128xi32, #tpu.memory_space<hbm>>
      %dma_start3A_79 = tpu.memref_slice %arg5[%mul3A_25] : memref<327680xi32, #tpu.memory_space<hbm>> -> memref<128xi32, #tpu.memory_space<hbm>>
      tpu.enqueue_dma source(%dma_start3A_79 : memref<128xi32, #tpu.memory_space<hbm>>) target(%arg12 : memref<128xi32, #tpu.memory_space<vmem>>) target_semaphore(%run_scoped3A : memref<!tpu.dma_semaphore, #tpu.memory_space<semaphore_mem>>)
      %dma_wait3A_80 = tpu.memref_slice %arg5[%mul3A_25] : memref<327680xi32, #tpu.memory_space<hbm>> -> memref<128xi32, #tpu.memory_space<hbm>>
      %dma_wait3A_81 = tpu.memref_slice %arg5[%mul3A_25] : memref<327680xi32, #tpu.memory_space<hbm>> -> memref<128xi32, #tpu.memory_space<hbm>>
      tpu.wait_dma2 semaphore(%run_scoped3A : memref<!tpu.dma_semaphore, #tpu.memory_space<semaphore_mem>>) src(%dma_wait3A_81 : memref<128xi32, #tpu.memory_space<hbm>>) dst(%arg12 : memref<128xi32, #tpu.memory_space<vmem>>)
      tpu.yield
    }) : () -> ()
    %dma_start3A_26 = arith.constant 0 : i32
    %dma_start3A_27 = arith.constant 0 : i32
    %dma_start3A_28 = tpu.memref_slice %arg2[%dma_start3A_26, %dma_start3A_27] : memref<10000x64xi32, #tpu.memory_space<hbm>> -> memref<10000x64xi32, #tpu.memory_space<hbm>>
    tpu.enqueue_indirect_dma source(%dma_start3A_28 : memref<10000x64xi32, #tpu.memory_space<hbm>>) target(%arg14 : memref<128x64xi32, #tpu.memory_space<vmem>>) offsets(%arg11 : memref<128xi32, #tpu.memory_space<vmem>>) semaphore(%arg17 : memref<!tpu.dma_semaphore, #tpu.memory_space<semaphore_mem>>)
    %dma_wait3A = arith.constant 0 : i32
    %dma_wait3A_29 = arith.constant 0 : i32
    %dma_wait3A_30 = tpu.memref_slice %arg2[%dma_wait3A, %dma_wait3A_29] : memref<10000x64xi32, #tpu.memory_space<hbm>> -> memref<10000x64xi32, #tpu.memory_space<hbm>>
    tpu.wait_indirect_dma semaphore(%arg16 : memref<!tpu.dma_semaphore, #tpu.memory_space<semaphore_mem>>) src(%dma_wait3A_30 : memref<10000x64xi32, #tpu.memory_space<hbm>>) dst(%arg13 : memref<128x64xi32, #tpu.memory_space<vmem>>)
    %scan3A_31 = arith.constant 0 : i32
    %scan3A_32 = arith.constant 0 : i32
    %scan3A_33 = arith.constant 128 : i32
    %scan3A_34 = arith.addi %scan3A_32, %scan3A_33 : i32
    %scan3A_35 = arith.constant 1 : i32
    scf.for %scan3A_78 = %scan3A_32 to %scan3A_34 step %scan3A_35  : i32 {
      %get3A = arith.index_cast %scan3A_78 : i32 to index
      %get3A_79 = arith.constant 0 : index
      %get3A_80 = tpu.vector_load %arg13[%get3A, %get3A_79] {strides = array<i32>} : memref<128x64xi32, #tpu.memory_space<vmem>>, vector<1x16xi32>,
      %get3A_81 = vector.shape_cast %get3A_80 : vector<1x16xi32> to vector<16xi32>
      %shift_left3A = arith.constant 16 : i32
      %shift_left3A_82 = vector.broadcast %shift_left3A : i32 to vector<16xi32>
      %shift_left3A_83 = arith.shli %get3A_81, %shift_left3A_82 : vector<16xi32>
      %bitcast_convert_type3A = tpu.bitcast %shift_left3A_83 : vector<16xi32> -> vector<16xf32>
      %and3A_84 = arith.constant -65536 : i32
      %and3A_85 = vector.broadcast %and3A_84 : i32 to vector<16xi32>
      %and3A_86 = arith.andi %get3A_81, %and3A_85 : vector<16xi32>
      %bitcast_convert_type3A_87 = tpu.bitcast %and3A_86 : vector<16xi32> -> vector<16xf32>
      %swap3A = arith.index_cast %scan3A_78 : i32 to index
      %swap3A_88 = arith.constant 0 : index
      %swap3A_89 = tpu.vector_load %arg15[%swap3A, %swap3A_88] {strides = array<i32>} : memref<128x128xf32, #tpu.memory_space<vmem>>, vector<1x16xf32>,
      %swap3A_90 = vector.shape_cast %swap3A_89 : vector<1x16xf32> to vector<16xf32>
      %swap3A_91 = vector.shape_cast %bitcast_convert_type3A : vector<16xf32> to vector<1x16xf32>
      tpu.vector_store %arg15[%swap3A, %swap3A_88], %swap3A_91 {strides = array<i32>} : memref<128x128xf32, #tpu.memory_space<vmem>>, vector<1x16xf32>,
      %swap3A_92 = arith.index_cast %scan3A_78 : i32 to index
      %swap3A_93 = arith.constant 16 : index
      %swap3A_94 = tpu.vector_load %arg15[%swap3A_92, %swap3A_93] {strides = array<i32>} : memref<128x128xf32, #tpu.memory_space<vmem>>, vector<1x16xf32>,
      %swap3A_95 = vector.shape_cast %swap3A_94 : vector<1x16xf32> to vector<16xf32>
      %swap3A_96 = vector.shape_cast %bitcast_convert_type3A_87 : vector<16xf32> to vector<1x16xf32>
      tpu.vector_store %arg15[%swap3A_92, %swap3A_93], %swap3A_96 {strides = array<i32>} : memref<128x128xf32, #tpu.memory_space<vmem>>, vector<1x16xf32>,
      %get3A_97 = arith.index_cast %scan3A_78 : i32 to index
      %get3A_98 = arith.constant 16 : index
      %get3A_99 = tpu.vector_load %arg13[%get3A_97, %get3A_98] {strides = array<i32>} : memref<128x64xi32, #tpu.memory_space<vmem>>, vector<1x16xi32>,
      %get3A_100 = vector.shape_cast %get3A_99 : vector<1x16xi32> to vector<16xi32>
      %shift_left3A_101 = arith.constant 16 : i32
      %shift_left3A_102 = vector.broadcast %shift_left3A_101 : i32 to vector<16xi32>
      %shift_left3A_103 = arith.shli %get3A_100, %shift_left3A_102 : vector<16xi32>
      %bitcast_convert_type3A_104 = tpu.bitcast %shift_left3A_103 : vector<16xi32> -> vector<16xf32>
      %and3A_105 = arith.constant -65536 : i32
      %and3A_106 = vector.broadcast %and3A_105 : i32 to vector<16xi32>
      %and3A_107 = arith.andi %get3A_100, %and3A_106 : vector<16xi32>
      %bitcast_convert_type3A_108 = tpu.bitcast %and3A_107 : vector<16xi32> -> vector<16xf32>
      %swap3A_109 = arith.index_cast %scan3A_78 : i32 to index
      %swap3A_110 = arith.constant 32 : index
      %swap3A_111 = tpu.vector_load %arg15[%swap3A_109, %swap3A_110] {strides = array<i32>} : memref<128x128xf32, #tpu.memory_space<vmem>>, vector<1x16xf32>,
      %swap3A_112 = vector.shape_cast %swap3A_111 : vector<1x16xf32> to vector<16xf32>
      %swap3A_113 = vector.shape_cast %bitcast_convert_type3A_104 : vector<16xf32> to vector<1x16xf32>
      tpu.vector_store %arg15[%swap3A_109, %swap3A_110], %swap3A_113 {strides = array<i32>} : memref<128x128xf32, #tpu.memory_space<vmem>>, vector<1x16xf32>,
      %swap3A_114 = arith.index_cast %scan3A_78 : i32 to index
      %swap3A_115 = arith.constant 48 : index
      %swap3A_116 = tpu.vector_load %arg15[%swap3A_114, %swap3A_115] {strides = array<i32>} : memref<128x128xf32, #tpu.memory_space<vmem>>, vector<1x16xf32>,
      %swap3A_117 = vector.shape_cast %swap3A_116 : vector<1x16xf32> to vector<16xf32>
      %swap3A_118 = vector.shape_cast %bitcast_convert_type3A_108 : vector<16xf32> to vector<1x16xf32>
      tpu.vector_store %arg15[%swap3A_114, %swap3A_115], %swap3A_118 {strides = array<i32>} : memref<128x128xf32, #tpu.memory_space<vmem>>, vector<1x16xf32>,
      %get3A_119 = arith.index_cast %scan3A_78 : i32 to index
      %get3A_120 = arith.constant 32 : index
      %get3A_121 = tpu.vector_load %arg13[%get3A_119, %get3A_120] {strides = array<i32>} : memref<128x64xi32, #tpu.memory_space<vmem>>, vector<1x16xi32>,
      %get3A_122 = vector.shape_cast %get3A_121 : vector<1x16xi32> to vector<16xi32>
      %shift_left3A_123 = arith.constant 16 : i32
      %shift_left3A_124 = vector.broadcast %shift_left3A_123 : i32 to vector<16xi32>
      %shift_left3A_125 = arith.shli %get3A_122, %shift_left3A_124 : vector<16xi32>
      %bitcast_convert_type3A_126 = tpu.bitcast %shift_left3A_125 : vector<16xi32> -> vector<16xf32>
      %and3A_127 = arith.constant -65536 : i32
      %and3A_128 = vector.broadcast %and3A_127 : i32 to vector<16xi32>
      %and3A_129 = arith.andi %get3A_122, %and3A_128 : vector<16xi32>
      %bitcast_convert_type3A_130 = tpu.bitcast %and3A_129 : vector<16xi32> -> vector<16xf32>
      %swap3A_131 = arith.index_cast %scan3A_78 : i32 to index
      %swap3A_132 = arith.constant 64 : index
      %swap3A_133 = tpu.vector_load %arg15[%swap3A_131, %swap3A_132] {strides = array<i32>} : memref<128x128xf32, #tpu.memory_space<vmem>>, vector<1x16xf32>,
      %swap3A_134 = vector.shape_cast %swap3A_133 : vector<1x16xf32> to vector<16xf32>
      %swap3A_135 = vector.shape_cast %bitcast_convert_type3A_126 : vector<16xf32> to vector<1x16xf32>
      tpu.vector_store %arg15[%swap3A_131, %swap3A_132], %swap3A_135 {strides = array<i32>} : memref<128x128xf32, #tpu.memory_space<vmem>>, vector<1x16xf32>,
      %swap3A_136 = arith.index_cast %scan3A_78 : i32 to index
      %swap3A_137 = arith.constant 80 : index
      %swap3A_138 = tpu.vector_load %arg15[%swap3A_136, %swap3A_137] {strides = array<i32>} : memref<128x128xf32, #tpu.memory_space<vmem>>, vector<1x16xf32>,
      %swap3A_139 = vector.shape_cast %swap3A_138 : vector<1x16xf32> to vector<16xf32>
      %swap3A_140 = vector.shape_cast %bitcast_convert_type3A_130 : vector<16xf32> to vector<1x16xf32>
      tpu.vector_store %arg15[%swap3A_136, %swap3A_137], %swap3A_140 {strides = array<i32>} : memref<128x128xf32, #tpu.memory_space<vmem>>, vector<1x16xf32>,
      %get3A_141 = arith.index_cast %scan3A_78 : i32 to index
      %get3A_142 = arith.constant 48 : index
      %get3A_143 = tpu.vector_load %arg13[%get3A_141, %get3A_142] {strides = array<i32>} : memref<128x64xi32, #tpu.memory_space<vmem>>, vector<1x16xi32>,
      %get3A_144 = vector.shape_cast %get3A_143 : vector<1x16xi32> to vector<16xi32>
      %shift_left3A_145 = arith.constant 16 : i32
      %shift_left3A_146 = vector.broadcast %shift_left3A_145 : i32 to vector<16xi32>
      %shift_left3A_147 = arith.shli %get3A_144, %shift_left3A_146 : vector<16xi32>
      %bitcast_convert_type3A_148 = tpu.bitcast %shift_left3A_147 : vector<16xi32> -> vector<16xf32>
      %and3A_149 = arith.constant -65536 : i32
      %and3A_150 = vector.broadcast %and3A_149 : i32 to vector<16xi32>
      %and3A_151 = arith.andi %get3A_144, %and3A_150 : vector<16xi32>
      %bitcast_convert_type3A_152 = tpu.bitcast %and3A_151 : vector<16xi32> -> vector<16xf32>
      %swap3A_153 = arith.index_cast %scan3A_78 : i32 to index
      %swap3A_154 = arith.constant 96 : index
      %swap3A_155 = tpu.vector_load %arg15[%swap3A_153, %swap3A_154] {strides = array<i32>} : memref<128x128xf32, #tpu.memory_space<vmem>>, vector<1x16xf32>,
      %swap3A_156 = vector.shape_cast %swap3A_155 : vector<1x16xf32> to vector<16xf32>
      %swap3A_157 = vector.shape_cast %bitcast_convert_type3A_148 : vector<16xf32> to vector<1x16xf32>
      tpu.vector_store %arg15[%swap3A_153, %swap3A_154], %swap3A_157 {strides = array<i32>} : memref<128x128xf32, #tpu.memory_space<vmem>>, vector<1x16xf32>,
      %swap3A_158 = arith.index_cast %scan3A_78 : i32 to index
      %swap3A_159 = arith.constant 112 : index
      %swap3A_160 = tpu.vector_load %arg15[%swap3A_158, %swap3A_159] {strides = array<i32>} : memref<128x128xf32, #tpu.memory_space<vmem>>, vector<1x16xf32>,
      %swap3A_161 = vector.shape_cast %swap3A_160 : vector<1x16xf32> to vector<16xf32>
      %swap3A_162 = vector.shape_cast %bitcast_convert_type3A_152 : vector<16xf32> to vector<1x16xf32>
      tpu.vector_store %arg15[%swap3A_158, %swap3A_159], %swap3A_162 {strides = array<i32>} : memref<128x128xf32, #tpu.memory_space<vmem>>, vector<1x16xf32>,
    }
    %scan3A_36 = arith.constant 128 : i32
    "tpu.region"() ({
      %run_scoped3A = tpu.sem_alloc : memref<!tpu.dma_semaphore, #tpu.memory_space<semaphore_mem>>
      %dma_start3A_78 = arith.constant 0 : i32
      %dma_start3A_79 = arith.constant 0 : i32
      %dma_start3A_80 = tpu.memref_slice %arg8[%dma_start3A_78, %dma_start3A_79] : memref<10008x128xf32, #tpu.memory_space<vmem_shared>> -> memref<10008x128xf32, #tpu.memory_space<vmem_shared>>
      tpu.enqueue_indirect_dma source(%arg15 : memref<128x128xf32, #tpu.memory_space<vmem>>) target(%dma_start3A_80 : memref<10008x128xf32, #tpu.memory_space<vmem_shared>>) offsets(%arg10 : memref<128xi32, #tpu.memory_space<vmem>>) semaphore(%run_scoped3A : memref<!tpu.dma_semaphore, #tpu.memory_space<semaphore_mem>>) {add = true}
      %dma_wait3A_81 = arith.constant 0 : i32
      %dma_wait3A_82 = arith.constant 0 : i32
      %dma_wait3A_83 = tpu.memref_slice %arg8[%dma_wait3A_81, %dma_wait3A_82] : memref<10008x128xf32, #tpu.memory_space<vmem_shared>> -> memref<10008x128xf32, #tpu.memory_space<vmem_shared>>
      tpu.wait_indirect_dma semaphore(%run_scoped3A : memref<!tpu.dma_semaphore, #tpu.memory_space<semaphore_mem>>) src(%arg15 : memref<128x128xf32, #tpu.memory_space<vmem>>) dst(%dma_wait3A_83 : memref<10008x128xf32, #tpu.memory_space<vmem_shared>>)
      tpu.yield
    }) : () -> ()
    %dma_wait3A_37 = arith.constant 0 : i32
    %dma_wait3A_38 = arith.constant 0 : i32
    %dma_wait3A_39 = tpu.memref_slice %arg2[%dma_wait3A_37, %dma_wait3A_38] : memref<10000x64xi32, #tpu.memory_space<hbm>> -> memref<10000x64xi32, #tpu.memory_space<hbm>>
    tpu.wait_indirect_dma semaphore(%arg17 : memref<!tpu.dma_semaphore, #tpu.memory_space<semaphore_mem>>) src(%dma_wait3A_39 : memref<10000x64xi32, #tpu.memory_space<hbm>>) dst(%arg14 : memref<128x64xi32, #tpu.memory_space<vmem>>)
    %scan3A_40 = arith.constant 0 : i32
    %scan3A_41 = arith.constant 0 : i32
    %scan3A_42 = arith.constant 128 : i32
    %scan3A_43 = arith.addi %scan3A_41, %scan3A_42 : i32
    %scan3A_44 = arith.constant 1 : i32
    scf.for %scan3A_78 = %scan3A_41 to %scan3A_43 step %scan3A_44  : i32 {
      %get3A = arith.index_cast %scan3A_78 : i32 to index
      %get3A_79 = arith.constant 0 : index
      %get3A_80 = tpu.vector_load %arg14[%get3A, %get3A_79] {strides = array<i32>} : memref<128x64xi32, #tpu.memory_space<vmem>>, vector<1x16xi32>,
      %get3A_81 = vector.shape_cast %get3A_80 : vector<1x16xi32> to vector<16xi32>
      %shift_left3A = arith.constant 16 : i32
      %shift_left3A_82 = vector.broadcast %shift_left3A : i32 to vector<16xi32>
      %shift_left3A_83 = arith.shli %get3A_81, %shift_left3A_82 : vector<16xi32>
      %bitcast_convert_type3A = tpu.bitcast %shift_left3A_83 : vector<16xi32> -> vector<16xf32>
      %and3A_84 = arith.constant -65536 : i32
      %and3A_85 = vector.broadcast %and3A_84 : i32 to vector<16xi32>
      %and3A_86 = arith.andi %get3A_81, %and3A_85 : vector<16xi32>
      %bitcast_convert_type3A_87 = tpu.bitcast %and3A_86 : vector<16xi32> -> vector<16xf32>
      %swap3A = arith.index_cast %scan3A_78 : i32 to index
      %swap3A_88 = arith.constant 0 : index
      %swap3A_89 = tpu.vector_load %arg15[%swap3A, %swap3A_88] {strides = array<i32>} : memref<128x128xf32, #tpu.memory_space<vmem>>, vector<1x16xf32>,
      %swap3A_90 = vector.shape_cast %swap3A_89 : vector<1x16xf32> to vector<16xf32>
      %swap3A_91 = vector.shape_cast %bitcast_convert_type3A : vector<16xf32> to vector<1x16xf32>
      tpu.vector_store %arg15[%swap3A, %swap3A_88], %swap3A_91 {strides = array<i32>} : memref<128x128xf32, #tpu.memory_space<vmem>>, vector<1x16xf32>,
      %swap3A_92 = arith.index_cast %scan3A_78 : i32 to index
      %swap3A_93 = arith.constant 16 : index
      %swap3A_94 = tpu.vector_load %arg15[%swap3A_92, %swap3A_93] {strides = array<i32>} : memref<128x128xf32, #tpu.memory_space<vmem>>, vector<1x16xf32>,
      %swap3A_95 = vector.shape_cast %swap3A_94 : vector<1x16xf32> to vector<16xf32>
      %swap3A_96 = vector.shape_cast %bitcast_convert_type3A_87 : vector<16xf32> to vector<1x16xf32>
      tpu.vector_store %arg15[%swap3A_92, %swap3A_93], %swap3A_96 {strides = array<i32>} : memref<128x128xf32, #tpu.memory_space<vmem>>, vector<1x16xf32>,
      %get3A_97 = arith.index_cast %scan3A_78 : i32 to index
      %get3A_98 = arith.constant 16 : index
      %get3A_99 = tpu.vector_load %arg14[%get3A_97, %get3A_98] {strides = array<i32>} : memref<128x64xi32, #tpu.memory_space<vmem>>, vector<1x16xi32>,
      %get3A_100 = vector.shape_cast %get3A_99 : vector<1x16xi32> to vector<16xi32>
      %shift_left3A_101 = arith.constant 16 : i32
      %shift_left3A_102 = vector.broadcast %shift_left3A_101 : i32 to vector<16xi32>
      %shift_left3A_103 = arith.shli %get3A_100, %shift_left3A_102 : vector<16xi32>
      %bitcast_convert_type3A_104 = tpu.bitcast %shift_left3A_103 : vector<16xi32> -> vector<16xf32>
      %and3A_105 = arith.constant -65536 : i32
      %and3A_106 = vector.broadcast %and3A_105 : i32 to vector<16xi32>
      %and3A_107 = arith.andi %get3A_100, %and3A_106 : vector<16xi32>
      %bitcast_convert_type3A_108 = tpu.bitcast %and3A_107 : vector<16xi32> -> vector<16xf32>
      %swap3A_109 = arith.index_cast %scan3A_78 : i32 to index
      %swap3A_110 = arith.constant 32 : index
      %swap3A_111 = tpu.vector_load %arg15[%swap3A_109, %swap3A_110] {strides = array<i32>} : memref<128x128xf32, #tpu.memory_space<vmem>>, vector<1x16xf32>,
      %swap3A_112 = vector.shape_cast %swap3A_111 : vector<1x16xf32> to vector<16xf32>
      %swap3A_113 = vector.shape_cast %bitcast_convert_type3A_104 : vector<16xf32> to vector<1x16xf32>
      tpu.vector_store %arg15[%swap3A_109, %swap3A_110], %swap3A_113 {strides = array<i32>} : memref<128x128xf32, #tpu.memory_space<vmem>>, vector<1x16xf32>,
      %swap3A_114 = arith.index_cast %scan3A_78 : i32 to index
      %swap3A_115 = arith.constant 48 : index
      %swap3A_116 = tpu.vector_load %arg15[%swap3A_114, %swap3A_115] {strides = array<i32>} : memref<128x128xf32, #tpu.memory_space<vmem>>, vector<1x16xf32>,
      %swap3A_117 = vector.shape_cast %swap3A_116 : vector<1x16xf32> to vector<16xf32>
      %swap3A_118 = vector.shape_cast %bitcast_convert_type3A_108 : vector<16xf32> to vector<1x16xf32>
      tpu.vector_store %arg15[%swap3A_114, %swap3A_115], %swap3A_118 {strides = array<i32>} : memref<128x128xf32, #tpu.memory_space<vmem>>, vector<1x16xf32>,
      %get3A_119 = arith.index_cast %scan3A_78 : i32 to index
      %get3A_120 = arith.constant 32 : index
      %get3A_121 = tpu.vector_load %arg14[%get3A_119, %get3A_120] {strides = array<i32>} : memref<128x64xi32, #tpu.memory_space<vmem>>, vector<1x16xi32>,
      %get3A_122 = vector.shape_cast %get3A_121 : vector<1x16xi32> to vector<16xi32>
      %shift_left3A_123 = arith.constant 16 : i32
      %shift_left3A_124 = vector.broadcast %shift_left3A_123 : i32 to vector<16xi32>
      %shift_left3A_125 = arith.shli %get3A_122, %shift_left3A_124 : vector<16xi32>
      %bitcast_convert_type3A_126 = tpu.bitcast %shift_left3A_125 : vector<16xi32> -> vector<16xf32>
      %and3A_127 = arith.constant -65536 : i32
      %and3A_128 = vector.broadcast %and3A_127 : i32 to vector<16xi32>
      %and3A_129 = arith.andi %get3A_122, %and3A_128 : vector<16xi32>
      %bitcast_convert_type3A_130 = tpu.bitcast %and3A_129 : vector<16xi32> -> vector<16xf32>
      %swap3A_131 = arith.index_cast %scan3A_78 : i32 to index
      %swap3A_132 = arith.constant 64 : index
      %swap3A_133 = tpu.vector_load %arg15[%swap3A_131, %swap3A_132] {strides = array<i32>} : memref<128x128xf32, #tpu.memory_space<vmem>>, vector<1x16xf32>,
      %swap3A_134 = vector.shape_cast %swap3A_133 : vector<1x16xf32> to vector<16xf32>
      %swap3A_135 = vector.shape_cast %bitcast_convert_type3A_126 : vector<16xf32> to vector<1x16xf32>
      tpu.vector_store %arg15[%swap3A_131, %swap3A_132], %swap3A_135 {strides = array<i32>} : memref<128x128xf32, #tpu.memory_space<vmem>>, vector<1x16xf32>,
      %swap3A_136 = arith.index_cast %scan3A_78 : i32 to index
      %swap3A_137 = arith.constant 80 : index
      %swap3A_138 = tpu.vector_load %arg15[%swap3A_136, %swap3A_137] {strides = array<i32>} : memref<128x128xf32, #tpu.memory_space<vmem>>, vector<1x16xf32>,
      %swap3A_139 = vector.shape_cast %swap3A_138 : vector<1x16xf32> to vector<16xf32>
      %swap3A_140 = vector.shape_cast %bitcast_convert_type3A_130 : vector<16xf32> to vector<1x16xf32>
      tpu.vector_store %arg15[%swap3A_136, %swap3A_137], %swap3A_140 {strides = array<i32>} : memref<128x128xf32, #tpu.memory_space<vmem>>, vector<1x16xf32>,
      %get3A_141 = arith.index_cast %scan3A_78 : i32 to index
      %get3A_142 = arith.constant 48 : index
      %get3A_143 = tpu.vector_load %arg14[%get3A_141, %get3A_142] {strides = array<i32>} : memref<128x64xi32, #tpu.memory_space<vmem>>, vector<1x16xi32>,
      %get3A_144 = vector.shape_cast %get3A_143 : vector<1x16xi32> to vector<16xi32>
      %shift_left3A_145 = arith.constant 16 : i32
      %shift_left3A_146 = vector.broadcast %shift_left3A_145 : i32 to vector<16xi32>
      %shift_left3A_147 = arith.shli %get3A_144, %shift_left3A_146 : vector<16xi32>
      %bitcast_convert_type3A_148 = tpu.bitcast %shift_left3A_147 : vector<16xi32> -> vector<16xf32>
      %and3A_149 = arith.constant -65536 : i32
      %and3A_150 = vector.broadcast %and3A_149 : i32 to vector<16xi32>
      %and3A_151 = arith.andi %get3A_144, %and3A_150 : vector<16xi32>
      %bitcast_convert_type3A_152 = tpu.bitcast %and3A_151 : vector<16xi32> -> vector<16xf32>
      %swap3A_153 = arith.index_cast %scan3A_78 : i32 to index
      %swap3A_154 = arith.constant 96 : index
      %swap3A_155 = tpu.vector_load %arg15[%swap3A_153, %swap3A_154] {strides = array<i32>} : memref<128x128xf32, #tpu.memory_space<vmem>>, vector<1x16xf32>,
      %swap3A_156 = vector.shape_cast %swap3A_155 : vector<1x16xf32> to vector<16xf32>
      %swap3A_157 = vector.shape_cast %bitcast_convert_type3A_148 : vector<16xf32> to vector<1x16xf32>
      tpu.vector_store %arg15[%swap3A_153, %swap3A_154], %swap3A_157 {strides = array<i32>} : memref<128x128xf32, #tpu.memory_space<vmem>>, vector<1x16xf32>,
      %swap3A_158 = arith.index_cast %scan3A_78 : i32 to index
      %swap3A_159 = arith.constant 112 : index
      %swap3A_160 = tpu.vector_load %arg15[%swap3A_158, %swap3A_159] {strides = array<i32>} : memref<128x128xf32, #tpu.memory_space<vmem>>, vector<1x16xf32>,
      %swap3A_161 = vector.shape_cast %swap3A_160 : vector<1x16xf32> to vector<16xf32>
      %swap3A_162 = vector.shape_cast %bitcast_convert_type3A_152 : vector<16xf32> to vector<1x16xf32>
      tpu.vector_store %arg15[%swap3A_158, %swap3A_159], %swap3A_162 {strides = array<i32>} : memref<128x128xf32, #tpu.memory_space<vmem>>, vector<1x16xf32>,
    }
    %scan3A_45 = arith.constant 128 : i32
    "tpu.region"() ({
      %run_scoped3A = tpu.sem_alloc : memref<!tpu.dma_semaphore, #tpu.memory_space<semaphore_mem>>
      %dma_start3A_78 = arith.constant 0 : i32
      %dma_start3A_79 = arith.constant 0 : i32
      %dma_start3A_80 = tpu.memref_slice %arg8[%dma_start3A_78, %dma_start3A_79] : memref<10008x128xf32, #tpu.memory_space<vmem_shared>> -> memref<10008x128xf32, #tpu.memory_space<vmem_shared>>
      tpu.enqueue_indirect_dma source(%arg15 : memref<128x128xf32, #tpu.memory_space<vmem>>) target(%dma_start3A_80 : memref<10008x128xf32, #tpu.memory_space<vmem_shared>>) offsets(%arg12 : memref<128xi32, #tpu.memory_space<vmem>>) semaphore(%run_scoped3A : memref<!tpu.dma_semaphore, #tpu.memory_space<semaphore_mem>>) {add = true}
      %dma_wait3A_81 = arith.constant 0 : i32
      %dma_wait3A_82 = arith.constant 0 : i32
      %dma_wait3A_83 = tpu.memref_slice %arg8[%dma_wait3A_81, %dma_wait3A_82] : memref<10008x128xf32, #tpu.memory_space<vmem_shared>> -> memref<10008x128xf32, #tpu.memory_space<vmem_shared>>
      tpu.wait_indirect_dma semaphore(%run_scoped3A : memref<!tpu.dma_semaphore, #tpu.memory_space<semaphore_mem>>) src(%arg15 : memref<128x128xf32, #tpu.memory_space<vmem>>) dst(%dma_wait3A_83 : memref<10008x128xf32, #tpu.memory_space<vmem_shared>>)
      tpu.yield
    }) : () -> ()
    %barrier3A_46 = arith.constant 0 : index
    tpu.barrier barrier_id(%barrier3A_46)
    %eq3A_47 = arith.constant 0 : i32
    %eq3A_48 = arith.cmpi eq, %arg0, %eq3A_47 : i32
    %lt3A_49 = arith.constant 15 : i32
    %lt3A_50 = arith.cmpi slt, %arg1, %lt3A_49 : i32
    %and3A = arith.andi %eq3A_48, %lt3A_50 : i1
    %convert_element_type3A_51 = arith.extui %and3A : i1 to i32
    %cond3A_52 = arith.constant 0 : i32
    %cond3A_53 = arith.cmpi ne, %convert_element_type3A_51, %cond3A_52 : i32
    scf.if %cond3A_53 {
      %mul3A_78 = arith.constant 632 : i32
      %mul3A_79 = arith.muli %arg1, %mul3A_78 : i32
      %mul3A_80 = arith.constant 632 : i32
      %mul3A_81 = arith.muli %arg1, %mul3A_80 : i32
      "tpu.region"() ({
        %run_scoped3A = tpu.sem_alloc : memref<!tpu.dma_semaphore, #tpu.memory_space<semaphore_mem>>
        %dma_start3A_82 = arith.constant 0 : i32
        %dma_start3A_83 = tpu.memref_slice %arg6[%mul3A_81, %dma_start3A_82] : memref<10000x128xf32, #tpu.memory_space<hbm>> -> memref<632x128xf32, #tpu.memory_space<hbm>>
        %dma_start3A_84 = arith.constant 0 : i32
        %dma_start3A_85 = tpu.memref_slice %arg8[%mul3A_79, %dma_start3A_84] : memref<10008x128xf32, #tpu.memory_space<vmem_shared>> -> memref<632x128xf32, #tpu.memory_space<vmem_shared>>
        tpu.enqueue_dma source(%dma_start3A_85 : memref<632x128xf32, #tpu.memory_space<vmem_shared>>) target(%dma_start3A_83 : memref<632x128xf32, #tpu.memory_space<hbm>>) target_semaphore(%run_scoped3A : memref<!tpu.dma_semaphore, #tpu.memory_space<semaphore_mem>>)
        %dma_wait3A_86 = arith.constant 0 : i32
        %dma_wait3A_87 = tpu.memref_slice %arg6[%mul3A_81, %dma_wait3A_86] : memref<10000x128xf32, #tpu.memory_space<hbm>> -> memref<632x128xf32, #tpu.memory_space<hbm>>
        %dma_wait3A_88 = arith.constant 0 : i32
        %dma_wait3A_89 = tpu.memref_slice %arg8[%mul3A_79, %dma_wait3A_88] : memref<10008x128xf32, #tpu.memory_space<vmem_shared>> -> memref<632x128xf32, #tpu.memory_space<vmem_shared>>
        tpu.wait_dma2 semaphore(%run_scoped3A : memref<!tpu.dma_semaphore, #tpu.memory_space<semaphore_mem>>) src(%dma_wait3A_89 : memref<632x128xf32, #tpu.memory_space<vmem_shared>>) dst(%dma_wait3A_87 : memref<632x128xf32, #tpu.memory_space<hbm>>)
        tpu.yield
      }) : () -> ()
    } else {
    }
    %eq3A_54 = arith.constant 0 : i32
    %eq3A_55 = arith.cmpi eq, %arg0, %eq3A_54 : i32
    %eq3A_56 = arith.constant 15 : i32
    %eq3A_57 = arith.cmpi eq, %arg1, %eq3A_56 : i32
    %and3A_58 = arith.andi %eq3A_55, %eq3A_57 : i1
    %convert_element_type3A_59 = arith.extui %and3A_58 : i1 to i32
    %cond3A_60 = arith.constant 0 : i32
    %cond3A_61 = arith.cmpi ne, %convert_element_type3A_59, %cond3A_60 : i32
    scf.if %cond3A_61 {
      "tpu.region"() ({
        %run_scoped3A = tpu.sem_alloc : memref<!tpu.dma_semaphore, #tpu.memory_space<semaphore_mem>>
        %dma_start3A_78 = arith.constant 9480 : i32
        %dma_start3A_79 = arith.constant 0 : i32
        %dma_start3A_80 = tpu.memref_slice %arg6[%dma_start3A_78, %dma_start3A_79] : memref<10000x128xf32, #tpu.memory_space<hbm>> -> memref<520x128xf32, #tpu.memory_space<hbm>>
        %dma_start3A_81 = arith.constant 9480 : i32
        %dma_start3A_82 = arith.constant 0 : i32
        %dma_start3A_83 = tpu.memref_slice %arg8[%dma_start3A_81, %dma_start3A_82] : memref<10008x128xf32, #tpu.memory_space<vmem_shared>> -> memref<520x128xf32, #tpu.memory_space<vmem_shared>>
        tpu.enqueue_dma source(%dma_start3A_83 : memref<520x128xf32, #tpu.memory_space<vmem_shared>>) target(%dma_start3A_80 : memref<520x128xf32, #tpu.memory_space<hbm>>) target_semaphore(%run_scoped3A : memref<!tpu.dma_semaphore, #tpu.memory_space<semaphore_mem>>)
        %dma_wait3A_84 = arith.constant 9480 : i32
        %dma_wait3A_85 = arith.constant 0 : i32
        %dma_wait3A_86 = tpu.memref_slice %arg6[%dma_wait3A_84, %dma_wait3A_85] : memref<10000x128xf32, #tpu.memory_space<hbm>> -> memref<520x128xf32, #tpu.memory_space<hbm>>
        %dma_wait3A_87 = arith.constant 9480 : i32
        %dma_wait3A_88 = arith.constant 0 : i32
        %dma_wait3A_89 = tpu.memref_slice %arg8[%dma_wait3A_87, %dma_wait3A_88] : memref<10008x128xf32, #tpu.memory_space<vmem_shared>> -> memref<520x128xf32, #tpu.memory_space<vmem_shared>>
        tpu.wait_dma2 semaphore(%run_scoped3A : memref<!tpu.dma_semaphore, #tpu.memory_space<semaphore_mem>>) src(%dma_wait3A_89 : memref<520x128xf32, #tpu.memory_space<vmem_shared>>) dst(%dma_wait3A_86 : memref<520x128xf32, #tpu.memory_space<hbm>>)
        tpu.yield
      }) : () -> ()
    } else {
    }
    %eq3A_62 = arith.constant 1 : i32
    %eq3A_63 = arith.cmpi eq, %arg0, %eq3A_62 : i32
    %lt3A_64 = arith.constant 15 : i32
    %lt3A_65 = arith.cmpi slt, %arg1, %lt3A_64 : i32
    %and3A_66 = arith.andi %eq3A_63, %lt3A_65 : i1
    %convert_element_type3A_67 = arith.extui %and3A_66 : i1 to i32
    %cond3A_68 = arith.constant 0 : i32
    %cond3A_69 = arith.cmpi ne, %convert_element_type3A_67, %cond3A_68 : i32
    scf.if %cond3A_69 {
      %mul3A_78 = arith.constant 632 : i32
      %mul3A_79 = arith.muli %arg1, %mul3A_78 : i32
      %mul3A_80 = arith.constant 632 : i32
      %mul3A_81 = arith.muli %arg1, %mul3A_80 : i32
      "tpu.region"() ({
        %run_scoped3A = tpu.sem_alloc : memref<!tpu.dma_semaphore, #tpu.memory_space<semaphore_mem>>
        %dma_start3A_82 = arith.constant 0 : i32
        %dma_start3A_83 = tpu.memref_slice %arg7[%mul3A_81, %dma_start3A_82] : memref<10000x128xf32, #tpu.memory_space<hbm>> -> memref<632x128xf32, #tpu.memory_space<hbm>>
        %dma_start3A_84 = arith.constant 0 : i32
        %dma_start3A_85 = tpu.memref_slice %arg8[%mul3A_79, %dma_start3A_84] : memref<10008x128xf32, #tpu.memory_space<vmem_shared>> -> memref<632x128xf32, #tpu.memory_space<vmem_shared>>
        tpu.enqueue_dma source(%dma_start3A_85 : memref<632x128xf32, #tpu.memory_space<vmem_shared>>) target(%dma_start3A_83 : memref<632x128xf32, #tpu.memory_space<hbm>>) target_semaphore(%run_scoped3A : memref<!tpu.dma_semaphore, #tpu.memory_space<semaphore_mem>>)
        %dma_wait3A_86 = arith.constant 0 : i32
        %dma_wait3A_87 = tpu.memref_slice %arg7[%mul3A_81, %dma_wait3A_86] : memref<10000x128xf32, #tpu.memory_space<hbm>> -> memref<632x128xf32, #tpu.memory_space<hbm>>
        %dma_wait3A_88 = arith.constant 0 : i32
        %dma_wait3A_89 = tpu.memref_slice %arg8[%mul3A_79, %dma_wait3A_88] : memref<10008x128xf32, #tpu.memory_space<vmem_shared>> -> memref<632x128xf32, #tpu.memory_space<vmem_shared>>
        tpu.wait_dma2 semaphore(%run_scoped3A : memref<!tpu.dma_semaphore, #tpu.memory_space<semaphore_mem>>) src(%dma_wait3A_89 : memref<632x128xf32, #tpu.memory_space<vmem_shared>>) dst(%dma_wait3A_87 : memref<632x128xf32, #tpu.memory_space<hbm>>)
        tpu.yield
      }) : () -> ()
    } else {
    }
    %eq3A_70 = arith.constant 1 : i32
    %eq3A_71 = arith.cmpi eq, %arg0, %eq3A_70 : i32
    %eq3A_72 = arith.constant 15 : i32
    %eq3A_73 = arith.cmpi eq, %arg1, %eq3A_72 : i32
    %and3A_74 = arith.andi %eq3A_71, %eq3A_73 : i1
    %convert_element_type3A_75 = arith.extui %and3A_74 : i1 to i32
    %cond3A_76 = arith.constant 0 : i32
    %cond3A_77 = arith.cmpi ne, %convert_element_type3A_75, %cond3A_76 : i32
    scf.if %cond3A_77 {
      "tpu.region"() ({
        %run_scoped3A = tpu.sem_alloc : memref<!tpu.dma_semaphore, #tpu.memory_space<semaphore_mem>>
        %dma_start3A_78 = arith.constant 9480 : i32
        %dma_start3A_79 = arith.constant 0 : i32
        %dma_start3A_80 = tpu.memref_slice %arg7[%dma_start3A_78, %dma_start3A_79] : memref<10000x128xf32, #tpu.memory_space<hbm>> -> memref<520x128xf32, #tpu.memory_space<hbm>>
        %dma_start3A_81 = arith.constant 9480 : i32
        %dma_start3A_82 = arith.constant 0 : i32
        %dma_start3A_83 = tpu.memref_slice %arg8[%dma_start3A_81, %dma_start3A_82] : memref<10008x128xf32, #tpu.memory_space<vmem_shared>> -> memref<520x128xf32, #tpu.memory_space<vmem_shared>>
        tpu.enqueue_dma source(%dma_start3A_83 : memref<520x128xf32, #tpu.memory_space<vmem_shared>>) target(%dma_start3A_80 : memref<520x128xf32, #tpu.memory_space<hbm>>) target_semaphore(%run_scoped3A : memref<!tpu.dma_semaphore, #tpu.memory_space<semaphore_mem>>)
        %dma_wait3A_84 = arith.constant 9480 : i32
        %dma_wait3A_85 = arith.constant 0 : i32
        %dma_wait3A_86 = tpu.memref_slice %arg7[%dma_wait3A_84, %dma_wait3A_85] : memref<10000x128xf32, #tpu.memory_space<hbm>> -> memref<520x128xf32, #tpu.memory_space<hbm>>
        %dma_wait3A_87 = arith.constant 9480 : i32
        %dma_wait3A_88 = arith.constant 0 : i32
        %dma_wait3A_89 = tpu.memref_slice %arg8[%dma_wait3A_87, %dma_wait3A_88] : memref<10008x128xf32, #tpu.memory_space<vmem_shared>> -> memref<520x128xf32, #tpu.memory_space<vmem_shared>>
        tpu.wait_dma2 semaphore(%run_scoped3A : memref<!tpu.dma_semaphore, #tpu.memory_space<semaphore_mem>>) src(%dma_wait3A_89 : memref<520x128xf32, #tpu.memory_space<vmem_shared>>) dst(%dma_wait3A_86 : memref<520x128xf32, #tpu.memory_space<hbm>>)
        tpu.yield
      }) : () -> ()
    } else {
    }
    return
  }
}

#map = affine_map<(d0, d1) -> (0, 0)>
#map1 = affine_map<(d0, d1) -> (0)>
module attributes {stable_mosaic.version = 14 : i64} {
  func.func @_sc_agg_body(%arg0: i32, %arg1: i32, %arg2: memref<10000x64xi32, #tpu.memory_space<hbm>>, %arg3: memref<10000x128xf32, #tpu.memory_space<hbm>>, %arg4: memref<327680xi32, #tpu.memory_space<hbm>>, %arg5: memref<327680xi32, #tpu.memory_space<hbm>>, %arg6: memref<10000x128xf32, #tpu.memory_space<hbm>>, %arg7: memref<10000x128xf32, #tpu.memory_space<hbm>>, %arg8: memref<10008x128xf32, #tpu.memory_space<vmem_shared>>, %arg9: memref<128xi32, #tpu.memory_space<vmem>>, %arg10: memref<128xi32, #tpu.memory_space<vmem>>, %arg11: memref<128xi32, #tpu.memory_space<vmem>>, %arg12: memref<128xi32, #tpu.memory_space<vmem>>, %arg13: memref<128x64xi32, #tpu.memory_space<vmem>>, %arg14: memref<128x64xi32, #tpu.memory_space<vmem>>, %arg15: memref<128x128xf32, #tpu.memory_space<vmem>>, %arg16: memref<!tpu.dma_semaphore, #tpu.memory_space<semaphore_mem>>, %arg17: memref<!tpu.dma_semaphore, #tpu.memory_space<semaphore_mem>>) attributes {dimension_semantics = [#tpu.dimension_semantics<core_parallel>, #tpu.dimension_semantics<subcore_parallel>], iteration_bounds = array<i64: 2, 16>, scalar_prefetch = 0 : i64, scratch_operands = 10 : i64, tpu.core_type = #tpu.core_type<sc_vector_subcore>, window_params = [{transform_indices = #map}, {transform_indices = #map}, {transform_indices = #map1}, {transform_indices = #map1}, {transform_indices = #map}, {transform_indices = #map}]} {
    %lt3A = arith.constant 15 : i32
    %lt3A_0 = arith.cmpi slt, %arg1, %lt3A : i32
    %convert_element_type3A = arith.extui %lt3A_0 : i1 to i32
    %cond3A = arith.constant 0 : i32
    %cond3A_1 = arith.cmpi ne, %convert_element_type3A, %cond3A : i32
    scf.if %cond3A_1 {
      %mul3A_78 = arith.constant 632 : i32
      %mul3A_79 = arith.muli %arg1, %mul3A_78 : i32
      %mul3A_80 = arith.constant 632 : i32
      %mul3A_81 = arith.muli %arg1, %mul3A_80 : i32
      "tpu.region"() ({
        %run_scoped3A = tpu.sem_alloc : memref<!tpu.dma_semaphore, #tpu.memory_space<semaphore_mem>>
        %dma_start3A_82 = arith.constant 0 : i32
        %dma_start3A_83 = tpu.memref_slice %arg8[%mul3A_81, %dma_start3A_82] : memref<10008x128xf32, #tpu.memory_space<vmem_shared>> -> memref<632x128xf32, #tpu.memory_space<vmem_shared>>
        %dma_start3A_84 = arith.constant 0 : i32
        %dma_start3A_85 = tpu.memref_slice %arg3[%mul3A_79, %dma_start3A_84] : memref<10000x128xf32, #tpu.memory_space<hbm>> -> memref<632x128xf32, #tpu.memory_space<hbm>>
        tpu.enqueue_dma source(%dma_start3A_85 : memref<632x128xf32, #tpu.memory_space<hbm>>) target(%dma_start3A_83 : memref<632x128xf32, #tpu.memory_space<vmem_shared>>) target_semaphore(%run_scoped3A : memref<!tpu.dma_semaphore, #tpu.memory_space<semaphore_mem>>)
        %dma_wait3A_86 = arith.constant 0 : i32
        %dma_wait3A_87 = tpu.memref_slice %arg8[%mul3A_81, %dma_wait3A_86] : memref<10008x128xf32, #tpu.memory_space<vmem_shared>> -> memref<632x128xf32, #tpu.memory_space<vmem_shared>>
        %dma_wait3A_88 = arith.constant 0 : i32
        %dma_wait3A_89 = tpu.memref_slice %arg3[%mul3A_79, %dma_wait3A_88] : memref<10000x128xf32, #tpu.memory_space<hbm>> -> memref<632x128xf32, #tpu.memory_space<hbm>>
        tpu.wait_dma2 semaphore(%run_scoped3A : memref<!tpu.dma_semaphore, #tpu.memory_space<semaphore_mem>>) src(%dma_wait3A_89 : memref<632x128xf32, #tpu.memory_space<hbm>>) dst(%dma_wait3A_87 : memref<632x128xf32, #tpu.memory_space<vmem_shared>>)
        tpu.yield
      }) : () -> ()
    } else {
    }
    %eq3A = arith.constant 15 : i32
    %eq3A_2 = arith.cmpi eq, %arg1, %eq3A : i32
    %convert_element_type3A_3 = arith.extui %eq3A_2 : i1 to i32
    %cond3A_4 = arith.constant 0 : i32
    %cond3A_5 = arith.cmpi ne, %convert_element_type3A_3, %cond3A_4 : i32
    scf.if %cond3A_5 {
      "tpu.region"() ({
        %run_scoped3A = tpu.sem_alloc : memref<!tpu.dma_semaphore, #tpu.memory_space<semaphore_mem>>
        %dma_start3A_78 = arith.constant 9480 : i32
        %dma_start3A_79 = arith.constant 0 : i32
        %dma_start3A_80 = tpu.memref_slice %arg8[%dma_start3A_78, %dma_start3A_79] : memref<10008x128xf32, #tpu.memory_space<vmem_shared>> -> memref<520x128xf32, #tpu.memory_space<vmem_shared>>
        %dma_start3A_81 = arith.constant 9480 : i32
        %dma_start3A_82 = arith.constant 0 : i32
        %dma_start3A_83 = tpu.memref_slice %arg3[%dma_start3A_81, %dma_start3A_82] : memref<10000x128xf32, #tpu.memory_space<hbm>> -> memref<520x128xf32, #tpu.memory_space<hbm>>
        tpu.enqueue_dma source(%dma_start3A_83 : memref<520x128xf32, #tpu.memory_space<hbm>>) target(%dma_start3A_80 : memref<520x128xf32, #tpu.memory_space<vmem_shared>>) target_semaphore(%run_scoped3A : memref<!tpu.dma_semaphore, #tpu.memory_space<semaphore_mem>>)
        %dma_wait3A_84 = arith.constant 9480 : i32
        %dma_wait3A_85 = arith.constant 0 : i32
        %dma_wait3A_86 = tpu.memref_slice %arg8[%dma_wait3A_84, %dma_wait3A_85] : memref<10008x128xf32, #tpu.memory_space<vmem_shared>> -> memref<520x128xf32, #tpu.memory_space<vmem_shared>>
        %dma_wait3A_87 = arith.constant 9480 : i32
        %dma_wait3A_88 = arith.constant 0 : i32
        %dma_wait3A_89 = tpu.memref_slice %arg3[%dma_wait3A_87, %dma_wait3A_88] : memref<10000x128xf32, #tpu.memory_space<hbm>> -> memref<520x128xf32, #tpu.memory_space<hbm>>
        tpu.wait_dma2 semaphore(%run_scoped3A : memref<!tpu.dma_semaphore, #tpu.memory_space<semaphore_mem>>) src(%dma_wait3A_89 : memref<520x128xf32, #tpu.memory_space<hbm>>) dst(%dma_wait3A_86 : memref<520x128xf32, #tpu.memory_space<vmem_shared>>)
        tpu.yield
      }) : () -> ()
    } else {
    }
    %barrier3A = arith.constant 0 : index
    tpu.barrier barrier_id(%barrier3A)
    %mul3A = arith.constant 16 : i32
    %mul3A_6 = arith.muli %arg0, %mul3A : i32
    %add3A = arith.addi %mul3A_6, %arg1 : i32
    %mul3A_7 = arith.constant 80 : i32
    %mul3A_8 = arith.muli %add3A, %mul3A_7 : i32
    %add3A_9 = arith.constant 0 : i32
    %add3A_10 = arith.addi %mul3A_8, %add3A_9 : i32
    %mul3A_11 = arith.constant 128 : i32
    %mul3A_12 = arith.muli %add3A_10, %mul3A_11 : i32
    "tpu.region"() ({
      %run_scoped3A = tpu.sem_alloc : memref<!tpu.dma_semaphore, #tpu.memory_space<semaphore_mem>>
      %dma_start3A_78 = tpu.memref_slice %arg4[%mul3A_12] : memref<327680xi32, #tpu.memory_space<hbm>> -> memref<128xi32, #tpu.memory_space<hbm>>
      %dma_start3A_79 = tpu.memref_slice %arg4[%mul3A_12] : memref<327680xi32, #tpu.memory_space<hbm>> -> memref<128xi32, #tpu.memory_space<hbm>>
      tpu.enqueue_dma source(%dma_start3A_79 : memref<128xi32, #tpu.memory_space<hbm>>) target(%arg9 : memref<128xi32, #tpu.memory_space<vmem>>) target_semaphore(%run_scoped3A : memref<!tpu.dma_semaphore, #tpu.memory_space<semaphore_mem>>)
      %dma_wait3A_80 = tpu.memref_slice %arg4[%mul3A_12] : memref<327680xi32, #tpu.memory_space<hbm>> -> memref<128xi32, #tpu.memory_space<hbm>>
      %dma_wait3A_81 = tpu.memref_slice %arg4[%mul3A_12] : memref<327680xi32, #tpu.memory_space<hbm>> -> memref<128xi32, #tpu.memory_space<hbm>>
      tpu.wait_dma2 semaphore(%run_scoped3A : memref<!tpu.dma_semaphore, #tpu.memory_space<semaphore_mem>>) src(%dma_wait3A_81 : memref<128xi32, #tpu.memory_space<hbm>>) dst(%arg9 : memref<128xi32, #tpu.memory_space<vmem>>)
      tpu.yield
    }) : () -> ()
    "tpu.region"() ({
      %run_scoped3A = tpu.sem_alloc : memref<!tpu.dma_semaphore, #tpu.memory_space<semaphore_mem>>
      %dma_start3A_78 = tpu.memref_slice %arg5[%mul3A_12] : memref<327680xi32, #tpu.memory_space<hbm>> -> memref<128xi32, #tpu.memory_space<hbm>>
      %dma_start3A_79 = tpu.memref_slice %arg5[%mul3A_12] : memref<327680xi32, #tpu.memory_space<hbm>> -> memref<128xi32, #tpu.memory_space<hbm>>
      tpu.enqueue_dma source(%dma_start3A_79 : memref<128xi32, #tpu.memory_space<hbm>>) target(%arg10 : memref<128xi32, #tpu.memory_space<vmem>>) target_semaphore(%run_scoped3A : memref<!tpu.dma_semaphore, #tpu.memory_space<semaphore_mem>>)
      %dma_wait3A_80 = tpu.memref_slice %arg5[%mul3A_12] : memref<327680xi32, #tpu.memory_space<hbm>> -> memref<128xi32, #tpu.memory_space<hbm>>
      %dma_wait3A_81 = tpu.memref_slice %arg5[%mul3A_12] : memref<327680xi32, #tpu.memory_space<hbm>> -> memref<128xi32, #tpu.memory_space<hbm>>
      tpu.wait_dma2 semaphore(%run_scoped3A : memref<!tpu.dma_semaphore, #tpu.memory_space<semaphore_mem>>) src(%dma_wait3A_81 : memref<128xi32, #tpu.memory_space<hbm>>) dst(%arg10 : memref<128xi32, #tpu.memory_space<vmem>>)
      tpu.yield
    }) : () -> ()
    %dma_start3A = arith.constant 0 : i32
    %dma_start3A_13 = arith.constant 0 : i32
    %dma_start3A_14 = tpu.memref_slice %arg2[%dma_start3A, %dma_start3A_13] : memref<10000x64xi32, #tpu.memory_space<hbm>> -> memref<10000x64xi32, #tpu.memory_space<hbm>>
    tpu.enqueue_indirect_dma source(%dma_start3A_14 : memref<10000x64xi32, #tpu.memory_space<hbm>>) target(%arg13 : memref<128x64xi32, #tpu.memory_space<vmem>>) offsets(%arg9 : memref<128xi32, #tpu.memory_space<vmem>>) semaphore(%arg16 : memref<!tpu.dma_semaphore, #tpu.memory_space<semaphore_mem>>)
    %scan3A = arith.constant 0 : i32
    %scan3A_15 = arith.constant 0 : i32
    %scan3A_16 = arith.constant 39 : i32
    %scan3A_17 = arith.addi %scan3A_15, %scan3A_16 : i32
    %scan3A_18 = arith.constant 1 : i32
    scf.for %scan3A_78 = %scan3A_15 to %scan3A_17 step %scan3A_18  : i32 {
      %mul3A_79 = arith.constant 2 : i32
      %mul3A_80 = arith.muli %mul3A_79, %scan3A_78 : i32
      %add3A_81 = arith.constant 1 : i32
      %add3A_82 = arith.addi %mul3A_80, %add3A_81 : i32
      %mul3A_83 = arith.constant 80 : i32
      %mul3A_84 = arith.muli %add3A, %mul3A_83 : i32
      %add3A_85 = arith.addi %mul3A_84, %add3A_82 : i32
      %mul3A_86 = arith.constant 128 : i32
      %mul3A_87 = arith.muli %add3A_85, %mul3A_86 : i32
      "tpu.region"() ({
        %run_scoped3A = tpu.sem_alloc : memref<!tpu.dma_semaphore, #tpu.memory_space<semaphore_mem>>
        %dma_start3A_121 = tpu.memref_slice %arg4[%mul3A_87] : memref<327680xi32, #tpu.memory_space<hbm>> -> memref<128xi32, #tpu.memory_space<hbm>>
        %dma_start3A_122 = tpu.memref_slice %arg4[%mul3A_87] : memref<327680xi32, #tpu.memory_space<hbm>> -> memref<128xi32, #tpu.memory_space<hbm>>
        tpu.enqueue_dma source(%dma_start3A_122 : memref<128xi32, #tpu.memory_space<hbm>>) target(%arg11 : memref<128xi32, #tpu.memory_space<vmem>>) target_semaphore(%run_scoped3A : memref<!tpu.dma_semaphore, #tpu.memory_space<semaphore_mem>>)
        %dma_wait3A_123 = tpu.memref_slice %arg4[%mul3A_87] : memref<327680xi32, #tpu.memory_space<hbm>> -> memref<128xi32, #tpu.memory_space<hbm>>
        %dma_wait3A_124 = tpu.memref_slice %arg4[%mul3A_87] : memref<327680xi32, #tpu.memory_space<hbm>> -> memref<128xi32, #tpu.memory_space<hbm>>
        tpu.wait_dma2 semaphore(%run_scoped3A : memref<!tpu.dma_semaphore, #tpu.memory_space<semaphore_mem>>) src(%dma_wait3A_124 : memref<128xi32, #tpu.memory_space<hbm>>) dst(%arg11 : memref<128xi32, #tpu.memory_space<vmem>>)
        tpu.yield
      }) : () -> ()
      "tpu.region"() ({
        %run_scoped3A = tpu.sem_alloc : memref<!tpu.dma_semaphore, #tpu.memory_space<semaphore_mem>>
        %dma_start3A_121 = tpu.memref_slice %arg5[%mul3A_87] : memref<327680xi32, #tpu.memory_space<hbm>> -> memref<128xi32, #tpu.memory_space<hbm>>
        %dma_start3A_122 = tpu.memref_slice %arg5[%mul3A_87] : memref<327680xi32, #tpu.memory_space<hbm>> -> memref<128xi32, #tpu.memory_space<hbm>>
        tpu.enqueue_dma source(%dma_start3A_122 : memref<128xi32, #tpu.memory_space<hbm>>) target(%arg12 : memref<128xi32, #tpu.memory_space<vmem>>) target_semaphore(%run_scoped3A : memref<!tpu.dma_semaphore, #tpu.memory_space<semaphore_mem>>)
        %dma_wait3A_123 = tpu.memref_slice %arg5[%mul3A_87] : memref<327680xi32, #tpu.memory_space<hbm>> -> memref<128xi32, #tpu.memory_space<hbm>>
        %dma_wait3A_124 = tpu.memref_slice %arg5[%mul3A_87] : memref<327680xi32, #tpu.memory_space<hbm>> -> memref<128xi32, #tpu.memory_space<hbm>>
        tpu.wait_dma2 semaphore(%run_scoped3A : memref<!tpu.dma_semaphore, #tpu.memory_space<semaphore_mem>>) src(%dma_wait3A_124 : memref<128xi32, #tpu.memory_space<hbm>>) dst(%arg12 : memref<128xi32, #tpu.memory_space<vmem>>)
        tpu.yield
      }) : () -> ()
      %dma_start3A_88 = arith.constant 0 : i32
      %dma_start3A_89 = arith.constant 0 : i32
      %dma_start3A_90 = tpu.memref_slice %arg2[%dma_start3A_88, %dma_start3A_89] : memref<10000x64xi32, #tpu.memory_space<hbm>> -> memref<10000x64xi32, #tpu.memory_space<hbm>>
      tpu.enqueue_indirect_dma source(%dma_start3A_90 : memref<10000x64xi32, #tpu.memory_space<hbm>>) target(%arg14 : memref<128x64xi32, #tpu.memory_space<vmem>>) offsets(%arg11 : memref<128xi32, #tpu.memory_space<vmem>>) semaphore(%arg17 : memref<!tpu.dma_semaphore, #tpu.memory_space<semaphore_mem>>)
      %dma_wait3A_91 = arith.constant 0 : i32
      %dma_wait3A_92 = arith.constant 0 : i32
      %dma_wait3A_93 = tpu.memref_slice %arg2[%dma_wait3A_91, %dma_wait3A_92] : memref<10000x64xi32, #tpu.memory_space<hbm>> -> memref<10000x64xi32, #tpu.memory_space<hbm>>
      tpu.wait_indirect_dma semaphore(%arg16 : memref<!tpu.dma_semaphore, #tpu.memory_space<semaphore_mem>>) src(%dma_wait3A_93 : memref<10000x64xi32, #tpu.memory_space<hbm>>) dst(%arg13 : memref<128x64xi32, #tpu.memory_space<vmem>>)
      %scan3A_94 = arith.constant 0 : i32
      %scan3A_95 = arith.constant 0 : i32
      %scan3A_96 = arith.constant 128 : i32
      %scan3A_97 = arith.addi %scan3A_95, %scan3A_96 : i32
      %scan3A_98 = arith.constant 1 : i32
      scf.for %scan3A_121 = %scan3A_95 to %scan3A_97 step %scan3A_98  : i32 {
        %get3A = arith.index_cast %scan3A_121 : i32 to index
        %get3A_122 = arith.constant 0 : index
        %get3A_123 = tpu.vector_load %arg13[%get3A, %get3A_122] {strides = array<i32>} : memref<128x64xi32, #tpu.memory_space<vmem>>, vector<1x16xi32>,
        %get3A_124 = vector.shape_cast %get3A_123 : vector<1x16xi32> to vector<16xi32>
        %shift_left3A = arith.constant 16 : i32
        %shift_left3A_125 = vector.broadcast %shift_left3A : i32 to vector<16xi32>
        %shift_left3A_126 = arith.shli %get3A_124, %shift_left3A_125 : vector<16xi32>
        %bitcast_convert_type3A = tpu.bitcast %shift_left3A_126 : vector<16xi32> -> vector<16xf32>
        %and3A_127 = arith.constant -65536 : i32
        %and3A_128 = vector.broadcast %and3A_127 : i32 to vector<16xi32>
        %and3A_129 = arith.andi %get3A_124, %and3A_128 : vector<16xi32>
        %bitcast_convert_type3A_130 = tpu.bitcast %and3A_129 : vector<16xi32> -> vector<16xf32>
        %swap3A = arith.index_cast %scan3A_121 : i32 to index
        %swap3A_131 = arith.constant 0 : index
        %swap3A_132 = tpu.vector_load %arg15[%swap3A, %swap3A_131] {strides = array<i32>} : memref<128x128xf32, #tpu.memory_space<vmem>>, vector<1x16xf32>,
        %swap3A_133 = vector.shape_cast %swap3A_132 : vector<1x16xf32> to vector<16xf32>
        %swap3A_134 = vector.shape_cast %bitcast_convert_type3A : vector<16xf32> to vector<1x16xf32>
        tpu.vector_store %arg15[%swap3A, %swap3A_131], %swap3A_134 {strides = array<i32>} : memref<128x128xf32, #tpu.memory_space<vmem>>, vector<1x16xf32>,
        %swap3A_135 = arith.index_cast %scan3A_121 : i32 to index
        %swap3A_136 = arith.constant 16 : index
        %swap3A_137 = tpu.vector_load %arg15[%swap3A_135, %swap3A_136] {strides = array<i32>} : memref<128x128xf32, #tpu.memory_space<vmem>>, vector<1x16xf32>,
        %swap3A_138 = vector.shape_cast %swap3A_137 : vector<1x16xf32> to vector<16xf32>
        %swap3A_139 = vector.shape_cast %bitcast_convert_type3A_130 : vector<16xf32> to vector<1x16xf32>
        tpu.vector_store %arg15[%swap3A_135, %swap3A_136], %swap3A_139 {strides = array<i32>} : memref<128x128xf32, #tpu.memory_space<vmem>>, vector<1x16xf32>,
        %get3A_140 = arith.index_cast %scan3A_121 : i32 to index
        %get3A_141 = arith.constant 16 : index
        %get3A_142 = tpu.vector_load %arg13[%get3A_140, %get3A_141] {strides = array<i32>} : memref<128x64xi32, #tpu.memory_space<vmem>>, vector<1x16xi32>,
        %get3A_143 = vector.shape_cast %get3A_142 : vector<1x16xi32> to vector<16xi32>
        %shift_left3A_144 = arith.constant 16 : i32
        %shift_left3A_145 = vector.broadcast %shift_left3A_144 : i32 to vector<16xi32>
        %shift_left3A_146 = arith.shli %get3A_143, %shift_left3A_145 : vector<16xi32>
        %bitcast_convert_type3A_147 = tpu.bitcast %shift_left3A_146 : vector<16xi32> -> vector<16xf32>
        %and3A_148 = arith.constant -65536 : i32
        %and3A_149 = vector.broadcast %and3A_148 : i32 to vector<16xi32>
        %and3A_150 = arith.andi %get3A_143, %and3A_149 : vector<16xi32>
        %bitcast_convert_type3A_151 = tpu.bitcast %and3A_150 : vector<16xi32> -> vector<16xf32>
        %swap3A_152 = arith.index_cast %scan3A_121 : i32 to index
        %swap3A_153 = arith.constant 32 : index
        %swap3A_154 = tpu.vector_load %arg15[%swap3A_152, %swap3A_153] {strides = array<i32>} : memref<128x128xf32, #tpu.memory_space<vmem>>, vector<1x16xf32>,
        %swap3A_155 = vector.shape_cast %swap3A_154 : vector<1x16xf32> to vector<16xf32>
        %swap3A_156 = vector.shape_cast %bitcast_convert_type3A_147 : vector<16xf32> to vector<1x16xf32>
        tpu.vector_store %arg15[%swap3A_152, %swap3A_153], %swap3A_156 {strides = array<i32>} : memref<128x128xf32, #tpu.memory_space<vmem>>, vector<1x16xf32>,
        %swap3A_157 = arith.index_cast %scan3A_121 : i32 to index
        %swap3A_158 = arith.constant 48 : index
        %swap3A_159 = tpu.vector_load %arg15[%swap3A_157, %swap3A_158] {strides = array<i32>} : memref<128x128xf32, #tpu.memory_space<vmem>>, vector<1x16xf32>,
        %swap3A_160 = vector.shape_cast %swap3A_159 : vector<1x16xf32> to vector<16xf32>
        %swap3A_161 = vector.shape_cast %bitcast_convert_type3A_151 : vector<16xf32> to vector<1x16xf32>
        tpu.vector_store %arg15[%swap3A_157, %swap3A_158], %swap3A_161 {strides = array<i32>} : memref<128x128xf32, #tpu.memory_space<vmem>>, vector<1x16xf32>,
        %get3A_162 = arith.index_cast %scan3A_121 : i32 to index
        %get3A_163 = arith.constant 32 : index
        %get3A_164 = tpu.vector_load %arg13[%get3A_162, %get3A_163] {strides = array<i32>} : memref<128x64xi32, #tpu.memory_space<vmem>>, vector<1x16xi32>,
        %get3A_165 = vector.shape_cast %get3A_164 : vector<1x16xi32> to vector<16xi32>
        %shift_left3A_166 = arith.constant 16 : i32
        %shift_left3A_167 = vector.broadcast %shift_left3A_166 : i32 to vector<16xi32>
        %shift_left3A_168 = arith.shli %get3A_165, %shift_left3A_167 : vector<16xi32>
        %bitcast_convert_type3A_169 = tpu.bitcast %shift_left3A_168 : vector<16xi32> -> vector<16xf32>
        %and3A_170 = arith.constant -65536 : i32
        %and3A_171 = vector.broadcast %and3A_170 : i32 to vector<16xi32>
        %and3A_172 = arith.andi %get3A_165, %and3A_171 : vector<16xi32>
        %bitcast_convert_type3A_173 = tpu.bitcast %and3A_172 : vector<16xi32> -> vector<16xf32>
        %swap3A_174 = arith.index_cast %scan3A_121 : i32 to index
        %swap3A_175 = arith.constant 64 : index
        %swap3A_176 = tpu.vector_load %arg15[%swap3A_174, %swap3A_175] {strides = array<i32>} : memref<128x128xf32, #tpu.memory_space<vmem>>, vector<1x16xf32>,
        %swap3A_177 = vector.shape_cast %swap3A_176 : vector<1x16xf32> to vector<16xf32>
        %swap3A_178 = vector.shape_cast %bitcast_convert_type3A_169 : vector<16xf32> to vector<1x16xf32>
        tpu.vector_store %arg15[%swap3A_174, %swap3A_175], %swap3A_178 {strides = array<i32>} : memref<128x128xf32, #tpu.memory_space<vmem>>, vector<1x16xf32>,
        %swap3A_179 = arith.index_cast %scan3A_121 : i32 to index
        %swap3A_180 = arith.constant 80 : index
        %swap3A_181 = tpu.vector_load %arg15[%swap3A_179, %swap3A_180] {strides = array<i32>} : memref<128x128xf32, #tpu.memory_space<vmem>>, vector<1x16xf32>,
        %swap3A_182 = vector.shape_cast %swap3A_181 : vector<1x16xf32> to vector<16xf32>
        %swap3A_183 = vector.shape_cast %bitcast_convert_type3A_173 : vector<16xf32> to vector<1x16xf32>
        tpu.vector_store %arg15[%swap3A_179, %swap3A_180], %swap3A_183 {strides = array<i32>} : memref<128x128xf32, #tpu.memory_space<vmem>>, vector<1x16xf32>,
        %get3A_184 = arith.index_cast %scan3A_121 : i32 to index
        %get3A_185 = arith.constant 48 : index
        %get3A_186 = tpu.vector_load %arg13[%get3A_184, %get3A_185] {strides = array<i32>} : memref<128x64xi32, #tpu.memory_space<vmem>>, vector<1x16xi32>,
        %get3A_187 = vector.shape_cast %get3A_186 : vector<1x16xi32> to vector<16xi32>
        %shift_left3A_188 = arith.constant 16 : i32
        %shift_left3A_189 = vector.broadcast %shift_left3A_188 : i32 to vector<16xi32>
        %shift_left3A_190 = arith.shli %get3A_187, %shift_left3A_189 : vector<16xi32>
        %bitcast_convert_type3A_191 = tpu.bitcast %shift_left3A_190 : vector<16xi32> -> vector<16xf32>
        %and3A_192 = arith.constant -65536 : i32
        %and3A_193 = vector.broadcast %and3A_192 : i32 to vector<16xi32>
        %and3A_194 = arith.andi %get3A_187, %and3A_193 : vector<16xi32>
        %bitcast_convert_type3A_195 = tpu.bitcast %and3A_194 : vector<16xi32> -> vector<16xf32>
        %swap3A_196 = arith.index_cast %scan3A_121 : i32 to index
        %swap3A_197 = arith.constant 96 : index
        %swap3A_198 = tpu.vector_load %arg15[%swap3A_196, %swap3A_197] {strides = array<i32>} : memref<128x128xf32, #tpu.memory_space<vmem>>, vector<1x16xf32>,
        %swap3A_199 = vector.shape_cast %swap3A_198 : vector<1x16xf32> to vector<16xf32>
        %swap3A_200 = vector.shape_cast %bitcast_convert_type3A_191 : vector<16xf32> to vector<1x16xf32>
        tpu.vector_store %arg15[%swap3A_196, %swap3A_197], %swap3A_200 {strides = array<i32>} : memref<128x128xf32, #tpu.memory_space<vmem>>, vector<1x16xf32>,
        %swap3A_201 = arith.index_cast %scan3A_121 : i32 to index
        %swap3A_202 = arith.constant 112 : index
        %swap3A_203 = tpu.vector_load %arg15[%swap3A_201, %swap3A_202] {strides = array<i32>} : memref<128x128xf32, #tpu.memory_space<vmem>>, vector<1x16xf32>,
        %swap3A_204 = vector.shape_cast %swap3A_203 : vector<1x16xf32> to vector<16xf32>
        %swap3A_205 = vector.shape_cast %bitcast_convert_type3A_195 : vector<16xf32> to vector<1x16xf32>
        tpu.vector_store %arg15[%swap3A_201, %swap3A_202], %swap3A_205 {strides = array<i32>} : memref<128x128xf32, #tpu.memory_space<vmem>>, vector<1x16xf32>,
      }
      %scan3A_99 = arith.constant 128 : i32
      "tpu.region"() ({
        %run_scoped3A = tpu.sem_alloc : memref<!tpu.dma_semaphore, #tpu.memory_space<semaphore_mem>>
        %dma_start3A_121 = arith.constant 0 : i32
        %dma_start3A_122 = arith.constant 0 : i32
        %dma_start3A_123 = tpu.memref_slice %arg8[%dma_start3A_121, %dma_start3A_122] : memref<10008x128xf32, #tpu.memory_space<vmem_shared>> -> memref<10008x128xf32, #tpu.memory_space<vmem_shared>>
        tpu.enqueue_indirect_dma source(%arg15 : memref<128x128xf32, #tpu.memory_space<vmem>>) target(%dma_start3A_123 : memref<10008x128xf32, #tpu.memory_space<vmem_shared>>) offsets(%arg10 : memref<128xi32, #tpu.memory_space<vmem>>) semaphore(%run_scoped3A : memref<!tpu.dma_semaphore, #tpu.memory_space<semaphore_mem>>) {add = true}
        %dma_wait3A_124 = arith.constant 0 : i32
        %dma_wait3A_125 = arith.constant 0 : i32
        %dma_wait3A_126 = tpu.memref_slice %arg8[%dma_wait3A_124, %dma_wait3A_125] : memref<10008x128xf32, #tpu.memory_space<vmem_shared>> -> memref<10008x128xf32, #tpu.memory_space<vmem_shared>>
        tpu.wait_indirect_dma semaphore(%run_scoped3A : memref<!tpu.dma_semaphore, #tpu.memory_space<semaphore_mem>>) src(%arg15 : memref<128x128xf32, #tpu.memory_space<vmem>>) dst(%dma_wait3A_126 : memref<10008x128xf32, #tpu.memory_space<vmem_shared>>)
        tpu.yield
      }) : () -> ()
      %mul3A_100 = arith.constant 2 : i32
      %mul3A_101 = arith.muli %mul3A_100, %scan3A_78 : i32
      %add3A_102 = arith.constant 2 : i32
      %add3A_103 = arith.addi %mul3A_101, %add3A_102 : i32
      %mul3A_104 = arith.constant 80 : i32
      %mul3A_105 = arith.muli %add3A, %mul3A_104 : i32
      %add3A_106 = arith.addi %mul3A_105, %add3A_103 : i32
      %mul3A_107 = arith.constant 128 : i32
      %mul3A_108 = arith.muli %add3A_106, %mul3A_107 : i32
      "tpu.region"() ({
        %run_scoped3A = tpu.sem_alloc : memref<!tpu.dma_semaphore, #tpu.memory_space<semaphore_mem>>
        %dma_start3A_121 = tpu.memref_slice %arg4[%mul3A_108] : memref<327680xi32, #tpu.memory_space<hbm>> -> memref<128xi32, #tpu.memory_space<hbm>>
        %dma_start3A_122 = tpu.memref_slice %arg4[%mul3A_108] : memref<327680xi32, #tpu.memory_space<hbm>> -> memref<128xi32, #tpu.memory_space<hbm>>
        tpu.enqueue_dma source(%dma_start3A_122 : memref<128xi32, #tpu.memory_space<hbm>>) target(%arg9 : memref<128xi32, #tpu.memory_space<vmem>>) target_semaphore(%run_scoped3A : memref<!tpu.dma_semaphore, #tpu.memory_space<semaphore_mem>>)
        %dma_wait3A_123 = tpu.memref_slice %arg4[%mul3A_108] : memref<327680xi32, #tpu.memory_space<hbm>> -> memref<128xi32, #tpu.memory_space<hbm>>
        %dma_wait3A_124 = tpu.memref_slice %arg4[%mul3A_108] : memref<327680xi32, #tpu.memory_space<hbm>> -> memref<128xi32, #tpu.memory_space<hbm>>
        tpu.wait_dma2 semaphore(%run_scoped3A : memref<!tpu.dma_semaphore, #tpu.memory_space<semaphore_mem>>) src(%dma_wait3A_124 : memref<128xi32, #tpu.memory_space<hbm>>) dst(%arg9 : memref<128xi32, #tpu.memory_space<vmem>>)
        tpu.yield
      }) : () -> ()
      "tpu.region"() ({
        %run_scoped3A = tpu.sem_alloc : memref<!tpu.dma_semaphore, #tpu.memory_space<semaphore_mem>>
        %dma_start3A_121 = tpu.memref_slice %arg5[%mul3A_108] : memref<327680xi32, #tpu.memory_space<hbm>> -> memref<128xi32, #tpu.memory_space<hbm>>
        %dma_start3A_122 = tpu.memref_slice %arg5[%mul3A_108] : memref<327680xi32, #tpu.memory_space<hbm>> -> memref<128xi32, #tpu.memory_space<hbm>>
        tpu.enqueue_dma source(%dma_start3A_122 : memref<128xi32, #tpu.memory_space<hbm>>) target(%arg10 : memref<128xi32, #tpu.memory_space<vmem>>) target_semaphore(%run_scoped3A : memref<!tpu.dma_semaphore, #tpu.memory_space<semaphore_mem>>)
        %dma_wait3A_123 = tpu.memref_slice %arg5[%mul3A_108] : memref<327680xi32, #tpu.memory_space<hbm>> -> memref<128xi32, #tpu.memory_space<hbm>>
        %dma_wait3A_124 = tpu.memref_slice %arg5[%mul3A_108] : memref<327680xi32, #tpu.memory_space<hbm>> -> memref<128xi32, #tpu.memory_space<hbm>>
        tpu.wait_dma2 semaphore(%run_scoped3A : memref<!tpu.dma_semaphore, #tpu.memory_space<semaphore_mem>>) src(%dma_wait3A_124 : memref<128xi32, #tpu.memory_space<hbm>>) dst(%arg10 : memref<128xi32, #tpu.memory_space<vmem>>)
        tpu.yield
      }) : () -> ()
      %dma_start3A_109 = arith.constant 0 : i32
      %dma_start3A_110 = arith.constant 0 : i32
      %dma_start3A_111 = tpu.memref_slice %arg2[%dma_start3A_109, %dma_start3A_110] : memref<10000x64xi32, #tpu.memory_space<hbm>> -> memref<10000x64xi32, #tpu.memory_space<hbm>>
      tpu.enqueue_indirect_dma source(%dma_start3A_111 : memref<10000x64xi32, #tpu.memory_space<hbm>>) target(%arg13 : memref<128x64xi32, #tpu.memory_space<vmem>>) offsets(%arg9 : memref<128xi32, #tpu.memory_space<vmem>>) semaphore(%arg16 : memref<!tpu.dma_semaphore, #tpu.memory_space<semaphore_mem>>)
      %dma_wait3A_112 = arith.constant 0 : i32
      %dma_wait3A_113 = arith.constant 0 : i32
      %dma_wait3A_114 = tpu.memref_slice %arg2[%dma_wait3A_112, %dma_wait3A_113] : memref<10000x64xi32, #tpu.memory_space<hbm>> -> memref<10000x64xi32, #tpu.memory_space<hbm>>
      tpu.wait_indirect_dma semaphore(%arg17 : memref<!tpu.dma_semaphore, #tpu.memory_space<semaphore_mem>>) src(%dma_wait3A_114 : memref<10000x64xi32, #tpu.memory_space<hbm>>) dst(%arg14 : memref<128x64xi32, #tpu.memory_space<vmem>>)
      %scan3A_115 = arith.constant 0 : i32
      %scan3A_116 = arith.constant 0 : i32
      %scan3A_117 = arith.constant 128 : i32
      %scan3A_118 = arith.addi %scan3A_116, %scan3A_117 : i32
      %scan3A_119 = arith.constant 1 : i32
      scf.for %scan3A_121 = %scan3A_116 to %scan3A_118 step %scan3A_119  : i32 {
        %get3A = arith.index_cast %scan3A_121 : i32 to index
        %get3A_122 = arith.constant 0 : index
        %get3A_123 = tpu.vector_load %arg14[%get3A, %get3A_122] {strides = array<i32>} : memref<128x64xi32, #tpu.memory_space<vmem>>, vector<1x16xi32>,
        %get3A_124 = vector.shape_cast %get3A_123 : vector<1x16xi32> to vector<16xi32>
        %shift_left3A = arith.constant 16 : i32
        %shift_left3A_125 = vector.broadcast %shift_left3A : i32 to vector<16xi32>
        %shift_left3A_126 = arith.shli %get3A_124, %shift_left3A_125 : vector<16xi32>
        %bitcast_convert_type3A = tpu.bitcast %shift_left3A_126 : vector<16xi32> -> vector<16xf32>
        %and3A_127 = arith.constant -65536 : i32
        %and3A_128 = vector.broadcast %and3A_127 : i32 to vector<16xi32>
        %and3A_129 = arith.andi %get3A_124, %and3A_128 : vector<16xi32>
        %bitcast_convert_type3A_130 = tpu.bitcast %and3A_129 : vector<16xi32> -> vector<16xf32>
        %swap3A = arith.index_cast %scan3A_121 : i32 to index
        %swap3A_131 = arith.constant 0 : index
        %swap3A_132 = tpu.vector_load %arg15[%swap3A, %swap3A_131] {strides = array<i32>} : memref<128x128xf32, #tpu.memory_space<vmem>>, vector<1x16xf32>,
        %swap3A_133 = vector.shape_cast %swap3A_132 : vector<1x16xf32> to vector<16xf32>
        %swap3A_134 = vector.shape_cast %bitcast_convert_type3A : vector<16xf32> to vector<1x16xf32>
        tpu.vector_store %arg15[%swap3A, %swap3A_131], %swap3A_134 {strides = array<i32>} : memref<128x128xf32, #tpu.memory_space<vmem>>, vector<1x16xf32>,
        %swap3A_135 = arith.index_cast %scan3A_121 : i32 to index
        %swap3A_136 = arith.constant 16 : index
        %swap3A_137 = tpu.vector_load %arg15[%swap3A_135, %swap3A_136] {strides = array<i32>} : memref<128x128xf32, #tpu.memory_space<vmem>>, vector<1x16xf32>,
        %swap3A_138 = vector.shape_cast %swap3A_137 : vector<1x16xf32> to vector<16xf32>
        %swap3A_139 = vector.shape_cast %bitcast_convert_type3A_130 : vector<16xf32> to vector<1x16xf32>
        tpu.vector_store %arg15[%swap3A_135, %swap3A_136], %swap3A_139 {strides = array<i32>} : memref<128x128xf32, #tpu.memory_space<vmem>>, vector<1x16xf32>,
        %get3A_140 = arith.index_cast %scan3A_121 : i32 to index
        %get3A_141 = arith.constant 16 : index
        %get3A_142 = tpu.vector_load %arg14[%get3A_140, %get3A_141] {strides = array<i32>} : memref<128x64xi32, #tpu.memory_space<vmem>>, vector<1x16xi32>,
        %get3A_143 = vector.shape_cast %get3A_142 : vector<1x16xi32> to vector<16xi32>
        %shift_left3A_144 = arith.constant 16 : i32
        %shift_left3A_145 = vector.broadcast %shift_left3A_144 : i32 to vector<16xi32>
        %shift_left3A_146 = arith.shli %get3A_143, %shift_left3A_145 : vector<16xi32>
        %bitcast_convert_type3A_147 = tpu.bitcast %shift_left3A_146 : vector<16xi32> -> vector<16xf32>
        %and3A_148 = arith.constant -65536 : i32
        %and3A_149 = vector.broadcast %and3A_148 : i32 to vector<16xi32>
        %and3A_150 = arith.andi %get3A_143, %and3A_149 : vector<16xi32>
        %bitcast_convert_type3A_151 = tpu.bitcast %and3A_150 : vector<16xi32> -> vector<16xf32>
        %swap3A_152 = arith.index_cast %scan3A_121 : i32 to index
        %swap3A_153 = arith.constant 32 : index
        %swap3A_154 = tpu.vector_load %arg15[%swap3A_152, %swap3A_153] {strides = array<i32>} : memref<128x128xf32, #tpu.memory_space<vmem>>, vector<1x16xf32>,
        %swap3A_155 = vector.shape_cast %swap3A_154 : vector<1x16xf32> to vector<16xf32>
        %swap3A_156 = vector.shape_cast %bitcast_convert_type3A_147 : vector<16xf32> to vector<1x16xf32>
        tpu.vector_store %arg15[%swap3A_152, %swap3A_153], %swap3A_156 {strides = array<i32>} : memref<128x128xf32, #tpu.memory_space<vmem>>, vector<1x16xf32>,
        %swap3A_157 = arith.index_cast %scan3A_121 : i32 to index
        %swap3A_158 = arith.constant 48 : index
        %swap3A_159 = tpu.vector_load %arg15[%swap3A_157, %swap3A_158] {strides = array<i32>} : memref<128x128xf32, #tpu.memory_space<vmem>>, vector<1x16xf32>,
        %swap3A_160 = vector.shape_cast %swap3A_159 : vector<1x16xf32> to vector<16xf32>
        %swap3A_161 = vector.shape_cast %bitcast_convert_type3A_151 : vector<16xf32> to vector<1x16xf32>
        tpu.vector_store %arg15[%swap3A_157, %swap3A_158], %swap3A_161 {strides = array<i32>} : memref<128x128xf32, #tpu.memory_space<vmem>>, vector<1x16xf32>,
        %get3A_162 = arith.index_cast %scan3A_121 : i32 to index
        %get3A_163 = arith.constant 32 : index
        %get3A_164 = tpu.vector_load %arg14[%get3A_162, %get3A_163] {strides = array<i32>} : memref<128x64xi32, #tpu.memory_space<vmem>>, vector<1x16xi32>,
        %get3A_165 = vector.shape_cast %get3A_164 : vector<1x16xi32> to vector<16xi32>
        %shift_left3A_166 = arith.constant 16 : i32
        %shift_left3A_167 = vector.broadcast %shift_left3A_166 : i32 to vector<16xi32>
        %shift_left3A_168 = arith.shli %get3A_165, %shift_left3A_167 : vector<16xi32>
        %bitcast_convert_type3A_169 = tpu.bitcast %shift_left3A_168 : vector<16xi32> -> vector<16xf32>
        %and3A_170 = arith.constant -65536 : i32
        %and3A_171 = vector.broadcast %and3A_170 : i32 to vector<16xi32>
        %and3A_172 = arith.andi %get3A_165, %and3A_171 : vector<16xi32>
        %bitcast_convert_type3A_173 = tpu.bitcast %and3A_172 : vector<16xi32> -> vector<16xf32>
        %swap3A_174 = arith.index_cast %scan3A_121 : i32 to index
        %swap3A_175 = arith.constant 64 : index
        %swap3A_176 = tpu.vector_load %arg15[%swap3A_174, %swap3A_175] {strides = array<i32>} : memref<128x128xf32, #tpu.memory_space<vmem>>, vector<1x16xf32>,
        %swap3A_177 = vector.shape_cast %swap3A_176 : vector<1x16xf32> to vector<16xf32>
        %swap3A_178 = vector.shape_cast %bitcast_convert_type3A_169 : vector<16xf32> to vector<1x16xf32>
        tpu.vector_store %arg15[%swap3A_174, %swap3A_175], %swap3A_178 {strides = array<i32>} : memref<128x128xf32, #tpu.memory_space<vmem>>, vector<1x16xf32>,
        %swap3A_179 = arith.index_cast %scan3A_121 : i32 to index
        %swap3A_180 = arith.constant 80 : index
        %swap3A_181 = tpu.vector_load %arg15[%swap3A_179, %swap3A_180] {strides = array<i32>} : memref<128x128xf32, #tpu.memory_space<vmem>>, vector<1x16xf32>,
        %swap3A_182 = vector.shape_cast %swap3A_181 : vector<1x16xf32> to vector<16xf32>
        %swap3A_183 = vector.shape_cast %bitcast_convert_type3A_173 : vector<16xf32> to vector<1x16xf32>
        tpu.vector_store %arg15[%swap3A_179, %swap3A_180], %swap3A_183 {strides = array<i32>} : memref<128x128xf32, #tpu.memory_space<vmem>>, vector<1x16xf32>,
        %get3A_184 = arith.index_cast %scan3A_121 : i32 to index
        %get3A_185 = arith.constant 48 : index
        %get3A_186 = tpu.vector_load %arg14[%get3A_184, %get3A_185] {strides = array<i32>} : memref<128x64xi32, #tpu.memory_space<vmem>>, vector<1x16xi32>,
        %get3A_187 = vector.shape_cast %get3A_186 : vector<1x16xi32> to vector<16xi32>
        %shift_left3A_188 = arith.constant 16 : i32
        %shift_left3A_189 = vector.broadcast %shift_left3A_188 : i32 to vector<16xi32>
        %shift_left3A_190 = arith.shli %get3A_187, %shift_left3A_189 : vector<16xi32>
        %bitcast_convert_type3A_191 = tpu.bitcast %shift_left3A_190 : vector<16xi32> -> vector<16xf32>
        %and3A_192 = arith.constant -65536 : i32
        %and3A_193 = vector.broadcast %and3A_192 : i32 to vector<16xi32>
        %and3A_194 = arith.andi %get3A_187, %and3A_193 : vector<16xi32>
        %bitcast_convert_type3A_195 = tpu.bitcast %and3A_194 : vector<16xi32> -> vector<16xf32>
        %swap3A_196 = arith.index_cast %scan3A_121 : i32 to index
        %swap3A_197 = arith.constant 96 : index
        %swap3A_198 = tpu.vector_load %arg15[%swap3A_196, %swap3A_197] {strides = array<i32>} : memref<128x128xf32, #tpu.memory_space<vmem>>, vector<1x16xf32>,
        %swap3A_199 = vector.shape_cast %swap3A_198 : vector<1x16xf32> to vector<16xf32>
        %swap3A_200 = vector.shape_cast %bitcast_convert_type3A_191 : vector<16xf32> to vector<1x16xf32>
        tpu.vector_store %arg15[%swap3A_196, %swap3A_197], %swap3A_200 {strides = array<i32>} : memref<128x128xf32, #tpu.memory_space<vmem>>, vector<1x16xf32>,
        %swap3A_201 = arith.index_cast %scan3A_121 : i32 to index
        %swap3A_202 = arith.constant 112 : index
        %swap3A_203 = tpu.vector_load %arg15[%swap3A_201, %swap3A_202] {strides = array<i32>} : memref<128x128xf32, #tpu.memory_space<vmem>>, vector<1x16xf32>,
        %swap3A_204 = vector.shape_cast %swap3A_203 : vector<1x16xf32> to vector<16xf32>
        %swap3A_205 = vector.shape_cast %bitcast_convert_type3A_195 : vector<16xf32> to vector<1x16xf32>
        tpu.vector_store %arg15[%swap3A_201, %swap3A_202], %swap3A_205 {strides = array<i32>} : memref<128x128xf32, #tpu.memory_space<vmem>>, vector<1x16xf32>,
      }
      %scan3A_120 = arith.constant 128 : i32
      "tpu.region"() ({
        %run_scoped3A = tpu.sem_alloc : memref<!tpu.dma_semaphore, #tpu.memory_space<semaphore_mem>>
        %dma_start3A_121 = arith.constant 0 : i32
        %dma_start3A_122 = arith.constant 0 : i32
        %dma_start3A_123 = tpu.memref_slice %arg8[%dma_start3A_121, %dma_start3A_122] : memref<10008x128xf32, #tpu.memory_space<vmem_shared>> -> memref<10008x128xf32, #tpu.memory_space<vmem_shared>>
        tpu.enqueue_indirect_dma source(%arg15 : memref<128x128xf32, #tpu.memory_space<vmem>>) target(%dma_start3A_123 : memref<10008x128xf32, #tpu.memory_space<vmem_shared>>) offsets(%arg12 : memref<128xi32, #tpu.memory_space<vmem>>) semaphore(%run_scoped3A : memref<!tpu.dma_semaphore, #tpu.memory_space<semaphore_mem>>) {add = true}
        %dma_wait3A_124 = arith.constant 0 : i32
        %dma_wait3A_125 = arith.constant 0 : i32
        %dma_wait3A_126 = tpu.memref_slice %arg8[%dma_wait3A_124, %dma_wait3A_125] : memref<10008x128xf32, #tpu.memory_space<vmem_shared>> -> memref<10008x128xf32, #tpu.memory_space<vmem_shared>>
        tpu.wait_indirect_dma semaphore(%run_scoped3A : memref<!tpu.dma_semaphore, #tpu.memory_space<semaphore_mem>>) src(%arg15 : memref<128x128xf32, #tpu.memory_space<vmem>>) dst(%dma_wait3A_126 : memref<10008x128xf32, #tpu.memory_space<vmem_shared>>)
        tpu.yield
      }) : () -> ()
    }
    %scan3A_19 = arith.constant 39 : i32
    %mul3A_20 = arith.constant 80 : i32
    %mul3A_21 = arith.muli %add3A, %mul3A_20 : i32
    %add3A_22 = arith.constant 79 : i32
    %add3A_23 = arith.addi %mul3A_21, %add3A_22 : i32
    %mul3A_24 = arith.constant 128 : i32
    %mul3A_25 = arith.muli %add3A_23, %mul3A_24 : i32
    "tpu.region"() ({
      %run_scoped3A = tpu.sem_alloc : memref<!tpu.dma_semaphore, #tpu.memory_space<semaphore_mem>>
      %dma_start3A_78 = tpu.memref_slice %arg4[%mul3A_25] : memref<327680xi32, #tpu.memory_space<hbm>> -> memref<128xi32, #tpu.memory_space<hbm>>
      %dma_start3A_79 = tpu.memref_slice %arg4[%mul3A_25] : memref<327680xi32, #tpu.memory_space<hbm>> -> memref<128xi32, #tpu.memory_space<hbm>>
      tpu.enqueue_dma source(%dma_start3A_79 : memref<128xi32, #tpu.memory_space<hbm>>) target(%arg11 : memref<128xi32, #tpu.memory_space<vmem>>) target_semaphore(%run_scoped3A : memref<!tpu.dma_semaphore, #tpu.memory_space<semaphore_mem>>)
      %dma_wait3A_80 = tpu.memref_slice %arg4[%mul3A_25] : memref<327680xi32, #tpu.memory_space<hbm>> -> memref<128xi32, #tpu.memory_space<hbm>>
      %dma_wait3A_81 = tpu.memref_slice %arg4[%mul3A_25] : memref<327680xi32, #tpu.memory_space<hbm>> -> memref<128xi32, #tpu.memory_space<hbm>>
      tpu.wait_dma2 semaphore(%run_scoped3A : memref<!tpu.dma_semaphore, #tpu.memory_space<semaphore_mem>>) src(%dma_wait3A_81 : memref<128xi32, #tpu.memory_space<hbm>>) dst(%arg11 : memref<128xi32, #tpu.memory_space<vmem>>)
      tpu.yield
    }) : () -> ()
    "tpu.region"() ({
      %run_scoped3A = tpu.sem_alloc : memref<!tpu.dma_semaphore, #tpu.memory_space<semaphore_mem>>
      %dma_start3A_78 = tpu.memref_slice %arg5[%mul3A_25] : memref<327680xi32, #tpu.memory_space<hbm>> -> memref<128xi32, #tpu.memory_space<hbm>>
      %dma_start3A_79 = tpu.memref_slice %arg5[%mul3A_25] : memref<327680xi32, #tpu.memory_space<hbm>> -> memref<128xi32, #tpu.memory_space<hbm>>
      tpu.enqueue_dma source(%dma_start3A_79 : memref<128xi32, #tpu.memory_space<hbm>>) target(%arg12 : memref<128xi32, #tpu.memory_space<vmem>>) target_semaphore(%run_scoped3A : memref<!tpu.dma_semaphore, #tpu.memory_space<semaphore_mem>>)
      %dma_wait3A_80 = tpu.memref_slice %arg5[%mul3A_25] : memref<327680xi32, #tpu.memory_space<hbm>> -> memref<128xi32, #tpu.memory_space<hbm>>
      %dma_wait3A_81 = tpu.memref_slice %arg5[%mul3A_25] : memref<327680xi32, #tpu.memory_space<hbm>> -> memref<128xi32, #tpu.memory_space<hbm>>
      tpu.wait_dma2 semaphore(%run_scoped3A : memref<!tpu.dma_semaphore, #tpu.memory_space<semaphore_mem>>) src(%dma_wait3A_81 : memref<128xi32, #tpu.memory_space<hbm>>) dst(%arg12 : memref<128xi32, #tpu.memory_space<vmem>>)
      tpu.yield
    }) : () -> ()
    %dma_start3A_26 = arith.constant 0 : i32
    %dma_start3A_27 = arith.constant 0 : i32
    %dma_start3A_28 = tpu.memref_slice %arg2[%dma_start3A_26, %dma_start3A_27] : memref<10000x64xi32, #tpu.memory_space<hbm>> -> memref<10000x64xi32, #tpu.memory_space<hbm>>
    tpu.enqueue_indirect_dma source(%dma_start3A_28 : memref<10000x64xi32, #tpu.memory_space<hbm>>) target(%arg14 : memref<128x64xi32, #tpu.memory_space<vmem>>) offsets(%arg11 : memref<128xi32, #tpu.memory_space<vmem>>) semaphore(%arg17 : memref<!tpu.dma_semaphore, #tpu.memory_space<semaphore_mem>>)
    %dma_wait3A = arith.constant 0 : i32
    %dma_wait3A_29 = arith.constant 0 : i32
    %dma_wait3A_30 = tpu.memref_slice %arg2[%dma_wait3A, %dma_wait3A_29] : memref<10000x64xi32, #tpu.memory_space<hbm>> -> memref<10000x64xi32, #tpu.memory_space<hbm>>
    tpu.wait_indirect_dma semaphore(%arg16 : memref<!tpu.dma_semaphore, #tpu.memory_space<semaphore_mem>>) src(%dma_wait3A_30 : memref<10000x64xi32, #tpu.memory_space<hbm>>) dst(%arg13 : memref<128x64xi32, #tpu.memory_space<vmem>>)
    %scan3A_31 = arith.constant 0 : i32
    %scan3A_32 = arith.constant 0 : i32
    %scan3A_33 = arith.constant 128 : i32
    %scan3A_34 = arith.addi %scan3A_32, %scan3A_33 : i32
    %scan3A_35 = arith.constant 1 : i32
    scf.for %scan3A_78 = %scan3A_32 to %scan3A_34 step %scan3A_35  : i32 {
      %get3A = arith.index_cast %scan3A_78 : i32 to index
      %get3A_79 = arith.constant 0 : index
      %get3A_80 = tpu.vector_load %arg13[%get3A, %get3A_79] {strides = array<i32>} : memref<128x64xi32, #tpu.memory_space<vmem>>, vector<1x16xi32>,
      %get3A_81 = vector.shape_cast %get3A_80 : vector<1x16xi32> to vector<16xi32>
      %shift_left3A = arith.constant 16 : i32
      %shift_left3A_82 = vector.broadcast %shift_left3A : i32 to vector<16xi32>
      %shift_left3A_83 = arith.shli %get3A_81, %shift_left3A_82 : vector<16xi32>
      %bitcast_convert_type3A = tpu.bitcast %shift_left3A_83 : vector<16xi32> -> vector<16xf32>
      %and3A_84 = arith.constant -65536 : i32
      %and3A_85 = vector.broadcast %and3A_84 : i32 to vector<16xi32>
      %and3A_86 = arith.andi %get3A_81, %and3A_85 : vector<16xi32>
      %bitcast_convert_type3A_87 = tpu.bitcast %and3A_86 : vector<16xi32> -> vector<16xf32>
      %swap3A = arith.index_cast %scan3A_78 : i32 to index
      %swap3A_88 = arith.constant 0 : index
      %swap3A_89 = tpu.vector_load %arg15[%swap3A, %swap3A_88] {strides = array<i32>} : memref<128x128xf32, #tpu.memory_space<vmem>>, vector<1x16xf32>,
      %swap3A_90 = vector.shape_cast %swap3A_89 : vector<1x16xf32> to vector<16xf32>
      %swap3A_91 = vector.shape_cast %bitcast_convert_type3A : vector<16xf32> to vector<1x16xf32>
      tpu.vector_store %arg15[%swap3A, %swap3A_88], %swap3A_91 {strides = array<i32>} : memref<128x128xf32, #tpu.memory_space<vmem>>, vector<1x16xf32>,
      %swap3A_92 = arith.index_cast %scan3A_78 : i32 to index
      %swap3A_93 = arith.constant 16 : index
      %swap3A_94 = tpu.vector_load %arg15[%swap3A_92, %swap3A_93] {strides = array<i32>} : memref<128x128xf32, #tpu.memory_space<vmem>>, vector<1x16xf32>,
      %swap3A_95 = vector.shape_cast %swap3A_94 : vector<1x16xf32> to vector<16xf32>
      %swap3A_96 = vector.shape_cast %bitcast_convert_type3A_87 : vector<16xf32> to vector<1x16xf32>
      tpu.vector_store %arg15[%swap3A_92, %swap3A_93], %swap3A_96 {strides = array<i32>} : memref<128x128xf32, #tpu.memory_space<vmem>>, vector<1x16xf32>,
      %get3A_97 = arith.index_cast %scan3A_78 : i32 to index
      %get3A_98 = arith.constant 16 : index
      %get3A_99 = tpu.vector_load %arg13[%get3A_97, %get3A_98] {strides = array<i32>} : memref<128x64xi32, #tpu.memory_space<vmem>>, vector<1x16xi32>,
      %get3A_100 = vector.shape_cast %get3A_99 : vector<1x16xi32> to vector<16xi32>
      %shift_left3A_101 = arith.constant 16 : i32
      %shift_left3A_102 = vector.broadcast %shift_left3A_101 : i32 to vector<16xi32>
      %shift_left3A_103 = arith.shli %get3A_100, %shift_left3A_102 : vector<16xi32>
      %bitcast_convert_type3A_104 = tpu.bitcast %shift_left3A_103 : vector<16xi32> -> vector<16xf32>
      %and3A_105 = arith.constant -65536 : i32
      %and3A_106 = vector.broadcast %and3A_105 : i32 to vector<16xi32>
      %and3A_107 = arith.andi %get3A_100, %and3A_106 : vector<16xi32>
      %bitcast_convert_type3A_108 = tpu.bitcast %and3A_107 : vector<16xi32> -> vector<16xf32>
      %swap3A_109 = arith.index_cast %scan3A_78 : i32 to index
      %swap3A_110 = arith.constant 32 : index
      %swap3A_111 = tpu.vector_load %arg15[%swap3A_109, %swap3A_110] {strides = array<i32>} : memref<128x128xf32, #tpu.memory_space<vmem>>, vector<1x16xf32>,
      %swap3A_112 = vector.shape_cast %swap3A_111 : vector<1x16xf32> to vector<16xf32>
      %swap3A_113 = vector.shape_cast %bitcast_convert_type3A_104 : vector<16xf32> to vector<1x16xf32>
      tpu.vector_store %arg15[%swap3A_109, %swap3A_110], %swap3A_113 {strides = array<i32>} : memref<128x128xf32, #tpu.memory_space<vmem>>, vector<1x16xf32>,
      %swap3A_114 = arith.index_cast %scan3A_78 : i32 to index
      %swap3A_115 = arith.constant 48 : index
      %swap3A_116 = tpu.vector_load %arg15[%swap3A_114, %swap3A_115] {strides = array<i32>} : memref<128x128xf32, #tpu.memory_space<vmem>>, vector<1x16xf32>,
      %swap3A_117 = vector.shape_cast %swap3A_116 : vector<1x16xf32> to vector<16xf32>
      %swap3A_118 = vector.shape_cast %bitcast_convert_type3A_108 : vector<16xf32> to vector<1x16xf32>
      tpu.vector_store %arg15[%swap3A_114, %swap3A_115], %swap3A_118 {strides = array<i32>} : memref<128x128xf32, #tpu.memory_space<vmem>>, vector<1x16xf32>,
      %get3A_119 = arith.index_cast %scan3A_78 : i32 to index
      %get3A_120 = arith.constant 32 : index
      %get3A_121 = tpu.vector_load %arg13[%get3A_119, %get3A_120] {strides = array<i32>} : memref<128x64xi32, #tpu.memory_space<vmem>>, vector<1x16xi32>,
      %get3A_122 = vector.shape_cast %get3A_121 : vector<1x16xi32> to vector<16xi32>
      %shift_left3A_123 = arith.constant 16 : i32
      %shift_left3A_124 = vector.broadcast %shift_left3A_123 : i32 to vector<16xi32>
      %shift_left3A_125 = arith.shli %get3A_122, %shift_left3A_124 : vector<16xi32>
      %bitcast_convert_type3A_126 = tpu.bitcast %shift_left3A_125 : vector<16xi32> -> vector<16xf32>
      %and3A_127 = arith.constant -65536 : i32
      %and3A_128 = vector.broadcast %and3A_127 : i32 to vector<16xi32>
      %and3A_129 = arith.andi %get3A_122, %and3A_128 : vector<16xi32>
      %bitcast_convert_type3A_130 = tpu.bitcast %and3A_129 : vector<16xi32> -> vector<16xf32>
      %swap3A_131 = arith.index_cast %scan3A_78 : i32 to index
      %swap3A_132 = arith.constant 64 : index
      %swap3A_133 = tpu.vector_load %arg15[%swap3A_131, %swap3A_132] {strides = array<i32>} : memref<128x128xf32, #tpu.memory_space<vmem>>, vector<1x16xf32>,
      %swap3A_134 = vector.shape_cast %swap3A_133 : vector<1x16xf32> to vector<16xf32>
      %swap3A_135 = vector.shape_cast %bitcast_convert_type3A_126 : vector<16xf32> to vector<1x16xf32>
      tpu.vector_store %arg15[%swap3A_131, %swap3A_132], %swap3A_135 {strides = array<i32>} : memref<128x128xf32, #tpu.memory_space<vmem>>, vector<1x16xf32>,
      %swap3A_136 = arith.index_cast %scan3A_78 : i32 to index
      %swap3A_137 = arith.constant 80 : index
      %swap3A_138 = tpu.vector_load %arg15[%swap3A_136, %swap3A_137] {strides = array<i32>} : memref<128x128xf32, #tpu.memory_space<vmem>>, vector<1x16xf32>,
      %swap3A_139 = vector.shape_cast %swap3A_138 : vector<1x16xf32> to vector<16xf32>
      %swap3A_140 = vector.shape_cast %bitcast_convert_type3A_130 : vector<16xf32> to vector<1x16xf32>
      tpu.vector_store %arg15[%swap3A_136, %swap3A_137], %swap3A_140 {strides = array<i32>} : memref<128x128xf32, #tpu.memory_space<vmem>>, vector<1x16xf32>,
      %get3A_141 = arith.index_cast %scan3A_78 : i32 to index
      %get3A_142 = arith.constant 48 : index
      %get3A_143 = tpu.vector_load %arg13[%get3A_141, %get3A_142] {strides = array<i32>} : memref<128x64xi32, #tpu.memory_space<vmem>>, vector<1x16xi32>,
      %get3A_144 = vector.shape_cast %get3A_143 : vector<1x16xi32> to vector<16xi32>
      %shift_left3A_145 = arith.constant 16 : i32
      %shift_left3A_146 = vector.broadcast %shift_left3A_145 : i32 to vector<16xi32>
      %shift_left3A_147 = arith.shli %get3A_144, %shift_left3A_146 : vector<16xi32>
      %bitcast_convert_type3A_148 = tpu.bitcast %shift_left3A_147 : vector<16xi32> -> vector<16xf32>
      %and3A_149 = arith.constant -65536 : i32
      %and3A_150 = vector.broadcast %and3A_149 : i32 to vector<16xi32>
      %and3A_151 = arith.andi %get3A_144, %and3A_150 : vector<16xi32>
      %bitcast_convert_type3A_152 = tpu.bitcast %and3A_151 : vector<16xi32> -> vector<16xf32>
      %swap3A_153 = arith.index_cast %scan3A_78 : i32 to index
      %swap3A_154 = arith.constant 96 : index
      %swap3A_155 = tpu.vector_load %arg15[%swap3A_153, %swap3A_154] {strides = array<i32>} : memref<128x128xf32, #tpu.memory_space<vmem>>, vector<1x16xf32>,
      %swap3A_156 = vector.shape_cast %swap3A_155 : vector<1x16xf32> to vector<16xf32>
      %swap3A_157 = vector.shape_cast %bitcast_convert_type3A_148 : vector<16xf32> to vector<1x16xf32>
      tpu.vector_store %arg15[%swap3A_153, %swap3A_154], %swap3A_157 {strides = array<i32>} : memref<128x128xf32, #tpu.memory_space<vmem>>, vector<1x16xf32>,
      %swap3A_158 = arith.index_cast %scan3A_78 : i32 to index
      %swap3A_159 = arith.constant 112 : index
      %swap3A_160 = tpu.vector_load %arg15[%swap3A_158, %swap3A_159] {strides = array<i32>} : memref<128x128xf32, #tpu.memory_space<vmem>>, vector<1x16xf32>,
      %swap3A_161 = vector.shape_cast %swap3A_160 : vector<1x16xf32> to vector<16xf32>
      %swap3A_162 = vector.shape_cast %bitcast_convert_type3A_152 : vector<16xf32> to vector<1x16xf32>
      tpu.vector_store %arg15[%swap3A_158, %swap3A_159], %swap3A_162 {strides = array<i32>} : memref<128x128xf32, #tpu.memory_space<vmem>>, vector<1x16xf32>,
    }
    %scan3A_36 = arith.constant 128 : i32
    "tpu.region"() ({
      %run_scoped3A = tpu.sem_alloc : memref<!tpu.dma_semaphore, #tpu.memory_space<semaphore_mem>>
      %dma_start3A_78 = arith.constant 0 : i32
      %dma_start3A_79 = arith.constant 0 : i32
      %dma_start3A_80 = tpu.memref_slice %arg8[%dma_start3A_78, %dma_start3A_79] : memref<10008x128xf32, #tpu.memory_space<vmem_shared>> -> memref<10008x128xf32, #tpu.memory_space<vmem_shared>>
      tpu.enqueue_indirect_dma source(%arg15 : memref<128x128xf32, #tpu.memory_space<vmem>>) target(%dma_start3A_80 : memref<10008x128xf32, #tpu.memory_space<vmem_shared>>) offsets(%arg10 : memref<128xi32, #tpu.memory_space<vmem>>) semaphore(%run_scoped3A : memref<!tpu.dma_semaphore, #tpu.memory_space<semaphore_mem>>) {add = true}
      %dma_wait3A_81 = arith.constant 0 : i32
      %dma_wait3A_82 = arith.constant 0 : i32
      %dma_wait3A_83 = tpu.memref_slice %arg8[%dma_wait3A_81, %dma_wait3A_82] : memref<10008x128xf32, #tpu.memory_space<vmem_shared>> -> memref<10008x128xf32, #tpu.memory_space<vmem_shared>>
      tpu.wait_indirect_dma semaphore(%run_scoped3A : memref<!tpu.dma_semaphore, #tpu.memory_space<semaphore_mem>>) src(%arg15 : memref<128x128xf32, #tpu.memory_space<vmem>>) dst(%dma_wait3A_83 : memref<10008x128xf32, #tpu.memory_space<vmem_shared>>)
      tpu.yield
    }) : () -> ()
    %dma_wait3A_37 = arith.constant 0 : i32
    %dma_wait3A_38 = arith.constant 0 : i32
    %dma_wait3A_39 = tpu.memref_slice %arg2[%dma_wait3A_37, %dma_wait3A_38] : memref<10000x64xi32, #tpu.memory_space<hbm>> -> memref<10000x64xi32, #tpu.memory_space<hbm>>
    tpu.wait_indirect_dma semaphore(%arg17 : memref<!tpu.dma_semaphore, #tpu.memory_space<semaphore_mem>>) src(%dma_wait3A_39 : memref<10000x64xi32, #tpu.memory_space<hbm>>) dst(%arg14 : memref<128x64xi32, #tpu.memory_space<vmem>>)
    %scan3A_40 = arith.constant 0 : i32
    %scan3A_41 = arith.constant 0 : i32
    %scan3A_42 = arith.constant 128 : i32
    %scan3A_43 = arith.addi %scan3A_41, %scan3A_42 : i32
    %scan3A_44 = arith.constant 1 : i32
    scf.for %scan3A_78 = %scan3A_41 to %scan3A_43 step %scan3A_44  : i32 {
      %get3A = arith.index_cast %scan3A_78 : i32 to index
      %get3A_79 = arith.constant 0 : index
      %get3A_80 = tpu.vector_load %arg14[%get3A, %get3A_79] {strides = array<i32>} : memref<128x64xi32, #tpu.memory_space<vmem>>, vector<1x16xi32>,
      %get3A_81 = vector.shape_cast %get3A_80 : vector<1x16xi32> to vector<16xi32>
      %shift_left3A = arith.constant 16 : i32
      %shift_left3A_82 = vector.broadcast %shift_left3A : i32 to vector<16xi32>
      %shift_left3A_83 = arith.shli %get3A_81, %shift_left3A_82 : vector<16xi32>
      %bitcast_convert_type3A = tpu.bitcast %shift_left3A_83 : vector<16xi32> -> vector<16xf32>
      %and3A_84 = arith.constant -65536 : i32
      %and3A_85 = vector.broadcast %and3A_84 : i32 to vector<16xi32>
      %and3A_86 = arith.andi %get3A_81, %and3A_85 : vector<16xi32>
      %bitcast_convert_type3A_87 = tpu.bitcast %and3A_86 : vector<16xi32> -> vector<16xf32>
      %swap3A = arith.index_cast %scan3A_78 : i32 to index
      %swap3A_88 = arith.constant 0 : index
      %swap3A_89 = tpu.vector_load %arg15[%swap3A, %swap3A_88] {strides = array<i32>} : memref<128x128xf32, #tpu.memory_space<vmem>>, vector<1x16xf32>,
      %swap3A_90 = vector.shape_cast %swap3A_89 : vector<1x16xf32> to vector<16xf32>
      %swap3A_91 = vector.shape_cast %bitcast_convert_type3A : vector<16xf32> to vector<1x16xf32>
      tpu.vector_store %arg15[%swap3A, %swap3A_88], %swap3A_91 {strides = array<i32>} : memref<128x128xf32, #tpu.memory_space<vmem>>, vector<1x16xf32>,
      %swap3A_92 = arith.index_cast %scan3A_78 : i32 to index
      %swap3A_93 = arith.constant 16 : index
      %swap3A_94 = tpu.vector_load %arg15[%swap3A_92, %swap3A_93] {strides = array<i32>} : memref<128x128xf32, #tpu.memory_space<vmem>>, vector<1x16xf32>,
      %swap3A_95 = vector.shape_cast %swap3A_94 : vector<1x16xf32> to vector<16xf32>
      %swap3A_96 = vector.shape_cast %bitcast_convert_type3A_87 : vector<16xf32> to vector<1x16xf32>
      tpu.vector_store %arg15[%swap3A_92, %swap3A_93], %swap3A_96 {strides = array<i32>} : memref<128x128xf32, #tpu.memory_space<vmem>>, vector<1x16xf32>,
      %get3A_97 = arith.index_cast %scan3A_78 : i32 to index
      %get3A_98 = arith.constant 16 : index
      %get3A_99 = tpu.vector_load %arg14[%get3A_97, %get3A_98] {strides = array<i32>} : memref<128x64xi32, #tpu.memory_space<vmem>>, vector<1x16xi32>,
      %get3A_100 = vector.shape_cast %get3A_99 : vector<1x16xi32> to vector<16xi32>
      %shift_left3A_101 = arith.constant 16 : i32
      %shift_left3A_102 = vector.broadcast %shift_left3A_101 : i32 to vector<16xi32>
      %shift_left3A_103 = arith.shli %get3A_100, %shift_left3A_102 : vector<16xi32>
      %bitcast_convert_type3A_104 = tpu.bitcast %shift_left3A_103 : vector<16xi32> -> vector<16xf32>
      %and3A_105 = arith.constant -65536 : i32
      %and3A_106 = vector.broadcast %and3A_105 : i32 to vector<16xi32>
      %and3A_107 = arith.andi %get3A_100, %and3A_106 : vector<16xi32>
      %bitcast_convert_type3A_108 = tpu.bitcast %and3A_107 : vector<16xi32> -> vector<16xf32>
      %swap3A_109 = arith.index_cast %scan3A_78 : i32 to index
      %swap3A_110 = arith.constant 32 : index
      %swap3A_111 = tpu.vector_load %arg15[%swap3A_109, %swap3A_110] {strides = array<i32>} : memref<128x128xf32, #tpu.memory_space<vmem>>, vector<1x16xf32>,
      %swap3A_112 = vector.shape_cast %swap3A_111 : vector<1x16xf32> to vector<16xf32>
      %swap3A_113 = vector.shape_cast %bitcast_convert_type3A_104 : vector<16xf32> to vector<1x16xf32>
      tpu.vector_store %arg15[%swap3A_109, %swap3A_110], %swap3A_113 {strides = array<i32>} : memref<128x128xf32, #tpu.memory_space<vmem>>, vector<1x16xf32>,
      %swap3A_114 = arith.index_cast %scan3A_78 : i32 to index
      %swap3A_115 = arith.constant 48 : index
      %swap3A_116 = tpu.vector_load %arg15[%swap3A_114, %swap3A_115] {strides = array<i32>} : memref<128x128xf32, #tpu.memory_space<vmem>>, vector<1x16xf32>,
      %swap3A_117 = vector.shape_cast %swap3A_116 : vector<1x16xf32> to vector<16xf32>
      %swap3A_118 = vector.shape_cast %bitcast_convert_type3A_108 : vector<16xf32> to vector<1x16xf32>
      tpu.vector_store %arg15[%swap3A_114, %swap3A_115], %swap3A_118 {strides = array<i32>} : memref<128x128xf32, #tpu.memory_space<vmem>>, vector<1x16xf32>,
      %get3A_119 = arith.index_cast %scan3A_78 : i32 to index
      %get3A_120 = arith.constant 32 : index
      %get3A_121 = tpu.vector_load %arg14[%get3A_119, %get3A_120] {strides = array<i32>} : memref<128x64xi32, #tpu.memory_space<vmem>>, vector<1x16xi32>,
      %get3A_122 = vector.shape_cast %get3A_121 : vector<1x16xi32> to vector<16xi32>
      %shift_left3A_123 = arith.constant 16 : i32
      %shift_left3A_124 = vector.broadcast %shift_left3A_123 : i32 to vector<16xi32>
      %shift_left3A_125 = arith.shli %get3A_122, %shift_left3A_124 : vector<16xi32>
      %bitcast_convert_type3A_126 = tpu.bitcast %shift_left3A_125 : vector<16xi32> -> vector<16xf32>
      %and3A_127 = arith.constant -65536 : i32
      %and3A_128 = vector.broadcast %and3A_127 : i32 to vector<16xi32>
      %and3A_129 = arith.andi %get3A_122, %and3A_128 : vector<16xi32>
      %bitcast_convert_type3A_130 = tpu.bitcast %and3A_129 : vector<16xi32> -> vector<16xf32>
      %swap3A_131 = arith.index_cast %scan3A_78 : i32 to index
      %swap3A_132 = arith.constant 64 : index
      %swap3A_133 = tpu.vector_load %arg15[%swap3A_131, %swap3A_132] {strides = array<i32>} : memref<128x128xf32, #tpu.memory_space<vmem>>, vector<1x16xf32>,
      %swap3A_134 = vector.shape_cast %swap3A_133 : vector<1x16xf32> to vector<16xf32>
      %swap3A_135 = vector.shape_cast %bitcast_convert_type3A_126 : vector<16xf32> to vector<1x16xf32>
      tpu.vector_store %arg15[%swap3A_131, %swap3A_132], %swap3A_135 {strides = array<i32>} : memref<128x128xf32, #tpu.memory_space<vmem>>, vector<1x16xf32>,
      %swap3A_136 = arith.index_cast %scan3A_78 : i32 to index
      %swap3A_137 = arith.constant 80 : index
      %swap3A_138 = tpu.vector_load %arg15[%swap3A_136, %swap3A_137] {strides = array<i32>} : memref<128x128xf32, #tpu.memory_space<vmem>>, vector<1x16xf32>,
      %swap3A_139 = vector.shape_cast %swap3A_138 : vector<1x16xf32> to vector<16xf32>
      %swap3A_140 = vector.shape_cast %bitcast_convert_type3A_130 : vector<16xf32> to vector<1x16xf32>
      tpu.vector_store %arg15[%swap3A_136, %swap3A_137], %swap3A_140 {strides = array<i32>} : memref<128x128xf32, #tpu.memory_space<vmem>>, vector<1x16xf32>,
      %get3A_141 = arith.index_cast %scan3A_78 : i32 to index
      %get3A_142 = arith.constant 48 : index
      %get3A_143 = tpu.vector_load %arg14[%get3A_141, %get3A_142] {strides = array<i32>} : memref<128x64xi32, #tpu.memory_space<vmem>>, vector<1x16xi32>,
      %get3A_144 = vector.shape_cast %get3A_143 : vector<1x16xi32> to vector<16xi32>
      %shift_left3A_145 = arith.constant 16 : i32
      %shift_left3A_146 = vector.broadcast %shift_left3A_145 : i32 to vector<16xi32>
      %shift_left3A_147 = arith.shli %get3A_144, %shift_left3A_146 : vector<16xi32>
      %bitcast_convert_type3A_148 = tpu.bitcast %shift_left3A_147 : vector<16xi32> -> vector<16xf32>
      %and3A_149 = arith.constant -65536 : i32
      %and3A_150 = vector.broadcast %and3A_149 : i32 to vector<16xi32>
      %and3A_151 = arith.andi %get3A_144, %and3A_150 : vector<16xi32>
      %bitcast_convert_type3A_152 = tpu.bitcast %and3A_151 : vector<16xi32> -> vector<16xf32>
      %swap3A_153 = arith.index_cast %scan3A_78 : i32 to index
      %swap3A_154 = arith.constant 96 : index
      %swap3A_155 = tpu.vector_load %arg15[%swap3A_153, %swap3A_154] {strides = array<i32>} : memref<128x128xf32, #tpu.memory_space<vmem>>, vector<1x16xf32>,
      %swap3A_156 = vector.shape_cast %swap3A_155 : vector<1x16xf32> to vector<16xf32>
      %swap3A_157 = vector.shape_cast %bitcast_convert_type3A_148 : vector<16xf32> to vector<1x16xf32>
      tpu.vector_store %arg15[%swap3A_153, %swap3A_154], %swap3A_157 {strides = array<i32>} : memref<128x128xf32, #tpu.memory_space<vmem>>, vector<1x16xf32>,
      %swap3A_158 = arith.index_cast %scan3A_78 : i32 to index
      %swap3A_159 = arith.constant 112 : index
      %swap3A_160 = tpu.vector_load %arg15[%swap3A_158, %swap3A_159] {strides = array<i32>} : memref<128x128xf32, #tpu.memory_space<vmem>>, vector<1x16xf32>,
      %swap3A_161 = vector.shape_cast %swap3A_160 : vector<1x16xf32> to vector<16xf32>
      %swap3A_162 = vector.shape_cast %bitcast_convert_type3A_152 : vector<16xf32> to vector<1x16xf32>
      tpu.vector_store %arg15[%swap3A_158, %swap3A_159], %swap3A_162 {strides = array<i32>} : memref<128x128xf32, #tpu.memory_space<vmem>>, vector<1x16xf32>,
    }
    %scan3A_45 = arith.constant 128 : i32
    "tpu.region"() ({
      %run_scoped3A = tpu.sem_alloc : memref<!tpu.dma_semaphore, #tpu.memory_space<semaphore_mem>>
      %dma_start3A_78 = arith.constant 0 : i32
      %dma_start3A_79 = arith.constant 0 : i32
      %dma_start3A_80 = tpu.memref_slice %arg8[%dma_start3A_78, %dma_start3A_79] : memref<10008x128xf32, #tpu.memory_space<vmem_shared>> -> memref<10008x128xf32, #tpu.memory_space<vmem_shared>>
      tpu.enqueue_indirect_dma source(%arg15 : memref<128x128xf32, #tpu.memory_space<vmem>>) target(%dma_start3A_80 : memref<10008x128xf32, #tpu.memory_space<vmem_shared>>) offsets(%arg12 : memref<128xi32, #tpu.memory_space<vmem>>) semaphore(%run_scoped3A : memref<!tpu.dma_semaphore, #tpu.memory_space<semaphore_mem>>) {add = true}
      %dma_wait3A_81 = arith.constant 0 : i32
      %dma_wait3A_82 = arith.constant 0 : i32
      %dma_wait3A_83 = tpu.memref_slice %arg8[%dma_wait3A_81, %dma_wait3A_82] : memref<10008x128xf32, #tpu.memory_space<vmem_shared>> -> memref<10008x128xf32, #tpu.memory_space<vmem_shared>>
      tpu.wait_indirect_dma semaphore(%run_scoped3A : memref<!tpu.dma_semaphore, #tpu.memory_space<semaphore_mem>>) src(%arg15 : memref<128x128xf32, #tpu.memory_space<vmem>>) dst(%dma_wait3A_83 : memref<10008x128xf32, #tpu.memory_space<vmem_shared>>)
      tpu.yield
    }) : () -> ()
    %barrier3A_46 = arith.constant 0 : index
    tpu.barrier barrier_id(%barrier3A_46)
    %eq3A_47 = arith.constant 0 : i32
    %eq3A_48 = arith.cmpi eq, %arg0, %eq3A_47 : i32
    %lt3A_49 = arith.constant 15 : i32
    %lt3A_50 = arith.cmpi slt, %arg1, %lt3A_49 : i32
    %and3A = arith.andi %eq3A_48, %lt3A_50 : i1
    %convert_element_type3A_51 = arith.extui %and3A : i1 to i32
    %cond3A_52 = arith.constant 0 : i32
    %cond3A_53 = arith.cmpi ne, %convert_element_type3A_51, %cond3A_52 : i32
    scf.if %cond3A_53 {
      %mul3A_78 = arith.constant 632 : i32
      %mul3A_79 = arith.muli %arg1, %mul3A_78 : i32
      %mul3A_80 = arith.constant 632 : i32
      %mul3A_81 = arith.muli %arg1, %mul3A_80 : i32
      "tpu.region"() ({
        %run_scoped3A = tpu.sem_alloc : memref<!tpu.dma_semaphore, #tpu.memory_space<semaphore_mem>>
        %dma_start3A_82 = arith.constant 0 : i32
        %dma_start3A_83 = tpu.memref_slice %arg6[%mul3A_81, %dma_start3A_82] : memref<10000x128xf32, #tpu.memory_space<hbm>> -> memref<632x128xf32, #tpu.memory_space<hbm>>
        %dma_start3A_84 = arith.constant 0 : i32
        %dma_start3A_85 = tpu.memref_slice %arg8[%mul3A_79, %dma_start3A_84] : memref<10008x128xf32, #tpu.memory_space<vmem_shared>> -> memref<632x128xf32, #tpu.memory_space<vmem_shared>>
        tpu.enqueue_dma source(%dma_start3A_85 : memref<632x128xf32, #tpu.memory_space<vmem_shared>>) target(%dma_start3A_83 : memref<632x128xf32, #tpu.memory_space<hbm>>) target_semaphore(%run_scoped3A : memref<!tpu.dma_semaphore, #tpu.memory_space<semaphore_mem>>)
        %dma_wait3A_86 = arith.constant 0 : i32
        %dma_wait3A_87 = tpu.memref_slice %arg6[%mul3A_81, %dma_wait3A_86] : memref<10000x128xf32, #tpu.memory_space<hbm>> -> memref<632x128xf32, #tpu.memory_space<hbm>>
        %dma_wait3A_88 = arith.constant 0 : i32
        %dma_wait3A_89 = tpu.memref_slice %arg8[%mul3A_79, %dma_wait3A_88] : memref<10008x128xf32, #tpu.memory_space<vmem_shared>> -> memref<632x128xf32, #tpu.memory_space<vmem_shared>>
        tpu.wait_dma2 semaphore(%run_scoped3A : memref<!tpu.dma_semaphore, #tpu.memory_space<semaphore_mem>>) src(%dma_wait3A_89 : memref<632x128xf32, #tpu.memory_space<vmem_shared>>) dst(%dma_wait3A_87 : memref<632x128xf32, #tpu.memory_space<hbm>>)
        tpu.yield
      }) : () -> ()
    } else {
    }
    %eq3A_54 = arith.constant 0 : i32
    %eq3A_55 = arith.cmpi eq, %arg0, %eq3A_54 : i32
    %eq3A_56 = arith.constant 15 : i32
    %eq3A_57 = arith.cmpi eq, %arg1, %eq3A_56 : i32
    %and3A_58 = arith.andi %eq3A_55, %eq3A_57 : i1
    %convert_element_type3A_59 = arith.extui %and3A_58 : i1 to i32
    %cond3A_60 = arith.constant 0 : i32
    %cond3A_61 = arith.cmpi ne, %convert_element_type3A_59, %cond3A_60 : i32
    scf.if %cond3A_61 {
      "tpu.region"() ({
        %run_scoped3A = tpu.sem_alloc : memref<!tpu.dma_semaphore, #tpu.memory_space<semaphore_mem>>
        %dma_start3A_78 = arith.constant 9480 : i32
        %dma_start3A_79 = arith.constant 0 : i32
        %dma_start3A_80 = tpu.memref_slice %arg6[%dma_start3A_78, %dma_start3A_79] : memref<10000x128xf32, #tpu.memory_space<hbm>> -> memref<520x128xf32, #tpu.memory_space<hbm>>
        %dma_start3A_81 = arith.constant 9480 : i32
        %dma_start3A_82 = arith.constant 0 : i32
        %dma_start3A_83 = tpu.memref_slice %arg8[%dma_start3A_81, %dma_start3A_82] : memref<10008x128xf32, #tpu.memory_space<vmem_shared>> -> memref<520x128xf32, #tpu.memory_space<vmem_shared>>
        tpu.enqueue_dma source(%dma_start3A_83 : memref<520x128xf32, #tpu.memory_space<vmem_shared>>) target(%dma_start3A_80 : memref<520x128xf32, #tpu.memory_space<hbm>>) target_semaphore(%run_scoped3A : memref<!tpu.dma_semaphore, #tpu.memory_space<semaphore_mem>>)
        %dma_wait3A_84 = arith.constant 9480 : i32
        %dma_wait3A_85 = arith.constant 0 : i32
        %dma_wait3A_86 = tpu.memref_slice %arg6[%dma_wait3A_84, %dma_wait3A_85] : memref<10000x128xf32, #tpu.memory_space<hbm>> -> memref<520x128xf32, #tpu.memory_space<hbm>>
        %dma_wait3A_87 = arith.constant 9480 : i32
        %dma_wait3A_88 = arith.constant 0 : i32
        %dma_wait3A_89 = tpu.memref_slice %arg8[%dma_wait3A_87, %dma_wait3A_88] : memref<10008x128xf32, #tpu.memory_space<vmem_shared>> -> memref<520x128xf32, #tpu.memory_space<vmem_shared>>
        tpu.wait_dma2 semaphore(%run_scoped3A : memref<!tpu.dma_semaphore, #tpu.memory_space<semaphore_mem>>) src(%dma_wait3A_89 : memref<520x128xf32, #tpu.memory_space<vmem_shared>>) dst(%dma_wait3A_86 : memref<520x128xf32, #tpu.memory_space<hbm>>)
        tpu.yield
      }) : () -> ()
    } else {
    }
    %eq3A_62 = arith.constant 1 : i32
    %eq3A_63 = arith.cmpi eq, %arg0, %eq3A_62 : i32
    %lt3A_64 = arith.constant 15 : i32
    %lt3A_65 = arith.cmpi slt, %arg1, %lt3A_64 : i32
    %and3A_66 = arith.andi %eq3A_63, %lt3A_65 : i1
    %convert_element_type3A_67 = arith.extui %and3A_66 : i1 to i32
    %cond3A_68 = arith.constant 0 : i32
    %cond3A_69 = arith.cmpi ne, %convert_element_type3A_67, %cond3A_68 : i32
    scf.if %cond3A_69 {
      %mul3A_78 = arith.constant 632 : i32
      %mul3A_79 = arith.muli %arg1, %mul3A_78 : i32
      %mul3A_80 = arith.constant 632 : i32
      %mul3A_81 = arith.muli %arg1, %mul3A_80 : i32
      "tpu.region"() ({
        %run_scoped3A = tpu.sem_alloc : memref<!tpu.dma_semaphore, #tpu.memory_space<semaphore_mem>>
        %dma_start3A_82 = arith.constant 0 : i32
        %dma_start3A_83 = tpu.memref_slice %arg7[%mul3A_81, %dma_start3A_82] : memref<10000x128xf32, #tpu.memory_space<hbm>> -> memref<632x128xf32, #tpu.memory_space<hbm>>
        %dma_start3A_84 = arith.constant 0 : i32
        %dma_start3A_85 = tpu.memref_slice %arg8[%mul3A_79, %dma_start3A_84] : memref<10008x128xf32, #tpu.memory_space<vmem_shared>> -> memref<632x128xf32, #tpu.memory_space<vmem_shared>>
        tpu.enqueue_dma source(%dma_start3A_85 : memref<632x128xf32, #tpu.memory_space<vmem_shared>>) target(%dma_start3A_83 : memref<632x128xf32, #tpu.memory_space<hbm>>) target_semaphore(%run_scoped3A : memref<!tpu.dma_semaphore, #tpu.memory_space<semaphore_mem>>)
        %dma_wait3A_86 = arith.constant 0 : i32
        %dma_wait3A_87 = tpu.memref_slice %arg7[%mul3A_81, %dma_wait3A_86] : memref<10000x128xf32, #tpu.memory_space<hbm>> -> memref<632x128xf32, #tpu.memory_space<hbm>>
        %dma_wait3A_88 = arith.constant 0 : i32
        %dma_wait3A_89 = tpu.memref_slice %arg8[%mul3A_79, %dma_wait3A_88] : memref<10008x128xf32, #tpu.memory_space<vmem_shared>> -> memref<632x128xf32, #tpu.memory_space<vmem_shared>>
        tpu.wait_dma2 semaphore(%run_scoped3A : memref<!tpu.dma_semaphore, #tpu.memory_space<semaphore_mem>>) src(%dma_wait3A_89 : memref<632x128xf32, #tpu.memory_space<vmem_shared>>) dst(%dma_wait3A_87 : memref<632x128xf32, #tpu.memory_space<hbm>>)
        tpu.yield
      }) : () -> ()
    } else {
    }
    %eq3A_70 = arith.constant 1 : i32
    %eq3A_71 = arith.cmpi eq, %arg0, %eq3A_70 : i32
    %eq3A_72 = arith.constant 15 : i32
    %eq3A_73 = arith.cmpi eq, %arg1, %eq3A_72 : i32
    %and3A_74 = arith.andi %eq3A_71, %eq3A_73 : i1
    %convert_element_type3A_75 = arith.extui %and3A_74 : i1 to i32
    %cond3A_76 = arith.constant 0 : i32
    %cond3A_77 = arith.cmpi ne, %convert_element_type3A_75, %cond3A_76 : i32
    scf.if %cond3A_77 {
      "tpu.region"() ({
        %run_scoped3A = tpu.sem_alloc : memref<!tpu.dma_semaphore, #tpu.memory_space<semaphore_mem>>
        %dma_start3A_78 = arith.constant 9480 : i32
        %dma_start3A_79 = arith.constant 0 : i32
        %dma_start3A_80 = tpu.memref_slice %arg7[%dma_start3A_78, %dma_start3A_79] : memref<10000x128xf32, #tpu.memory_space<hbm>> -> memref<520x128xf32, #tpu.memory_space<hbm>>
        %dma_start3A_81 = arith.constant 9480 : i32
        %dma_start3A_82 = arith.constant 0 : i32
        %dma_start3A_83 = tpu.memref_slice %arg8[%dma_start3A_81, %dma_start3A_82] : memref<10008x128xf32, #tpu.memory_space<vmem_shared>> -> memref<520x128xf32, #tpu.memory_space<vmem_shared>>
        tpu.enqueue_dma source(%dma_start3A_83 : memref<520x128xf32, #tpu.memory_space<vmem_shared>>) target(%dma_start3A_80 : memref<520x128xf32, #tpu.memory_space<hbm>>) target_semaphore(%run_scoped3A : memref<!tpu.dma_semaphore, #tpu.memory_space<semaphore_mem>>)
        %dma_wait3A_84 = arith.constant 9480 : i32
        %dma_wait3A_85 = arith.constant 0 : i32
        %dma_wait3A_86 = tpu.memref_slice %arg7[%dma_wait3A_84, %dma_wait3A_85] : memref<10000x128xf32, #tpu.memory_space<hbm>> -> memref<520x128xf32, #tpu.memory_space<hbm>>
        %dma_wait3A_87 = arith.constant 9480 : i32
        %dma_wait3A_88 = arith.constant 0 : i32
        %dma_wait3A_89 = tpu.memref_slice %arg8[%dma_wait3A_87, %dma_wait3A_88] : memref<10008x128xf32, #tpu.memory_space<vmem_shared>> -> memref<520x128xf32, #tpu.memory_space<vmem_shared>>
        tpu.wait_dma2 semaphore(%run_scoped3A : memref<!tpu.dma_semaphore, #tpu.memory_space<semaphore_mem>>) src(%dma_wait3A_89 : memref<520x128xf32, #tpu.memory_space<vmem_shared>>) dst(%dma_wait3A_86 : memref<520x128xf32, #tpu.memory_space<hbm>>)
        tpu.yield
      }) : () -> ()
    } else {
    }
    return
  }
}

module attributes {stable_mosaic.version = 14 : i64} {
  func.func @_mlp_body(%arg0: i32, %arg1: memref<1000x128xf32, #tpu.memory_space<vmem>>, %arg2: memref<1000x128xf32, #tpu.memory_space<vmem>>, %arg3: memref<1000x128xf32, #tpu.memory_space<vmem>>, %arg4: memref<128x128xf32, #tpu.memory_space<vmem>>, %arg5: memref<128x128xf32, #tpu.memory_space<vmem>>, %arg6: memref<1x128xf32, #tpu.memory_space<vmem>>, %arg7: memref<128x128xf32, #tpu.memory_space<vmem>>, %arg8: memref<1x128xf32, #tpu.memory_space<vmem>>, %arg9: memref<1x128xf32, #tpu.memory_space<vmem>>, %arg10: memref<1x128xf32, #tpu.memory_space<vmem>>, %arg11: memref<1000x128xf32, #tpu.memory_space<vmem>>, %arg12: memref<1000x128xbf16, #tpu.memory_space<vmem>>) attributes {dimension_semantics = [#tpu.dimension_semantics<arbitrary>], iteration_bounds = array<i64: 10>, scalar_prefetch = 0 : i64, scratch_operands = 0 : i64, tpu.core_type = #tpu.core_type<tc>, window_params = [{transform_indices = @transform_0, window_bounds = array<i64: 1000, 128>}, {transform_indices = @transform_1, window_bounds = array<i64: 1000, 128>}, {transform_indices = @transform_2, window_bounds = array<i64: 1000, 128>}, {pipeline_mode = #tpu.pipeline_mode<synchronous>, transform_indices = @transform_3, window_bounds = array<i64: 128, 128>}, {pipeline_mode = #tpu.pipeline_mode<synchronous>, transform_indices = @transform_4, window_bounds = array<i64: 128, 128>}, {pipeline_mode = #tpu.pipeline_mode<synchronous>, transform_indices = @transform_5, window_bounds = array<i64: 1, 128>}, {pipeline_mode = #tpu.pipeline_mode<synchronous>, transform_indices = @transform_6, window_bounds = array<i64: 128, 128>}, {pipeline_mode = #tpu.pipeline_mode<synchronous>, transform_indices = @transform_7, window_bounds = array<i64: 1, 128>}, {pipeline_mode = #tpu.pipeline_mode<synchronous>, transform_indices = @transform_8, window_bounds = array<i64: 1, 128>}, {pipeline_mode = #tpu.pipeline_mode<synchronous>, transform_indices = @transform_9, window_bounds = array<i64: 1, 128>}, {transform_indices = @transform_10, window_bounds = array<i64: 1000, 128>}, {transform_indices = @transform_11, window_bounds = array<i64: 1000, 128>}]} {
    %get3A = arith.constant 0 : index
    %get3A_0 = arith.constant 0 : index
    %get3A_1 = vector.load %arg1[%get3A, %get3A_0] : memref<1000x128xf32, #tpu.memory_space<vmem>>, vector<1000x128xf32>
    %get3A_2 = arith.constant 0 : index
    %get3A_3 = arith.constant 0 : index
    %get3A_4 = vector.load %arg2[%get3A_2, %get3A_3] : memref<1000x128xf32, #tpu.memory_space<vmem>>, vector<1000x128xf32>
    %add3A = arith.addf %get3A_1, %get3A_4 : vector<1000x128xf32>
    %get3A_5 = arith.constant 0 : index
    %get3A_6 = arith.constant 0 : index
    %get3A_7 = vector.load %arg3[%get3A_5, %get3A_6] : memref<1000x128xf32, #tpu.memory_space<vmem>>, vector<1000x128xf32>
    %get3A_8 = arith.constant 0 : index
    %get3A_9 = arith.constant 0 : index
    %get3A_10 = vector.load %arg4[%get3A_8, %get3A_9] : memref<128x128xf32, #tpu.memory_space<vmem>>, vector<128x128xf32>
    %dot_general3A = arith.constant dense<0.000000e+00> : vector<1000x128xf32>
    %dot_general3A_11 = tpu.matmul %get3A_7, %get3A_10, %dot_general3A {dimension_numbers = #tpu.dot_dimension_numbers<[1], [0], [0], [1], [0, 0, 1, 1], [], []>, transpose_lhs_hint = false} : vector<1000x128xf32>, vector<128x128xf32>, vector<1000x128xf32> -> vector<1000x128xf32>
    %get3A_12 = arith.constant 0 : index
    %get3A_13 = arith.constant 0 : index
    %get3A_14 = vector.load %arg5[%get3A_12, %get3A_13] : memref<128x128xf32, #tpu.memory_space<vmem>>, vector<128x128xf32>
    %dot_general3A_15 = arith.constant dense<0.000000e+00> : vector<1000x128xf32>
    %dot_general3A_16 = tpu.matmul %add3A, %get3A_14, %dot_general3A_15 {dimension_numbers = #tpu.dot_dimension_numbers<[1], [0], [0], [1], [0, 0, 1, 1], [], []>, transpose_lhs_hint = false} : vector<1000x128xf32>, vector<128x128xf32>, vector<1000x128xf32> -> vector<1000x128xf32>
    %add3A_17 = arith.addf %dot_general3A_11, %dot_general3A_16 : vector<1000x128xf32>
    %get3A_18 = arith.constant 0 : index
    %get3A_19 = arith.constant 0 : index
    %get3A_20 = vector.load %arg6[%get3A_18, %get3A_19] : memref<1x128xf32, #tpu.memory_space<vmem>>, vector<1x128xf32>
    %add3A_21 = vector.broadcast %get3A_20 : vector<1x128xf32> to vector<1000x128xf32>
    %add3A_22 = arith.addf %add3A_17, %add3A_21 : vector<1000x128xf32>
    %max3A = arith.constant 0.000000e+00 : f32
    %max3A_23 = vector.broadcast %max3A : f32 to vector<1000x128xf32>
    %max3A_24 = arith.maximumf %add3A_22, %max3A_23 : vector<1000x128xf32>
    %get3A_25 = arith.constant 0 : index
    %get3A_26 = arith.constant 0 : index
    %get3A_27 = vector.load %arg7[%get3A_25, %get3A_26] : memref<128x128xf32, #tpu.memory_space<vmem>>, vector<128x128xf32>
    %dot_general3A_28 = arith.constant dense<0.000000e+00> : vector<1000x128xf32>
    %dot_general3A_29 = tpu.matmul %max3A_24, %get3A_27, %dot_general3A_28 {dimension_numbers = #tpu.dot_dimension_numbers<[1], [0], [0], [1], [0, 0, 1, 1], [], []>, transpose_lhs_hint = false} : vector<1000x128xf32>, vector<128x128xf32>, vector<1000x128xf32> -> vector<1000x128xf32>
    %get3A_30 = arith.constant 0 : index
    %get3A_31 = arith.constant 0 : index
    %get3A_32 = vector.load %arg8[%get3A_30, %get3A_31] : memref<1x128xf32, #tpu.memory_space<vmem>>, vector<1x128xf32>
    %add3A_33 = vector.broadcast %get3A_32 : vector<1x128xf32> to vector<1000x128xf32>
    %add3A_34 = arith.addf %dot_general3A_29, %add3A_33 : vector<1000x128xf32>
    %max3A_35 = arith.constant 0.000000e+00 : f32
    %max3A_36 = vector.broadcast %max3A_35 : f32 to vector<1000x128xf32>
    %max3A_37 = arith.maximumf %add3A_34, %max3A_36 : vector<1000x128xf32>
    %reduce_sum3A = arith.constant dense<0.000000e+00> : vector<1000xf32>
    %reduce_sum3A_38 = vector.multi_reduction <add>, %max3A_37, %reduce_sum3A [1] : vector<1000x128xf32> to vector<1000xf32>
    %broadcast_in_dim3A = vector.shape_cast %reduce_sum3A_38 : vector<1000xf32> to vector<1000x1xf32>
    %div3A = arith.constant 1.280000e+02 : f32
    %div3A_39 = vector.broadcast %div3A : f32 to vector<1000x1xf32>
    %div3A_40 = arith.divf %broadcast_in_dim3A, %div3A_39 : vector<1000x1xf32>
    %mul3A = arith.mulf %max3A_37, %max3A_37 : vector<1000x128xf32>
    %reduce_sum3A_41 = arith.constant dense<0.000000e+00> : vector<1000xf32>
    %reduce_sum3A_42 = vector.multi_reduction <add>, %mul3A, %reduce_sum3A_41 [1] : vector<1000x128xf32> to vector<1000xf32>
    %broadcast_in_dim3A_43 = vector.shape_cast %reduce_sum3A_42 : vector<1000xf32> to vector<1000x1xf32>
    %div3A_44 = arith.constant 1.280000e+02 : f32
    %div3A_45 = vector.broadcast %div3A_44 : f32 to vector<1000x1xf32>
    %div3A_46 = arith.divf %broadcast_in_dim3A_43, %div3A_45 : vector<1000x1xf32>
    %mul3A_47 = arith.mulf %div3A_40, %div3A_40 : vector<1000x1xf32>
    %sub3A = arith.subf %div3A_46, %mul3A_47 : vector<1000x1xf32>
    %sub3A_48 = vector.broadcast %div3A_40 : vector<1000x1xf32> to vector<1000x128xf32>
    %sub3A_49 = arith.subf %max3A_37, %sub3A_48 : vector<1000x128xf32>
    %add3A_50 = arith.constant 9.99999974E-6 : f32
    %add3A_51 = vector.broadcast %add3A_50 : f32 to vector<1000x1xf32>
    %add3A_52 = arith.addf %sub3A, %add3A_51 : vector<1000x1xf32>
    %rsqrt3A = math.rsqrt %add3A_52 : vector<1000x1xf32>
    %mul3A_53 = vector.broadcast %rsqrt3A : vector<1000x1xf32> to vector<1000x128xf32>
    %mul3A_54 = arith.mulf %sub3A_49, %mul3A_53 : vector<1000x128xf32>
    %get3A_55 = arith.constant 0 : index
    %get3A_56 = arith.constant 0 : index
    %get3A_57 = vector.load %arg9[%get3A_55, %get3A_56] : memref<1x128xf32, #tpu.memory_space<vmem>>, vector<1x128xf32>
    %mul3A_58 = vector.broadcast %get3A_57 : vector<1x128xf32> to vector<1000x128xf32>
    %mul3A_59 = arith.mulf %mul3A_54, %mul3A_58 : vector<1000x128xf32>
    %get3A_60 = arith.constant 0 : index
    %get3A_61 = arith.constant 0 : index
    %get3A_62 = vector.load %arg10[%get3A_60, %get3A_61] : memref<1x128xf32, #tpu.memory_space<vmem>>, vector<1x128xf32>
    %add3A_63 = vector.broadcast %get3A_62 : vector<1x128xf32> to vector<1000x128xf32>
    %add3A_64 = arith.addf %mul3A_59, %add3A_63 : vector<1000x128xf32>
    %swap3A = arith.constant 0 : index
    %swap3A_65 = arith.constant 0 : index
    %swap3A_66 = vector.load %arg11[%swap3A, %swap3A_65] : memref<1000x128xf32, #tpu.memory_space<vmem>>, vector<1000x128xf32>
    tpu.vector_store %arg11[%swap3A, %swap3A_65], %add3A_64 {strides = array<i32>} : memref<1000x128xf32, #tpu.memory_space<vmem>>, vector<1000x128xf32>,
    %convert_element_type3A = arith.truncf %add3A_64 : vector<1000x128xf32> to vector<1000x128xbf16>
    %swap3A_67 = arith.constant 0 : index
    %swap3A_68 = arith.constant 0 : index
    %swap3A_69 = vector.load %arg12[%swap3A_67, %swap3A_68] : memref<1000x128xbf16, #tpu.memory_space<vmem>>, vector<1000x128xbf16>
    tpu.vector_store %arg12[%swap3A_67, %swap3A_68], %convert_element_type3A {strides = array<i32>} : memref<1000x128xbf16, #tpu.memory_space<vmem>>, vector<1000x128xbf16>,
    return
  }
  func.func @transform_0(%arg0: i32) -> (i32, i32) {
    %c0_i32 = arith.constant 0 : i32
    %c0_i32_0 = arith.constant 0 : i32
    return %arg0, %c0_i32 : i32, i32
  }
  func.func @transform_1(%arg0: i32) -> (i32, i32) {
    %c0_i32 = arith.constant 0 : i32
    %c0_i32_0 = arith.constant 0 : i32
    return %arg0, %c0_i32 : i32, i32
  }
  func.func @transform_2(%arg0: i32) -> (i32, i32) {
    %c0_i32 = arith.constant 0 : i32
    %c0_i32_0 = arith.constant 0 : i32
    return %arg0, %c0_i32 : i32, i32
  }
  func.func @transform_3(%arg0: i32) -> (i32, i32) {
    %c0_i32 = arith.constant 0 : i32
    %c0_i32_0 = arith.constant 0 : i32
    %c0_i32_1 = arith.constant 0 : i32
    return %c0_i32, %c0_i32_0 : i32, i32
  }
  func.func @transform_4(%arg0: i32) -> (i32, i32) {
    %c0_i32 = arith.constant 0 : i32
    %c0_i32_0 = arith.constant 0 : i32
    %c0_i32_1 = arith.constant 0 : i32
    return %c0_i32, %c0_i32_0 : i32, i32
  }
  func.func @transform_5(%arg0: i32) -> (i32, i32) {
    %c0_i32 = arith.constant 0 : i32
    %c0_i32_0 = arith.constant 0 : i32
    %c0_i32_1 = arith.constant 0 : i32
    return %c0_i32, %c0_i32_0 : i32, i32
  }
  func.func @transform_6(%arg0: i32) -> (i32, i32) {
    %c0_i32 = arith.constant 0 : i32
    %c0_i32_0 = arith.constant 0 : i32
    %c0_i32_1 = arith.constant 0 : i32
    return %c0_i32, %c0_i32_0 : i32, i32
  }
  func.func @transform_7(%arg0: i32) -> (i32, i32) {
    %c0_i32 = arith.constant 0 : i32
    %c0_i32_0 = arith.constant 0 : i32
    %c0_i32_1 = arith.constant 0 : i32
    return %c0_i32, %c0_i32_0 : i32, i32
  }
  func.func @transform_8(%arg0: i32) -> (i32, i32) {
    %c0_i32 = arith.constant 0 : i32
    %c0_i32_0 = arith.constant 0 : i32
    %c0_i32_1 = arith.constant 0 : i32
    return %c0_i32, %c0_i32_0 : i32, i32
  }
  func.func @transform_9(%arg0: i32) -> (i32, i32) {
    %c0_i32 = arith.constant 0 : i32
    %c0_i32_0 = arith.constant 0 : i32
    %c0_i32_1 = arith.constant 0 : i32
    return %c0_i32, %c0_i32_0 : i32, i32
  }
  func.func @transform_10(%arg0: i32) -> (i32, i32) {
    %c0_i32 = arith.constant 0 : i32
    %c0_i32_0 = arith.constant 0 : i32
    return %arg0, %c0_i32 : i32, i32
  }
  func.func @transform_11(%arg0: i32) -> (i32, i32) {
    %c0_i32 = arith.constant 0 : i32
    %c0_i32_0 = arith.constant 0 : i32
    return %arg0, %c0_i32 : i32, i32
  }
}

module attributes {stable_mosaic.version = 14 : i64} {
  func.func @_mlp_body(%arg0: i32, %arg1: memref<1000x128xf32, #tpu.memory_space<vmem>>, %arg2: memref<1000x128xf32, #tpu.memory_space<vmem>>, %arg3: memref<1000x128xf32, #tpu.memory_space<vmem>>, %arg4: memref<128x128xf32, #tpu.memory_space<vmem>>, %arg5: memref<128x128xf32, #tpu.memory_space<vmem>>, %arg6: memref<1x128xf32, #tpu.memory_space<vmem>>, %arg7: memref<128x128xf32, #tpu.memory_space<vmem>>, %arg8: memref<1x128xf32, #tpu.memory_space<vmem>>, %arg9: memref<1x128xf32, #tpu.memory_space<vmem>>, %arg10: memref<1x128xf32, #tpu.memory_space<vmem>>, %arg11: memref<1000x128xf32, #tpu.memory_space<vmem>>, %arg12: memref<1000x128xbf16, #tpu.memory_space<vmem>>) attributes {dimension_semantics = [#tpu.dimension_semantics<arbitrary>], iteration_bounds = array<i64: 10>, scalar_prefetch = 0 : i64, scratch_operands = 0 : i64, tpu.core_type = #tpu.core_type<tc>, window_params = [{transform_indices = @transform_0, window_bounds = array<i64: 1000, 128>}, {transform_indices = @transform_1, window_bounds = array<i64: 1000, 128>}, {transform_indices = @transform_2, window_bounds = array<i64: 1000, 128>}, {pipeline_mode = #tpu.pipeline_mode<synchronous>, transform_indices = @transform_3, window_bounds = array<i64: 128, 128>}, {pipeline_mode = #tpu.pipeline_mode<synchronous>, transform_indices = @transform_4, window_bounds = array<i64: 128, 128>}, {pipeline_mode = #tpu.pipeline_mode<synchronous>, transform_indices = @transform_5, window_bounds = array<i64: 1, 128>}, {pipeline_mode = #tpu.pipeline_mode<synchronous>, transform_indices = @transform_6, window_bounds = array<i64: 128, 128>}, {pipeline_mode = #tpu.pipeline_mode<synchronous>, transform_indices = @transform_7, window_bounds = array<i64: 1, 128>}, {pipeline_mode = #tpu.pipeline_mode<synchronous>, transform_indices = @transform_8, window_bounds = array<i64: 1, 128>}, {pipeline_mode = #tpu.pipeline_mode<synchronous>, transform_indices = @transform_9, window_bounds = array<i64: 1, 128>}, {transform_indices = @transform_10, window_bounds = array<i64: 1000, 128>}, {transform_indices = @transform_11, window_bounds = array<i64: 1000, 128>}]} {
    %get3A = arith.constant 0 : index
    %get3A_0 = arith.constant 0 : index
    %get3A_1 = vector.load %arg1[%get3A, %get3A_0] : memref<1000x128xf32, #tpu.memory_space<vmem>>, vector<1000x128xf32>
    %get3A_2 = arith.constant 0 : index
    %get3A_3 = arith.constant 0 : index
    %get3A_4 = vector.load %arg2[%get3A_2, %get3A_3] : memref<1000x128xf32, #tpu.memory_space<vmem>>, vector<1000x128xf32>
    %add3A = arith.addf %get3A_1, %get3A_4 : vector<1000x128xf32>
    %get3A_5 = arith.constant 0 : index
    %get3A_6 = arith.constant 0 : index
    %get3A_7 = vector.load %arg3[%get3A_5, %get3A_6] : memref<1000x128xf32, #tpu.memory_space<vmem>>, vector<1000x128xf32>
    %get3A_8 = arith.constant 0 : index
    %get3A_9 = arith.constant 0 : index
    %get3A_10 = vector.load %arg4[%get3A_8, %get3A_9] : memref<128x128xf32, #tpu.memory_space<vmem>>, vector<128x128xf32>
    %dot_general3A = arith.constant dense<0.000000e+00> : vector<1000x128xf32>
    %dot_general3A_11 = tpu.matmul %get3A_7, %get3A_10, %dot_general3A {dimension_numbers = #tpu.dot_dimension_numbers<[1], [0], [0], [1], [0, 0, 1, 1], [], []>, transpose_lhs_hint = false} : vector<1000x128xf32>, vector<128x128xf32>, vector<1000x128xf32> -> vector<1000x128xf32>
    %get3A_12 = arith.constant 0 : index
    %get3A_13 = arith.constant 0 : index
    %get3A_14 = vector.load %arg5[%get3A_12, %get3A_13] : memref<128x128xf32, #tpu.memory_space<vmem>>, vector<128x128xf32>
    %dot_general3A_15 = arith.constant dense<0.000000e+00> : vector<1000x128xf32>
    %dot_general3A_16 = tpu.matmul %add3A, %get3A_14, %dot_general3A_15 {dimension_numbers = #tpu.dot_dimension_numbers<[1], [0], [0], [1], [0, 0, 1, 1], [], []>, transpose_lhs_hint = false} : vector<1000x128xf32>, vector<128x128xf32>, vector<1000x128xf32> -> vector<1000x128xf32>
    %add3A_17 = arith.addf %dot_general3A_11, %dot_general3A_16 : vector<1000x128xf32>
    %get3A_18 = arith.constant 0 : index
    %get3A_19 = arith.constant 0 : index
    %get3A_20 = vector.load %arg6[%get3A_18, %get3A_19] : memref<1x128xf32, #tpu.memory_space<vmem>>, vector<1x128xf32>
    %add3A_21 = vector.broadcast %get3A_20 : vector<1x128xf32> to vector<1000x128xf32>
    %add3A_22 = arith.addf %add3A_17, %add3A_21 : vector<1000x128xf32>
    %max3A = arith.constant 0.000000e+00 : f32
    %max3A_23 = vector.broadcast %max3A : f32 to vector<1000x128xf32>
    %max3A_24 = arith.maximumf %add3A_22, %max3A_23 : vector<1000x128xf32>
    %get3A_25 = arith.constant 0 : index
    %get3A_26 = arith.constant 0 : index
    %get3A_27 = vector.load %arg7[%get3A_25, %get3A_26] : memref<128x128xf32, #tpu.memory_space<vmem>>, vector<128x128xf32>
    %dot_general3A_28 = arith.constant dense<0.000000e+00> : vector<1000x128xf32>
    %dot_general3A_29 = tpu.matmul %max3A_24, %get3A_27, %dot_general3A_28 {dimension_numbers = #tpu.dot_dimension_numbers<[1], [0], [0], [1], [0, 0, 1, 1], [], []>, transpose_lhs_hint = false} : vector<1000x128xf32>, vector<128x128xf32>, vector<1000x128xf32> -> vector<1000x128xf32>
    %get3A_30 = arith.constant 0 : index
    %get3A_31 = arith.constant 0 : index
    %get3A_32 = vector.load %arg8[%get3A_30, %get3A_31] : memref<1x128xf32, #tpu.memory_space<vmem>>, vector<1x128xf32>
    %add3A_33 = vector.broadcast %get3A_32 : vector<1x128xf32> to vector<1000x128xf32>
    %add3A_34 = arith.addf %dot_general3A_29, %add3A_33 : vector<1000x128xf32>
    %swap3A = arith.constant 0 : index
    %swap3A_35 = arith.constant 0 : index
    %swap3A_36 = vector.load %arg11[%swap3A, %swap3A_35] : memref<1000x128xf32, #tpu.memory_space<vmem>>, vector<1000x128xf32>
    tpu.vector_store %arg11[%swap3A, %swap3A_35], %add3A_34 {strides = array<i32>} : memref<1000x128xf32, #tpu.memory_space<vmem>>, vector<1000x128xf32>,
    %convert_element_type3A = arith.truncf %add3A_34 : vector<1000x128xf32> to vector<1000x128xbf16>
    %swap3A_37 = arith.constant 0 : index
    %swap3A_38 = arith.constant 0 : index
    %swap3A_39 = vector.load %arg12[%swap3A_37, %swap3A_38] : memref<1000x128xbf16, #tpu.memory_space<vmem>>, vector<1000x128xbf16>
    tpu.vector_store %arg12[%swap3A_37, %swap3A_38], %convert_element_type3A {strides = array<i32>} : memref<1000x128xbf16, #tpu.memory_space<vmem>>, vector<1000x128xbf16>,
    return
  }
  func.func @transform_0(%arg0: i32) -> (i32, i32) {
    %c0_i32 = arith.constant 0 : i32
    %c0_i32_0 = arith.constant 0 : i32
    return %arg0, %c0_i32 : i32, i32
  }
  func.func @transform_1(%arg0: i32) -> (i32, i32) {
    %c0_i32 = arith.constant 0 : i32
    %c0_i32_0 = arith.constant 0 : i32
    return %arg0, %c0_i32 : i32, i32
  }
  func.func @transform_2(%arg0: i32) -> (i32, i32) {
    %c0_i32 = arith.constant 0 : i32
    %c0_i32_0 = arith.constant 0 : i32
    return %arg0, %c0_i32 : i32, i32
  }
  func.func @transform_3(%arg0: i32) -> (i32, i32) {
    %c0_i32 = arith.constant 0 : i32
    %c0_i32_0 = arith.constant 0 : i32
    %c0_i32_1 = arith.constant 0 : i32
    return %c0_i32, %c0_i32_0 : i32, i32
  }
  func.func @transform_4(%arg0: i32) -> (i32, i32) {
    %c0_i32 = arith.constant 0 : i32
    %c0_i32_0 = arith.constant 0 : i32
    %c0_i32_1 = arith.constant 0 : i32
    return %c0_i32, %c0_i32_0 : i32, i32
  }
  func.func @transform_5(%arg0: i32) -> (i32, i32) {
    %c0_i32 = arith.constant 0 : i32
    %c0_i32_0 = arith.constant 0 : i32
    %c0_i32_1 = arith.constant 0 : i32
    return %c0_i32, %c0_i32_0 : i32, i32
  }
  func.func @transform_6(%arg0: i32) -> (i32, i32) {
    %c0_i32 = arith.constant 0 : i32
    %c0_i32_0 = arith.constant 0 : i32
    %c0_i32_1 = arith.constant 0 : i32
    return %c0_i32, %c0_i32_0 : i32, i32
  }
  func.func @transform_7(%arg0: i32) -> (i32, i32) {
    %c0_i32 = arith.constant 0 : i32
    %c0_i32_0 = arith.constant 0 : i32
    %c0_i32_1 = arith.constant 0 : i32
    return %c0_i32, %c0_i32_0 : i32, i32
  }
  func.func @transform_8(%arg0: i32) -> (i32, i32) {
    %c0_i32 = arith.constant 0 : i32
    %c0_i32_0 = arith.constant 0 : i32
    %c0_i32_1 = arith.constant 0 : i32
    return %c0_i32, %c0_i32_0 : i32, i32
  }
  func.func @transform_9(%arg0: i32) -> (i32, i32) {
    %c0_i32 = arith.constant 0 : i32
    %c0_i32_0 = arith.constant 0 : i32
    %c0_i32_1 = arith.constant 0 : i32
    return %c0_i32, %c0_i32_0 : i32, i32
  }
  func.func @transform_10(%arg0: i32) -> (i32, i32) {
    %c0_i32 = arith.constant 0 : i32
    %c0_i32_0 = arith.constant 0 : i32
    return %arg0, %c0_i32 : i32, i32
  }
  func.func @transform_11(%arg0: i32) -> (i32, i32) {
    %c0_i32 = arith.constant 0 : i32
    %c0_i32_0 = arith.constant 0 : i32
    return %arg0, %c0_i32 : i32, i32
  }
}

module attributes {stable_mosaic.version = 14 : i64} {
  func.func @_pool_body(%arg0: i32, %arg1: memref<1000x128xf32, #tpu.memory_space<vmem>>, %arg2: memref<1x1x1000xi32, #tpu.memory_space<vmem>>, %arg3: memref<128x128xf32, #tpu.memory_space<vmem>>, %arg4: memref<1x128xf32, #tpu.memory_space<vmem>>, %arg5: memref<128x128xf32, #tpu.memory_space<vmem>>, %arg6: memref<1x128xf32, #tpu.memory_space<vmem>>, %arg7: memref<64x128xf32, #tpu.memory_space<vmem>>, %arg8: memref<64x128xf32, #tpu.memory_space<vmem>>, %arg9: memref<64x128xf32, #tpu.memory_space<vmem>>) attributes {dimension_semantics = [#tpu.dimension_semantics<arbitrary>], iteration_bounds = array<i64: 10>, scalar_prefetch = 0 : i64, scratch_operands = 2 : i64, tpu.core_type = #tpu.core_type<tc>, window_params = [{transform_indices = @transform_0, window_bounds = array<i64: 1000, 128>}, {transform_indices = @transform_1, window_bounds = array<i64: 1, 1, 1000>}, {pipeline_mode = #tpu.pipeline_mode<synchronous>, transform_indices = @transform_2, window_bounds = array<i64: 128, 128>}, {pipeline_mode = #tpu.pipeline_mode<synchronous>, transform_indices = @transform_3, window_bounds = array<i64: 1, 128>}, {pipeline_mode = #tpu.pipeline_mode<synchronous>, transform_indices = @transform_4, window_bounds = array<i64: 128, 128>}, {pipeline_mode = #tpu.pipeline_mode<synchronous>, transform_indices = @transform_5, window_bounds = array<i64: 1, 128>}, {pipeline_mode = #tpu.pipeline_mode<synchronous>, transform_indices = @transform_6, window_bounds = array<i64: 64, 128>}]} {
    %get3A = arith.constant 0 : index
    %get3A_0 = arith.constant 0 : index
    %get3A_1 = vector.load %arg1[%get3A, %get3A_0] : memref<1000x128xf32, #tpu.memory_space<vmem>>, vector<1000x128xf32>
    %max3A = arith.constant 0.000000e+00 : f32
    %max3A_2 = vector.broadcast %max3A : f32 to vector<1000x128xf32>
    %max3A_3 = arith.maximumf %get3A_1, %max3A_2 : vector<1000x128xf32>
    %get3A_4 = arith.constant 0 : index
    %get3A_5 = arith.constant 0 : index
    %get3A_6 = arith.constant 0 : index
    %get3A_7 = vector.load %arg2[%get3A_4, %get3A_5, %get3A_6] : memref<1x1x1000xi32, #tpu.memory_space<vmem>>, vector<1x1x1000xi32>
    %get3A_8 = vector.shape_cast %get3A_7 : vector<1x1x1000xi32> to vector<1000xi32>
    %iota3A = tpu.iota {dimensions = array<i32: 0>} : vector<64x1000xi32>
    %broadcast_in_dim3A = vector.shape_cast %get3A_8 : vector<1000xi32> to vector<1x1000xi32>
    %eq3A = vector.broadcast %broadcast_in_dim3A : vector<1x1000xi32> to vector<64x1000xi32>
    %eq3A_9 = arith.cmpi eq, %eq3A, %iota3A : vector<64x1000xi32>
    %convert_element_type3A = arith.extui %eq3A_9 : vector<64x1000xi1> to vector<64x1000xi32>
    %convert_element_type3A_10 = arith.sitofp %convert_element_type3A : vector<64x1000xi32> to vector<64x1000xf32>
    %dot_general3A = arith.constant dense<0.000000e+00> : vector<64x128xf32>
    %dot_general3A_11 = tpu.matmul %convert_element_type3A_10, %max3A_3, %dot_general3A {dimension_numbers = #tpu.dot_dimension_numbers<[1], [0], [0], [1], [0, 0, 1, 1], [], []>, transpose_lhs_hint = false} : vector<64x1000xf32>, vector<1000x128xf32>, vector<64x128xf32> -> vector<64x128xf32>
    %reduce_sum3A = arith.constant dense<0.000000e+00> : vector<64xf32>
    %reduce_sum3A_12 = vector.multi_reduction <add>, %convert_element_type3A_10, %reduce_sum3A [1] : vector<64x1000xf32> to vector<64xf32>
    %broadcast_in_dim3A_13 = vector.shape_cast %reduce_sum3A_12 : vector<64xf32> to vector<64x1xf32>
    %broadcast_in_dim3A_14 = vector.shape_cast %broadcast_in_dim3A_13 : vector<64x1xf32> to vector<64x1xf32>
    %broadcast_in_dim3A_15 = vector.broadcast %broadcast_in_dim3A_14 : vector<64x1xf32> to vector<64x128xf32>
    %eq3A_16 = arith.constant 0 : i32
    %eq3A_17 = arith.cmpi eq, %arg0, %eq3A_16 : i32
    %convert_element_type3A_18 = arith.extui %eq3A_17 : i1 to i32
    %cond3A = arith.constant 0 : i32
    %cond3A_19 = arith.cmpi ne, %convert_element_type3A_18, %cond3A : i32
    scf.if %cond3A_19 {
      %swap3A = arith.constant 0 : index
      %swap3A_29 = arith.constant 0 : index
      %swap3A_30 = vector.load %arg8[%swap3A, %swap3A_29] : memref<64x128xf32, #tpu.memory_space<vmem>>, vector<64x128xf32>
      tpu.vector_store %arg8[%swap3A, %swap3A_29], %dot_general3A_11 {strides = array<i32>} : memref<64x128xf32, #tpu.memory_space<vmem>>, vector<64x128xf32>,
      %swap3A_31 = arith.constant 0 : index
      %swap3A_32 = arith.constant 0 : index
      %swap3A_33 = vector.load %arg9[%swap3A_31, %swap3A_32] : memref<64x128xf32, #tpu.memory_space<vmem>>, vector<64x128xf32>
      tpu.vector_store %arg9[%swap3A_31, %swap3A_32], %broadcast_in_dim3A_15 {strides = array<i32>} : memref<64x128xf32, #tpu.memory_space<vmem>>, vector<64x128xf32>,
    } else {
    }
    %gt3A = arith.constant 0 : i32
    %gt3A_20 = arith.cmpi sgt, %arg0, %gt3A : i32
    %convert_element_type3A_21 = arith.extui %gt3A_20 : i1 to i32
    %cond3A_22 = arith.constant 0 : i32
    %cond3A_23 = arith.cmpi ne, %convert_element_type3A_21, %cond3A_22 : i32
    scf.if %cond3A_23 {
      %get3A_29 = arith.constant 0 : index
      %get3A_30 = arith.constant 0 : index
      %get3A_31 = vector.load %arg8[%get3A_29, %get3A_30] : memref<64x128xf32, #tpu.memory_space<vmem>>, vector<64x128xf32>
      %add3A = arith.addf %get3A_31, %dot_general3A_11 : vector<64x128xf32>
      %swap3A = arith.constant 0 : index
      %swap3A_32 = arith.constant 0 : index
      %swap3A_33 = vector.load %arg8[%swap3A, %swap3A_32] : memref<64x128xf32, #tpu.memory_space<vmem>>, vector<64x128xf32>
      tpu.vector_store %arg8[%swap3A, %swap3A_32], %add3A {strides = array<i32>} : memref<64x128xf32, #tpu.memory_space<vmem>>, vector<64x128xf32>,
      %get3A_34 = arith.constant 0 : index
      %get3A_35 = arith.constant 0 : index
      %get3A_36 = vector.load %arg9[%get3A_34, %get3A_35] : memref<64x128xf32, #tpu.memory_space<vmem>>, vector<64x128xf32>
      %add3A_37 = arith.addf %get3A_36, %broadcast_in_dim3A_15 : vector<64x128xf32>
      %swap3A_38 = arith.constant 0 : index
      %swap3A_39 = arith.constant 0 : index
      %swap3A_40 = vector.load %arg9[%swap3A_38, %swap3A_39] : memref<64x128xf32, #tpu.memory_space<vmem>>, vector<64x128xf32>
      tpu.vector_store %arg9[%swap3A_38, %swap3A_39], %add3A_37 {strides = array<i32>} : memref<64x128xf32, #tpu.memory_space<vmem>>, vector<64x128xf32>,
    } else {
    }
    %eq3A_24 = arith.constant 9 : i32
    %eq3A_25 = arith.cmpi eq, %arg0, %eq3A_24 : i32
    %convert_element_type3A_26 = arith.extui %eq3A_25 : i1 to i32
    %cond3A_27 = arith.constant 0 : i32
    %cond3A_28 = arith.cmpi ne, %convert_element_type3A_26, %cond3A_27 : i32
    scf.if %cond3A_28 {
      %get3A_29 = arith.constant 0 : index
      %get3A_30 = arith.constant 0 : index
      %get3A_31 = vector.load %arg8[%get3A_29, %get3A_30] : memref<64x128xf32, #tpu.memory_space<vmem>>, vector<64x128xf32>
      %get3A_32 = arith.constant 0 : index
      %get3A_33 = arith.constant 0 : index
      %get3A_34 = vector.load %arg9[%get3A_32, %get3A_33] : memref<64x128xf32, #tpu.memory_space<vmem>>, vector<64x128xf32>
      %max3A_35 = arith.constant 1.000000e+00 : f32
      %max3A_36 = vector.broadcast %max3A_35 : f32 to vector<64x128xf32>
      %max3A_37 = arith.maximumf %get3A_34, %max3A_36 : vector<64x128xf32>
      %div3A = arith.divf %get3A_31, %max3A_37 : vector<64x128xf32>
      %get3A_38 = arith.constant 0 : index
      %get3A_39 = arith.constant 0 : index
      %get3A_40 = vector.load %arg3[%get3A_38, %get3A_39] : memref<128x128xf32, #tpu.memory_space<vmem>>, vector<128x128xf32>
      %dot_general3A_41 = arith.constant dense<0.000000e+00> : vector<64x128xf32>
      %dot_general3A_42 = tpu.matmul %div3A, %get3A_40, %dot_general3A_41 {dimension_numbers = #tpu.dot_dimension_numbers<[1], [0], [0], [1], [0, 0, 1, 1], [], []>, transpose_lhs_hint = false} : vector<64x128xf32>, vector<128x128xf32>, vector<64x128xf32> -> vector<64x128xf32>
      %get3A_43 = arith.constant 0 : index
      %get3A_44 = arith.constant 0 : index
      %get3A_45 = vector.load %arg4[%get3A_43, %get3A_44] : memref<1x128xf32, #tpu.memory_space<vmem>>, vector<1x128xf32>
      %add3A = vector.broadcast %get3A_45 : vector<1x128xf32> to vector<64x128xf32>
      %add3A_46 = arith.addf %dot_general3A_42, %add3A : vector<64x128xf32>
      %get3A_47 = arith.constant 0 : index
      %get3A_48 = arith.constant 0 : index
      %get3A_49 = vector.load %arg5[%get3A_47, %get3A_48] : memref<128x128xf32, #tpu.memory_space<vmem>>, vector<128x128xf32>
      %dot_general3A_50 = arith.constant dense<0.000000e+00> : vector<64x128xf32>
      %dot_general3A_51 = tpu.matmul %add3A_46, %get3A_49, %dot_general3A_50 {dimension_numbers = #tpu.dot_dimension_numbers<[1], [0], [0], [1], [0, 0, 1, 1], [], []>, transpose_lhs_hint = false} : vector<64x128xf32>, vector<128x128xf32>, vector<64x128xf32> -> vector<64x128xf32>
      %get3A_52 = arith.constant 0 : index
      %get3A_53 = arith.constant 0 : index
      %get3A_54 = vector.load %arg6[%get3A_52, %get3A_53] : memref<1x128xf32, #tpu.memory_space<vmem>>, vector<1x128xf32>
      %add3A_55 = vector.broadcast %get3A_54 : vector<1x128xf32> to vector<64x128xf32>
      %add3A_56 = arith.addf %dot_general3A_51, %add3A_55 : vector<64x128xf32>
      %reduce_max3A = arith.constant dense<0xFF800000> : vector<64xf32>
      %reduce_max3A_57 = vector.multi_reduction <maximumf>, %add3A_56, %reduce_max3A [1] : vector<64x128xf32> to vector<64xf32>
      %broadcast_in_dim3A_58 = vector.shape_cast %reduce_max3A_57 : vector<64xf32> to vector<64x1xf32>
      %sub3A = vector.broadcast %broadcast_in_dim3A_58 : vector<64x1xf32> to vector<64x128xf32>
      %sub3A_59 = arith.subf %add3A_56, %sub3A : vector<64x128xf32>
      %exp3A = math.exp %sub3A_59 : vector<64x128xf32>
      %reduce_sum3A_60 = arith.constant dense<0.000000e+00> : vector<64xf32>
      %reduce_sum3A_61 = vector.multi_reduction <add>, %exp3A, %reduce_sum3A_60 [1] : vector<64x128xf32> to vector<64xf32>
      %broadcast_in_dim3A_62 = vector.shape_cast %reduce_sum3A_61 : vector<64xf32> to vector<64x1xf32>
      %log3A = math.log %broadcast_in_dim3A_62 : vector<64x1xf32>
      %add3A_63 = arith.addf %broadcast_in_dim3A_58, %log3A : vector<64x1xf32>
      %sub3A_64 = vector.broadcast %add3A_63 : vector<64x1xf32> to vector<64x128xf32>
      %sub3A_65 = arith.subf %add3A_56, %sub3A_64 : vector<64x128xf32>
      %swap3A = arith.constant 0 : index
      %swap3A_66 = arith.constant 0 : index
      %swap3A_67 = vector.load %arg7[%swap3A, %swap3A_66] : memref<64x128xf32, #tpu.memory_space<vmem>>, vector<64x128xf32>
      tpu.vector_store %arg7[%swap3A, %swap3A_66], %sub3A_65 {strides = array<i32>} : memref<64x128xf32, #tpu.memory_space<vmem>>, vector<64x128xf32>,
    } else {
    }
    return
  }
  func.func @transform_0(%arg0: i32) -> (i32, i32) {
    %c0_i32 = arith.constant 0 : i32
    %c0_i32_0 = arith.constant 0 : i32
    return %arg0, %c0_i32 : i32, i32
  }
  func.func @transform_1(%arg0: i32) -> (i32, i32, i32) {
    %c0_i32 = arith.constant 0 : i32
    %c0_i32_0 = arith.constant 0 : i32
    %c0_i32_1 = arith.constant 0 : i32
    return %arg0, %c0_i32, %c0_i32_0 : i32, i32, i32
  }
  func.func @transform_2(%arg0: i32) -> (i32, i32) {
    %c0_i32 = arith.constant 0 : i32
    %c0_i32_0 = arith.constant 0 : i32
    %c0_i32_1 = arith.constant 0 : i32
    return %c0_i32, %c0_i32_0 : i32, i32
  }
  func.func @transform_3(%arg0: i32) -> (i32, i32) {
    %c0_i32 = arith.constant 0 : i32
    %c0_i32_0 = arith.constant 0 : i32
    %c0_i32_1 = arith.constant 0 : i32
    return %c0_i32, %c0_i32_0 : i32, i32
  }
  func.func @transform_4(%arg0: i32) -> (i32, i32) {
    %c0_i32 = arith.constant 0 : i32
    %c0_i32_0 = arith.constant 0 : i32
    %c0_i32_1 = arith.constant 0 : i32
    return %c0_i32, %c0_i32_0 : i32, i32
  }
  func.func @transform_5(%arg0: i32) -> (i32, i32) {
    %c0_i32 = arith.constant 0 : i32
    %c0_i32_0 = arith.constant 0 : i32
    %c0_i32_1 = arith.constant 0 : i32
    return %c0_i32, %c0_i32_0 : i32, i32
  }
  func.func @transform_6(%arg0: i32) -> (i32, i32) {
    %c0_i32 = arith.constant 0 : i32
    %c0_i32_0 = arith.constant 0 : i32
    %c0_i32_1 = arith.constant 0 : i32
    return %c0_i32, %c0_i32_0 : i32, i32
  }
}

</mosaic_0001>

<sc_bundles>
// kernel: kernel.12.cloned.1.call-start
scs
__scs_entry_jumppad:
0x0: {  	(pc) =	sbr.rel $0x88, $3  }
0x1: {  	(tag) =	ssettag $0x0;
	lr =	simm.s32 $0x1  }
0x2: {  	[smem:$0x3F8A] =	sst lr;
	_ =	strace $0xD0000000  }
0x3: {  	_ = 	snop  }
0x4: {  	_ = 	snop  }
0x5: {  	_ = 	snop  }
0x6: {  	_ = 	snop  }
0x7: {  	_ = 	snop  }
__scs_overlays_trampoline_lowered:
0x8: {  	[smem:$0x3F99] =	sst s0  }
0x9: {  	[smem:$0x3F9A] =	sst s1  }
0xa: {  	[smem:$0x3F9B] =	sst s2  }
0xb: {  	[smem:$0x3F9C] =	sst s3  }
0xc: {  	[smem:$0x3F9D] =	sst s4  }
0xd: {  	[smem:$0x3F9E] =	sst s5  }
0xe: {  	[smem:$0x3F9F] =	sst s6  }
0xf: {  	[smem:$0x3FA0] =	sst s7  }
0x10: {  	[smem:$0x3FA1] =	sst s8  }
0x11: {  	[smem:$0x3FA2] =	sst s9;
	s0 =	simm.s32 @!p0 $0x0  }
0x12: {  	s1 =	sld [smem:$0x3F88];
	s0 =	simm.s32 @p0 $0x1  }
0x13: {  	[smem:$0x3FA3] =	sst s0;
	s0 =	simm.s32 @!p1 $0x0  }
0x14: {  	s2 =	sld [smem:$0x3F87];
	s0 =	simm.s32 @p1 $0x1  }
0x15: {  	[smem:$0x3FA4] =	sst s0;
	s0 =	simm.s32 @!p2 $0x0  }
0x16: {  	s3 =	sld [smem:$0x3FDB];
	s0 =	simm.s32 @p2 $0x1  }
0x17: {  	s4 =	simm.s32 $0x1BF5;
	[smem:$0x3FA6] =	sst s0  }
0x18: {  	s0 =	sld [smem:$0x3F89];
	_ =	swait.ge [sflag:s4], $0x0  }
0x19: {  	s7 =	sld [smem:$0x3F8A]  }
0x1a: {  	s8 =	sadd.s32 $0xFFFFE003, lr  }
0x1b: {  	s9 =	sadd.s32 $0xFFFFFEF7, lr;
	s5 =	simm.s32 $0xFFFFFFFF;
	p2 =	slt.u32 s8, $0xFFFFF086  }
0x1c: {  	p1 =	slt.u32 s9, $0xF7A;
	s5 =	simm.s32 @!p2 $0x0  }
0x1d: {  	s5 =	simm.s32 @p1 $0x1;
	p0 =	seq.s32 s7, s2  }
0x1e: {  	s7 =	smul.u32 @!p0 $0xF7A, s2;
	p2 =	seq.s32 @!p0 s5, $0x0  }
0x1f: {  	s9 =	smul.u32 $0xF7A, s1;
	s8 =	simm.s32 @!p0 $0x1BF5;
	p2 =	por !p2, p0  }
0x20: {  	[sflag:s8] =	ssyncset.s32 @!p0 $0xFFFFF086;
	s6 =	sadd.s32 @!p0 s3, s7;
	s7 =	simm.s32 @!p0 $0x108  }
0x21: {  	s3 =	sadd.s32 s3, s9;
	s6 =	sadd.s32 @!p0 $0x88, s6;
	s7 =	simm.s32 @p2 $0x1082  }
0x22: {  	[simem:s7], [sflag:s8] =	dma.local @!p0 [hbm:s6], $0xF7A  }
0x23: {  	s9 =	sor.u32 $0xD0000000, s2;
	s6 =	simm.s32 $0x108;
	_ =	swait.ge @!p0 [sflag:s8], $0x0  }
0x24: {  	s3 =	sadd.s32 $0x88, s3;
	s6 =	simm.s32 @!p1 $0x1082;
	[sflag:s4] =	ssyncset.s32 $0xFFFFF086  }
0x25: {  	[simem:s6], [sflag:s4] =	dma.local [hbm:s3], $0xF7A  }
0x26: {  	[smem:$0x3F8A] =	sst s1;
	(tag) =	ssettag s2;
	_ =	strace s9  }
0x27: {  	s1 =	sld [smem:$0x3F9A]  }
0x28: {  	s2 =	sld [smem:$0x3F9B]  }
0x29: {  	s4 =	sld [smem:$0x3F9D]  }
0x2a: {  	p0 =	seq.s32 s5, $0x0;
	s5 =	sld [smem:$0x3F9E]  }
0x2b: {  	s6 =	sld [smem:$0x3F9F]  }
0x2c: {  	s7 =	sld [smem:$0x3FA0]  }
0x2d: {  	s3 =	simm.s32 $0x108;
	s8 =	sld [smem:$0x3FA1]  }
0x2e: {  	s3 =	simm.s32 @!p0 $0x1082;
	s9 =	sld [smem:$0x3FA2]  }
0x2f: {  	lr =	sadd.s32 s0, s3;
	s0 =	sld [smem:$0x3F99]  }
0x30: {  	s3 =	sld [smem:$0x3F9C]  }
0x31: {  	[smem:$0x3FA5] =	sst s10  }
0x32: {  	s10 =	sld [smem:$0x3FA3];
	_ =	sdelay $0x3  }
0x33: {  	p0 =	seq.s32 s10, $0x1;
	s10 =	sld [smem:$0x3FA5];
	_ =	sdelay $0x3  }
0x34: {  	[smem:$0x3FA5] =	sst s10  }
0x35: {  	s10 =	sld [smem:$0x3FA4];
	_ =	sdelay $0x3  }
0x36: {  	p1 =	seq.s32 s10, $0x1;
	s10 =	sld [smem:$0x3FA5];
	_ =	sdelay $0x3  }
0x37: {  	[smem:$0x3FA5] =	sst s10  }
0x38: {  	s10 =	sld [smem:$0x3FA6]  }
0x39: {  	_ = 	snop;
	(pc) =	sbr.ind lr, $3  }
0x3a: {  	_ = 	snop  }
0x3b: {  	_ = 	snop  }
0x3c: {  	p2 =	seq.s32 s10, $0x1;
	s10 =	sld [smem:$0x3FA5]  }
0x3d: {  	_ =	shalt  }
0x3e: {  	_ =	shalt  }
0x3f: {  	_ =	shalt  }
0x40: {  	_ =	shalt  }
0x41: {  	_ =	shalt  }
0x42: {  	_ =	shalt  }
0x43: {  	_ =	shalt  }
0x44: {  	_ =	shalt  }
0x45: {  	_ =	shalt  }
0x46: {  	_ =	shalt  }
0x47: {  	_ =	shalt  }
0x48: {  	_ =	shalt  }
0x49: {  	_ =	shalt  }
0x4a: {  	_ =	shalt  }
0x4b: {  	_ =	shalt  }
0x4c: {  	_ =	shalt  }
0x4d: {  	_ =	shalt  }
0x4e: {  	_ =	shalt  }
0x4f: {  	_ =	shalt  }
0x50: {  	_ =	shalt  }
0x51: {  	_ =	shalt  }
0x52: {  	_ =	shalt  }
0x53: {  	_ =	shalt  }
0x54: {  	_ =	shalt  }
0x55: {  	_ =	shalt  }
0x56: {  	_ =	shalt  }
0x57: {  	_ =	shalt  }
0x58: {  	_ =	shalt  }
0x59: {  	_ =	shalt  }
0x5a: {  	_ =	shalt  }
0x5b: {  	_ =	shalt  }
0x5c: {  	_ =	shalt  }
0x5d: {  	_ =	shalt  }
0x5e: {  	_ =	shalt  }
0x5f: {  	_ =	shalt  }
0x60: {  	_ =	shalt  }
0x61: {  	_ =	shalt  }
0x62: {  	_ =	shalt  }
0x63: {  	_ =	shalt  }
0x64: {  	_ =	shalt  }
0x65: {  	_ =	shalt  }
0x66: {  	_ =	shalt  }
0x67: {  	_ =	shalt  }
0x68: {  	_ =	shalt  }
0x69: {  	_ =	shalt  }
0x6a: {  	_ =	shalt  }
0x6b: {  	_ =	shalt  }
0x6c: {  	_ =	shalt  }
0x6d: {  	_ =	shalt  }
0x6e: {  	_ =	shalt  }
0x6f: {  	_ =	shalt  }
0x70: {  	_ =	shalt  }
0x71: {  	_ =	shalt  }
0x72: {  	_ =	shalt  }
0x73: {  	_ =	shalt  }
0x74: {  	_ =	shalt  }
0x75: {  	_ =	shalt  }
0x76: {  	_ =	shalt  }
0x77: {  	_ =	shalt  }
0x78: {  	_ =	shalt  }
0x79: {  	_ =	shalt  }
0x7a: {  	_ =	shalt  }
0x7b: {  	_ =	shalt  }
0x7c: {  	_ =	shalt  }
0x7d: {  	_ =	shalt  }
0x7e: {  	_ =	shalt  }
0x7f: {  	_ =	shalt  }
0x80: {  	_ =	shalt  }
0x81: {  	_ =	shalt  }
0x82: {  	_ =	shalt  }
0x83: {  	_ =	shalt  }
0x84: {  	_ =	shalt  }
0x85: {  	_ =	shalt  }
0x86: {  	_ =	shalt  }
0x87: {  	_ =	shalt  }
.Lfunc_end0:
.L_simem_size_0:
called_computation.1_lowered:
.L_overlay_start_0:
0x88: {  	s2 =	sld [smem:$0x3FD9]  }
0x89: {  	s3 =	sld [smem:$0x3FFE];
	_ =	sdelay $0x1  }
0x8a: {  	s1 =	srdreg.scid  }
0x8b: {  	s0 =	sand.u32 $0x1, s1  }
0x8c: {  	s14 =	sshll.u32 s0, $0xA;
	s2 =	sadd.s32 s3, s2  }
0x8d: {  	s2 =	sadd.s32 s2, s14  }
0x8e: {  	[smem:$0x3FB1] =	sst s2  }
0x8f: {  	_ = 	snop  }
0x90: {  	s2 =	sld [smem:$0x3FD0];
	_ =	sdelay $0x2  }
0x91: {  	s15 =	simm.s32 $0xA;
	s4 =	simm.s32 $0x10  }
0x92: {  	[smem:s4], [sflag:s15] =	dma.local [hbm:s2], $0x1  }
0x93: {  	_ =	swait.eq [sflag:s15], $0x1  }
0x94: {  	[sflag:s15] =	ssyncset.done $0x0  }
0x95: {  	[sflag:s15] =	ssyncadd.s32 $0xFFFFFFFF  }
0x96: {  	s16 =	sld [smem:$0x10];
	(tm) =	ssettm $0x1  }
0x97: {  	s17 =	sld [smem:$0x3FFB];
	_ =	sdelay $0x3  }
0x98: {  	_ =	strace s17  }
0x99: {  	s3 =	sld [smem:$0x3FFC];
	_ =	sdelay $0x3  }
0x9a: {  	_ =	strace s3  }
0x9b: {  	s3 =	sld [smem:$0x3FFD];
	_ =	sdelay $0x3  }
0x9c: {  	_ =	strace s3  }
0x9d: {  	_ =	strace $0x8FFFFFFF  }
0x9e: {  	s18 =	sld [smem:$0x3FDB];
	_ =	sdelay $0x1  }
0x9f: {  	s19 =	simm.s32 $_scs_section_size  }
0xa0: {  	s5 =	simm.s32 $_size__tile_overlayer_lowered;
	s6 =	simm.s32 $_tile_overlayer_lowered  }
0xa1: {  	s22 =	simm.s32 $0x1BFF;
	s21 =	sshll.u32 s6, $0x1;
	s3 =	sadd.s32 s19, s18  }
0xa2: {  	s7 =	simm.s32 $0x0;
	s20 =	sshll.u32 s5, $0x1;
	s5 =	sadd.s32 s21, s3  }
0xa3: {  	[timem:s7], [sflag:s22] =	dma.local [hbm:s5], s20  }
0xa4: {  	_ =	swait.ge [sflag:s22], s20  }
0xa5: {  	s4 =	ssub.s32 $0x0, s20;
	[sflag:s22] =	ssyncset.done $0x0  }
0xa6: {  	[sflag:s22] =	ssyncadd.s32 s4;
	_ =	sdelay $0x1  }
0xa7: {  	s23 =	simm.s32 $0x1B8B  }
0xa8: {  	_ =	swait.ge [sflag:s23], $0x1  }
0xa9: {  	[sflag:s23] =	ssyncset.done $0x0  }
0xaa: {  	s25 =	simm.s32 $0x1B8E;
	s24 =	sld [smem:$0x3FFE];
	[sflag:s23] =	ssyncadd.s32 $0xFFFFFFFF  }
0xab: {  	s26 =	simm.s32 $execute0_lowered;
	[smem:$0x3FD2] =	sst s25  }
0xac: {  	s5 =	sshll.u32 s26, $0x1;
	_ =	strace $0x80000049;
	[dreg:$0x1] =	wrdreg $0xFFFFFFFF  }
0xad: {  	s28 =	simm.s32 $_size_execute0_lowered;
	s3 =	sadd.s32 s3, s5;
	[dreg:$0x0] =	wrdreg $0x0  }
0xae: {  	s5 =	sshll.u32 s28, $0x1;
	[dreg:$0x2] =	wrdreg s3  }
0xaf: {  	[dreg:$0x3] =	wrdreg s5  }
0xb0: {  	[dreg:$0x4] =	wrdreg $0xC0  }
0xb1: {  	_ =	task [dreg:s7], $0x5FFFF  }
0xb2: {  	[dreg:$0x1] =	wrdreg $0xFFFFFFFF  }
0xb3: {  	[dreg:$0x0] =	wrdreg $0x60  }
0xb4: {  	[dreg:$0x2] =	wrdreg s24  }
0xb5: {  	[dreg:$0x3] =	wrdreg s16  }
0xb6: {  	[dreg:$0x4] =	wrdreg $0x0  }
0xb7: {  	[dreg:$0x5] =	wrdreg $0x9  }
0xb8: {  	_ =	task.clear_ibuf [dreg:s7], $0x6FFFF;
	_ =	strace $0x90000049  }
0xb9: {  	s29 =	simm.s32 $0x9;
	_ =	strace $0x8000004B  }
0xba: {  	_ =	swait.ge [sflag:s29], $0x1  }
0xbb: {  	[sflag:s29] =	ssyncadd.s32 $0xFFFFFFFF  }
0xbc: {  	_ =	strace $0x9000004B  }
0xbd: {  	_ =	sfence  }
0xbe: {  	s30 =	sld [smem:$0x0];
	_ =	sdelay $0x2  }
0xbf: {  	s31 =	sshll.u32 s1, $0xD;
	s1 =	sshrl.u32 s1, $0x2  }
0xc0: {  	s3 =	sand.u32 $0x4000, s31;
	s1 =	sadd.s32 s1, s30  }
0xc1: {  	s0 =	sor.u32 s3, s0;
	s1 =	sshll.u32 s1, $0x11  }
0xc2: {  	s0 =	sor.u32 s1, s0  }
0xc3: {  	s0 =	sadd.s32 $0x8F2B, s0  }
0xc4: {  	[sflag:s0] =	ssyncadd.remote.s32 $0x1  }
0xc5: {  	_ =	sfence.sel $0xFFFF  }
0xc6: {  	[dreg:$0x0] =	wrdreg $0xFFFFFFFF;
	(pc) =	sbr.abs _section_cstart, $3  }
0xc7: {  	[dreg:$0x1] =	wrdreg $0xFFFFFFFF  }
0xc8: {  	_ =	task.clear_ibuf [dreg:s7], $0x2FFFF;
	_ =	strace $0x9FFFFFFF  }
0xc9: {  	(tm) =	ssettm $0x7FFFFFFF  }
tec
execute0_lowered:
.L_overlay_start_1:
0x0: {  	(tag) =	ssettag $0x1  }
0x1: {  	s0 =	rddreg [dreg:$0x0]  }
0x2: {  	s2 =	rddreg [dreg:$0x1]  }
0x3: {  	s1 =	rddreg [dreg:$0x2]  }
0x4: {  	s3 =	simm.s32 $0x0;
	s4 =	srdreg.scid;
	s6 =	stileid.u32  }
0x5: {  	s28 =	simm.s32 $0x139C0;
	s29 =	simm.s32 $0x13A40;
	s30 =	simm.s32 $0x15AC0  }
0x6: {  	s31 =	simm.s32 $0x1;
	[smem:$0x7FF] =	sst s3;
	s3 =	sadd.s32 $0x4200, s0  }
0x7: {  	s7 =	sand.u32 $0x1, s4;
	s4 =	sadd.s32 $0x21C00, s0;
	s5 =	sadd.s32 $0x17C00, s0  }
0x8: {  	s19 =	sadd.s32 $0x52E00, s0;
	s20 =	sadd.s32 $0x7A000, s0;
	p0 =	seq.s32 s6, $0xF  }
0x9: {  	s10 =	smul.u32 $0x13C00, s6;
	p3 =	sne.s32 s6, $0xF;
	s11 =	sadd.s32 $0x25080, s2  }
0xa: {  	s9 =	sadd.s32 $0x128400, s1;
	_ =	strace $0x8000004A;
	[dreg:$0x6] =	wrdreg s11  }
0xb: {  	s8 =	ssub.s32 $0x2, s7;
	s22 =	sshll.u32 s7, $0x4;
	[dreg:$0x4] =	wrdreg s19  }
0xc: {  	p4 =	seq.s32 s7, $0x0;
	p2 =	seq.s32 s7, $0x1;
	[dreg:$0x5] =	wrdreg s20  }
0xd: {  	s7 =	simm.s32 $0x2;
	s21 =	sshrl.u32 s8, $0x1;
	s13 =	sshrl.u32 s10, $0x3  }
0xe: {  	s11 =	sadd.s32 s10, s1;
	p1 =	por !p4, !p3;
	p4 =	por !p4, !p0  }
0xf: {  	p5 =	por !p3, !p2;
	s0 =	ssub.s32 s8, s21;
	s8 =	sor.u32 s6, s22  }
0x10: {  	s2 =	sadd.s32 s2, s13;
	p1 =	por !p1, !p1;
	s19 =	sadd.s32 s19, s13  }
0x11: {  	p3 =	por !p4, !p4;
	p6 =	por !p5, !p5;
	s12 =	smul.u32 $0x500, s8  }
0x12: {  	s20 =	sadd.s32 s20, s13;
	s22 =	simm.s32 $0x138C0;
	s14 =	smul.u32 $0x2800, s8  }
0x13: {  	[dreg:$0x7] =	wrdreg s2;
	s23 =	smul.u32 $0x50, s8;
	s21 =	smax.u32 s0, $0x1  }
0x14: {  	p4 =	por !p6, p3;
	s0 =	simm.s32 $0x17AC0;
	s24 =	sadd.s32 s4, s12  }
.Ltmp0:
0x15: {  	s25 =	sadd.s32 s5, s12;
	s26 =	sshrl.u32 s14, $0x3;
	(pc) =	sbr.rel .LBB2_1-.Ltmp0, $4  }
0x16: {  	s15 =	sor.u32 $0x1, s23;
	s16 =	sor.u32 $0x2, s23;
	[dreg:$0x8] =	wrdreg s24  }
0x17: {  	s23 =	simm.s32 $0x3;
	[dreg:$0x9] =	wrdreg s25;
	s8 =	sadd.s32 $0x4F0, s26  }
0x18: {  	s24 =	simm.s32 $0x13940;
	s25 =	simm.s32 $0x80;
	s26 =	simm.s32 $0x13AC0  }
0x19: {  	s17 =	sadd.s32 s4, s8;
	s18 =	sadd.s32 s5, s8;
	s8 =	simm.s32 $0x0  }
.LBB2_13:
0x1a: {  	s8 =	sadd.s32 $0x1, s8  }
0x1b: {  	p5 =	sne.s32 s8, s21  }
.Ltmp1:
0x1c: {  	_ = 	snop;
	(pc) =	sbr.rel @!p5 .LBB2_14-.Ltmp1, $1  }
0x1d: {  	_ =	sdelay $0x3  }
.LBB2_1:
0x1e: {  	s2 =	sshrl.u32 @p0 s9, $0x3;
	s10 =	simm.s32 @p0 $0x1FC3;
	s12 =	rddreg [dreg:$0x6]  }
0x1f: {  	[spmem:s2], [sflag:s10] =	dma.local @p0 [hbm:s12], $0x2080  }
0x20: {  	s2 =	simm.s32 @p0 $0x3  }
0x21: {  	_ =	swait.ge @p0 [sflag:s2], $0x2080  }
0x22: {  	s10 =	sshll.u32 @!p0 s6, $0x6;
	[sflag:s2] =	ssyncset.done @p0 $0x0;
	s12 =	rddreg [dreg:$0x7]  }
0x23: {  	[sflag:s2] =	ssyncadd.s32 @p0 $0xFFFFDF80;
	s2 =	sor.u32 @!p0 $0x1C03, s10;
	s10 =	sshrl.u32 @!p0 s11, $0x3  }
0x24: {  	[spmem:s10], [sflag:s2] =	dma.local @!p0 [hbm:s12], $0x2780  }
0x25: {  	s2 =	simm.s32 @!p0 $0x3  }
0x26: {  	_ =	swait.ge @!p0 [sflag:s2], $0x2780  }
0x27: {  	[sflag:s2] =	ssyncset.done @!p0 $0x0  }
0x28: {  	[sflag:s2] =	ssyncadd.s32 @!p0 $0xFFFFD880  }
0x29: {  	[bflag:$0x0] =	sbarrier.arrive $0xFFFF  }
0x2a: {  	s12 =	simm.s32 $0x0;
	s13 =	rddreg [dreg:$0x8]  }
0x2b: {  	[tilespmem:s22], [sflag:$0x3] =	stream.linear.gather [hbm4b:s13+s12], $0x80, $0x38;
	[tilespmem:$0x1BAC0] =	vst v63  }
0x2c: {  	_ =	swait.ge [sflag:s23], $0x80  }
0x2d: {  	[sflag:s23] =	ssyncset.done $0x0  }
0x2e: {  	s14 =	rddreg [dreg:$0x9];
	[sflag:s23] =	ssyncadd.s32 $0xFFFFFF80  }
0x2f: {  	[tilespmem:s24], [sflag:$0x3] =	stream.linear.gather [hbm4b:s14+s12], $0x80, $0x38;
	[tilespmem:$0x1BAC0] =	vst v63  }
0x30: {  	_ =	swait.ge [sflag:s23], $0x80  }
0x31: {  	[sflag:s23] =	ssyncset.done $0x0  }
0x32: {  	s2 =	simm.s32 $0x0;
	[sflag:s23] =	ssyncadd.s32 $0xFFFFFF80  }
0x33: {  	[tilespmem:s26], [sflag:$0x1] =	stream.indirect.gather [hbm4b:s3+s25], $0x40, s22, s25, $0xb8;
	[tilespmem:$0x1BAC0] =	vst v63  }
.LBB2_2:
0x34: {  	s10 =	sshll.u32 s2, $0x1  }
0x35: {  	s12 =	sadd.s32 s10, s15  }
0x36: {  	s12 =	sshll.u32 s12, $0x4  }
0x37: {  	s12 =	sand.u32 $0x1FFFFFF0, s12  }
0x38: {  	s14 =	simm.s32 $0x0;
	s13 =	sadd.s32 s4, s12  }
0x39: {  	[tilespmem:s28], [sflag:$0x3] =	stream.linear.gather [hbm4b:s13+s14], $0x80, $0x38;
	[tilespmem:$0x1BAC0] =	vst v63  }
0x3a: {  	_ =	swait.ge [sflag:s23], $0x80  }
0x3b: {  	[sflag:s23] =	ssyncset.done $0x0  }
0x3c: {  	s12 =	sadd.s32 s5, s12;
	[sflag:s23] =	ssyncadd.s32 $0xFFFFFF80  }
0x3d: {  	[tilespmem:s29], [sflag:$0x3] =	stream.linear.gather [hbm4b:s12+s14], $0x80, $0x38;
	[tilespmem:$0x1BAC0] =	vst v63  }
0x3e: {  	_ =	swait.ge [sflag:s23], $0x80  }
0x3f: {  	[sflag:s23] =	ssyncset.done $0x0  }
0x40: {  	[sflag:s23] =	ssyncadd.s32 $0xFFFFFF80  }
0x41: {  	[tilespmem:s30], [sflag:$0x2] =	stream.indirect.gather [hbm4b:s3+s25], $0x40, s28, s25, $0xb8;
	[tilespmem:$0x1BAC0] =	vst v63  }
0x42: {  	_ =	swait.ge [sflag:s31], $0x2000  }
0x43: {  	[sflag:s31] =	ssyncset.done $0x0  }
0x44: {  	s14 =	simm.s32 $0x0;
	[sflag:s31] =	ssyncadd.s32 $0xFFFFE000  }
0x45: {  	v0 =	vld [tilespmem:s14+$0x13AC0];
	_ =	sdelay $0x4  }
0x46: {  	s12 =	simm.s32 $0x17B00;
	v1 =	vshll.u32 v0, $0x10  }
0x47: {  	v0 =	vand.u32 $0xFFFF0000, v0;
	[tilespmem:s12+$0xFFFFFFC0] =	vst v1  }
0x48: {  	[tilespmem:s12+$0xFFFFFFD0] =	vst v0  }
0x49: {  	v0 =	vld [tilespmem:s14+$0x13AD0];
	_ =	sdelay $0x4  }
0x4a: {  	v1 =	vshll.u32 v0, $0x10  }
0x4b: {  	v0 =	vand.u32 $0xFFFF0000, v0;
	[tilespmem:s12+$0xFFFFFFE0] =	vst v1  }
0x4c: {  	[tilespmem:s12+$0xFFFFFFF0] =	vst v0  }
0x4d: {  	v0 =	vld [tilespmem:s14+$0x13AE0];
	_ =	sdelay $0x4  }
0x4e: {  	v1 =	vand.u32 $0xFFFF0000, v0  }
0x4f: {  	v0 =	vshll.u32 v0, $0x10;
	[tilespmem:s12+$0x10] =	vst v1  }
0x50: {  	[tilespmem:s12+$0x0] =	vst v0  }
0x51: {  	v0 =	vld [tilespmem:s14+$0x13AF0];
	_ =	sdelay $0x4  }
0x52: {  	v1 =	vshll.u32 v0, $0x10  }
0x53: {  	v0 =	vand.u32 $0xFFFF0000, v0;
	[tilespmem:s12+$0x20] =	vst v1  }
0x54: {  	s13 =	simm.s32 $0x40;
	[tilespmem:s12+$0x30] =	vst v0  }
0x55: {  	v0 =	vld [tilespmem:s13+$0x13AC0]  }
0x56: {  	s14 =	simm.s32 $0x200  }
.LBB2_3:
0x57: {  	p5 =	sne.s32 s14, $0x7F00;
	_ =	sdelay $0x2  }
0x58: {  	s12 =	sadd.s32 $0x80, s12;
	v1 =	vshll.u32 v0, $0x10  }
0x59: {  	v0 =	vand.u32 $0xFFFF0000, v0;
	[tilespmem:s12+$0xFFFFFFC0] =	vst v1  }
0x5a: {  	[tilespmem:s12+$0xFFFFFFD0] =	vst v0  }
0x5b: {  	v0 =	vld [tilespmem:s13+$0x13AD0];
	_ =	sdelay $0x4  }
0x5c: {  	v1 =	vshll.u32 v0, $0x10  }
0x5d: {  	v0 =	vand.u32 $0xFFFF0000, v0;
	[tilespmem:s12+$0xFFFFFFE0] =	vst v1  }
0x5e: {  	[tilespmem:s12+$0xFFFFFFF0] =	vst v0  }
0x5f: {  	v0 =	vld [tilespmem:s13+$0x13AE0];
	_ =	sdelay $0x4  }
0x60: {  	v1 =	vshll.u32 v0, $0x10;
	v0 =	vand.u32 $0xFFFF0000, v0  }
0x61: {  	[tilespmem:s12+$0x10] =	vst v0  }
0x62: {  	[tilespmem:s12+$0x0] =	vst v1  }
0x63: {  	v0 =	vld [tilespmem:s13+$0x13AF0];
	_ =	sdelay $0x4  }
.Ltmp2:
0x64: {  	v1 =	vshll.u32 v0, $0x10;
	v0 =	vand.u32 $0xFFFF0000, v0;
	(pc) =	sbr.rel @p5 .LBB2_3-.Ltmp2, $4  }
0x65: {  	[tilespmem:s12+$0x20] =	vst v1  }
0x66: {  	s13 =	sshra.s32 s14, $0x2;
	[tilespmem:s12+$0x30] =	vst v0  }
0x67: {  	v0 =	vld [tilespmem:s13+$0x13AC0]  }
0x68: {  	s14 =	sadd.s32 $0x100, s14  }
0x69: {  	_ =	sdelay $0x2  }
0x6a: {  	s12 =	sadd.s32 $0x80, s12;
	v1 =	vshll.u32 v0, $0x10  }
0x6b: {  	v0 =	vand.u32 $0xFFFF0000, v0;
	[tilespmem:s12+$0xFFFFFFC0] =	vst v1  }
0x6c: {  	[tilespmem:s12+$0xFFFFFFD0] =	vst v0  }
0x6d: {  	v0 =	vld [tilespmem:s13+$0x13AD0];
	_ =	sdelay $0x4  }
0x6e: {  	v1 =	vshll.u32 v0, $0x10  }
0x6f: {  	v0 =	vand.u32 $0xFFFF0000, v0;
	[tilespmem:s12+$0xFFFFFFE0] =	vst v1  }
0x70: {  	[tilespmem:s12+$0xFFFFFFF0] =	vst v0  }
0x71: {  	v0 =	vld [tilespmem:s13+$0x13AE0];
	_ =	sdelay $0x4  }
0x72: {  	v1 =	vand.u32 $0xFFFF0000, v0  }
0x73: {  	v0 =	vshll.u32 v0, $0x10;
	[tilespmem:s12+$0x10] =	vst v1  }
0x74: {  	[tilespmem:s12+$0x0] =	vst v0  }
0x75: {  	v0 =	vld [tilespmem:s13+$0x13AF0];
	_ =	sdelay $0x4  }
0x76: {  	v1 =	vshll.u32 v0, $0x10  }
0x77: {  	v0 =	vand.u32 $0xFFFF0000, v0;
	[tilespmem:s12+$0x20] =	vst v1  }
0x78: {  	s10 =	sadd.s32 s10, s16;
	[tilespmem:s12+$0x30] =	vst v0  }
0x79: {  	[spmem:s1] =	stream.indirect.scatter.add.f32 [tilespmem:s0], [sflag:$0x3], $0x80, s24, s25, $0xb8;
	[tilespmem:$0x1BAC0] =	vst v63  }
0x7a: {  	s10 =	sshll.u32 s10, $0x4;
	_ =	swait.ge [sflag:s23], $0x4000  }
0x7b: {  	s10 =	sand.u32 $0x1FFFFFE0, s10;
	[sflag:s23] =	ssyncset.done $0x0  }
0x7c: {  	s14 =	simm.s32 $0x0;
	s13 =	sadd.s32 s4, s10;
	[sflag:s23] =	ssyncadd.s32 $0xFFFFC000  }
0x7d: {  	[tilespmem:s22], [sflag:$0x3] =	stream.linear.gather [hbm4b:s13+s14], $0x80, $0x38;
	[tilespmem:$0x1BAC0] =	vst v63  }
0x7e: {  	_ =	swait.ge [sflag:s23], $0x80  }
0x7f: {  	[sflag:s23] =	ssyncset.done $0x0  }
0x80: {  	s10 =	sadd.s32 s5, s10;
	[sflag:s23] =	ssyncadd.s32 $0xFFFFFF80  }
0x81: {  	[tilespmem:s24], [sflag:$0x3] =	stream.linear.gather [hbm4b:s10+s14], $0x80, $0x38;
	[tilespmem:$0x1BAC0] =	vst v63  }
0x82: {  	_ =	swait.ge [sflag:s23], $0x80  }
0x83: {  	[sflag:s23] =	ssyncset.done $0x0  }
0x84: {  	[sflag:s23] =	ssyncadd.s32 $0xFFFFFF80  }
0x85: {  	[tilespmem:s26], [sflag:$0x1] =	stream.indirect.gather [hbm4b:s3+s25], $0x40, s22, s25, $0xb8;
	[tilespmem:$0x1BAC0] =	vst v63  }
0x86: {  	_ =	swait.ge [sflag:s7], $0x2000  }
0x87: {  	[sflag:s7] =	ssyncset.done $0x0  }
0x88: {  	s14 =	simm.s32 $0x0;
	[sflag:s7] =	ssyncadd.s32 $0xFFFFE000  }
0x89: {  	v0 =	vld [tilespmem:s14+$0x15AC0];
	_ =	sdelay $0x4  }
0x8a: {  	s10 =	simm.s32 $0x17B00;
	v1 =	vshll.u32 v0, $0x10  }
0x8b: {  	v0 =	vand.u32 $0xFFFF0000, v0;
	[tilespmem:s10+$0xFFFFFFC0] =	vst v1  }
0x8c: {  	[tilespmem:s10+$0xFFFFFFD0] =	vst v0  }
0x8d: {  	v0 =	vld [tilespmem:s14+$0x15AD0];
	_ =	sdelay $0x4  }
0x8e: {  	v1 =	vshll.u32 v0, $0x10  }
0x8f: {  	v0 =	vand.u32 $0xFFFF0000, v0;
	[tilespmem:s10+$0xFFFFFFE0] =	vst v1  }
0x90: {  	[tilespmem:s10+$0xFFFFFFF0] =	vst v0  }
0x91: {  	v0 =	vld [tilespmem:s14+$0x15AE0];
	_ =	sdelay $0x4  }
0x92: {  	v1 =	vand.u32 $0xFFFF0000, v0  }
0x93: {  	v0 =	vshll.u32 v0, $0x10;
	[tilespmem:s10+$0x10] =	vst v1  }
0x94: {  	[tilespmem:s10+$0x0] =	vst v0  }
0x95: {  	v0 =	vld [tilespmem:s14+$0x15AF0];
	_ =	sdelay $0x4  }
0x96: {  	v1 =	vshll.u32 v0, $0x10  }
0x97: {  	v0 =	vand.u32 $0xFFFF0000, v0;
	[tilespmem:s10+$0x20] =	vst v1  }
0x98: {  	s12 =	simm.s32 $0x40;
	[tilespmem:s10+$0x30] =	vst v0  }
0x99: {  	v0 =	vld [tilespmem:s12+$0x15AC0]  }
0x9a: {  	s13 =	simm.s32 $0x200  }
.LBB2_5:
0x9b: {  	p5 =	sne.s32 s13, $0x7F00;
	_ =	sdelay $0x2  }
0x9c: {  	s10 =	sadd.s32 $0x80, s10;
	v1 =	vshll.u32 v0, $0x10  }
0x9d: {  	v0 =	vand.u32 $0xFFFF0000, v0;
	[tilespmem:s10+$0xFFFFFFC0] =	vst v1  }
0x9e: {  	[tilespmem:s10+$0xFFFFFFD0] =	vst v0  }
0x9f: {  	v0 =	vld [tilespmem:s12+$0x15AD0];
	_ =	sdelay $0x4  }
0xa0: {  	v1 =	vshll.u32 v0, $0x10  }
0xa1: {  	v0 =	vand.u32 $0xFFFF0000, v0;
	[tilespmem:s10+$0xFFFFFFE0] =	vst v1  }
0xa2: {  	[tilespmem:s10+$0xFFFFFFF0] =	vst v0  }
0xa3: {  	v0 =	vld [tilespmem:s12+$0x15AE0];
	_ =	sdelay $0x4  }
0xa4: {  	v1 =	vshll.u32 v0, $0x10;
	v0 =	vand.u32 $0xFFFF0000, v0  }
0xa5: {  	[tilespmem:s10+$0x10] =	vst v0  }
0xa6: {  	[tilespmem:s10+$0x0] =	vst v1  }
0xa7: {  	v0 =	vld [tilespmem:s12+$0x15AF0];
	_ =	sdelay $0x4  }
.Ltmp3:
0xa8: {  	v1 =	vshll.u32 v0, $0x10;
	v0 =	vand.u32 $0xFFFF0000, v0;
	(pc) =	sbr.rel @p5 .LBB2_5-.Ltmp3, $4  }
0xa9: {  	[tilespmem:s10+$0x20] =	vst v1  }
0xaa: {  	s12 =	sshra.s32 s13, $0x2;
	[tilespmem:s10+$0x30] =	vst v0  }
0xab: {  	v0 =	vld [tilespmem:s12+$0x15AC0]  }
0xac: {  	s13 =	sadd.s32 $0x100, s13  }
0xad: {  	_ =	sdelay $0x2  }
0xae: {  	s10 =	sadd.s32 $0x80, s10;
	v1 =	vshll.u32 v0, $0x10  }
0xaf: {  	v60 =	vand.u32 $0xFFFF0000, v0;
	[tilespmem:s10+$0xFFFFFFC0] =	vst v1  }
0xb0: {  	[tilespmem:s10+$0xFFFFFFD0] =	vst v60  }
0xb1: {  	v0 =	vld [tilespmem:s12+$0x15AD0];
	_ =	sdelay $0x4  }
0xb2: {  	v61 =	vshll.u32 v0, $0x10  }
0xb3: {  	v0 =	vand.u32 $0xFFFF0000, v0;
	[tilespmem:s10+$0xFFFFFFE0] =	vst v61  }
0xb4: {  	[tilespmem:s10+$0xFFFFFFF0] =	vst v0  }
0xb5: {  	v0 =	vld [tilespmem:s12+$0x15AE0];
	_ =	sdelay $0x4  }
0xb6: {  	v62 =	vand.u32 $0xFFFF0000, v0  }
0xb7: {  	v0 =	vshll.u32 v0, $0x10;
	[tilespmem:s10+$0x10] =	vst v62  }
0xb8: {  	[tilespmem:s10+$0x0] =	vst v0  }
0xb9: {  	v0 =	vld [tilespmem:s12+$0x15AF0];
	_ =	sdelay $0x4  }
0xba: {  	s2 =	sadd.s32 $0x1, s2;
	v63 =	vshll.u32 v0, $0x10  }
0xbb: {  	p5 =	sne.s32 s2, $0x27;
	v0 =	vand.u32 $0xFFFF0000, v0;
	[tilespmem:s10+$0x20] =	vst v63  }
.Ltmp4:
0xbc: {  	[tilespmem:s10+$0x30] =	vst v0;
	(pc) =	sbr.rel @p5 .LBB2_2-.Ltmp4, $4  }
0xbd: {  	[spmem:s1] =	stream.indirect.scatter.add.f32 [tilespmem:s0], [sflag:$0x3], $0x80, s29, s25, $0xb8;
	[tilespmem:$0x1BAC0] =	vst v63  }
0xbe: {  	_ =	swait.ge [sflag:s23], $0x4000  }
0xbf: {  	[sflag:s23] =	ssyncset.done $0x0  }
0xc0: {  	[sflag:s23] =	ssyncadd.s32 $0xFFFFC000  }
0xc1: {  	s2 =	simm.s32 $0x0  }
0xc2: {  	[tilespmem:s28], [sflag:$0x3] =	stream.linear.gather [hbm4b:s17+s2], $0x80, $0x38;
	[tilespmem:$0x1BAC0] =	vst v63  }
0xc3: {  	_ =	swait.ge [sflag:s23], $0x80  }
0xc4: {  	[sflag:s23] =	ssyncset.done $0x0  }
0xc5: {  	[sflag:s23] =	ssyncadd.s32 $0xFFFFFF80  }
0xc6: {  	[tilespmem:s29], [sflag:$0x3] =	stream.linear.gather [hbm4b:s18+s2], $0x80, $0x38;
	[tilespmem:$0x1BAC0] =	vst v63  }
0xc7: {  	_ =	swait.ge [sflag:s23], $0x80  }
0xc8: {  	[sflag:s23] =	ssyncset.done $0x0  }
0xc9: {  	[sflag:s23] =	ssyncadd.s32 $0xFFFFFF80  }
0xca: {  	[tilespmem:s30], [sflag:$0x2] =	stream.indirect.gather [hbm4b:s3+s25], $0x40, s28, s25, $0xb8;
	[tilespmem:$0x1BAC0] =	vst v63  }
0xcb: {  	_ =	swait.ge [sflag:s31], $0x2000  }
0xcc: {  	[sflag:s31] =	ssyncset.done $0x0  }
0xcd: {  	s10 =	simm.s32 $0x0;
	[sflag:s31] =	ssyncadd.s32 $0xFFFFE000  }
0xce: {  	v0 =	vld [tilespmem:s10+$0x13AC0];
	_ =	sdelay $0x4  }
0xcf: {  	s2 =	simm.s32 $0x17B00;
	v1 =	vshll.u32 v0, $0x10  }
0xd0: {  	v0 =	vand.u32 $0xFFFF0000, v0;
	[tilespmem:s2+$0xFFFFFFC0] =	vst v1  }
0xd1: {  	[tilespmem:s2+$0xFFFFFFD0] =	vst v0  }
0xd2: {  	v0 =	vld [tilespmem:s10+$0x13AD0];
	_ =	sdelay $0x4  }
0xd3: {  	v1 =	vshll.u32 v0, $0x10  }
0xd4: {  	v0 =	vand.u32 $0xFFFF0000, v0;
	[tilespmem:s2+$0xFFFFFFE0] =	vst v1  }
0xd5: {  	[tilespmem:s2+$0xFFFFFFF0] =	vst v0  }
0xd6: {  	v0 =	vld [tilespmem:s10+$0x13AE0];
	_ =	sdelay $0x4  }
0xd7: {  	v1 =	vand.u32 $0xFFFF0000, v0  }
0xd8: {  	v0 =	vshll.u32 v0, $0x10;
	[tilespmem:s2+$0x10] =	vst v1  }
0xd9: {  	[tilespmem:s2+$0x0] =	vst v0  }
0xda: {  	v0 =	vld [tilespmem:s10+$0x13AF0];
	_ =	sdelay $0x4  }
0xdb: {  	v1 =	vshll.u32 v0, $0x10  }
0xdc: {  	v0 =	vand.u32 $0xFFFF0000, v0;
	[tilespmem:s2+$0x20] =	vst v1  }
0xdd: {  	s10 =	simm.s32 $0x40;
	[tilespmem:s2+$0x30] =	vst v0  }
0xde: {  	v0 =	vld [tilespmem:s10+$0x13AC0]  }
0xdf: {  	s12 =	simm.s32 $0x200  }
.LBB2_8:
0xe0: {  	p5 =	sne.s32 s12, $0x7F00;
	_ =	sdelay $0x2  }
0xe1: {  	s2 =	sadd.s32 $0x80, s2;
	v1 =	vshll.u32 v0, $0x10  }
0xe2: {  	v0 =	vand.u32 $0xFFFF0000, v0;
	[tilespmem:s2+$0xFFFFFFC0] =	vst v1  }
0xe3: {  	[tilespmem:s2+$0xFFFFFFD0] =	vst v0  }
0xe4: {  	v0 =	vld [tilespmem:s10+$0x13AD0];
	_ =	sdelay $0x4  }
0xe5: {  	v1 =	vshll.u32 v0, $0x10  }
0xe6: {  	v0 =	vand.u32 $0xFFFF0000, v0;
	[tilespmem:s2+$0xFFFFFFE0] =	vst v1  }
0xe7: {  	[tilespmem:s2+$0xFFFFFFF0] =	vst v0  }
0xe8: {  	v0 =	vld [tilespmem:s10+$0x13AE0];
	_ =	sdelay $0x4  }
0xe9: {  	v1 =	vshll.u32 v0, $0x10;
	v0 =	vand.u32 $0xFFFF0000, v0  }
0xea: {  	[tilespmem:s2+$0x10] =	vst v0  }
0xeb: {  	[tilespmem:s2+$0x0] =	vst v1  }
0xec: {  	v0 =	vld [tilespmem:s10+$0x13AF0];
	_ =	sdelay $0x4  }
.Ltmp5:
0xed: {  	v1 =	vshll.u32 v0, $0x10;
	v0 =	vand.u32 $0xFFFF0000, v0;
	(pc) =	sbr.rel @p5 .LBB2_8-.Ltmp5, $4  }
0xee: {  	[tilespmem:s2+$0x20] =	vst v1  }
0xef: {  	s10 =	sshra.s32 s12, $0x2;
	[tilespmem:s2+$0x30] =	vst v0  }
0xf0: {  	v0 =	vld [tilespmem:s10+$0x13AC0]  }
0xf1: {  	s12 =	sadd.s32 $0x100, s12  }
0xf2: {  	_ =	sdelay $0x2  }
0xf3: {  	s2 =	sadd.s32 $0x80, s2;
	v1 =	vshll.u32 v0, $0x10  }
0xf4: {  	v0 =	vand.u32 $0xFFFF0000, v0;
	[tilespmem:s2+$0xFFFFFFC0] =	vst v1  }
0xf5: {  	[tilespmem:s2+$0xFFFFFFD0] =	vst v0  }
0xf6: {  	v0 =	vld [tilespmem:s10+$0x13AD0];
	_ =	sdelay $0x4  }
0xf7: {  	v1 =	vshll.u32 v0, $0x10  }
0xf8: {  	v0 =	vand.u32 $0xFFFF0000, v0;
	[tilespmem:s2+$0xFFFFFFE0] =	vst v1  }
0xf9: {  	[tilespmem:s2+$0xFFFFFFF0] =	vst v0  }
0xfa: {  	v0 =	vld [tilespmem:s10+$0x13AE0];
	_ =	sdelay $0x4  }
0xfb: {  	v1 =	vand.u32 $0xFFFF0000, v0  }
0xfc: {  	v0 =	vshll.u32 v0, $0x10;
	[tilespmem:s2+$0x10] =	vst v1  }
0xfd: {  	[tilespmem:s2+$0x0] =	vst v0  }
0xfe: {  	v0 =	vld [tilespmem:s10+$0x13AF0];
	_ =	sdelay $0x4  }
0xff: {  	v1 =	vshll.u32 v0, $0x10  }
0x100: {  	v0 =	vand.u32 $0xFFFF0000, v0;
	[tilespmem:s2+$0x20] =	vst v1  }
0x101: {  	[tilespmem:s2+$0x30] =	vst v0  }
0x102: {  	[spmem:s1] =	stream.indirect.scatter.add.f32 [tilespmem:s0], [sflag:$0x3], $0x80, s24, s25, $0xb8;
	[tilespmem:$0x1BAC0] =	vst v63  }
0x103: {  	_ =	swait.ge [sflag:s23], $0x4000  }
0x104: {  	[sflag:s23] =	ssyncset.done $0x0  }
0x105: {  	[sflag:s23] =	ssyncadd.s32 $0xFFFFC000  }
0x106: {  	_ =	swait.ge [sflag:s7], $0x2000  }
0x107: {  	[sflag:s7] =	ssyncset.done $0x0  }
0x108: {  	s14 =	simm.s32 $0x0;
	[sflag:s7] =	ssyncadd.s32 $0xFFFFE000  }
0x109: {  	v0 =	vld [tilespmem:s14+$0x15AC0];
	_ =	sdelay $0x4  }
0x10a: {  	s2 =	simm.s32 $0x17B00;
	v1 =	vshll.u32 v0, $0x10  }
0x10b: {  	v0 =	vand.u32 $0xFFFF0000, v0;
	[tilespmem:s2+$0xFFFFFFC0] =	vst v1  }
0x10c: {  	[tilespmem:s2+$0xFFFFFFD0] =	vst v0  }
0x10d: {  	v0 =	vld [tilespmem:s14+$0x15AD0];
	_ =	sdelay $0x4  }
0x10e: {  	v1 =	vshll.u32 v0, $0x10  }
0x10f: {  	v0 =	vand.u32 $0xFFFF0000, v0;
	[tilespmem:s2+$0xFFFFFFE0] =	vst v1  }
0x110: {  	[tilespmem:s2+$0xFFFFFFF0] =	vst v0  }
0x111: {  	v0 =	vld [tilespmem:s14+$0x15AE0];
	_ =	sdelay $0x4  }
0x112: {  	v1 =	vand.u32 $0xFFFF0000, v0  }
0x113: {  	v0 =	vshll.u32 v0, $0x10;
	[tilespmem:s2+$0x10] =	vst v1  }
0x114: {  	[tilespmem:s2+$0x0] =	vst v0  }
0x115: {  	v0 =	vld [tilespmem:s14+$0x15AF0];
	_ =	sdelay $0x4  }
0x116: {  	v1 =	vshll.u32 v0, $0x10  }
0x117: {  	v0 =	vand.u32 $0xFFFF0000, v0;
	[tilespmem:s2+$0x20] =	vst v1  }
0x118: {  	s10 =	simm.s32 $0x40;
	[tilespmem:s2+$0x30] =	vst v0  }
0x119: {  	v0 =	vld [tilespmem:s10+$0x15AC0]  }
0x11a: {  	s12 =	simm.s32 $0x200  }
.LBB2_10:
0x11b: {  	p5 =	sne.s32 s12, $0x7F00;
	_ =	sdelay $0x2  }
0x11c: {  	s2 =	sadd.s32 $0x80, s2;
	v1 =	vshll.u32 v0, $0x10  }
0x11d: {  	v0 =	vand.u32 $0xFFFF0000, v0;
	[tilespmem:s2+$0xFFFFFFC0] =	vst v1  }
0x11e: {  	[tilespmem:s2+$0xFFFFFFD0] =	vst v0  }
0x11f: {  	v0 =	vld [tilespmem:s10+$0x15AD0];
	_ =	sdelay $0x4  }
0x120: {  	v1 =	vshll.u32 v0, $0x10  }
0x121: {  	v0 =	vand.u32 $0xFFFF0000, v0;
	[tilespmem:s2+$0xFFFFFFE0] =	vst v1  }
0x122: {  	[tilespmem:s2+$0xFFFFFFF0] =	vst v0  }
0x123: {  	v0 =	vld [tilespmem:s10+$0x15AE0];
	_ =	sdelay $0x4  }
0x124: {  	v1 =	vshll.u32 v0, $0x10;
	v0 =	vand.u32 $0xFFFF0000, v0  }
0x125: {  	[tilespmem:s2+$0x10] =	vst v0  }
0x126: {  	[tilespmem:s2+$0x0] =	vst v1  }
0x127: {  	v0 =	vld [tilespmem:s10+$0x15AF0];
	_ =	sdelay $0x4  }
.Ltmp6:
0x128: {  	v1 =	vshll.u32 v0, $0x10;
	v0 =	vand.u32 $0xFFFF0000, v0;
	(pc) =	sbr.rel @p5 .LBB2_10-.Ltmp6, $4  }
0x129: {  	[tilespmem:s2+$0x20] =	vst v1  }
0x12a: {  	s10 =	sshra.s32 s12, $0x2;
	[tilespmem:s2+$0x30] =	vst v0  }
0x12b: {  	v0 =	vld [tilespmem:s10+$0x15AC0]  }
0x12c: {  	s12 =	sadd.s32 $0x100, s12  }
0x12d: {  	_ =	sdelay $0x2  }
0x12e: {  	s2 =	sadd.s32 $0x80, s2;
	v1 =	vshll.u32 v0, $0x10  }
0x12f: {  	v60 =	vand.u32 $0xFFFF0000, v0;
	[tilespmem:s2+$0xFFFFFFC0] =	vst v1  }
0x130: {  	[tilespmem:s2+$0xFFFFFFD0] =	vst v60  }
0x131: {  	v0 =	vld [tilespmem:s10+$0x15AD0];
	_ =	sdelay $0x4  }
0x132: {  	v61 =	vshll.u32 v0, $0x10  }
0x133: {  	v0 =	vand.u32 $0xFFFF0000, v0;
	[tilespmem:s2+$0xFFFFFFE0] =	vst v61  }
0x134: {  	[tilespmem:s2+$0xFFFFFFF0] =	vst v0  }
0x135: {  	v0 =	vld [tilespmem:s10+$0x15AE0];
	_ =	sdelay $0x4  }
0x136: {  	v62 =	vand.u32 $0xFFFF0000, v0  }
0x137: {  	v0 =	vshll.u32 v0, $0x10;
	[tilespmem:s2+$0x10] =	vst v62  }
0x138: {  	[tilespmem:s2+$0x0] =	vst v0  }
0x139: {  	v0 =	vld [tilespmem:s10+$0x15AF0];
	_ =	sdelay $0x4  }
0x13a: {  	v63 =	vshll.u32 v0, $0x10  }
0x13b: {  	v0 =	vand.u32 $0xFFFF0000, v0;
	[tilespmem:s2+$0x20] =	vst v63  }
0x13c: {  	[tilespmem:s2+$0x30] =	vst v0  }
0x13d: {  	[spmem:s1] =	stream.indirect.scatter.add.f32 [tilespmem:s0], [sflag:$0x3], $0x80, s29, s25, $0xb8;
	[tilespmem:$0x1BAC0] =	vst v63  }
0x13e: {  	_ =	swait.ge [sflag:s23], $0x4000  }
0x13f: {  	p5 =	por @!p4 $0x1, $0x1;
	p6 =	por p2, p2;
	[sflag:s23] =	ssyncset.done $0x0  }
0x140: {  	p6 =	por @!p4 p5, p5;
	s2 =	sshll.u32 @p1 s6, $0x6;
	[sflag:s23] =	ssyncadd.s32 $0xFFFFC000  }
0x141: {  	s10 =	sshrl.u32 @p1 s11, $0x3;
	s2 =	sor.u32 @p1 $0x1C03, s2;
	[bflag:$0x0] =	sbarrier.arrive $0xFFFF  }
0x142: {  	[hbm:s19], [sflag:s2] =	dma.local @p1 [spmem:s10], $0x2780  }
0x143: {  	p5 =	por @!p3 !p6, !p0;
	s2 =	simm.s32 @p1 $0x3  }
0x144: {  	p5 =	por @!p3 !p5, !p5;
	_ =	swait.ge @p1 [sflag:s2], $0x2780  }
0x145: {  	p5 =	por p3, p5;
	s10 =	sshll.u32 @!p4 s6, $0x6;
	[sflag:s2] =	ssyncset.done @p1 $0x0  }
0x146: {  	[sflag:s2] =	ssyncadd.s32 @p1 $0xFFFFD880;
	s2 =	sor.u32 @!p4 $0x1C03, s10;
	s10 =	sshrl.u32 @!p4 s11, $0x3  }
0x147: {  	[hbm:s20], [sflag:s2] =	dma.local @!p4 [spmem:s10], $0x2780  }
.Ltmp7:
0x148: {  	_ = 	snop;
	(pc) =	sbr.rel @!p5 .LBB2_13-.Ltmp7, $4  }
0x149: {  	s2 =	simm.s32 @!p4 $0x3  }
0x14a: {  	_ =	swait.ge @!p4 [sflag:s2], $0x2780  }
0x14b: {  	[sflag:s2] =	ssyncset.done @!p4 $0x0  }
0x14c: {  	[sflag:s2] =	ssyncadd.s32 @!p4 $0xFFFFD880  }
0x14d: {  	s2 =	rddreg [dreg:$0x5]  }
0x14e: {  	s10 =	rddreg [dreg:$0x4]  }
0x14f: {  	s14 =	sshrl.u32 s9, $0x3;
	s2 =	smov.u32 @p3 s10  }
.Ltmp8:
0x150: {  	s12 =	simm.s32 $0x1FC3;
	s2 =	sadd.s32 $0x25080, s2;
	(pc) =	sbr.rel .LBB2_13-.Ltmp8, $4  }
0x151: {  	[hbm:s2], [sflag:s12] =	dma.local [spmem:s14], $0x2080  }
0x152: {  	_ =	swait.ge [sflag:s23], $0x2080  }
0x153: {  	[sflag:s23] =	ssyncset.done $0x0  }
0x154: {  	[sflag:s23] =	ssyncadd.s32 $0xFFFFDF80  }
.LBB2_14:
0x155: {  	_ =	sfence.sel $0x180000  }
0x156: {  	[bflag:$0x0] =	sbarrier.arrive $0xFFFF  }
0x157: {  	_ =	strace $0x9000004A  }
0x158: {  	[bflag:$0x2] =	sbarrier.arrive $0xFFFF  }
0x159: {  	p0 =	sne.s32 s6, $0x0;
	s0 =	rddreg [dreg:$0x3]  }
0x15a: {  	s0 =	sadd.s32 @!p0 $0x100000, s0  }
0x15b: {  	[sflag:s0] =	ssyncadd.tile.s32 @!p0 $0x1;
	_ =	shalt  }
.Lfunc_end2:
_tile_overlayer_lowered:
.L_overlay_start_2:
0x15c: {  	(tag) =	ssettag $0x2  }
0x15d: {  	s0 =	rddreg [dreg:$0x0];
	s2 =	stileid.u32  }
0x15e: {  	s1 =	rddreg [dreg:$0x1];
	p0 =	sne.s32 s2, $0x0  }
0x15f: {  	s3 =	rddreg [dreg:$0x2];
	[bflag:$0x3] =	sbarrier.arrive $0xFFFF;
	s2 =	simm.s32 @!p0 $0x1C03  }
0x160: {  	[timem:s3], [sflag:s2] =	dma.local @!p0 [hbm:s0], s1  }
0x161: {  	s0 =	simm.s32 @!p0 $0x3  }
0x162: {  	_ =	swait.ge @!p0 [sflag:s0], s1  }
0x163: {  	s1 =	ssub.s32 @!p0 $0x0, s1;
	[sflag:s0] =	ssyncset.done @!p0 $0x0  }
0x164: {  	[sflag:s0] =	ssyncadd.s32 @!p0 s1  }
0x165: {  	[bflag:$0x3] =	sbarrier.arrive $0xFFFF  }
0x166: {  	_ =	shalt  }

// kernel: kernel.15.cloned.1.call-start
scs
__scs_entry_jumppad:
0x0: {  	(pc) =	sbr.rel $0x88, $3  }
0x1: {  	(tag) =	ssettag $0x0;
	lr =	simm.s32 $0x1  }
0x2: {  	[smem:$0x3F8A] =	sst lr;
	_ =	strace $0xD0000000  }
0x3: {  	_ = 	snop  }
0x4: {  	_ = 	snop  }
0x5: {  	_ = 	snop  }
0x6: {  	_ = 	snop  }
0x7: {  	_ = 	snop  }
__scs_overlays_trampoline_lowered:
0x8: {  	[smem:$0x3F99] =	sst s0  }
0x9: {  	[smem:$0x3F9A] =	sst s1  }
0xa: {  	[smem:$0x3F9B] =	sst s2  }
0xb: {  	[smem:$0x3F9C] =	sst s3  }
0xc: {  	[smem:$0x3F9D] =	sst s4  }
0xd: {  	[smem:$0x3F9E] =	sst s5  }
0xe: {  	[smem:$0x3F9F] =	sst s6  }
0xf: {  	[smem:$0x3FA0] =	sst s7  }
0x10: {  	[smem:$0x3FA1] =	sst s8  }
0x11: {  	[smem:$0x3FA2] =	sst s9;
	s0 =	simm.s32 @!p0 $0x0  }
0x12: {  	s1 =	sld [smem:$0x3F88];
	s0 =	simm.s32 @p0 $0x1  }
0x13: {  	[smem:$0x3FA3] =	sst s0;
	s0 =	simm.s32 @!p1 $0x0  }
0x14: {  	s2 =	sld [smem:$0x3F87];
	s0 =	simm.s32 @p1 $0x1  }
0x15: {  	[smem:$0x3FA4] =	sst s0;
	s0 =	simm.s32 @!p2 $0x0  }
0x16: {  	s3 =	sld [smem:$0x3FDB];
	s0 =	simm.s32 @p2 $0x1  }
0x17: {  	s4 =	simm.s32 $0x1BF5;
	[smem:$0x3FA6] =	sst s0  }
0x18: {  	s0 =	sld [smem:$0x3F89];
	_ =	swait.ge [sflag:s4], $0x0  }
0x19: {  	s7 =	sld [smem:$0x3F8A]  }
0x1a: {  	s8 =	sadd.s32 $0xFFFFE003, lr  }
0x1b: {  	s9 =	sadd.s32 $0xFFFFFEF7, lr;
	s5 =	simm.s32 $0xFFFFFFFF;
	p2 =	slt.u32 s8, $0xFFFFF086  }
0x1c: {  	p1 =	slt.u32 s9, $0xF7A;
	s5 =	simm.s32 @!p2 $0x0  }
0x1d: {  	s5 =	simm.s32 @p1 $0x1;
	p0 =	seq.s32 s7, s2  }
0x1e: {  	s7 =	smul.u32 @!p0 $0xF7A, s2;
	p2 =	seq.s32 @!p0 s5, $0x0  }
0x1f: {  	s9 =	smul.u32 $0xF7A, s1;
	s8 =	simm.s32 @!p0 $0x1BF5;
	p2 =	por !p2, p0  }
0x20: {  	[sflag:s8] =	ssyncset.s32 @!p0 $0xFFFFF086;
	s6 =	sadd.s32 @!p0 s3, s7;
	s7 =	simm.s32 @!p0 $0x108  }
0x21: {  	s3 =	sadd.s32 s3, s9;
	s6 =	sadd.s32 @!p0 $0x88, s6;
	s7 =	simm.s32 @p2 $0x1082  }
0x22: {  	[simem:s7], [sflag:s8] =	dma.local @!p0 [hbm:s6], $0xF7A  }
0x23: {  	s9 =	sor.u32 $0xD0000000, s2;
	s6 =	simm.s32 $0x108;
	_ =	swait.ge @!p0 [sflag:s8], $0x0  }
0x24: {  	s3 =	sadd.s32 $0x88, s3;
	s6 =	simm.s32 @!p1 $0x1082;
	[sflag:s4] =	ssyncset.s32 $0xFFFFF086  }
0x25: {  	[simem:s6], [sflag:s4] =	dma.local [hbm:s3], $0xF7A  }
0x26: {  	[smem:$0x3F8A] =	sst s1;
	(tag) =	ssettag s2;
	_ =	strace s9  }
0x27: {  	s1 =	sld [smem:$0x3F9A]  }
0x28: {  	s2 =	sld [smem:$0x3F9B]  }
0x29: {  	s4 =	sld [smem:$0x3F9D]  }
0x2a: {  	p0 =	seq.s32 s5, $0x0;
	s5 =	sld [smem:$0x3F9E]  }
0x2b: {  	s6 =	sld [smem:$0x3F9F]  }
0x2c: {  	s7 =	sld [smem:$0x3FA0]  }
0x2d: {  	s3 =	simm.s32 $0x108;
	s8 =	sld [smem:$0x3FA1]  }
0x2e: {  	s3 =	simm.s32 @!p0 $0x1082;
	s9 =	sld [smem:$0x3FA2]  }
0x2f: {  	lr =	sadd.s32 s0, s3;
	s0 =	sld [smem:$0x3F99]  }
0x30: {  	s3 =	sld [smem:$0x3F9C]  }
0x31: {  	[smem:$0x3FA5] =	sst s10  }
0x32: {  	s10 =	sld [smem:$0x3FA3];
	_ =	sdelay $0x3  }
0x33: {  	p0 =	seq.s32 s10, $0x1;
	s10 =	sld [smem:$0x3FA5];
	_ =	sdelay $0x3  }
0x34: {  	[smem:$0x3FA5] =	sst s10  }
0x35: {  	s10 =	sld [smem:$0x3FA4];
	_ =	sdelay $0x3  }
0x36: {  	p1 =	seq.s32 s10, $0x1;
	s10 =	sld [smem:$0x3FA5];
	_ =	sdelay $0x3  }
0x37: {  	[smem:$0x3FA5] =	sst s10  }
0x38: {  	s10 =	sld [smem:$0x3FA6]  }
0x39: {  	_ = 	snop;
	(pc) =	sbr.ind lr, $3  }
0x3a: {  	_ = 	snop  }
0x3b: {  	_ = 	snop  }
0x3c: {  	p2 =	seq.s32 s10, $0x1;
	s10 =	sld [smem:$0x3FA5]  }
0x3d: {  	_ =	shalt  }
0x3e: {  	_ =	shalt  }
0x3f: {  	_ =	shalt  }
0x40: {  	_ =	shalt  }
0x41: {  	_ =	shalt  }
0x42: {  	_ =	shalt  }
0x43: {  	_ =	shalt  }
0x44: {  	_ =	shalt  }
0x45: {  	_ =	shalt  }
0x46: {  	_ =	shalt  }
0x47: {  	_ =	shalt  }
0x48: {  	_ =	shalt  }
0x49: {  	_ =	shalt  }
0x4a: {  	_ =	shalt  }
0x4b: {  	_ =	shalt  }
0x4c: {  	_ =	shalt  }
0x4d: {  	_ =	shalt  }
0x4e: {  	_ =	shalt  }
0x4f: {  	_ =	shalt  }
0x50: {  	_ =	shalt  }
0x51: {  	_ =	shalt  }
0x52: {  	_ =	shalt  }
0x53: {  	_ =	shalt  }
0x54: {  	_ =	shalt  }
0x55: {  	_ =	shalt  }
0x56: {  	_ =	shalt  }
0x57: {  	_ =	shalt  }
0x58: {  	_ =	shalt  }
0x59: {  	_ =	shalt  }
0x5a: {  	_ =	shalt  }
0x5b: {  	_ =	shalt  }
0x5c: {  	_ =	shalt  }
0x5d: {  	_ =	shalt  }
0x5e: {  	_ =	shalt  }
0x5f: {  	_ =	shalt  }
0x60: {  	_ =	shalt  }
0x61: {  	_ =	shalt  }
0x62: {  	_ =	shalt  }
0x63: {  	_ =	shalt  }
0x64: {  	_ =	shalt  }
0x65: {  	_ =	shalt  }
0x66: {  	_ =	shalt  }
0x67: {  	_ =	shalt  }
0x68: {  	_ =	shalt  }
0x69: {  	_ =	shalt  }
0x6a: {  	_ =	shalt  }
0x6b: {  	_ =	shalt  }
0x6c: {  	_ =	shalt  }
0x6d: {  	_ =	shalt  }
0x6e: {  	_ =	shalt  }
0x6f: {  	_ =	shalt  }
0x70: {  	_ =	shalt  }
0x71: {  	_ =	shalt  }
0x72: {  	_ =	shalt  }
0x73: {  	_ =	shalt  }
0x74: {  	_ =	shalt  }
0x75: {  	_ =	shalt  }
0x76: {  	_ =	shalt  }
0x77: {  	_ =	shalt  }
0x78: {  	_ =	shalt  }
0x79: {  	_ =	shalt  }
0x7a: {  	_ =	shalt  }
0x7b: {  	_ =	shalt  }
0x7c: {  	_ =	shalt  }
0x7d: {  	_ =	shalt  }
0x7e: {  	_ =	shalt  }
0x7f: {  	_ =	shalt  }
0x80: {  	_ =	shalt  }
0x81: {  	_ =	shalt  }
0x82: {  	_ =	shalt  }
0x83: {  	_ =	shalt  }
0x84: {  	_ =	shalt  }
0x85: {  	_ =	shalt  }
0x86: {  	_ =	shalt  }
0x87: {  	_ =	shalt  }
.Lfunc_end0:
.L_simem_size_0:
called_computation.2_lowered:
.L_overlay_start_0:
0x88: {  	s2 =	sld [smem:$0x3FD9]  }
0x89: {  	s3 =	sld [smem:$0x3FFE];
	_ =	sdelay $0x1  }
0x8a: {  	s1 =	srdreg.scid  }
0x8b: {  	s0 =	sand.u32 $0x1, s1  }
0x8c: {  	s14 =	sshll.u32 s0, $0xA;
	s2 =	sadd.s32 s3, s2  }
0x8d: {  	s2 =	sadd.s32 s2, s14  }
0x8e: {  	[smem:$0x3FB1] =	sst s2  }
0x8f: {  	_ = 	snop  }
0x90: {  	s2 =	sld [smem:$0x3FD0];
	_ =	sdelay $0x2  }
0x91: {  	s15 =	simm.s32 $0xA;
	s4 =	simm.s32 $0x10  }
0x92: {  	[smem:s4], [sflag:s15] =	dma.local [hbm:s2], $0x1  }
0x93: {  	_ =	swait.eq [sflag:s15], $0x1  }
0x94: {  	[sflag:s15] =	ssyncset.done $0x0  }
0x95: {  	[sflag:s15] =	ssyncadd.s32 $0xFFFFFFFF  }
0x96: {  	s16 =	sld [smem:$0x10];
	(tm) =	ssettm $0x1  }
0x97: {  	s17 =	sld [smem:$0x3FFB];
	_ =	sdelay $0x3  }
0x98: {  	_ =	strace s17  }
0x99: {  	s3 =	sld [smem:$0x3FFC];
	_ =	sdelay $0x3  }
0x9a: {  	_ =	strace s3  }
0x9b: {  	s3 =	sld [smem:$0x3FFD];
	_ =	sdelay $0x3  }
0x9c: {  	_ =	strace s3  }
0x9d: {  	_ =	strace $0x8FFFFFFF  }
0x9e: {  	s18 =	sld [smem:$0x3FDB];
	_ =	sdelay $0x1  }
0x9f: {  	s19 =	simm.s32 $_scs_section_size  }
0xa0: {  	s5 =	simm.s32 $_size__tile_overlayer_lowered;
	s6 =	simm.s32 $_tile_overlayer_lowered  }
0xa1: {  	s22 =	simm.s32 $0x1BFF;
	s21 =	sshll.u32 s6, $0x1;
	s3 =	sadd.s32 s19, s18  }
0xa2: {  	s7 =	simm.s32 $0x0;
	s20 =	sshll.u32 s5, $0x1;
	s5 =	sadd.s32 s21, s3  }
0xa3: {  	[timem:s7], [sflag:s22] =	dma.local [hbm:s5], s20  }
0xa4: {  	_ =	swait.ge [sflag:s22], s20  }
0xa5: {  	s4 =	ssub.s32 $0x0, s20;
	[sflag:s22] =	ssyncset.done $0x0  }
0xa6: {  	[sflag:s22] =	ssyncadd.s32 s4;
	_ =	sdelay $0x1  }
0xa7: {  	s23 =	simm.s32 $0x1B8B  }
0xa8: {  	_ =	swait.ge [sflag:s23], $0x1  }
0xa9: {  	[sflag:s23] =	ssyncset.done $0x0  }
0xaa: {  	s25 =	simm.s32 $0x1B8E;
	s24 =	sld [smem:$0x3FFE];
	[sflag:s23] =	ssyncadd.s32 $0xFFFFFFFF  }
0xab: {  	s26 =	simm.s32 $execute0_lowered;
	[smem:$0x3FD2] =	sst s25  }
0xac: {  	s5 =	sshll.u32 s26, $0x1;
	_ =	strace $0x8000004C;
	[dreg:$0x1] =	wrdreg $0xFFFFFFFF  }
0xad: {  	s28 =	simm.s32 $_size_execute0_lowered;
	s3 =	sadd.s32 s3, s5;
	[dreg:$0x0] =	wrdreg $0x0  }
0xae: {  	s5 =	sshll.u32 s28, $0x1;
	[dreg:$0x2] =	wrdreg s3  }
0xaf: {  	[dreg:$0x3] =	wrdreg s5  }
0xb0: {  	[dreg:$0x4] =	wrdreg $0xC0  }
0xb1: {  	_ =	task [dreg:s7], $0x5FFFF  }
0xb2: {  	[dreg:$0x1] =	wrdreg $0xFFFFFFFF  }
0xb3: {  	[dreg:$0x0] =	wrdreg $0x60  }
0xb4: {  	[dreg:$0x2] =	wrdreg s24  }
0xb5: {  	[dreg:$0x3] =	wrdreg s16  }
0xb6: {  	[dreg:$0x4] =	wrdreg $0x0  }
0xb7: {  	[dreg:$0x5] =	wrdreg $0x9  }
0xb8: {  	_ =	task.clear_ibuf [dreg:s7], $0x6FFFF;
	_ =	strace $0x9000004C  }
0xb9: {  	s29 =	simm.s32 $0x9;
	_ =	strace $0x8000004E  }
0xba: {  	_ =	swait.ge [sflag:s29], $0x1  }
0xbb: {  	[sflag:s29] =	ssyncadd.s32 $0xFFFFFFFF  }
0xbc: {  	_ =	strace $0x9000004E  }
0xbd: {  	_ =	sfence  }
0xbe: {  	s30 =	sld [smem:$0x0];
	_ =	sdelay $0x2  }
0xbf: {  	s31 =	sshll.u32 s1, $0xD;
	s1 =	sshrl.u32 s1, $0x2  }
0xc0: {  	s3 =	sand.u32 $0x4000, s31;
	s1 =	sadd.s32 s1, s30  }
0xc1: {  	s0 =	sor.u32 s3, s0;
	s1 =	sshll.u32 s1, $0x11  }
0xc2: {  	s0 =	sor.u32 s1, s0  }
0xc3: {  	s0 =	sadd.s32 $0x8F2B, s0  }
0xc4: {  	[sflag:s0] =	ssyncadd.remote.s32 $0x1  }
0xc5: {  	_ =	sfence.sel $0xFFFF  }
0xc6: {  	[dreg:$0x0] =	wrdreg $0xFFFFFFFF;
	(pc) =	sbr.abs _section_cstart, $3  }
0xc7: {  	[dreg:$0x1] =	wrdreg $0xFFFFFFFF  }
0xc8: {  	_ =	task.clear_ibuf [dreg:s7], $0x2FFFF;
	_ =	strace $0x9FFFFFFF  }
0xc9: {  	(tm) =	ssettm $0x7FFFFFFF  }
tec
execute0_lowered:
.L_overlay_start_1:
0x0: {  	(tag) =	ssettag $0x1  }
0x1: {  	s0 =	rddreg [dreg:$0x0]  }
0x2: {  	s2 =	rddreg [dreg:$0x1]  }
0x3: {  	s1 =	rddreg [dreg:$0x2]  }
0x4: {  	s3 =	simm.s32 $0x0;
	s4 =	srdreg.scid;
	s6 =	stileid.u32  }
0x5: {  	s28 =	simm.s32 $0x139C0;
	s29 =	simm.s32 $0x13A40;
	s30 =	simm.s32 $0x15AC0  }
0x6: {  	s31 =	simm.s32 $0x1;
	[smem:$0x7FF] =	sst s3;
	s3 =	sadd.s32 $0x4200, s0  }
0x7: {  	s7 =	sand.u32 $0x1, s4;
	s4 =	sadd.s32 $0x21C00, s0;
	s5 =	sadd.s32 $0x17C00, s0  }
0x8: {  	s19 =	sadd.s32 $0x2BC00, s0;
	s20 =	sadd.s32 $0x52E00, s0;
	p0 =	seq.s32 s6, $0xF  }
0x9: {  	s10 =	smul.u32 $0x13C00, s6;
	p3 =	sne.s32 s6, $0xF;
	s11 =	sadd.s32 $0x25080, s2  }
0xa: {  	s9 =	sadd.s32 $0x128400, s1;
	_ =	strace $0x8000004D;
	[dreg:$0x6] =	wrdreg s11  }
0xb: {  	s8 =	ssub.s32 $0x2, s7;
	s22 =	sshll.u32 s7, $0x4;
	[dreg:$0x4] =	wrdreg s19  }
0xc: {  	p4 =	seq.s32 s7, $0x0;
	p2 =	seq.s32 s7, $0x1;
	[dreg:$0x5] =	wrdreg s20  }
0xd: {  	s7 =	simm.s32 $0x2;
	s21 =	sshrl.u32 s8, $0x1;
	s13 =	sshrl.u32 s10, $0x3  }
0xe: {  	s11 =	sadd.s32 s10, s1;
	p1 =	por !p4, !p3;
	p4 =	por !p4, !p0  }
0xf: {  	p5 =	por !p3, !p2;
	s0 =	ssub.s32 s8, s21;
	s8 =	sor.u32 s6, s22  }
0x10: {  	s2 =	sadd.s32 s2, s13;
	p1 =	por !p1, !p1;
	s19 =	sadd.s32 s19, s13  }
0x11: {  	p3 =	por !p4, !p4;
	p6 =	por !p5, !p5;
	s12 =	smul.u32 $0x500, s8  }
0x12: {  	s20 =	sadd.s32 s20, s13;
	s22 =	simm.s32 $0x138C0;
	s14 =	smul.u32 $0x2800, s8  }
0x13: {  	[dreg:$0x7] =	wrdreg s2;
	s23 =	smul.u32 $0x50, s8;
	s21 =	smax.u32 s0, $0x1  }
0x14: {  	p4 =	por !p6, p3;
	s0 =	simm.s32 $0x17AC0;
	s24 =	sadd.s32 s4, s12  }
.Ltmp0:
0x15: {  	s25 =	sadd.s32 s5, s12;
	s26 =	sshrl.u32 s14, $0x3;
	(pc) =	sbr.rel .LBB2_1-.Ltmp0, $4  }
0x16: {  	s15 =	sor.u32 $0x1, s23;
	s16 =	sor.u32 $0x2, s23;
	[dreg:$0x8] =	wrdreg s24  }
0x17: {  	s23 =	simm.s32 $0x3;
	[dreg:$0x9] =	wrdreg s25;
	s8 =	sadd.s32 $0x4F0, s26  }
0x18: {  	s24 =	simm.s32 $0x13940;
	s25 =	simm.s32 $0x80;
	s26 =	simm.s32 $0x13AC0  }
0x19: {  	s17 =	sadd.s32 s4, s8;
	s18 =	sadd.s32 s5, s8;
	s8 =	simm.s32 $0x0  }
.LBB2_13:
0x1a: {  	s8 =	sadd.s32 $0x1, s8  }
0x1b: {  	p5 =	sne.s32 s8, s21  }
.Ltmp1:
0x1c: {  	_ = 	snop;
	(pc) =	sbr.rel @!p5 .LBB2_14-.Ltmp1, $1  }
0x1d: {  	_ =	sdelay $0x3  }
.LBB2_1:
0x1e: {  	s2 =	sshrl.u32 @p0 s9, $0x3;
	s10 =	simm.s32 @p0 $0x1FC3;
	s12 =	rddreg [dreg:$0x6]  }
0x1f: {  	[spmem:s2], [sflag:s10] =	dma.local @p0 [hbm:s12], $0x2080  }
0x20: {  	s2 =	simm.s32 @p0 $0x3  }
0x21: {  	_ =	swait.ge @p0 [sflag:s2], $0x2080  }
0x22: {  	s10 =	sshll.u32 @!p0 s6, $0x6;
	[sflag:s2] =	ssyncset.done @p0 $0x0;
	s12 =	rddreg [dreg:$0x7]  }
0x23: {  	[sflag:s2] =	ssyncadd.s32 @p0 $0xFFFFDF80;
	s2 =	sor.u32 @!p0 $0x1C03, s10;
	s10 =	sshrl.u32 @!p0 s11, $0x3  }
0x24: {  	[spmem:s10], [sflag:s2] =	dma.local @!p0 [hbm:s12], $0x2780  }
0x25: {  	s2 =	simm.s32 @!p0 $0x3  }
0x26: {  	_ =	swait.ge @!p0 [sflag:s2], $0x2780  }
0x27: {  	[sflag:s2] =	ssyncset.done @!p0 $0x0  }
0x28: {  	[sflag:s2] =	ssyncadd.s32 @!p0 $0xFFFFD880  }
0x29: {  	[bflag:$0x0] =	sbarrier.arrive $0xFFFF  }
0x2a: {  	s12 =	simm.s32 $0x0;
	s13 =	rddreg [dreg:$0x8]  }
0x2b: {  	[tilespmem:s22], [sflag:$0x3] =	stream.linear.gather [hbm4b:s13+s12], $0x80, $0x38;
	[tilespmem:$0x1BAC0] =	vst v63  }
0x2c: {  	_ =	swait.ge [sflag:s23], $0x80  }
0x2d: {  	[sflag:s23] =	ssyncset.done $0x0  }
0x2e: {  	s14 =	rddreg [dreg:$0x9];
	[sflag:s23] =	ssyncadd.s32 $0xFFFFFF80  }
0x2f: {  	[tilespmem:s24], [sflag:$0x3] =	stream.linear.gather [hbm4b:s14+s12], $0x80, $0x38;
	[tilespmem:$0x1BAC0] =	vst v63  }
0x30: {  	_ =	swait.ge [sflag:s23], $0x80  }
0x31: {  	[sflag:s23] =	ssyncset.done $0x0  }
0x32: {  	s2 =	simm.s32 $0x0;
	[sflag:s23] =	ssyncadd.s32 $0xFFFFFF80  }
0x33: {  	[tilespmem:s26], [sflag:$0x1] =	stream.indirect.gather [hbm4b:s3+s25], $0x40, s22, s25, $0xb8;
	[tilespmem:$0x1BAC0] =	vst v63  }
.LBB2_2:
0x34: {  	s10 =	sshll.u32 s2, $0x1  }
0x35: {  	s12 =	sadd.s32 s10, s15  }
0x36: {  	s12 =	sshll.u32 s12, $0x4  }
0x37: {  	s12 =	sand.u32 $0x1FFFFFF0, s12  }
0x38: {  	s14 =	simm.s32 $0x0;
	s13 =	sadd.s32 s4, s12  }
0x39: {  	[tilespmem:s28], [sflag:$0x3] =	stream.linear.gather [hbm4b:s13+s14], $0x80, $0x38;
	[tilespmem:$0x1BAC0] =	vst v63  }
0x3a: {  	_ =	swait.ge [sflag:s23], $0x80  }
0x3b: {  	[sflag:s23] =	ssyncset.done $0x0  }
0x3c: {  	s12 =	sadd.s32 s5, s12;
	[sflag:s23] =	ssyncadd.s32 $0xFFFFFF80  }
0x3d: {  	[tilespmem:s29], [sflag:$0x3] =	stream.linear.gather [hbm4b:s12+s14], $0x80, $0x38;
	[tilespmem:$0x1BAC0] =	vst v63  }
0x3e: {  	_ =	swait.ge [sflag:s23], $0x80  }
0x3f: {  	[sflag:s23] =	ssyncset.done $0x0  }
0x40: {  	[sflag:s23] =	ssyncadd.s32 $0xFFFFFF80  }
0x41: {  	[tilespmem:s30], [sflag:$0x2] =	stream.indirect.gather [hbm4b:s3+s25], $0x40, s28, s25, $0xb8;
	[tilespmem:$0x1BAC0] =	vst v63  }
0x42: {  	_ =	swait.ge [sflag:s31], $0x2000  }
0x43: {  	[sflag:s31] =	ssyncset.done $0x0  }
0x44: {  	s14 =	simm.s32 $0x0;
	[sflag:s31] =	ssyncadd.s32 $0xFFFFE000  }
0x45: {  	v0 =	vld [tilespmem:s14+$0x13AC0];
	_ =	sdelay $0x4  }
0x46: {  	s12 =	simm.s32 $0x17B00;
	v1 =	vshll.u32 v0, $0x10  }
0x47: {  	v0 =	vand.u32 $0xFFFF0000, v0;
	[tilespmem:s12+$0xFFFFFFC0] =	vst v1  }
0x48: {  	[tilespmem:s12+$0xFFFFFFD0] =	vst v0  }
0x49: {  	v0 =	vld [tilespmem:s14+$0x13AD0];
	_ =	sdelay $0x4  }
0x4a: {  	v1 =	vshll.u32 v0, $0x10  }
0x4b: {  	v0 =	vand.u32 $0xFFFF0000, v0;
	[tilespmem:s12+$0xFFFFFFE0] =	vst v1  }
0x4c: {  	[tilespmem:s12+$0xFFFFFFF0] =	vst v0  }
0x4d: {  	v0 =	vld [tilespmem:s14+$0x13AE0];
	_ =	sdelay $0x4  }
0x4e: {  	v1 =	vand.u32 $0xFFFF0000, v0  }
0x4f: {  	v0 =	vshll.u32 v0, $0x10;
	[tilespmem:s12+$0x10] =	vst v1  }
0x50: {  	[tilespmem:s12+$0x0] =	vst v0  }
0x51: {  	v0 =	vld [tilespmem:s14+$0x13AF0];
	_ =	sdelay $0x4  }
0x52: {  	v1 =	vshll.u32 v0, $0x10  }
0x53: {  	v0 =	vand.u32 $0xFFFF0000, v0;
	[tilespmem:s12+$0x20] =	vst v1  }
0x54: {  	s13 =	simm.s32 $0x40;
	[tilespmem:s12+$0x30] =	vst v0  }
0x55: {  	v0 =	vld [tilespmem:s13+$0x13AC0]  }
0x56: {  	s14 =	simm.s32 $0x200  }
.LBB2_3:
0x57: {  	p5 =	sne.s32 s14, $0x7F00;
	_ =	sdelay $0x2  }
0x58: {  	s12 =	sadd.s32 $0x80, s12;
	v1 =	vshll.u32 v0, $0x10  }
0x59: {  	v0 =	vand.u32 $0xFFFF0000, v0;
	[tilespmem:s12+$0xFFFFFFC0] =	vst v1  }
0x5a: {  	[tilespmem:s12+$0xFFFFFFD0] =	vst v0  }
0x5b: {  	v0 =	vld [tilespmem:s13+$0x13AD0];
	_ =	sdelay $0x4  }
0x5c: {  	v1 =	vshll.u32 v0, $0x10  }
0x5d: {  	v0 =	vand.u32 $0xFFFF0000, v0;
	[tilespmem:s12+$0xFFFFFFE0] =	vst v1  }
0x5e: {  	[tilespmem:s12+$0xFFFFFFF0] =	vst v0  }
0x5f: {  	v0 =	vld [tilespmem:s13+$0x13AE0];
	_ =	sdelay $0x4  }
0x60: {  	v1 =	vshll.u32 v0, $0x10;
	v0 =	vand.u32 $0xFFFF0000, v0  }
0x61: {  	[tilespmem:s12+$0x10] =	vst v0  }
0x62: {  	[tilespmem:s12+$0x0] =	vst v1  }
0x63: {  	v0 =	vld [tilespmem:s13+$0x13AF0];
	_ =	sdelay $0x4  }
.Ltmp2:
0x64: {  	v1 =	vshll.u32 v0, $0x10;
	v0 =	vand.u32 $0xFFFF0000, v0;
	(pc) =	sbr.rel @p5 .LBB2_3-.Ltmp2, $4  }
0x65: {  	[tilespmem:s12+$0x20] =	vst v1  }
0x66: {  	s13 =	sshra.s32 s14, $0x2;
	[tilespmem:s12+$0x30] =	vst v0  }
0x67: {  	v0 =	vld [tilespmem:s13+$0x13AC0]  }
0x68: {  	s14 =	sadd.s32 $0x100, s14  }
0x69: {  	_ =	sdelay $0x2  }
0x6a: {  	s12 =	sadd.s32 $0x80, s12;
	v1 =	vshll.u32 v0, $0x10  }
0x6b: {  	v0 =	vand.u32 $0xFFFF0000, v0;
	[tilespmem:s12+$0xFFFFFFC0] =	vst v1  }
0x6c: {  	[tilespmem:s12+$0xFFFFFFD0] =	vst v0  }
0x6d: {  	v0 =	vld [tilespmem:s13+$0x13AD0];
	_ =	sdelay $0x4  }
0x6e: {  	v1 =	vshll.u32 v0, $0x10  }
0x6f: {  	v0 =	vand.u32 $0xFFFF0000, v0;
	[tilespmem:s12+$0xFFFFFFE0] =	vst v1  }
0x70: {  	[tilespmem:s12+$0xFFFFFFF0] =	vst v0  }
0x71: {  	v0 =	vld [tilespmem:s13+$0x13AE0];
	_ =	sdelay $0x4  }
0x72: {  	v1 =	vand.u32 $0xFFFF0000, v0  }
0x73: {  	v0 =	vshll.u32 v0, $0x10;
	[tilespmem:s12+$0x10] =	vst v1  }
0x74: {  	[tilespmem:s12+$0x0] =	vst v0  }
0x75: {  	v0 =	vld [tilespmem:s13+$0x13AF0];
	_ =	sdelay $0x4  }
0x76: {  	v1 =	vshll.u32 v0, $0x10  }
0x77: {  	v0 =	vand.u32 $0xFFFF0000, v0;
	[tilespmem:s12+$0x20] =	vst v1  }
0x78: {  	s10 =	sadd.s32 s10, s16;
	[tilespmem:s12+$0x30] =	vst v0  }
0x79: {  	[spmem:s1] =	stream.indirect.scatter.add.f32 [tilespmem:s0], [sflag:$0x3], $0x80, s24, s25, $0xb8;
	[tilespmem:$0x1BAC0] =	vst v63  }
0x7a: {  	s10 =	sshll.u32 s10, $0x4;
	_ =	swait.ge [sflag:s23], $0x4000  }
0x7b: {  	s10 =	sand.u32 $0x1FFFFFE0, s10;
	[sflag:s23] =	ssyncset.done $0x0  }
0x7c: {  	s14 =	simm.s32 $0x0;
	s13 =	sadd.s32 s4, s10;
	[sflag:s23] =	ssyncadd.s32 $0xFFFFC000  }
0x7d: {  	[tilespmem:s22], [sflag:$0x3] =	stream.linear.gather [hbm4b:s13+s14], $0x80, $0x38;
	[tilespmem:$0x1BAC0] =	vst v63  }
0x7e: {  	_ =	swait.ge [sflag:s23], $0x80  }
0x7f: {  	[sflag:s23] =	ssyncset.done $0x0  }
0x80: {  	s10 =	sadd.s32 s5, s10;
	[sflag:s23] =	ssyncadd.s32 $0xFFFFFF80  }
0x81: {  	[tilespmem:s24], [sflag:$0x3] =	stream.linear.gather [hbm4b:s10+s14], $0x80, $0x38;
	[tilespmem:$0x1BAC0] =	vst v63  }
0x82: {  	_ =	swait.ge [sflag:s23], $0x80  }
0x83: {  	[sflag:s23] =	ssyncset.done $0x0  }
0x84: {  	[sflag:s23] =	ssyncadd.s32 $0xFFFFFF80  }
0x85: {  	[tilespmem:s26], [sflag:$0x1] =	stream.indirect.gather [hbm4b:s3+s25], $0x40, s22, s25, $0xb8;
	[tilespmem:$0x1BAC0] =	vst v63  }
0x86: {  	_ =	swait.ge [sflag:s7], $0x2000  }
0x87: {  	[sflag:s7] =	ssyncset.done $0x0  }
0x88: {  	s14 =	simm.s32 $0x0;
	[sflag:s7] =	ssyncadd.s32 $0xFFFFE000  }
0x89: {  	v0 =	vld [tilespmem:s14+$0x15AC0];
	_ =	sdelay $0x4  }
0x8a: {  	s10 =	simm.s32 $0x17B00;
	v1 =	vshll.u32 v0, $0x10  }
0x8b: {  	v0 =	vand.u32 $0xFFFF0000, v0;
	[tilespmem:s10+$0xFFFFFFC0] =	vst v1  }
0x8c: {  	[tilespmem:s10+$0xFFFFFFD0] =	vst v0  }
0x8d: {  	v0 =	vld [tilespmem:s14+$0x15AD0];
	_ =	sdelay $0x4  }
0x8e: {  	v1 =	vshll.u32 v0, $0x10  }
0x8f: {  	v0 =	vand.u32 $0xFFFF0000, v0;
	[tilespmem:s10+$0xFFFFFFE0] =	vst v1  }
0x90: {  	[tilespmem:s10+$0xFFFFFFF0] =	vst v0  }
0x91: {  	v0 =	vld [tilespmem:s14+$0x15AE0];
	_ =	sdelay $0x4  }
0x92: {  	v1 =	vand.u32 $0xFFFF0000, v0  }
0x93: {  	v0 =	vshll.u32 v0, $0x10;
	[tilespmem:s10+$0x10] =	vst v1  }
0x94: {  	[tilespmem:s10+$0x0] =	vst v0  }
0x95: {  	v0 =	vld [tilespmem:s14+$0x15AF0];
	_ =	sdelay $0x4  }
0x96: {  	v1 =	vshll.u32 v0, $0x10  }
0x97: {  	v0 =	vand.u32 $0xFFFF0000, v0;
	[tilespmem:s10+$0x20] =	vst v1  }
0x98: {  	s12 =	simm.s32 $0x40;
	[tilespmem:s10+$0x30] =	vst v0  }
0x99: {  	v0 =	vld [tilespmem:s12+$0x15AC0]  }
0x9a: {  	s13 =	simm.s32 $0x200  }
.LBB2_5:
0x9b: {  	p5 =	sne.s32 s13, $0x7F00;
	_ =	sdelay $0x2  }
0x9c: {  	s10 =	sadd.s32 $0x80, s10;
	v1 =	vshll.u32 v0, $0x10  }
0x9d: {  	v0 =	vand.u32 $0xFFFF0000, v0;
	[tilespmem:s10+$0xFFFFFFC0] =	vst v1  }
0x9e: {  	[tilespmem:s10+$0xFFFFFFD0] =	vst v0  }
0x9f: {  	v0 =	vld [tilespmem:s12+$0x15AD0];
	_ =	sdelay $0x4  }
0xa0: {  	v1 =	vshll.u32 v0, $0x10  }
0xa1: {  	v0 =	vand.u32 $0xFFFF0000, v0;
	[tilespmem:s10+$0xFFFFFFE0] =	vst v1  }
0xa2: {  	[tilespmem:s10+$0xFFFFFFF0] =	vst v0  }
0xa3: {  	v0 =	vld [tilespmem:s12+$0x15AE0];
	_ =	sdelay $0x4  }
0xa4: {  	v1 =	vshll.u32 v0, $0x10;
	v0 =	vand.u32 $0xFFFF0000, v0  }
0xa5: {  	[tilespmem:s10+$0x10] =	vst v0  }
0xa6: {  	[tilespmem:s10+$0x0] =	vst v1  }
0xa7: {  	v0 =	vld [tilespmem:s12+$0x15AF0];
	_ =	sdelay $0x4  }
.Ltmp3:
0xa8: {  	v1 =	vshll.u32 v0, $0x10;
	v0 =	vand.u32 $0xFFFF0000, v0;
	(pc) =	sbr.rel @p5 .LBB2_5-.Ltmp3, $4  }
0xa9: {  	[tilespmem:s10+$0x20] =	vst v1  }
0xaa: {  	s12 =	sshra.s32 s13, $0x2;
	[tilespmem:s10+$0x30] =	vst v0  }
0xab: {  	v0 =	vld [tilespmem:s12+$0x15AC0]  }
0xac: {  	s13 =	sadd.s32 $0x100, s13  }
0xad: {  	_ =	sdelay $0x2  }
0xae: {  	s10 =	sadd.s32 $0x80, s10;
	v1 =	vshll.u32 v0, $0x10  }
0xaf: {  	v60 =	vand.u32 $0xFFFF0000, v0;
	[tilespmem:s10+$0xFFFFFFC0] =	vst v1  }
0xb0: {  	[tilespmem:s10+$0xFFFFFFD0] =	vst v60  }
0xb1: {  	v0 =	vld [tilespmem:s12+$0x15AD0];
	_ =	sdelay $0x4  }
0xb2: {  	v61 =	vshll.u32 v0, $0x10  }
0xb3: {  	v0 =	vand.u32 $0xFFFF0000, v0;
	[tilespmem:s10+$0xFFFFFFE0] =	vst v61  }
0xb4: {  	[tilespmem:s10+$0xFFFFFFF0] =	vst v0  }
0xb5: {  	v0 =	vld [tilespmem:s12+$0x15AE0];
	_ =	sdelay $0x4  }
0xb6: {  	v62 =	vand.u32 $0xFFFF0000, v0  }
0xb7: {  	v0 =	vshll.u32 v0, $0x10;
	[tilespmem:s10+$0x10] =	vst v62  }
0xb8: {  	[tilespmem:s10+$0x0] =	vst v0  }
0xb9: {  	v0 =	vld [tilespmem:s12+$0x15AF0];
	_ =	sdelay $0x4  }
0xba: {  	s2 =	sadd.s32 $0x1, s2;
	v63 =	vshll.u32 v0, $0x10  }
0xbb: {  	p5 =	sne.s32 s2, $0x27;
	v0 =	vand.u32 $0xFFFF0000, v0;
	[tilespmem:s10+$0x20] =	vst v63  }
.Ltmp4:
0xbc: {  	[tilespmem:s10+$0x30] =	vst v0;
	(pc) =	sbr.rel @p5 .LBB2_2-.Ltmp4, $4  }
0xbd: {  	[spmem:s1] =	stream.indirect.scatter.add.f32 [tilespmem:s0], [sflag:$0x3], $0x80, s29, s25, $0xb8;
	[tilespmem:$0x1BAC0] =	vst v63  }
0xbe: {  	_ =	swait.ge [sflag:s23], $0x4000  }
0xbf: {  	[sflag:s23] =	ssyncset.done $0x0  }
0xc0: {  	[sflag:s23] =	ssyncadd.s32 $0xFFFFC000  }
0xc1: {  	s2 =	simm.s32 $0x0  }
0xc2: {  	[tilespmem:s28], [sflag:$0x3] =	stream.linear.gather [hbm4b:s17+s2], $0x80, $0x38;
	[tilespmem:$0x1BAC0] =	vst v63  }
0xc3: {  	_ =	swait.ge [sflag:s23], $0x80  }
0xc4: {  	[sflag:s23] =	ssyncset.done $0x0  }
0xc5: {  	[sflag:s23] =	ssyncadd.s32 $0xFFFFFF80  }
0xc6: {  	[tilespmem:s29], [sflag:$0x3] =	stream.linear.gather [hbm4b:s18+s2], $0x80, $0x38;
	[tilespmem:$0x1BAC0] =	vst v63  }
0xc7: {  	_ =	swait.ge [sflag:s23], $0x80  }
0xc8: {  	[sflag:s23] =	ssyncset.done $0x0  }
0xc9: {  	[sflag:s23] =	ssyncadd.s32 $0xFFFFFF80  }
0xca: {  	[tilespmem:s30], [sflag:$0x2] =	stream.indirect.gather [hbm4b:s3+s25], $0x40, s28, s25, $0xb8;
	[tilespmem:$0x1BAC0] =	vst v63  }
0xcb: {  	_ =	swait.ge [sflag:s31], $0x2000  }
0xcc: {  	[sflag:s31] =	ssyncset.done $0x0  }
0xcd: {  	s10 =	simm.s32 $0x0;
	[sflag:s31] =	ssyncadd.s32 $0xFFFFE000  }
0xce: {  	v0 =	vld [tilespmem:s10+$0x13AC0];
	_ =	sdelay $0x4  }
0xcf: {  	s2 =	simm.s32 $0x17B00;
	v1 =	vshll.u32 v0, $0x10  }
0xd0: {  	v0 =	vand.u32 $0xFFFF0000, v0;
	[tilespmem:s2+$0xFFFFFFC0] =	vst v1  }
0xd1: {  	[tilespmem:s2+$0xFFFFFFD0] =	vst v0  }
0xd2: {  	v0 =	vld [tilespmem:s10+$0x13AD0];
	_ =	sdelay $0x4  }
0xd3: {  	v1 =	vshll.u32 v0, $0x10  }
0xd4: {  	v0 =	vand.u32 $0xFFFF0000, v0;
	[tilespmem:s2+$0xFFFFFFE0] =	vst v1  }
0xd5: {  	[tilespmem:s2+$0xFFFFFFF0] =	vst v0  }
0xd6: {  	v0 =	vld [tilespmem:s10+$0x13AE0];
	_ =	sdelay $0x4  }
0xd7: {  	v1 =	vand.u32 $0xFFFF0000, v0  }
0xd8: {  	v0 =	vshll.u32 v0, $0x10;
	[tilespmem:s2+$0x10] =	vst v1  }
0xd9: {  	[tilespmem:s2+$0x0] =	vst v0  }
0xda: {  	v0 =	vld [tilespmem:s10+$0x13AF0];
	_ =	sdelay $0x4  }
0xdb: {  	v1 =	vshll.u32 v0, $0x10  }
0xdc: {  	v0 =	vand.u32 $0xFFFF0000, v0;
	[tilespmem:s2+$0x20] =	vst v1  }
0xdd: {  	s10 =	simm.s32 $0x40;
	[tilespmem:s2+$0x30] =	vst v0  }
0xde: {  	v0 =	vld [tilespmem:s10+$0x13AC0]  }
0xdf: {  	s12 =	simm.s32 $0x200  }
.LBB2_8:
0xe0: {  	p5 =	sne.s32 s12, $0x7F00;
	_ =	sdelay $0x2  }
0xe1: {  	s2 =	sadd.s32 $0x80, s2;
	v1 =	vshll.u32 v0, $0x10  }
0xe2: {  	v0 =	vand.u32 $0xFFFF0000, v0;
	[tilespmem:s2+$0xFFFFFFC0] =	vst v1  }
0xe3: {  	[tilespmem:s2+$0xFFFFFFD0] =	vst v0  }
0xe4: {  	v0 =	vld [tilespmem:s10+$0x13AD0];
	_ =	sdelay $0x4  }
0xe5: {  	v1 =	vshll.u32 v0, $0x10  }
0xe6: {  	v0 =	vand.u32 $0xFFFF0000, v0;
	[tilespmem:s2+$0xFFFFFFE0] =	vst v1  }
0xe7: {  	[tilespmem:s2+$0xFFFFFFF0] =	vst v0  }
0xe8: {  	v0 =	vld [tilespmem:s10+$0x13AE0];
	_ =	sdelay $0x4  }
0xe9: {  	v1 =	vshll.u32 v0, $0x10;
	v0 =	vand.u32 $0xFFFF0000, v0  }
0xea: {  	[tilespmem:s2+$0x10] =	vst v0  }
0xeb: {  	[tilespmem:s2+$0x0] =	vst v1  }
0xec: {  	v0 =	vld [tilespmem:s10+$0x13AF0];
	_ =	sdelay $0x4  }
.Ltmp5:
0xed: {  	v1 =	vshll.u32 v0, $0x10;
	v0 =	vand.u32 $0xFFFF0000, v0;
	(pc) =	sbr.rel @p5 .LBB2_8-.Ltmp5, $4  }
0xee: {  	[tilespmem:s2+$0x20] =	vst v1  }
0xef: {  	s10 =	sshra.s32 s12, $0x2;
	[tilespmem:s2+$0x30] =	vst v0  }
0xf0: {  	v0 =	vld [tilespmem:s10+$0x13AC0]  }
0xf1: {  	s12 =	sadd.s32 $0x100, s12  }
0xf2: {  	_ =	sdelay $0x2  }
0xf3: {  	s2 =	sadd.s32 $0x80, s2;
	v1 =	vshll.u32 v0, $0x10  }
0xf4: {  	v0 =	vand.u32 $0xFFFF0000, v0;
	[tilespmem:s2+$0xFFFFFFC0] =	vst v1  }
0xf5: {  	[tilespmem:s2+$0xFFFFFFD0] =	vst v0  }
0xf6: {  	v0 =	vld [tilespmem:s10+$0x13AD0];
	_ =	sdelay $0x4  }
0xf7: {  	v1 =	vshll.u32 v0, $0x10  }
0xf8: {  	v0 =	vand.u32 $0xFFFF0000, v0;
	[tilespmem:s2+$0xFFFFFFE0] =	vst v1  }
0xf9: {  	[tilespmem:s2+$0xFFFFFFF0] =	vst v0  }
0xfa: {  	v0 =	vld [tilespmem:s10+$0x13AE0];
	_ =	sdelay $0x4  }
0xfb: {  	v1 =	vand.u32 $0xFFFF0000, v0  }
0xfc: {  	v0 =	vshll.u32 v0, $0x10;
	[tilespmem:s2+$0x10] =	vst v1  }
0xfd: {  	[tilespmem:s2+$0x0] =	vst v0  }
0xfe: {  	v0 =	vld [tilespmem:s10+$0x13AF0];
	_ =	sdelay $0x4  }
0xff: {  	v1 =	vshll.u32 v0, $0x10  }
0x100: {  	v0 =	vand.u32 $0xFFFF0000, v0;
	[tilespmem:s2+$0x20] =	vst v1  }
0x101: {  	[tilespmem:s2+$0x30] =	vst v0  }
0x102: {  	[spmem:s1] =	stream.indirect.scatter.add.f32 [tilespmem:s0], [sflag:$0x3], $0x80, s24, s25, $0xb8;
	[tilespmem:$0x1BAC0] =	vst v63  }
0x103: {  	_ =	swait.ge [sflag:s23], $0x4000  }
0x104: {  	[sflag:s23] =	ssyncset.done $0x0  }
0x105: {  	[sflag:s23] =	ssyncadd.s32 $0xFFFFC000  }
0x106: {  	_ =	swait.ge [sflag:s7], $0x2000  }
0x107: {  	[sflag:s7] =	ssyncset.done $0x0  }
0x108: {  	s14 =	simm.s32 $0x0;
	[sflag:s7] =	ssyncadd.s32 $0xFFFFE000  }
0x109: {  	v0 =	vld [tilespmem:s14+$0x15AC0];
	_ =	sdelay $0x4  }
0x10a: {  	s2 =	simm.s32 $0x17B00;
	v1 =	vshll.u32 v0, $0x10  }
0x10b: {  	v0 =	vand.u32 $0xFFFF0000, v0;
	[tilespmem:s2+$0xFFFFFFC0] =	vst v1  }
0x10c: {  	[tilespmem:s2+$0xFFFFFFD0] =	vst v0  }
0x10d: {  	v0 =	vld [tilespmem:s14+$0x15AD0];
	_ =	sdelay $0x4  }
0x10e: {  	v1 =	vshll.u32 v0, $0x10  }
0x10f: {  	v0 =	vand.u32 $0xFFFF0000, v0;
	[tilespmem:s2+$0xFFFFFFE0] =	vst v1  }
0x110: {  	[tilespmem:s2+$0xFFFFFFF0] =	vst v0  }
0x111: {  	v0 =	vld [tilespmem:s14+$0x15AE0];
	_ =	sdelay $0x4  }
0x112: {  	v1 =	vand.u32 $0xFFFF0000, v0  }
0x113: {  	v0 =	vshll.u32 v0, $0x10;
	[tilespmem:s2+$0x10] =	vst v1  }
0x114: {  	[tilespmem:s2+$0x0] =	vst v0  }
0x115: {  	v0 =	vld [tilespmem:s14+$0x15AF0];
	_ =	sdelay $0x4  }
0x116: {  	v1 =	vshll.u32 v0, $0x10  }
0x117: {  	v0 =	vand.u32 $0xFFFF0000, v0;
	[tilespmem:s2+$0x20] =	vst v1  }
0x118: {  	s10 =	simm.s32 $0x40;
	[tilespmem:s2+$0x30] =	vst v0  }
0x119: {  	v0 =	vld [tilespmem:s10+$0x15AC0]  }
0x11a: {  	s12 =	simm.s32 $0x200  }
.LBB2_10:
0x11b: {  	p5 =	sne.s32 s12, $0x7F00;
	_ =	sdelay $0x2  }
0x11c: {  	s2 =	sadd.s32 $0x80, s2;
	v1 =	vshll.u32 v0, $0x10  }
0x11d: {  	v0 =	vand.u32 $0xFFFF0000, v0;
	[tilespmem:s2+$0xFFFFFFC0] =	vst v1  }
0x11e: {  	[tilespmem:s2+$0xFFFFFFD0] =	vst v0  }
0x11f: {  	v0 =	vld [tilespmem:s10+$0x15AD0];
	_ =	sdelay $0x4  }
0x120: {  	v1 =	vshll.u32 v0, $0x10  }
0x121: {  	v0 =	vand.u32 $0xFFFF0000, v0;
	[tilespmem:s2+$0xFFFFFFE0] =	vst v1  }
0x122: {  	[tilespmem:s2+$0xFFFFFFF0] =	vst v0  }
0x123: {  	v0 =	vld [tilespmem:s10+$0x15AE0];
	_ =	sdelay $0x4  }
0x124: {  	v1 =	vshll.u32 v0, $0x10;
	v0 =	vand.u32 $0xFFFF0000, v0  }
0x125: {  	[tilespmem:s2+$0x10] =	vst v0  }
0x126: {  	[tilespmem:s2+$0x0] =	vst v1  }
0x127: {  	v0 =	vld [tilespmem:s10+$0x15AF0];
	_ =	sdelay $0x4  }
.Ltmp6:
0x128: {  	v1 =	vshll.u32 v0, $0x10;
	v0 =	vand.u32 $0xFFFF0000, v0;
	(pc) =	sbr.rel @p5 .LBB2_10-.Ltmp6, $4  }
0x129: {  	[tilespmem:s2+$0x20] =	vst v1  }
0x12a: {  	s10 =	sshra.s32 s12, $0x2;
	[tilespmem:s2+$0x30] =	vst v0  }
0x12b: {  	v0 =	vld [tilespmem:s10+$0x15AC0]  }
0x12c: {  	s12 =	sadd.s32 $0x100, s12  }
0x12d: {  	_ =	sdelay $0x2  }
0x12e: {  	s2 =	sadd.s32 $0x80, s2;
	v1 =	vshll.u32 v0, $0x10  }
0x12f: {  	v60 =	vand.u32 $0xFFFF0000, v0;
	[tilespmem:s2+$0xFFFFFFC0] =	vst v1  }
0x130: {  	[tilespmem:s2+$0xFFFFFFD0] =	vst v60  }
0x131: {  	v0 =	vld [tilespmem:s10+$0x15AD0];
	_ =	sdelay $0x4  }
0x132: {  	v61 =	vshll.u32 v0, $0x10  }
0x133: {  	v0 =	vand.u32 $0xFFFF0000, v0;
	[tilespmem:s2+$0xFFFFFFE0] =	vst v61  }
0x134: {  	[tilespmem:s2+$0xFFFFFFF0] =	vst v0  }
0x135: {  	v0 =	vld [tilespmem:s10+$0x15AE0];
	_ =	sdelay $0x4  }
0x136: {  	v62 =	vand.u32 $0xFFFF0000, v0  }
0x137: {  	v0 =	vshll.u32 v0, $0x10;
	[tilespmem:s2+$0x10] =	vst v62  }
0x138: {  	[tilespmem:s2+$0x0] =	vst v0  }
0x139: {  	v0 =	vld [tilespmem:s10+$0x15AF0];
	_ =	sdelay $0x4  }
0x13a: {  	v63 =	vshll.u32 v0, $0x10  }
0x13b: {  	v0 =	vand.u32 $0xFFFF0000, v0;
	[tilespmem:s2+$0x20] =	vst v63  }
0x13c: {  	[tilespmem:s2+$0x30] =	vst v0  }
0x13d: {  	[spmem:s1] =	stream.indirect.scatter.add.f32 [tilespmem:s0], [sflag:$0x3], $0x80, s29, s25, $0xb8;
	[tilespmem:$0x1BAC0] =	vst v63  }
0x13e: {  	_ =	swait.ge [sflag:s23], $0x4000  }
0x13f: {  	p5 =	por @!p4 $0x1, $0x1;
	p6 =	por p2, p2;
	[sflag:s23] =	ssyncset.done $0x0  }
0x140: {  	p6 =	por @!p4 p5, p5;
	s2 =	sshll.u32 @p1 s6, $0x6;
	[sflag:s23] =	ssyncadd.s32 $0xFFFFC000  }
0x141: {  	s10 =	sshrl.u32 @p1 s11, $0x3;
	s2 =	sor.u32 @p1 $0x1C03, s2;
	[bflag:$0x0] =	sbarrier.arrive $0xFFFF  }
0x142: {  	[hbm:s19], [sflag:s2] =	dma.local @p1 [spmem:s10], $0x2780  }
0x143: {  	p5 =	por @!p3 !p6, !p0;
	s2 =	simm.s32 @p1 $0x3  }
0x144: {  	p5 =	por @!p3 !p5, !p5;
	_ =	swait.ge @p1 [sflag:s2], $0x2780  }
0x145: {  	p5 =	por p3, p5;
	s10 =	sshll.u32 @!p4 s6, $0x6;
	[sflag:s2] =	ssyncset.done @p1 $0x0  }
0x146: {  	[sflag:s2] =	ssyncadd.s32 @p1 $0xFFFFD880;
	s2 =	sor.u32 @!p4 $0x1C03, s10;
	s10 =	sshrl.u32 @!p4 s11, $0x3  }
0x147: {  	[hbm:s20], [sflag:s2] =	dma.local @!p4 [spmem:s10], $0x2780  }
.Ltmp7:
0x148: {  	_ = 	snop;
	(pc) =	sbr.rel @!p5 .LBB2_13-.Ltmp7, $4  }
0x149: {  	s2 =	simm.s32 @!p4 $0x3  }
0x14a: {  	_ =	swait.ge @!p4 [sflag:s2], $0x2780  }
0x14b: {  	[sflag:s2] =	ssyncset.done @!p4 $0x0  }
0x14c: {  	[sflag:s2] =	ssyncadd.s32 @!p4 $0xFFFFD880  }
0x14d: {  	s2 =	rddreg [dreg:$0x5]  }
0x14e: {  	s10 =	rddreg [dreg:$0x4]  }
0x14f: {  	s14 =	sshrl.u32 s9, $0x3;
	s2 =	smov.u32 @p3 s10  }
.Ltmp8:
0x150: {  	s12 =	simm.s32 $0x1FC3;
	s2 =	sadd.s32 $0x25080, s2;
	(pc) =	sbr.rel .LBB2_13-.Ltmp8, $4  }
0x151: {  	[hbm:s2], [sflag:s12] =	dma.local [spmem:s14], $0x2080  }
0x152: {  	_ =	swait.ge [sflag:s23], $0x2080  }
0x153: {  	[sflag:s23] =	ssyncset.done $0x0  }
0x154: {  	[sflag:s23] =	ssyncadd.s32 $0xFFFFDF80  }
.LBB2_14:
0x155: {  	_ =	sfence.sel $0x180000  }
0x156: {  	[bflag:$0x0] =	sbarrier.arrive $0xFFFF  }
0x157: {  	_ =	strace $0x9000004D  }
0x158: {  	[bflag:$0x2] =	sbarrier.arrive $0xFFFF  }
0x159: {  	p0 =	sne.s32 s6, $0x0;
	s0 =	rddreg [dreg:$0x3]  }
0x15a: {  	s0 =	sadd.s32 @!p0 $0x100000, s0  }
0x15b: {  	[sflag:s0] =	ssyncadd.tile.s32 @!p0 $0x1;
	_ =	shalt  }
.Lfunc_end2:
_tile_overlayer_lowered:
.L_overlay_start_2:
0x15c: {  	(tag) =	ssettag $0x2  }
0x15d: {  	s0 =	rddreg [dreg:$0x0];
	s2 =	stileid.u32  }
0x15e: {  	s1 =	rddreg [dreg:$0x1];
	p0 =	sne.s32 s2, $0x0  }
0x15f: {  	s3 =	rddreg [dreg:$0x2];
	[bflag:$0x3] =	sbarrier.arrive $0xFFFF;
	s2 =	simm.s32 @!p0 $0x1C03  }
0x160: {  	[timem:s3], [sflag:s2] =	dma.local @!p0 [hbm:s0], s1  }
0x161: {  	s0 =	simm.s32 @!p0 $0x3  }
0x162: {  	_ =	swait.ge @!p0 [sflag:s0], s1  }
0x163: {  	s1 =	ssub.s32 @!p0 $0x0, s1;
	[sflag:s0] =	ssyncset.done @!p0 $0x0  }
0x164: {  	[sflag:s0] =	ssyncadd.s32 @!p0 s1  }
0x165: {  	[bflag:$0x3] =	sbarrier.arrive $0xFFFF  }
0x166: {  	_ =	shalt  }

// kernel: kernel.9.cloned.1.call-start
scs
__scs_entry_jumppad:
0x0: {  	(pc) =	sbr.rel $0x88, $3  }
0x1: {  	(tag) =	ssettag $0x0;
	lr =	simm.s32 $0x1  }
0x2: {  	[smem:$0x3F8A] =	sst lr;
	_ =	strace $0xD0000000  }
0x3: {  	_ = 	snop  }
0x4: {  	_ = 	snop  }
0x5: {  	_ = 	snop  }
0x6: {  	_ = 	snop  }
0x7: {  	_ = 	snop  }
__scs_overlays_trampoline_lowered:
0x8: {  	[smem:$0x3F99] =	sst s0  }
0x9: {  	[smem:$0x3F9A] =	sst s1  }
0xa: {  	[smem:$0x3F9B] =	sst s2  }
0xb: {  	[smem:$0x3F9C] =	sst s3  }
0xc: {  	[smem:$0x3F9D] =	sst s4  }
0xd: {  	[smem:$0x3F9E] =	sst s5  }
0xe: {  	[smem:$0x3F9F] =	sst s6  }
0xf: {  	[smem:$0x3FA0] =	sst s7  }
0x10: {  	[smem:$0x3FA1] =	sst s8  }
0x11: {  	[smem:$0x3FA2] =	sst s9;
	s0 =	simm.s32 @!p0 $0x0  }
0x12: {  	s1 =	sld [smem:$0x3F88];
	s0 =	simm.s32 @p0 $0x1  }
0x13: {  	[smem:$0x3FA3] =	sst s0;
	s0 =	simm.s32 @!p1 $0x0  }
0x14: {  	s2 =	sld [smem:$0x3F87];
	s0 =	simm.s32 @p1 $0x1  }
0x15: {  	[smem:$0x3FA4] =	sst s0;
	s0 =	simm.s32 @!p2 $0x0  }
0x16: {  	s3 =	sld [smem:$0x3FDB];
	s0 =	simm.s32 @p2 $0x1  }
0x17: {  	s4 =	simm.s32 $0x1BF5;
	[smem:$0x3FA6] =	sst s0  }
0x18: {  	s0 =	sld [smem:$0x3F89];
	_ =	swait.ge [sflag:s4], $0x0  }
0x19: {  	s7 =	sld [smem:$0x3F8A]  }
0x1a: {  	s8 =	sadd.s32 $0xFFFFE003, lr  }
0x1b: {  	s9 =	sadd.s32 $0xFFFFFEF7, lr;
	s5 =	simm.s32 $0xFFFFFFFF;
	p2 =	slt.u32 s8, $0xFFFFF086  }
0x1c: {  	p1 =	slt.u32 s9, $0xF7A;
	s5 =	simm.s32 @!p2 $0x0  }
0x1d: {  	s5 =	simm.s32 @p1 $0x1;
	p0 =	seq.s32 s7, s2  }
0x1e: {  	s7 =	smul.u32 @!p0 $0xF7A, s2;
	p2 =	seq.s32 @!p0 s5, $0x0  }
0x1f: {  	s9 =	smul.u32 $0xF7A, s1;
	s8 =	simm.s32 @!p0 $0x1BF5;
	p2 =	por !p2, p0  }
0x20: {  	[sflag:s8] =	ssyncset.s32 @!p0 $0xFFFFF086;
	s6 =	sadd.s32 @!p0 s3, s7;
	s7 =	simm.s32 @!p0 $0x108  }
0x21: {  	s3 =	sadd.s32 s3, s9;
	s6 =	sadd.s32 @!p0 $0x88, s6;
	s7 =	simm.s32 @p2 $0x1082  }
0x22: {  	[simem:s7], [sflag:s8] =	dma.local @!p0 [hbm:s6], $0xF7A  }
0x23: {  	s9 =	sor.u32 $0xD0000000, s2;
	s6 =	simm.s32 $0x108;
	_ =	swait.ge @!p0 [sflag:s8], $0x0  }
0x24: {  	s3 =	sadd.s32 $0x88, s3;
	s6 =	simm.s32 @!p1 $0x1082;
	[sflag:s4] =	ssyncset.s32 $0xFFFFF086  }
0x25: {  	[simem:s6], [sflag:s4] =	dma.local [hbm:s3], $0xF7A  }
0x26: {  	[smem:$0x3F8A] =	sst s1;
	(tag) =	ssettag s2;
	_ =	strace s9  }
0x27: {  	s1 =	sld [smem:$0x3F9A]  }
0x28: {  	s2 =	sld [smem:$0x3F9B]  }
0x29: {  	s4 =	sld [smem:$0x3F9D]  }
0x2a: {  	p0 =	seq.s32 s5, $0x0;
	s5 =	sld [smem:$0x3F9E]  }
0x2b: {  	s6 =	sld [smem:$0x3F9F]  }
0x2c: {  	s7 =	sld [smem:$0x3FA0]  }
0x2d: {  	s3 =	simm.s32 $0x108;
	s8 =	sld [smem:$0x3FA1]  }
0x2e: {  	s3 =	simm.s32 @!p0 $0x1082;
	s9 =	sld [smem:$0x3FA2]  }
0x2f: {  	lr =	sadd.s32 s0, s3;
	s0 =	sld [smem:$0x3F99]  }
0x30: {  	s3 =	sld [smem:$0x3F9C]  }
0x31: {  	[smem:$0x3FA5] =	sst s10  }
0x32: {  	s10 =	sld [smem:$0x3FA3];
	_ =	sdelay $0x3  }
0x33: {  	p0 =	seq.s32 s10, $0x1;
	s10 =	sld [smem:$0x3FA5];
	_ =	sdelay $0x3  }
0x34: {  	[smem:$0x3FA5] =	sst s10  }
0x35: {  	s10 =	sld [smem:$0x3FA4];
	_ =	sdelay $0x3  }
0x36: {  	p1 =	seq.s32 s10, $0x1;
	s10 =	sld [smem:$0x3FA5];
	_ =	sdelay $0x3  }
0x37: {  	[smem:$0x3FA5] =	sst s10  }
0x38: {  	s10 =	sld [smem:$0x3FA6]  }
0x39: {  	_ = 	snop;
	(pc) =	sbr.ind lr, $3  }
0x3a: {  	_ = 	snop  }
0x3b: {  	_ = 	snop  }
0x3c: {  	p2 =	seq.s32 s10, $0x1;
	s10 =	sld [smem:$0x3FA5]  }
0x3d: {  	_ =	shalt  }
0x3e: {  	_ =	shalt  }
0x3f: {  	_ =	shalt  }
0x40: {  	_ =	shalt  }
0x41: {  	_ =	shalt  }
0x42: {  	_ =	shalt  }
0x43: {  	_ =	shalt  }
0x44: {  	_ =	shalt  }
0x45: {  	_ =	shalt  }
0x46: {  	_ =	shalt  }
0x47: {  	_ =	shalt  }
0x48: {  	_ =	shalt  }
0x49: {  	_ =	shalt  }
0x4a: {  	_ =	shalt  }
0x4b: {  	_ =	shalt  }
0x4c: {  	_ =	shalt  }
0x4d: {  	_ =	shalt  }
0x4e: {  	_ =	shalt  }
0x4f: {  	_ =	shalt  }
0x50: {  	_ =	shalt  }
0x51: {  	_ =	shalt  }
0x52: {  	_ =	shalt  }
0x53: {  	_ =	shalt  }
0x54: {  	_ =	shalt  }
0x55: {  	_ =	shalt  }
0x56: {  	_ =	shalt  }
0x57: {  	_ =	shalt  }
0x58: {  	_ =	shalt  }
0x59: {  	_ =	shalt  }
0x5a: {  	_ =	shalt  }
0x5b: {  	_ =	shalt  }
0x5c: {  	_ =	shalt  }
0x5d: {  	_ =	shalt  }
0x5e: {  	_ =	shalt  }
0x5f: {  	_ =	shalt  }
0x60: {  	_ =	shalt  }
0x61: {  	_ =	shalt  }
0x62: {  	_ =	shalt  }
0x63: {  	_ =	shalt  }
0x64: {  	_ =	shalt  }
0x65: {  	_ =	shalt  }
0x66: {  	_ =	shalt  }
0x67: {  	_ =	shalt  }
0x68: {  	_ =	shalt  }
0x69: {  	_ =	shalt  }
0x6a: {  	_ =	shalt  }
0x6b: {  	_ =	shalt  }
0x6c: {  	_ =	shalt  }
0x6d: {  	_ =	shalt  }
0x6e: {  	_ =	shalt  }
0x6f: {  	_ =	shalt  }
0x70: {  	_ =	shalt  }
0x71: {  	_ =	shalt  }
0x72: {  	_ =	shalt  }
0x73: {  	_ =	shalt  }
0x74: {  	_ =	shalt  }
0x75: {  	_ =	shalt  }
0x76: {  	_ =	shalt  }
0x77: {  	_ =	shalt  }
0x78: {  	_ =	shalt  }
0x79: {  	_ =	shalt  }
0x7a: {  	_ =	shalt  }
0x7b: {  	_ =	shalt  }
0x7c: {  	_ =	shalt  }
0x7d: {  	_ =	shalt  }
0x7e: {  	_ =	shalt  }
0x7f: {  	_ =	shalt  }
0x80: {  	_ =	shalt  }
0x81: {  	_ =	shalt  }
0x82: {  	_ =	shalt  }
0x83: {  	_ =	shalt  }
0x84: {  	_ =	shalt  }
0x85: {  	_ =	shalt  }
0x86: {  	_ =	shalt  }
0x87: {  	_ =	shalt  }
.Lfunc_end0:
.L_simem_size_0:
called_computation_lowered:
.L_overlay_start_0:
0x88: {  	s2 =	sld [smem:$0x3FD9]  }
0x89: {  	s3 =	sld [smem:$0x3FFE];
	_ =	sdelay $0x1  }
0x8a: {  	s1 =	srdreg.scid  }
0x8b: {  	s0 =	sand.u32 $0x1, s1  }
0x8c: {  	s14 =	sshll.u32 s0, $0xA;
	s2 =	sadd.s32 s3, s2  }
0x8d: {  	s2 =	sadd.s32 s2, s14  }
0x8e: {  	[smem:$0x3FB1] =	sst s2  }
0x8f: {  	_ = 	snop  }
0x90: {  	s2 =	sld [smem:$0x3FD0];
	_ =	sdelay $0x2  }
0x91: {  	s15 =	simm.s32 $0xA;
	s4 =	simm.s32 $0x10  }
0x92: {  	[smem:s4], [sflag:s15] =	dma.local [hbm:s2], $0x1  }
0x93: {  	_ =	swait.eq [sflag:s15], $0x1  }
0x94: {  	[sflag:s15] =	ssyncset.done $0x0  }
0x95: {  	[sflag:s15] =	ssyncadd.s32 $0xFFFFFFFF  }
0x96: {  	s16 =	sld [smem:$0x10];
	(tm) =	ssettm $0x1  }
0x97: {  	s17 =	sld [smem:$0x3FFB];
	_ =	sdelay $0x3  }
0x98: {  	_ =	strace s17  }
0x99: {  	s3 =	sld [smem:$0x3FFC];
	_ =	sdelay $0x3  }
0x9a: {  	_ =	strace s3  }
0x9b: {  	s3 =	sld [smem:$0x3FFD];
	_ =	sdelay $0x3  }
0x9c: {  	_ =	strace s3  }
0x9d: {  	_ =	strace $0x8FFFFFFF  }
0x9e: {  	s18 =	sld [smem:$0x3FDB];
	_ =	sdelay $0x1  }
0x9f: {  	s19 =	simm.s32 $_scs_section_size  }
0xa0: {  	s5 =	simm.s32 $_size__tile_overlayer_lowered;
	s6 =	simm.s32 $_tile_overlayer_lowered  }
0xa1: {  	s22 =	simm.s32 $0x1BFF;
	s21 =	sshll.u32 s6, $0x1;
	s3 =	sadd.s32 s19, s18  }
0xa2: {  	s7 =	simm.s32 $0x0;
	s20 =	sshll.u32 s5, $0x1;
	s5 =	sadd.s32 s21, s3  }
0xa3: {  	[timem:s7], [sflag:s22] =	dma.local [hbm:s5], s20  }
0xa4: {  	_ =	swait.ge [sflag:s22], s20  }
0xa5: {  	s4 =	ssub.s32 $0x0, s20;
	[sflag:s22] =	ssyncset.done $0x0  }
0xa6: {  	[sflag:s22] =	ssyncadd.s32 s4;
	_ =	sdelay $0x1  }
0xa7: {  	s23 =	simm.s32 $0x1B8B  }
0xa8: {  	_ =	swait.ge [sflag:s23], $0x1  }
0xa9: {  	[sflag:s23] =	ssyncset.done $0x0  }
0xaa: {  	s25 =	simm.s32 $0x1B8E;
	s24 =	sld [smem:$0x3FFE];
	[sflag:s23] =	ssyncadd.s32 $0xFFFFFFFF  }
0xab: {  	s26 =	simm.s32 $execute0_lowered;
	[smem:$0x3FD2] =	sst s25  }
0xac: {  	s5 =	sshll.u32 s26, $0x1;
	_ =	strace $0x80000046;
	[dreg:$0x1] =	wrdreg $0xFFFFFFFF  }
0xad: {  	s28 =	simm.s32 $_size_execute0_lowered;
	s3 =	sadd.s32 s3, s5;
	[dreg:$0x0] =	wrdreg $0x0  }
0xae: {  	s5 =	sshll.u32 s28, $0x1;
	[dreg:$0x2] =	wrdreg s3  }
0xaf: {  	[dreg:$0x3] =	wrdreg s5  }
0xb0: {  	[dreg:$0x4] =	wrdreg $0xC0  }
0xb1: {  	_ =	task [dreg:s7], $0x5FFFF  }
0xb2: {  	[dreg:$0x1] =	wrdreg $0xFFFFFFFF  }
0xb3: {  	[dreg:$0x0] =	wrdreg $0x60  }
0xb4: {  	[dreg:$0x2] =	wrdreg s24  }
0xb5: {  	[dreg:$0x3] =	wrdreg s16  }
0xb6: {  	[dreg:$0x4] =	wrdreg $0x0  }
0xb7: {  	[dreg:$0x5] =	wrdreg $0x9  }
0xb8: {  	_ =	task.clear_ibuf [dreg:s7], $0x6FFFF;
	_ =	strace $0x90000046  }
0xb9: {  	s29 =	simm.s32 $0x9;
	_ =	strace $0x80000048  }
0xba: {  	_ =	swait.ge [sflag:s29], $0x1  }
0xbb: {  	[sflag:s29] =	ssyncadd.s32 $0xFFFFFFFF  }
0xbc: {  	_ =	strace $0x90000048  }
0xbd: {  	_ =	sfence  }
0xbe: {  	s30 =	sld [smem:$0x0];
	_ =	sdelay $0x2  }
0xbf: {  	s31 =	sshll.u32 s1, $0xD;
	s1 =	sshrl.u32 s1, $0x2  }
0xc0: {  	s3 =	sand.u32 $0x4000, s31;
	s1 =	sadd.s32 s1, s30  }
0xc1: {  	s0 =	sor.u32 s3, s0;
	s1 =	sshll.u32 s1, $0x11  }
0xc2: {  	s0 =	sor.u32 s1, s0  }
0xc3: {  	s0 =	sadd.s32 $0x8F2B, s0  }
0xc4: {  	[sflag:s0] =	ssyncadd.remote.s32 $0x1  }
0xc5: {  	_ =	sfence.sel $0xFFFF  }
0xc6: {  	[dreg:$0x0] =	wrdreg $0xFFFFFFFF;
	(pc) =	sbr.abs _section_cstart, $3  }
0xc7: {  	[dreg:$0x1] =	wrdreg $0xFFFFFFFF  }
0xc8: {  	_ =	task.clear_ibuf [dreg:s7], $0x2FFFF;
	_ =	strace $0x9FFFFFFF  }
0xc9: {  	(tm) =	ssettm $0x7FFFFFFF  }
tec
execute0_lowered:
.L_overlay_start_1:
0x0: {  	(tag) =	ssettag $0x1  }
0x1: {  	s0 =	rddreg [dreg:$0x0]  }
0x2: {  	s2 =	rddreg [dreg:$0x1]  }
0x3: {  	s1 =	rddreg [dreg:$0x2]  }
0x4: {  	s3 =	simm.s32 $0x0;
	s4 =	srdreg.scid;
	s6 =	stileid.u32  }
0x5: {  	s28 =	simm.s32 $0x139C0;
	s29 =	simm.s32 $0x13A40;
	s30 =	simm.s32 $0x15AC0  }
0x6: {  	s31 =	simm.s32 $0x1;
	[smem:$0x7FF] =	sst s3;
	s3 =	sadd.s32 $0x4200, s0  }
0x7: {  	s7 =	sand.u32 $0x1, s4;
	s4 =	sadd.s32 $0x21C00, s0;
	s5 =	sadd.s32 $0x17C00, s0  }
0x8: {  	s19 =	sadd.s32 $0x2BC00, s0;
	s20 =	sadd.s32 $0x52E00, s0;
	p0 =	seq.s32 s6, $0xF  }
0x9: {  	s10 =	smul.u32 $0x13C00, s6;
	p3 =	sne.s32 s6, $0xF;
	s11 =	sadd.s32 $0x25080, s2  }
0xa: {  	s9 =	sadd.s32 $0x128400, s1;
	_ =	strace $0x80000047;
	[dreg:$0x6] =	wrdreg s11  }
0xb: {  	s8 =	ssub.s32 $0x2, s7;
	s22 =	sshll.u32 s7, $0x4;
	[dreg:$0x4] =	wrdreg s19  }
0xc: {  	p4 =	seq.s32 s7, $0x0;
	p2 =	seq.s32 s7, $0x1;
	[dreg:$0x5] =	wrdreg s20  }
0xd: {  	s7 =	simm.s32 $0x2;
	s21 =	sshrl.u32 s8, $0x1;
	s13 =	sshrl.u32 s10, $0x3  }
0xe: {  	s11 =	sadd.s32 s10, s1;
	p1 =	por !p4, !p3;
	p4 =	por !p4, !p0  }
0xf: {  	p5 =	por !p3, !p2;
	s0 =	ssub.s32 s8, s21;
	s8 =	sor.u32 s6, s22  }
0x10: {  	s2 =	sadd.s32 s2, s13;
	p1 =	por !p1, !p1;
	s19 =	sadd.s32 s19, s13  }
0x11: {  	p3 =	por !p4, !p4;
	p6 =	por !p5, !p5;
	s12 =	smul.u32 $0x500, s8  }
0x12: {  	s20 =	sadd.s32 s20, s13;
	s22 =	simm.s32 $0x138C0;
	s14 =	smul.u32 $0x2800, s8  }
0x13: {  	[dreg:$0x7] =	wrdreg s2;
	s23 =	smul.u32 $0x50, s8;
	s21 =	smax.u32 s0, $0x1  }
0x14: {  	p4 =	por !p6, p3;
	s0 =	simm.s32 $0x17AC0;
	s24 =	sadd.s32 s4, s12  }
.Ltmp0:
0x15: {  	s25 =	sadd.s32 s5, s12;
	s26 =	sshrl.u32 s14, $0x3;
	(pc) =	sbr.rel .LBB2_1-.Ltmp0, $4  }
0x16: {  	s15 =	sor.u32 $0x1, s23;
	s16 =	sor.u32 $0x2, s23;
	[dreg:$0x8] =	wrdreg s24  }
0x17: {  	s23 =	simm.s32 $0x3;
	[dreg:$0x9] =	wrdreg s25;
	s8 =	sadd.s32 $0x4F0, s26  }
0x18: {  	s24 =	simm.s32 $0x13940;
	s25 =	simm.s32 $0x80;
	s26 =	simm.s32 $0x13AC0  }
0x19: {  	s17 =	sadd.s32 s4, s8;
	s18 =	sadd.s32 s5, s8;
	s8 =	simm.s32 $0x0  }
.LBB2_13:
0x1a: {  	s8 =	sadd.s32 $0x1, s8  }
0x1b: {  	p5 =	sne.s32 s8, s21  }
.Ltmp1:
0x1c: {  	_ = 	snop;
	(pc) =	sbr.rel @!p5 .LBB2_14-.Ltmp1, $1  }
0x1d: {  	_ =	sdelay $0x3  }
.LBB2_1:
0x1e: {  	s2 =	sshrl.u32 @p0 s9, $0x3;
	s10 =	simm.s32 @p0 $0x1FC3;
	s12 =	rddreg [dreg:$0x6]  }
0x1f: {  	[spmem:s2], [sflag:s10] =	dma.local @p0 [hbm:s12], $0x2080  }
0x20: {  	s2 =	simm.s32 @p0 $0x3  }
0x21: {  	_ =	swait.ge @p0 [sflag:s2], $0x2080  }
0x22: {  	s10 =	sshll.u32 @!p0 s6, $0x6;
	[sflag:s2] =	ssyncset.done @p0 $0x0;
	s12 =	rddreg [dreg:$0x7]  }
0x23: {  	[sflag:s2] =	ssyncadd.s32 @p0 $0xFFFFDF80;
	s2 =	sor.u32 @!p0 $0x1C03, s10;
	s10 =	sshrl.u32 @!p0 s11, $0x3  }
0x24: {  	[spmem:s10], [sflag:s2] =	dma.local @!p0 [hbm:s12], $0x2780  }
0x25: {  	s2 =	simm.s32 @!p0 $0x3  }
0x26: {  	_ =	swait.ge @!p0 [sflag:s2], $0x2780  }
0x27: {  	[sflag:s2] =	ssyncset.done @!p0 $0x0  }
0x28: {  	[sflag:s2] =	ssyncadd.s32 @!p0 $0xFFFFD880  }
0x29: {  	[bflag:$0x0] =	sbarrier.arrive $0xFFFF  }
0x2a: {  	s12 =	simm.s32 $0x0;
	s13 =	rddreg [dreg:$0x8]  }
0x2b: {  	[tilespmem:s22], [sflag:$0x3] =	stream.linear.gather [hbm4b:s13+s12], $0x80, $0x38;
	[tilespmem:$0x1BAC0] =	vst v63  }
0x2c: {  	_ =	swait.ge [sflag:s23], $0x80  }
0x2d: {  	[sflag:s23] =	ssyncset.done $0x0  }
0x2e: {  	s14 =	rddreg [dreg:$0x9];
	[sflag:s23] =	ssyncadd.s32 $0xFFFFFF80  }
0x2f: {  	[tilespmem:s24], [sflag:$0x3] =	stream.linear.gather [hbm4b:s14+s12], $0x80, $0x38;
	[tilespmem:$0x1BAC0] =	vst v63  }
0x30: {  	_ =	swait.ge [sflag:s23], $0x80  }
0x31: {  	[sflag:s23] =	ssyncset.done $0x0  }
0x32: {  	s2 =	simm.s32 $0x0;
	[sflag:s23] =	ssyncadd.s32 $0xFFFFFF80  }
0x33: {  	[tilespmem:s26], [sflag:$0x1] =	stream.indirect.gather [hbm4b:s3+s25], $0x40, s22, s25, $0xb8;
	[tilespmem:$0x1BAC0] =	vst v63  }
.LBB2_2:
0x34: {  	s10 =	sshll.u32 s2, $0x1  }
0x35: {  	s12 =	sadd.s32 s10, s15  }
0x36: {  	s12 =	sshll.u32 s12, $0x4  }
0x37: {  	s12 =	sand.u32 $0x1FFFFFF0, s12  }
0x38: {  	s14 =	simm.s32 $0x0;
	s13 =	sadd.s32 s4, s12  }
0x39: {  	[tilespmem:s28], [sflag:$0x3] =	stream.linear.gather [hbm4b:s13+s14], $0x80, $0x38;
	[tilespmem:$0x1BAC0] =	vst v63  }
0x3a: {  	_ =	swait.ge [sflag:s23], $0x80  }
0x3b: {  	[sflag:s23] =	ssyncset.done $0x0  }
0x3c: {  	s12 =	sadd.s32 s5, s12;
	[sflag:s23] =	ssyncadd.s32 $0xFFFFFF80  }
0x3d: {  	[tilespmem:s29], [sflag:$0x3] =	stream.linear.gather [hbm4b:s12+s14], $0x80, $0x38;
	[tilespmem:$0x1BAC0] =	vst v63  }
0x3e: {  	_ =	swait.ge [sflag:s23], $0x80  }
0x3f: {  	[sflag:s23] =	ssyncset.done $0x0  }
0x40: {  	[sflag:s23] =	ssyncadd.s32 $0xFFFFFF80  }
0x41: {  	[tilespmem:s30], [sflag:$0x2] =	stream.indirect.gather [hbm4b:s3+s25], $0x40, s28, s25, $0xb8;
	[tilespmem:$0x1BAC0] =	vst v63  }
0x42: {  	_ =	swait.ge [sflag:s31], $0x2000  }
0x43: {  	[sflag:s31] =	ssyncset.done $0x0  }
0x44: {  	s14 =	simm.s32 $0x0;
	[sflag:s31] =	ssyncadd.s32 $0xFFFFE000  }
0x45: {  	v0 =	vld [tilespmem:s14+$0x13AC0];
	_ =	sdelay $0x4  }
0x46: {  	s12 =	simm.s32 $0x17B00;
	v1 =	vshll.u32 v0, $0x10  }
0x47: {  	v0 =	vand.u32 $0xFFFF0000, v0;
	[tilespmem:s12+$0xFFFFFFC0] =	vst v1  }
0x48: {  	[tilespmem:s12+$0xFFFFFFD0] =	vst v0  }
0x49: {  	v0 =	vld [tilespmem:s14+$0x13AD0];
	_ =	sdelay $0x4  }
0x4a: {  	v1 =	vshll.u32 v0, $0x10  }
0x4b: {  	v0 =	vand.u32 $0xFFFF0000, v0;
	[tilespmem:s12+$0xFFFFFFE0] =	vst v1  }
0x4c: {  	[tilespmem:s12+$0xFFFFFFF0] =	vst v0  }
0x4d: {  	v0 =	vld [tilespmem:s14+$0x13AE0];
	_ =	sdelay $0x4  }
0x4e: {  	v1 =	vand.u32 $0xFFFF0000, v0  }
0x4f: {  	v0 =	vshll.u32 v0, $0x10;
	[tilespmem:s12+$0x10] =	vst v1  }
0x50: {  	[tilespmem:s12+$0x0] =	vst v0  }
0x51: {  	v0 =	vld [tilespmem:s14+$0x13AF0];
	_ =	sdelay $0x4  }
0x52: {  	v1 =	vshll.u32 v0, $0x10  }
0x53: {  	v0 =	vand.u32 $0xFFFF0000, v0;
	[tilespmem:s12+$0x20] =	vst v1  }
0x54: {  	s13 =	simm.s32 $0x40;
	[tilespmem:s12+$0x30] =	vst v0  }
0x55: {  	v0 =	vld [tilespmem:s13+$0x13AC0]  }
0x56: {  	s14 =	simm.s32 $0x200  }
.LBB2_3:
0x57: {  	p5 =	sne.s32 s14, $0x7F00;
	_ =	sdelay $0x2  }
0x58: {  	s12 =	sadd.s32 $0x80, s12;
	v1 =	vshll.u32 v0, $0x10  }
0x59: {  	v0 =	vand.u32 $0xFFFF0000, v0;
	[tilespmem:s12+$0xFFFFFFC0] =	vst v1  }
0x5a: {  	[tilespmem:s12+$0xFFFFFFD0] =	vst v0  }
0x5b: {  	v0 =	vld [tilespmem:s13+$0x13AD0];
	_ =	sdelay $0x4  }
0x5c: {  	v1 =	vshll.u32 v0, $0x10  }
0x5d: {  	v0 =	vand.u32 $0xFFFF0000, v0;
	[tilespmem:s12+$0xFFFFFFE0] =	vst v1  }
0x5e: {  	[tilespmem:s12+$0xFFFFFFF0] =	vst v0  }
0x5f: {  	v0 =	vld [tilespmem:s13+$0x13AE0];
	_ =	sdelay $0x4  }
0x60: {  	v1 =	vshll.u32 v0, $0x10;
	v0 =	vand.u32 $0xFFFF0000, v0  }
0x61: {  	[tilespmem:s12+$0x10] =	vst v0  }
0x62: {  	[tilespmem:s12+$0x0] =	vst v1  }
0x63: {  	v0 =	vld [tilespmem:s13+$0x13AF0];
	_ =	sdelay $0x4  }
.Ltmp2:
0x64: {  	v1 =	vshll.u32 v0, $0x10;
	v0 =	vand.u32 $0xFFFF0000, v0;
	(pc) =	sbr.rel @p5 .LBB2_3-.Ltmp2, $4  }
0x65: {  	[tilespmem:s12+$0x20] =	vst v1  }
0x66: {  	s13 =	sshra.s32 s14, $0x2;
	[tilespmem:s12+$0x30] =	vst v0  }
0x67: {  	v0 =	vld [tilespmem:s13+$0x13AC0]  }
0x68: {  	s14 =	sadd.s32 $0x100, s14  }
0x69: {  	_ =	sdelay $0x2  }
0x6a: {  	s12 =	sadd.s32 $0x80, s12;
	v1 =	vshll.u32 v0, $0x10  }
0x6b: {  	v0 =	vand.u32 $0xFFFF0000, v0;
	[tilespmem:s12+$0xFFFFFFC0] =	vst v1  }
0x6c: {  	[tilespmem:s12+$0xFFFFFFD0] =	vst v0  }
0x6d: {  	v0 =	vld [tilespmem:s13+$0x13AD0];
	_ =	sdelay $0x4  }
0x6e: {  	v1 =	vshll.u32 v0, $0x10  }
0x6f: {  	v0 =	vand.u32 $0xFFFF0000, v0;
	[tilespmem:s12+$0xFFFFFFE0] =	vst v1  }
0x70: {  	[tilespmem:s12+$0xFFFFFFF0] =	vst v0  }
0x71: {  	v0 =	vld [tilespmem:s13+$0x13AE0];
	_ =	sdelay $0x4  }
0x72: {  	v1 =	vand.u32 $0xFFFF0000, v0  }
0x73: {  	v0 =	vshll.u32 v0, $0x10;
	[tilespmem:s12+$0x10] =	vst v1  }
0x74: {  	[tilespmem:s12+$0x0] =	vst v0  }
0x75: {  	v0 =	vld [tilespmem:s13+$0x13AF0];
	_ =	sdelay $0x4  }
0x76: {  	v1 =	vshll.u32 v0, $0x10  }
0x77: {  	v0 =	vand.u32 $0xFFFF0000, v0;
	[tilespmem:s12+$0x20] =	vst v1  }
0x78: {  	s10 =	sadd.s32 s10, s16;
	[tilespmem:s12+$0x30] =	vst v0  }
0x79: {  	[spmem:s1] =	stream.indirect.scatter.add.f32 [tilespmem:s0], [sflag:$0x3], $0x80, s24, s25, $0xb8;
	[tilespmem:$0x1BAC0] =	vst v63  }
0x7a: {  	s10 =	sshll.u32 s10, $0x4;
	_ =	swait.ge [sflag:s23], $0x4000  }
0x7b: {  	s10 =	sand.u32 $0x1FFFFFE0, s10;
	[sflag:s23] =	ssyncset.done $0x0  }
0x7c: {  	s14 =	simm.s32 $0x0;
	s13 =	sadd.s32 s4, s10;
	[sflag:s23] =	ssyncadd.s32 $0xFFFFC000  }
0x7d: {  	[tilespmem:s22], [sflag:$0x3] =	stream.linear.gather [hbm4b:s13+s14], $0x80, $0x38;
	[tilespmem:$0x1BAC0] =	vst v63  }
0x7e: {  	_ =	swait.ge [sflag:s23], $0x80  }
0x7f: {  	[sflag:s23] =	ssyncset.done $0x0  }
0x80: {  	s10 =	sadd.s32 s5, s10;
	[sflag:s23] =	ssyncadd.s32 $0xFFFFFF80  }
0x81: {  	[tilespmem:s24], [sflag:$0x3] =	stream.linear.gather [hbm4b:s10+s14], $0x80, $0x38;
	[tilespmem:$0x1BAC0] =	vst v63  }
0x82: {  	_ =	swait.ge [sflag:s23], $0x80  }
0x83: {  	[sflag:s23] =	ssyncset.done $0x0  }
0x84: {  	[sflag:s23] =	ssyncadd.s32 $0xFFFFFF80  }
0x85: {  	[tilespmem:s26], [sflag:$0x1] =	stream.indirect.gather [hbm4b:s3+s25], $0x40, s22, s25, $0xb8;
	[tilespmem:$0x1BAC0] =	vst v63  }
0x86: {  	_ =	swait.ge [sflag:s7], $0x2000  }
0x87: {  	[sflag:s7] =	ssyncset.done $0x0  }
0x88: {  	s14 =	simm.s32 $0x0;
	[sflag:s7] =	ssyncadd.s32 $0xFFFFE000  }
0x89: {  	v0 =	vld [tilespmem:s14+$0x15AC0];
	_ =	sdelay $0x4  }
0x8a: {  	s10 =	simm.s32 $0x17B00;
	v1 =	vshll.u32 v0, $0x10  }
0x8b: {  	v0 =	vand.u32 $0xFFFF0000, v0;
	[tilespmem:s10+$0xFFFFFFC0] =	vst v1  }
0x8c: {  	[tilespmem:s10+$0xFFFFFFD0] =	vst v0  }
0x8d: {  	v0 =	vld [tilespmem:s14+$0x15AD0];
	_ =	sdelay $0x4  }
0x8e: {  	v1 =	vshll.u32 v0, $0x10  }
0x8f: {  	v0 =	vand.u32 $0xFFFF0000, v0;
	[tilespmem:s10+$0xFFFFFFE0] =	vst v1  }
0x90: {  	[tilespmem:s10+$0xFFFFFFF0] =	vst v0  }
0x91: {  	v0 =	vld [tilespmem:s14+$0x15AE0];
	_ =	sdelay $0x4  }
0x92: {  	v1 =	vand.u32 $0xFFFF0000, v0  }
0x93: {  	v0 =	vshll.u32 v0, $0x10;
	[tilespmem:s10+$0x10] =	vst v1  }
0x94: {  	[tilespmem:s10+$0x0] =	vst v0  }
0x95: {  	v0 =	vld [tilespmem:s14+$0x15AF0];
	_ =	sdelay $0x4  }
0x96: {  	v1 =	vshll.u32 v0, $0x10  }
0x97: {  	v0 =	vand.u32 $0xFFFF0000, v0;
	[tilespmem:s10+$0x20] =	vst v1  }
0x98: {  	s12 =	simm.s32 $0x40;
	[tilespmem:s10+$0x30] =	vst v0  }
0x99: {  	v0 =	vld [tilespmem:s12+$0x15AC0]  }
0x9a: {  	s13 =	simm.s32 $0x200  }
.LBB2_5:
0x9b: {  	p5 =	sne.s32 s13, $0x7F00;
	_ =	sdelay $0x2  }
0x9c: {  	s10 =	sadd.s32 $0x80, s10;
	v1 =	vshll.u32 v0, $0x10  }
0x9d: {  	v0 =	vand.u32 $0xFFFF0000, v0;
	[tilespmem:s10+$0xFFFFFFC0] =	vst v1  }
0x9e: {  	[tilespmem:s10+$0xFFFFFFD0] =	vst v0  }
0x9f: {  	v0 =	vld [tilespmem:s12+$0x15AD0];
	_ =	sdelay $0x4  }
0xa0: {  	v1 =	vshll.u32 v0, $0x10  }
0xa1: {  	v0 =	vand.u32 $0xFFFF0000, v0;
	[tilespmem:s10+$0xFFFFFFE0] =	vst v1  }
0xa2: {  	[tilespmem:s10+$0xFFFFFFF0] =	vst v0  }
0xa3: {  	v0 =	vld [tilespmem:s12+$0x15AE0];
	_ =	sdelay $0x4  }
0xa4: {  	v1 =	vshll.u32 v0, $0x10;
	v0 =	vand.u32 $0xFFFF0000, v0  }
0xa5: {  	[tilespmem:s10+$0x10] =	vst v0  }
0xa6: {  	[tilespmem:s10+$0x0] =	vst v1  }
0xa7: {  	v0 =	vld [tilespmem:s12+$0x15AF0];
	_ =	sdelay $0x4  }
.Ltmp3:
0xa8: {  	v1 =	vshll.u32 v0, $0x10;
	v0 =	vand.u32 $0xFFFF0000, v0;
	(pc) =	sbr.rel @p5 .LBB2_5-.Ltmp3, $4  }
0xa9: {  	[tilespmem:s10+$0x20] =	vst v1  }
0xaa: {  	s12 =	sshra.s32 s13, $0x2;
	[tilespmem:s10+$0x30] =	vst v0  }
0xab: {  	v0 =	vld [tilespmem:s12+$0x15AC0]  }
0xac: {  	s13 =	sadd.s32 $0x100, s13  }
0xad: {  	_ =	sdelay $0x2  }
0xae: {  	s10 =	sadd.s32 $0x80, s10;
	v1 =	vshll.u32 v0, $0x10  }
0xaf: {  	v60 =	vand.u32 $0xFFFF0000, v0;
	[tilespmem:s10+$0xFFFFFFC0] =	vst v1  }
0xb0: {  	[tilespmem:s10+$0xFFFFFFD0] =	vst v60  }
0xb1: {  	v0 =	vld [tilespmem:s12+$0x15AD0];
	_ =	sdelay $0x4  }
0xb2: {  	v61 =	vshll.u32 v0, $0x10  }
0xb3: {  	v0 =	vand.u32 $0xFFFF0000, v0;
	[tilespmem:s10+$0xFFFFFFE0] =	vst v61  }
0xb4: {  	[tilespmem:s10+$0xFFFFFFF0] =	vst v0  }
0xb5: {  	v0 =	vld [tilespmem:s12+$0x15AE0];
	_ =	sdelay $0x4  }
0xb6: {  	v62 =	vand.u32 $0xFFFF0000, v0  }
0xb7: {  	v0 =	vshll.u32 v0, $0x10;
	[tilespmem:s10+$0x10] =	vst v62  }
0xb8: {  	[tilespmem:s10+$0x0] =	vst v0  }
0xb9: {  	v0 =	vld [tilespmem:s12+$0x15AF0];
	_ =	sdelay $0x4  }
0xba: {  	s2 =	sadd.s32 $0x1, s2;
	v63 =	vshll.u32 v0, $0x10  }
0xbb: {  	p5 =	sne.s32 s2, $0x27;
	v0 =	vand.u32 $0xFFFF0000, v0;
	[tilespmem:s10+$0x20] =	vst v63  }
.Ltmp4:
0xbc: {  	[tilespmem:s10+$0x30] =	vst v0;
	(pc) =	sbr.rel @p5 .LBB2_2-.Ltmp4, $4  }
0xbd: {  	[spmem:s1] =	stream.indirect.scatter.add.f32 [tilespmem:s0], [sflag:$0x3], $0x80, s29, s25, $0xb8;
	[tilespmem:$0x1BAC0] =	vst v63  }
0xbe: {  	_ =	swait.ge [sflag:s23], $0x4000  }
0xbf: {  	[sflag:s23] =	ssyncset.done $0x0  }
0xc0: {  	[sflag:s23] =	ssyncadd.s32 $0xFFFFC000  }
0xc1: {  	s2 =	simm.s32 $0x0  }
0xc2: {  	[tilespmem:s28], [sflag:$0x3] =	stream.linear.gather [hbm4b:s17+s2], $0x80, $0x38;
	[tilespmem:$0x1BAC0] =	vst v63  }
0xc3: {  	_ =	swait.ge [sflag:s23], $0x80  }
0xc4: {  	[sflag:s23] =	ssyncset.done $0x0  }
0xc5: {  	[sflag:s23] =	ssyncadd.s32 $0xFFFFFF80  }
0xc6: {  	[tilespmem:s29], [sflag:$0x3] =	stream.linear.gather [hbm4b:s18+s2], $0x80, $0x38;
	[tilespmem:$0x1BAC0] =	vst v63  }
0xc7: {  	_ =	swait.ge [sflag:s23], $0x80  }
0xc8: {  	[sflag:s23] =	ssyncset.done $0x0  }
0xc9: {  	[sflag:s23] =	ssyncadd.s32 $0xFFFFFF80  }
0xca: {  	[tilespmem:s30], [sflag:$0x2] =	stream.indirect.gather [hbm4b:s3+s25], $0x40, s28, s25, $0xb8;
	[tilespmem:$0x1BAC0] =	vst v63  }
0xcb: {  	_ =	swait.ge [sflag:s31], $0x2000  }
0xcc: {  	[sflag:s31] =	ssyncset.done $0x0  }
0xcd: {  	s10 =	simm.s32 $0x0;
	[sflag:s31] =	ssyncadd.s32 $0xFFFFE000  }
0xce: {  	v0 =	vld [tilespmem:s10+$0x13AC0];
	_ =	sdelay $0x4  }
0xcf: {  	s2 =	simm.s32 $0x17B00;
	v1 =	vshll.u32 v0, $0x10  }
0xd0: {  	v0 =	vand.u32 $0xFFFF0000, v0;
	[tilespmem:s2+$0xFFFFFFC0] =	vst v1  }
0xd1: {  	[tilespmem:s2+$0xFFFFFFD0] =	vst v0  }
0xd2: {  	v0 =	vld [tilespmem:s10+$0x13AD0];
	_ =	sdelay $0x4  }
0xd3: {  	v1 =	vshll.u32 v0, $0x10  }
0xd4: {  	v0 =	vand.u32 $0xFFFF0000, v0;
	[tilespmem:s2+$0xFFFFFFE0] =	vst v1  }
0xd5: {  	[tilespmem:s2+$0xFFFFFFF0] =	vst v0  }
0xd6: {  	v0 =	vld [tilespmem:s10+$0x13AE0];
	_ =	sdelay $0x4  }
0xd7: {  	v1 =	vand.u32 $0xFFFF0000, v0  }
0xd8: {  	v0 =	vshll.u32 v0, $0x10;
	[tilespmem:s2+$0x10] =	vst v1  }
0xd9: {  	[tilespmem:s2+$0x0] =	vst v0  }
0xda: {  	v0 =	vld [tilespmem:s10+$0x13AF0];
	_ =	sdelay $0x4  }
0xdb: {  	v1 =	vshll.u32 v0, $0x10  }
0xdc: {  	v0 =	vand.u32 $0xFFFF0000, v0;
	[tilespmem:s2+$0x20] =	vst v1  }
0xdd: {  	s10 =	simm.s32 $0x40;
	[tilespmem:s2+$0x30] =	vst v0  }
0xde: {  	v0 =	vld [tilespmem:s10+$0x13AC0]  }
0xdf: {  	s12 =	simm.s32 $0x200  }
.LBB2_8:
0xe0: {  	p5 =	sne.s32 s12, $0x7F00;
	_ =	sdelay $0x2  }
0xe1: {  	s2 =	sadd.s32 $0x80, s2;
	v1 =	vshll.u32 v0, $0x10  }
0xe2: {  	v0 =	vand.u32 $0xFFFF0000, v0;
	[tilespmem:s2+$0xFFFFFFC0] =	vst v1  }
0xe3: {  	[tilespmem:s2+$0xFFFFFFD0] =	vst v0  }
0xe4: {  	v0 =	vld [tilespmem:s10+$0x13AD0];
	_ =	sdelay $0x4  }
0xe5: {  	v1 =	vshll.u32 v0, $0x10  }
0xe6: {  	v0 =	vand.u32 $0xFFFF0000, v0;
	[tilespmem:s2+$0xFFFFFFE0] =	vst v1  }
0xe7: {  	[tilespmem:s2+$0xFFFFFFF0] =	vst v0  }
0xe8: {  	v0 =	vld [tilespmem:s10+$0x13AE0];
	_ =	sdelay $0x4  }
0xe9: {  	v1 =	vshll.u32 v0, $0x10;
	v0 =	vand.u32 $0xFFFF0000, v0  }
0xea: {  	[tilespmem:s2+$0x10] =	vst v0  }
0xeb: {  	[tilespmem:s2+$0x0] =	vst v1  }
0xec: {  	v0 =	vld [tilespmem:s10+$0x13AF0];
	_ =	sdelay $0x4  }
.Ltmp5:
0xed: {  	v1 =	vshll.u32 v0, $0x10;
	v0 =	vand.u32 $0xFFFF0000, v0;
	(pc) =	sbr.rel @p5 .LBB2_8-.Ltmp5, $4  }
0xee: {  	[tilespmem:s2+$0x20] =	vst v1  }
0xef: {  	s10 =	sshra.s32 s12, $0x2;
	[tilespmem:s2+$0x30] =	vst v0  }
0xf0: {  	v0 =	vld [tilespmem:s10+$0x13AC0]  }
0xf1: {  	s12 =	sadd.s32 $0x100, s12  }
0xf2: {  	_ =	sdelay $0x2  }
0xf3: {  	s2 =	sadd.s32 $0x80, s2;
	v1 =	vshll.u32 v0, $0x10  }
0xf4: {  	v0 =	vand.u32 $0xFFFF0000, v0;
	[tilespmem:s2+$0xFFFFFFC0] =	vst v1  }
0xf5: {  	[tilespmem:s2+$0xFFFFFFD0] =	vst v0  }
0xf6: {  	v0 =	vld [tilespmem:s10+$0x13AD0];
	_ =	sdelay $0x4  }
0xf7: {  	v1 =	vshll.u32 v0, $0x10  }
0xf8: {  	v0 =	vand.u32 $0xFFFF0000, v0;
	[tilespmem:s2+$0xFFFFFFE0] =	vst v1  }
0xf9: {  	[tilespmem:s2+$0xFFFFFFF0] =	vst v0  }
0xfa: {  	v0 =	vld [tilespmem:s10+$0x13AE0];
	_ =	sdelay $0x4  }
0xfb: {  	v1 =	vand.u32 $0xFFFF0000, v0  }
0xfc: {  	v0 =	vshll.u32 v0, $0x10;
	[tilespmem:s2+$0x10] =	vst v1  }
0xfd: {  	[tilespmem:s2+$0x0] =	vst v0  }
0xfe: {  	v0 =	vld [tilespmem:s10+$0x13AF0];
	_ =	sdelay $0x4  }
0xff: {  	v1 =	vshll.u32 v0, $0x10  }
0x100: {  	v0 =	vand.u32 $0xFFFF0000, v0;
	[tilespmem:s2+$0x20] =	vst v1  }
0x101: {  	[tilespmem:s2+$0x30] =	vst v0  }
0x102: {  	[spmem:s1] =	stream.indirect.scatter.add.f32 [tilespmem:s0], [sflag:$0x3], $0x80, s24, s25, $0xb8;
	[tilespmem:$0x1BAC0] =	vst v63  }
0x103: {  	_ =	swait.ge [sflag:s23], $0x4000  }
0x104: {  	[sflag:s23] =	ssyncset.done $0x0  }
0x105: {  	[sflag:s23] =	ssyncadd.s32 $0xFFFFC000  }
0x106: {  	_ =	swait.ge [sflag:s7], $0x2000  }
0x107: {  	[sflag:s7] =	ssyncset.done $0x0  }
0x108: {  	s14 =	simm.s32 $0x0;
	[sflag:s7] =	ssyncadd.s32 $0xFFFFE000  }
0x109: {  	v0 =	vld [tilespmem:s14+$0x15AC0];
	_ =	sdelay $0x4  }
0x10a: {  	s2 =	simm.s32 $0x17B00;
	v1 =	vshll.u32 v0, $0x10  }
0x10b: {  	v0 =	vand.u32 $0xFFFF0000, v0;
	[tilespmem:s2+$0xFFFFFFC0] =	vst v1  }
0x10c: {  	[tilespmem:s2+$0xFFFFFFD0] =	vst v0  }
0x10d: {  	v0 =	vld [tilespmem:s14+$0x15AD0];
	_ =	sdelay $0x4  }
0x10e: {  	v1 =	vshll.u32 v0, $0x10  }
0x10f: {  	v0 =	vand.u32 $0xFFFF0000, v0;
	[tilespmem:s2+$0xFFFFFFE0] =	vst v1  }
0x110: {  	[tilespmem:s2+$0xFFFFFFF0] =	vst v0  }
0x111: {  	v0 =	vld [tilespmem:s14+$0x15AE0];
	_ =	sdelay $0x4  }
0x112: {  	v1 =	vand.u32 $0xFFFF0000, v0  }
0x113: {  	v0 =	vshll.u32 v0, $0x10;
	[tilespmem:s2+$0x10] =	vst v1  }
0x114: {  	[tilespmem:s2+$0x0] =	vst v0  }
0x115: {  	v0 =	vld [tilespmem:s14+$0x15AF0];
	_ =	sdelay $0x4  }
0x116: {  	v1 =	vshll.u32 v0, $0x10  }
0x117: {  	v0 =	vand.u32 $0xFFFF0000, v0;
	[tilespmem:s2+$0x20] =	vst v1  }
0x118: {  	s10 =	simm.s32 $0x40;
	[tilespmem:s2+$0x30] =	vst v0  }
0x119: {  	v0 =	vld [tilespmem:s10+$0x15AC0]  }
0x11a: {  	s12 =	simm.s32 $0x200  }
.LBB2_10:
0x11b: {  	p5 =	sne.s32 s12, $0x7F00;
	_ =	sdelay $0x2  }
0x11c: {  	s2 =	sadd.s32 $0x80, s2;
	v1 =	vshll.u32 v0, $0x10  }
0x11d: {  	v0 =	vand.u32 $0xFFFF0000, v0;
	[tilespmem:s2+$0xFFFFFFC0] =	vst v1  }
0x11e: {  	[tilespmem:s2+$0xFFFFFFD0] =	vst v0  }
0x11f: {  	v0 =	vld [tilespmem:s10+$0x15AD0];
	_ =	sdelay $0x4  }
0x120: {  	v1 =	vshll.u32 v0, $0x10  }
0x121: {  	v0 =	vand.u32 $0xFFFF0000, v0;
	[tilespmem:s2+$0xFFFFFFE0] =	vst v1  }
0x122: {  	[tilespmem:s2+$0xFFFFFFF0] =	vst v0  }
0x123: {  	v0 =	vld [tilespmem:s10+$0x15AE0];
	_ =	sdelay $0x4  }
0x124: {  	v1 =	vshll.u32 v0, $0x10;
	v0 =	vand.u32 $0xFFFF0000, v0  }
0x125: {  	[tilespmem:s2+$0x10] =	vst v0  }
0x126: {  	[tilespmem:s2+$0x0] =	vst v1  }
0x127: {  	v0 =	vld [tilespmem:s10+$0x15AF0];
	_ =	sdelay $0x4  }
.Ltmp6:
0x128: {  	v1 =	vshll.u32 v0, $0x10;
	v0 =	vand.u32 $0xFFFF0000, v0;
	(pc) =	sbr.rel @p5 .LBB2_10-.Ltmp6, $4  }
0x129: {  	[tilespmem:s2+$0x20] =	vst v1  }
0x12a: {  	s10 =	sshra.s32 s12, $0x2;
	[tilespmem:s2+$0x30] =	vst v0  }
0x12b: {  	v0 =	vld [tilespmem:s10+$0x15AC0]  }
0x12c: {  	s12 =	sadd.s32 $0x100, s12  }
0x12d: {  	_ =	sdelay $0x2  }
0x12e: {  	s2 =	sadd.s32 $0x80, s2;
	v1 =	vshll.u32 v0, $0x10  }
0x12f: {  	v60 =	vand.u32 $0xFFFF0000, v0;
	[tilespmem:s2+$0xFFFFFFC0] =	vst v1  }
0x130: {  	[tilespmem:s2+$0xFFFFFFD0] =	vst v60  }
0x131: {  	v0 =	vld [tilespmem:s10+$0x15AD0];
	_ =	sdelay $0x4  }
0x132: {  	v61 =	vshll.u32 v0, $0x10  }
0x133: {  	v0 =	vand.u32 $0xFFFF0000, v0;
	[tilespmem:s2+$0xFFFFFFE0] =	vst v61  }
0x134: {  	[tilespmem:s2+$0xFFFFFFF0] =	vst v0  }
0x135: {  	v0 =	vld [tilespmem:s10+$0x15AE0];
	_ =	sdelay $0x4  }
0x136: {  	v62 =	vand.u32 $0xFFFF0000, v0  }
0x137: {  	v0 =	vshll.u32 v0, $0x10;
	[tilespmem:s2+$0x10] =	vst v62  }
0x138: {  	[tilespmem:s2+$0x0] =	vst v0  }
0x139: {  	v0 =	vld [tilespmem:s10+$0x15AF0];
	_ =	sdelay $0x4  }
0x13a: {  	v63 =	vshll.u32 v0, $0x10  }
0x13b: {  	v0 =	vand.u32 $0xFFFF0000, v0;
	[tilespmem:s2+$0x20] =	vst v63  }
0x13c: {  	[tilespmem:s2+$0x30] =	vst v0  }
0x13d: {  	[spmem:s1] =	stream.indirect.scatter.add.f32 [tilespmem:s0], [sflag:$0x3], $0x80, s29, s25, $0xb8;
	[tilespmem:$0x1BAC0] =	vst v63  }
0x13e: {  	_ =	swait.ge [sflag:s23], $0x4000  }
0x13f: {  	p5 =	por @!p4 $0x1, $0x1;
	p6 =	por p2, p2;
	[sflag:s23] =	ssyncset.done $0x0  }
0x140: {  	p6 =	por @!p4 p5, p5;
	s2 =	sshll.u32 @p1 s6, $0x6;
	[sflag:s23] =	ssyncadd.s32 $0xFFFFC000  }
0x141: {  	s10 =	sshrl.u32 @p1 s11, $0x3;
	s2 =	sor.u32 @p1 $0x1C03, s2;
	[bflag:$0x0] =	sbarrier.arrive $0xFFFF  }
0x142: {  	[hbm:s19], [sflag:s2] =	dma.local @p1 [spmem:s10], $0x2780  }
0x143: {  	p5 =	por @!p3 !p6, !p0;
	s2 =	simm.s32 @p1 $0x3  }
0x144: {  	p5 =	por @!p3 !p5, !p5;
	_ =	swait.ge @p1 [sflag:s2], $0x2780  }
0x145: {  	p5 =	por p3, p5;
	s10 =	sshll.u32 @!p4 s6, $0x6;
	[sflag:s2] =	ssyncset.done @p1 $0x0  }
0x146: {  	[sflag:s2] =	ssyncadd.s32 @p1 $0xFFFFD880;
	s2 =	sor.u32 @!p4 $0x1C03, s10;
	s10 =	sshrl.u32 @!p4 s11, $0x3  }
0x147: {  	[hbm:s20], [sflag:s2] =	dma.local @!p4 [spmem:s10], $0x2780  }
.Ltmp7:
0x148: {  	_ = 	snop;
	(pc) =	sbr.rel @!p5 .LBB2_13-.Ltmp7, $4  }
0x149: {  	s2 =	simm.s32 @!p4 $0x3  }
0x14a: {  	_ =	swait.ge @!p4 [sflag:s2], $0x2780  }
0x14b: {  	[sflag:s2] =	ssyncset.done @!p4 $0x0  }
0x14c: {  	[sflag:s2] =	ssyncadd.s32 @!p4 $0xFFFFD880  }
0x14d: {  	s2 =	rddreg [dreg:$0x5]  }
0x14e: {  	s10 =	rddreg [dreg:$0x4]  }
0x14f: {  	s14 =	sshrl.u32 s9, $0x3;
	s2 =	smov.u32 @p3 s10  }
.Ltmp8:
0x150: {  	s12 =	simm.s32 $0x1FC3;
	s2 =	sadd.s32 $0x25080, s2;
	(pc) =	sbr.rel .LBB2_13-.Ltmp8, $4  }
0x151: {  	[hbm:s2], [sflag:s12] =	dma.local [spmem:s14], $0x2080  }
0x152: {  	_ =	swait.ge [sflag:s23], $0x2080  }
0x153: {  	[sflag:s23] =	ssyncset.done $0x0  }
0x154: {  	[sflag:s23] =	ssyncadd.s32 $0xFFFFDF80  }
.LBB2_14:
0x155: {  	_ =	sfence.sel $0x180000  }
0x156: {  	[bflag:$0x0] =	sbarrier.arrive $0xFFFF  }
0x157: {  	_ =	strace $0x90000047  }
0x158: {  	[bflag:$0x2] =	sbarrier.arrive $0xFFFF  }
0x159: {  	p0 =	sne.s32 s6, $0x0;
	s0 =	rddreg [dreg:$0x3]  }
0x15a: {  	s0 =	sadd.s32 @!p0 $0x100000, s0  }
0x15b: {  	[sflag:s0] =	ssyncadd.tile.s32 @!p0 $0x1;
	_ =	shalt  }
.Lfunc_end2:
_tile_overlayer_lowered:
.L_overlay_start_2:
0x15c: {  	(tag) =	ssettag $0x2  }
0x15d: {  	s0 =	rddreg [dreg:$0x0];
	s2 =	stileid.u32  }
0x15e: {  	s1 =	rddreg [dreg:$0x1];
	p0 =	sne.s32 s2, $0x0  }
0x15f: {  	s3 =	rddreg [dreg:$0x2];
	[bflag:$0x3] =	sbarrier.arrive $0xFFFF;
	s2 =	simm.s32 @!p0 $0x1C03  }
0x160: {  	[timem:s3], [sflag:s2] =	dma.local @!p0 [hbm:s0], s1  }
0x161: {  	s0 =	simm.s32 @!p0 $0x3  }
0x162: {  	_ =	swait.ge @!p0 [sflag:s0], s1  }
0x163: {  	s1 =	ssub.s32 @!p0 $0x0, s1;
	[sflag:s0] =	ssyncset.done @!p0 $0x0  }
0x164: {  	[sflag:s0] =	ssyncadd.s32 @!p0 s1  }
0x165: {  	[bflag:$0x3] =	sbarrier.arrive $0xFFFF  }
0x166: {  	_ =	shalt  }

</sc_bundles>
